<compile_context>
chip_gen: v7x
topology: tpu7x:2x2x1
jax: 0.10.2.dev20260603
libtpu: 0.0.44.dev20260713+nightly
codegen_flags: <defaults>
</compile_context>

<pallas_src>
import functools

import jax
import jax.numpy as jnp
from jax import lax
from jax.experimental import pallas as pl
from jax.experimental.pallas import tpu as pltpu
from jax.experimental.pallas import tpu_sc as plsc

N = 50000
K = 16
NP = 51200
TP = 256
GRID = NP // TP
EB = TP * K
NE = NP * K
M_EDGES = float(N * K)
M_PTS = float(N)

_f32 = jnp.float32
_i32 = jnp.int32

_NC = 2
_NS = 16
_NW = _NC * _NS

_EPW = NE // _NW
_HCH = 3200
_HNCH = _EPW // _HCH


def _sc_head_gather(tab_hbm, idx_hbm, out_hbm, idx_v, rows_v, sem):
    wid = lax.axis_index("s") * _NC + lax.axis_index("c")
    base = wid * _EPW

    def body(ch, _):
        off = base + ch * _HCH
        pltpu.sync_copy(idx_hbm.at[pl.ds(off, _HCH)], idx_v)
        pltpu.async_copy(tab_hbm.at[idx_v], rows_v, sem).wait()
        pltpu.sync_copy(rows_v, out_hbm.at[pl.ds(off, _HCH)])
        return _

    lax.fori_loop(0, _HNCH, body, None)


_SC_PARAMS = pltpu.CompilerParams(use_tc_tiling_on_sc=False)

_head_gather = functools.partial(
    pl.kernel,
    out_type=jax.ShapeDtypeStruct((NE, 8), _f32),
    mesh=plsc.VectorSubcoreMesh(core_axis_name="c", subcore_axis_name="s"),
    compiler_params=_SC_PARAMS,
    scratch_types=[
        pltpu.VMEM((_HCH,), _i32),
        pltpu.VMEM((_HCH, 8), _f32),
        pltpu.SemaphoreType.DMA,
    ],
)(_sc_head_gather)


_PPW = NP // _NW
_PC = 32
_BNCH = _PPW // _PC


def _sc_block_aggr(x_hbm, idx_hbm, out_hbm, idx_v, rows_v, out_v, sem):
    wid = lax.axis_index("s") * _NC + lax.axis_index("c")

    def chunk(ch, _):
        pbase = wid * _PPW + ch * _PC
        pltpu.sync_copy(idx_hbm.at[pl.ds(pbase * K, _PC * K)], idx_v)
        pltpu.async_copy(x_hbm.at[idx_v], rows_v, sem).wait()

        def point(pp, _):
            r0 = pp * K
            acc = [rows_v[r0, pl.ds(q * 16, 16)] for q in range(4)]
            for r in range(1, K):
                for q in range(4):
                    acc[q] = jnp.maximum(acc[q], rows_v[r0 + r, pl.ds(q * 16, 16)])
            for q in range(4):
                out_v[pp, pl.ds(q * 16, 16)] = acc[q]
            return _

        lax.fori_loop(0, _PC, point, None)
        pltpu.sync_copy(out_v, out_hbm.at[pl.ds(pbase, _PC)])
        return _

    lax.fori_loop(0, _BNCH, chunk, None)


_block_aggr = functools.partial(
    pl.kernel,
    out_type=jax.ShapeDtypeStruct((NP, 64), _f32),
    mesh=plsc.VectorSubcoreMesh(core_axis_name="c", subcore_axis_name="s"),
    compiler_params=_SC_PARAMS,
    scratch_types=[
        pltpu.VMEM((_PC * K,), _i32),
        pltpu.VMEM((_PC * K, 64), _f32),
        pltpu.VMEM((_PC, 64), _f32),
        pltpu.SemaphoreType.DMA,
    ],
)(_sc_block_aggr)



def _dot_head(a, b):
    return jnp.dot(a, b, preferred_element_type=_f32)


def _dot(a, b):
    return jnp.dot(a, b, preferred_element_type=_f32)


def _edge_mask(i):
    rowp = lax.broadcasted_iota(_i32, (EB, 1), 0) // K + i * TP
    return (rowp < N).astype(_f32)


def _point_mask(i):
    rowp = lax.broadcasted_iota(_i32, (TP, 1), 0) + i * TP
    return (rowp < N).astype(_f32)


def _accum_stats(oref, i, z, m):
    s = jnp.sum(z * m, axis=0)
    ss = jnp.sum(z * z * m, axis=0)
    c = s.shape[0]
    pad = jnp.zeros((1, 128 - c), _f32)
    srow = jnp.concatenate([s[None, :], pad], axis=1)
    ssrow = jnp.concatenate([ss[None, :], pad], axis=1)

    @pl.when(i == 0)
    def _():
        oref[...] = jnp.concatenate(
            [srow, ssrow, jnp.zeros((6, 128), _f32)], axis=0)

    @pl.when(i != 0)
    def _():
        cur = oref[0:2, :]
        comp = oref[2:4, :]
        y = jnp.concatenate([srow, ssrow], axis=0) - comp
        t = cur + y
        oref[2:4, :] = (t - cur) - y
        oref[0:2, :] = t


def _edge_chain(gref, pref, *ws):
    g = gref[...]
    pb = pref[...]
    colm = (lax.broadcasted_iota(_i32, (1, 8), 1) < 3).astype(_f32)
    e = (g.reshape(TP, K, 8) - (pb * colm)[:, None, :]).reshape(EB, 8)
    z = _dot_head(e, ws[0])
    if len(ws) == 1:
        return z
    s1 = ws[1]
    h = jnp.maximum(((z - s1[0:1, :32]) * s1[1:2, :32]) * s1[2:3, :32] + s1[3:4, :32], 0.0)
    z = _dot_head(h, ws[2])
    if len(ws) == 3:
        return z
    s2 = ws[3]
    h = jnp.maximum(((z - s2[0:1, :16]) * s2[1:2, :16]) * s2[2:3, :16] + s2[3:4, :16], 0.0)
    z = _dot_head(h, ws[4])
    return z


def _hstats1(gref, pref, w1ref, oref):
    i = pl.program_id(0)
    z = _edge_chain(gref, pref, w1ref[...])
    _accum_stats(oref, i, z, _edge_mask(i))


def _hstats2(gref, pref, w1ref, s1ref, w2ref, oref):
    i = pl.program_id(0)
    s1 = s1ref[...]
    z = _edge_chain(gref, pref, w1ref[...], s1, w2ref[...])
    _accum_stats(oref, i, z, _edge_mask(i))


def _hstats3(gref, pref, w1ref, s1ref, w2ref, s2ref, w3ref, oref):
    i = pl.program_id(0)
    s1 = s1ref[...]
    s2 = s2ref[...]
    z = _edge_chain(gref, pref, w1ref[...], s1, w2ref[...],
                    s2, w3ref[...])
    _accum_stats(oref, i, z, _edge_mask(i))


def _hfinal(gref, pref, w1ref, s1ref, w2ref, s2ref, w3ref, s3ref, oref):
    s1 = s1ref[...]
    s2 = s2ref[...]
    s3 = s3ref[...]
    z = _edge_chain(gref, pref, w1ref[...], s1, w2ref[...],
                    s2, w3ref[...])
    h3 = (((z - s3[0:1, :64]) * s3[1:2, :64]) * s3[2:3, :64] + s3[3:4, :64]).reshape(TP, K, 64)
    acc = h3[:, 0, :]
    for r in range(1, K):
        acc = jnp.maximum(acc, h3[:, r, :])
    oref[...] = acc


def _bstats(nref, wuref, wdref, oref):
    i = pl.program_id(0)
    a = jnp.maximum(_dot(nref[...], wuref[...]), 0.0)
    z = _dot(a, wdref[...])
    _accum_stats(oref, i, z, _point_mask(i))


def _bupdate(nref, xref, wuref, wdref, sref, oref):
    a = jnp.maximum(_dot(nref[...], wuref[...]), 0.0)
    z = _dot(a, wdref[...])
    s = sref[...]
    oref[...] = xref[...] + (((z - s[0:1, :64]) * s[1:2, :64]) * s[2:3, :64] + s[3:4, :64])


def _bupdate_stats(nref, xref, wuref, wdref, sref, oref, o2ref):
    i = pl.program_id(0)
    a = jnp.maximum(_dot(nref[...], wuref[...]), 0.0)
    z = _dot(a, wdref[...])
    s = sref[...]
    xn = xref[...] + (((z - s[0:1, :64]) * s[1:2, :64]) * s[2:3, :64] + s[3:4, :64])
    oref[...] = xn
    _accum_stats(o2ref, i, xn, _point_mask(i))


def _decoder(xref, sref, wref, oref):
    s = sref[...]
    xb = ((xref[...] - s[0:1, :64]) * s[1:2, :64]) * s[2:3, :64] + s[3:4, :64]
    oref[...] = _dot(xb, wref[...])


def _full(shape):
    return pl.BlockSpec(shape, lambda i: (0, 0))


_EDGE_BS = pl.BlockSpec((EB, 8), lambda i: (i, 0))
_PT8_BS = pl.BlockSpec((TP, 8), lambda i: (i, 0))
_PT64_BS = pl.BlockSpec((TP, 64), lambda i: (i, 0))
_TC_PARAMS = pltpu.CompilerParams(dimension_semantics=("arbitrary",))


def _stats_call(kfn, nout, in_specs, *args):
    del nout
    return pl.pallas_call(
        kfn,
        grid=(GRID,),
        in_specs=in_specs,
        out_specs=_full((8, 128)),
        out_shape=jax.ShapeDtypeStruct((8, 128), _f32),
        compiler_params=_TC_PARAMS,
    )(*args)


def _fold(stats, m, g, b):
    nc = g.shape[0]
    mu = (stats[0, :nc] - stats[2, :nc]) / m
    var = (stats[1, :nc] - stats[3, :nc]) / m - mu * mu
    rs = lax.rsqrt(var + 1e-5)
    return (jnp.zeros((8, 128), _f32)
            .at[0, :nc].set(mu).at[1, :nc].set(rs)
            .at[2, :nc].set(g).at[3, :nc].set(b))


def kernel(p, p_gs, f, group_idx, W_spe1, g_spe1, b_spe1, W_spe2, g_spe2, b_spe2,
           W_spe3, g_spe3, b_spe3, W_up0, W_dn0, g_res0, b_res0, W_up1, W_dn1,
           g_res1, b_res1, W_up2, W_dn2, g_res2, b_res2, W_up3, W_dn3, g_res3,
           b_res3, g_dec, b_dec, W_dec):
    tab = jnp.zeros((NP, 8), _f32)
    tab = tab.at[:N, :3].set(p).at[:N, 3:7].set(f)
    gidx = jnp.zeros((NP, K), _i32).at[:N].set(group_idx).reshape(-1)
    W1p = jnp.zeros((8, 32), _f32).at[:7].set(W_spe1)

    g = _head_gather(tab, gidx)

    st1 = _stats_call(_hstats1, 32, [_EDGE_BS, _PT8_BS, _full((8, 32))],
                      g, tab, W1p)
    f1 = _fold(st1, M_EDGES, g_spe1, b_spe1)

    st2 = _stats_call(_hstats2, 16,
                      [_EDGE_BS, _PT8_BS, _full((8, 32)), _full((8, 128)),
                       _full((32, 16))],
                      g, tab, W1p, f1, W_spe2)
    f2 = _fold(st2, M_EDGES, g_spe2, b_spe2)

    st3 = _stats_call(_hstats3, 64,
                      [_EDGE_BS, _PT8_BS, _full((8, 32)), _full((8, 128)),
                       _full((32, 16)), _full((8, 128)), _full((16, 64))],
                      g, tab, W1p, f1, W_spe2, f2, W_spe3)
    f3 = _fold(st3, M_EDGES, g_spe3, b_spe3)

    x = pl.pallas_call(
        _hfinal,
        grid=(GRID,),
        in_specs=[_EDGE_BS, _PT8_BS, _full((8, 32)), _full((8, 128)),
                  _full((32, 16)), _full((8, 128)), _full((16, 64)),
                  _full((8, 128))],
        out_specs=_PT64_BS,
        out_shape=jax.ShapeDtypeStruct((NP, 64), _f32),
        compiler_params=_TC_PARAMS,
    )(g, tab, W1p, f1, W_spe2, f2, W_spe3, f3)

    blocks = [(W_up0, W_dn0, g_res0, b_res0), (W_up1, W_dn1, g_res1, b_res1),
              (W_up2, W_dn2, g_res2, b_res2), (W_up3, W_dn3, g_res3, b_res3)]
    xstats = None
    for bi, (W_up, W_dn, gr, br) in enumerate(blocks):
        nbr = _block_aggr(x, gidx)
        stz = _stats_call(_bstats, 64, [_PT64_BS, _full((64, 128)),
                                        _full((128, 64))], nbr, W_up, W_dn)
        fz = _fold(stz, M_PTS, gr, br)
        if bi < 3:
            x = pl.pallas_call(
                _bupdate,
                grid=(GRID,),
                in_specs=[_PT64_BS, _PT64_BS, _full((64, 128)),
                          _full((128, 64)), _full((8, 128))],
                out_specs=_PT64_BS,
                out_shape=jax.ShapeDtypeStruct((NP, 64), _f32),
                compiler_params=_TC_PARAMS,
            )(nbr, x, W_up, W_dn, fz)
        else:
            x, xstats = pl.pallas_call(
                _bupdate_stats,
                grid=(GRID,),
                in_specs=[_PT64_BS, _PT64_BS, _full((64, 128)),
                          _full((128, 64)), _full((8, 128))],
                out_specs=[_PT64_BS, _full((8, 128))],
                out_shape=[jax.ShapeDtypeStruct((NP, 64), _f32),
                           jax.ShapeDtypeStruct((8, 128), _f32)],
                compiler_params=_TC_PARAMS,
            )(nbr, x, W_up, W_dn, fz)

    fd = _fold(xstats, M_PTS, g_dec, b_dec)

    out = pl.pallas_call(
        _decoder,
        grid=(GRID,),
        in_specs=[_PT64_BS, _full((8, 128)), _full((64, 256))],
        out_specs=pl.BlockSpec((TP, 256), lambda i: (i, 0)),
        out_shape=jax.ShapeDtypeStruct((NP, 256), _f32),
        compiler_params=_TC_PARAMS,
    )(x, fd, W_dec)
    return out[:N]

# --- scband reference (transcript-rebuilt; emitter-appended) ---
"""Pipeline reference for scband-stage-72327249265300 (READ-ONLY COPY).

The authoritative reference and input builder live on the scoring server;
editing this copy changes nothing except your own understanding.
"""

import jax, jax.numpy as jnp
import numpy as np

N, K = 50000, 16
C_IN = 4
C_HID = 64
C_OUT = 256
N_BLOCKS = 4


def _bn(x, g, b):
    mu = jnp.mean(x, axis=0, keepdims=True)
    var = jnp.var(x, axis=0, keepdims=True)
    return (x - mu) * jax.lax.rsqrt(var + 1e-5) * g + b


def setup_inputs(seed: int = 0):
    key = jax.random.key(seed)
    ks = jax.random.split(key, 12)
    s = 0.05
    inp = {}
    inp["p"] = jax.random.normal(ks[0], (N, 3), jnp.float32)
    inp["p_gs"] = jax.random.normal(ks[1], (N, 3), jnp.float32)
    inp["f"] = jax.random.normal(ks[2], (N, C_IN), jnp.float32)
    inp["group_idx"] = jax.random.randint(ks[3], (N, K), 0, N)
    inp["W_spe1"] = jax.random.normal(ks[4], (3 + C_IN, 32), jnp.float32) * s
    inp["g_spe1"] = jnp.ones((32,), jnp.float32)
    inp["b_spe1"] = jnp.zeros((32,), jnp.float32)
    inp["W_spe2"] = jax.random.normal(ks[5], (32, 16), jnp.float32) * s
    inp["g_spe2"] = jnp.ones((16,), jnp.float32)
    inp["b_spe2"] = jnp.zeros((16,), jnp.float32)
    inp["W_spe3"] = jax.random.normal(ks[6], (16, C_HID), jnp.float32) * s
    inp["g_spe3"] = jnp.ones((C_HID,), jnp.float32)
    inp["b_spe3"] = jnp.zeros((C_HID,), jnp.float32)
    for i in range(N_BLOCKS):
        inp["W_up%d" % i] = jax.random.normal(jax.random.fold_in(key, 100 + i), (C_HID, int(C_HID * 2)), jnp.float32) * s
        inp["W_dn%d" % i] = jax.random.normal(jax.random.fold_in(key, 200 + i), (int(C_HID * 2), C_HID), jnp.float32) * s
        inp["g_res%d" % i] = jnp.ones((C_HID,), jnp.float32)
        inp["b_res%d" % i] = jnp.zeros((C_HID,), jnp.float32)
    inp["g_dec"] = jnp.full((C_HID,), 0.25, jnp.float32)
    inp["b_dec"] = jnp.zeros((C_HID,), jnp.float32)
    inp["W_dec"] = jax.random.normal(ks[7], (C_HID, C_OUT), jnp.float32) * s
    return inp


def reference(p, p_gs, f, group_idx, W_spe1, g_spe1, b_spe1, W_spe2, g_spe2, b_spe2, W_spe3, g_spe3, b_spe3, W_up0, W_dn0, g_res0, b_res0, W_up1, W_dn1, g_res1, b_res1, W_up2, W_dn2, g_res2, b_res2, W_up3, W_dn3, g_res3, b_res3, g_dec, b_dec, W_dec):
    # head stage: gather neighbor positions and features (kNN grouping)
    p_nbr = jnp.take(p, group_idx, axis=0) - p[:, None, :]  # [N, K, 3]
    f_nbr = jnp.take(f, group_idx, axis=0)                   # [N, K, C_IN]
    e = jnp.concatenate([p_nbr, f_nbr], axis=-1).reshape(-1, 3 + C_IN)  # [N*K, 7]
    # SpatialEmbedding: per-edge MLP then max-pool over neighborhoods
    h = jax.nn.relu(_bn(e @ W_spe1, g_spe1, b_spe1))
    h = jax.nn.relu(_bn(h @ W_spe2, g_spe2, b_spe2))
    h = _bn(h @ W_spe3, g_spe3, b_spe3)
    x = jnp.max(h.reshape(N, K, C_HID), axis=1)  # [N, C_HID]
    # InvResMLP: res_blocks of neighbor max-aggregation + inverted-bottleneck MLP
    blocks = [(W_up0, W_dn0, g_res0, b_res0), (W_up1, W_dn1, g_res1, b_res1), (W_up2, W_dn2, g_res2, b_res2), (W_up3, W_dn3, g_res3, b_res3)]
    for W_up, W_dn, g, b in blocks:
        nbr = jnp.max(jnp.take(x, group_idx, axis=0), axis=1)  # local aggregation (gather + segment max)
        h2 = jax.nn.relu(nbr @ W_up)
        h2 = _bn(h2 @ W_dn, g, b)
        x = x + h2
    # seg decoder: BN + Linear(C_HID -> C_OUT)
    out = _bn(x, g_dec, b_dec) @ W_dec
    return out

if __name__ == "__main__":
    import jax
    _d = setup_inputs()
    print(jax.jit(kernel)(*tuple(_d.values())))

</pallas_src>

<mosaic_0001>
#map = affine_map<(d0, d1) -> (0, 0)>
#map1 = affine_map<(d0, d1) -> (0)>
module attributes {stable_mosaic.version = 14 : i64} {
  func.func @_sc_head_gather(%arg0: i32, %arg1: i32, %arg2: memref<51200x8xf32, #tpu.memory_space<hbm>>, %arg3: memref<819200xi32, #tpu.memory_space<hbm>>, %arg4: memref<819200x8xf32, #tpu.memory_space<hbm>>, %arg5: memref<3200xi32, #tpu.memory_space<vmem>>, %arg6: memref<3200x8xf32, #tpu.memory_space<vmem>>, %arg7: memref<!tpu.dma_semaphore, #tpu.memory_space<semaphore_mem>>) attributes {dimension_semantics = [#tpu.dimension_semantics<core_parallel>, #tpu.dimension_semantics<subcore_parallel>], iteration_bounds = array<i64: 2, 16>, scalar_prefetch = 0 : i64, scratch_operands = 3 : i64, tpu.core_type = #tpu.core_type<sc_vector_subcore>, window_params = [{transform_indices = #map}, {transform_indices = #map1}, {transform_indices = #map}]} {
    %mul3A = arith.constant 2 : i32
    %mul3A_0 = arith.muli %arg1, %mul3A : i32
    %add3A = arith.addi %mul3A_0, %arg0 : i32
    %mul3A_1 = arith.constant 25600 : i32
    %mul3A_2 = arith.muli %add3A, %mul3A_1 : i32
    %scan3A = arith.constant 0 : i32
    %scan3A_3 = arith.constant 8 : i32
    %scan3A_4 = arith.addi %scan3A, %scan3A_3 : i32
    %scan3A_5 = arith.constant 1 : i32
    scf.for %scan3A_7 = %scan3A to %scan3A_4 step %scan3A_5  : i32 {
      %mul3A_8 = arith.constant 3200 : i32
      %mul3A_9 = arith.muli %scan3A_7, %mul3A_8 : i32
      %add3A_10 = arith.addi %mul3A_2, %mul3A_9 : i32
      "tpu.region"() ({
        %run_scoped3A = tpu.sem_alloc : memref<!tpu.dma_semaphore, #tpu.memory_space<semaphore_mem>>
        %dma_start3A_15 = tpu.memref_slice %arg3[%add3A_10] : memref<819200xi32, #tpu.memory_space<hbm>> -> memref<3200xi32, #tpu.memory_space<hbm>>
        %dma_start3A_16 = tpu.memref_slice %arg3[%add3A_10] : memref<819200xi32, #tpu.memory_space<hbm>> -> memref<3200xi32, #tpu.memory_space<hbm>>
        tpu.enqueue_dma source(%dma_start3A_16 : memref<3200xi32, #tpu.memory_space<hbm>>) target(%arg5 : memref<3200xi32, #tpu.memory_space<vmem>>) target_semaphore(%run_scoped3A : memref<!tpu.dma_semaphore, #tpu.memory_space<semaphore_mem>>)
        %dma_wait3A_17 = tpu.memref_slice %arg3[%add3A_10] : memref<819200xi32, #tpu.memory_space<hbm>> -> memref<3200xi32, #tpu.memory_space<hbm>>
        %dma_wait3A_18 = tpu.memref_slice %arg3[%add3A_10] : memref<819200xi32, #tpu.memory_space<hbm>> -> memref<3200xi32, #tpu.memory_space<hbm>>
        tpu.wait_dma2 semaphore(%run_scoped3A : memref<!tpu.dma_semaphore, #tpu.memory_space<semaphore_mem>>) src(%dma_wait3A_18 : memref<3200xi32, #tpu.memory_space<hbm>>) dst(%arg5 : memref<3200xi32, #tpu.memory_space<vmem>>)
        tpu.yield
      }) : () -> ()
      %dma_start3A = arith.constant 0 : i32
      %dma_start3A_11 = arith.constant 0 : i32
      %dma_start3A_12 = tpu.memref_slice %arg2[%dma_start3A, %dma_start3A_11] : memref<51200x8xf32, #tpu.memory_space<hbm>> -> memref<51200x8xf32, #tpu.memory_space<hbm>>
      tpu.enqueue_indirect_dma source(%dma_start3A_12 : memref<51200x8xf32, #tpu.memory_space<hbm>>) target(%arg6 : memref<3200x8xf32, #tpu.memory_space<vmem>>) offsets(%arg5 : memref<3200xi32, #tpu.memory_space<vmem>>) semaphore(%arg7 : memref<!tpu.dma_semaphore, #tpu.memory_space<semaphore_mem>>)
      %dma_wait3A = arith.constant 0 : i32
      %dma_wait3A_13 = arith.constant 0 : i32
      %dma_wait3A_14 = tpu.memref_slice %arg2[%dma_wait3A, %dma_wait3A_13] : memref<51200x8xf32, #tpu.memory_space<hbm>> -> memref<51200x8xf32, #tpu.memory_space<hbm>>
      tpu.wait_indirect_dma semaphore(%arg7 : memref<!tpu.dma_semaphore, #tpu.memory_space<semaphore_mem>>) src(%dma_wait3A_14 : memref<51200x8xf32, #tpu.memory_space<hbm>>) dst(%arg6 : memref<3200x8xf32, #tpu.memory_space<vmem>>)
      "tpu.region"() ({
        %run_scoped3A = tpu.sem_alloc : memref<!tpu.dma_semaphore, #tpu.memory_space<semaphore_mem>>
        %dma_start3A_15 = arith.constant 0 : i32
        %dma_start3A_16 = tpu.memref_slice %arg4[%add3A_10, %dma_start3A_15] : memref<819200x8xf32, #tpu.memory_space<hbm>> -> memref<3200x8xf32, #tpu.memory_space<hbm>>
        %dma_start3A_17 = arith.constant 0 : i32
        %dma_start3A_18 = tpu.memref_slice %arg4[%add3A_10, %dma_start3A_17] : memref<819200x8xf32, #tpu.memory_space<hbm>> -> memref<3200x8xf32, #tpu.memory_space<hbm>>
        tpu.enqueue_dma source(%arg6 : memref<3200x8xf32, #tpu.memory_space<vmem>>) target(%dma_start3A_18 : memref<3200x8xf32, #tpu.memory_space<hbm>>) target_semaphore(%run_scoped3A : memref<!tpu.dma_semaphore, #tpu.memory_space<semaphore_mem>>)
        %dma_wait3A_19 = arith.constant 0 : i32
        %dma_wait3A_20 = tpu.memref_slice %arg4[%add3A_10, %dma_wait3A_19] : memref<819200x8xf32, #tpu.memory_space<hbm>> -> memref<3200x8xf32, #tpu.memory_space<hbm>>
        %dma_wait3A_21 = arith.constant 0 : i32
        %dma_wait3A_22 = tpu.memref_slice %arg4[%add3A_10, %dma_wait3A_21] : memref<819200x8xf32, #tpu.memory_space<hbm>> -> memref<3200x8xf32, #tpu.memory_space<hbm>>
        tpu.wait_dma2 semaphore(%run_scoped3A : memref<!tpu.dma_semaphore, #tpu.memory_space<semaphore_mem>>) src(%arg6 : memref<3200x8xf32, #tpu.memory_space<vmem>>) dst(%dma_wait3A_22 : memref<3200x8xf32, #tpu.memory_space<hbm>>)
        tpu.yield
      }) : () -> ()
    }
    %scan3A_6 = arith.constant 8 : i32
    return
  }
}

#map = affine_map<(d0, d1) -> (0, 0)>
#map1 = affine_map<(d0, d1) -> (0)>
module attributes {stable_mosaic.version = 14 : i64} {
  func.func @_sc_block_aggr(%arg0: i32, %arg1: i32, %arg2: memref<51200x64xf32, #tpu.memory_space<hbm>>, %arg3: memref<819200xi32, #tpu.memory_space<hbm>>, %arg4: memref<51200x64xf32, #tpu.memory_space<hbm>>, %arg5: memref<512xi32, #tpu.memory_space<vmem>>, %arg6: memref<512x64xf32, #tpu.memory_space<vmem>>, %arg7: memref<32x64xf32, #tpu.memory_space<vmem>>, %arg8: memref<!tpu.dma_semaphore, #tpu.memory_space<semaphore_mem>>) attributes {dimension_semantics = [#tpu.dimension_semantics<core_parallel>, #tpu.dimension_semantics<subcore_parallel>], iteration_bounds = array<i64: 2, 16>, scalar_prefetch = 0 : i64, scratch_operands = 4 : i64, tpu.core_type = #tpu.core_type<sc_vector_subcore>, window_params = [{transform_indices = #map}, {transform_indices = #map1}, {transform_indices = #map}]} {
    %mul3A = arith.constant 2 : i32
    %mul3A_0 = arith.muli %arg1, %mul3A : i32
    %add3A = arith.addi %mul3A_0, %arg0 : i32
    %scan3A = arith.constant 0 : i32
    %scan3A_1 = arith.constant 50 : i32
    %scan3A_2 = arith.addi %scan3A, %scan3A_1 : i32
    %scan3A_3 = arith.constant 1 : i32
    scf.for %scan3A_5 = %scan3A to %scan3A_2 step %scan3A_3  : i32 {
      %mul3A_6 = arith.constant 1600 : i32
      %mul3A_7 = arith.muli %add3A, %mul3A_6 : i32
      %mul3A_8 = arith.constant 32 : i32
      %mul3A_9 = arith.muli %scan3A_5, %mul3A_8 : i32
      %add3A_10 = arith.addi %mul3A_7, %mul3A_9 : i32
      %mul3A_11 = arith.constant 16 : i32
      %mul3A_12 = arith.muli %add3A_10, %mul3A_11 : i32
      "tpu.region"() ({
        %run_scoped3A = tpu.sem_alloc : memref<!tpu.dma_semaphore, #tpu.memory_space<semaphore_mem>>
        %dma_start3A_22 = tpu.memref_slice %arg3[%mul3A_12] : memref<819200xi32, #tpu.memory_space<hbm>> -> memref<512xi32, #tpu.memory_space<hbm>>
        %dma_start3A_23 = tpu.memref_slice %arg3[%mul3A_12] : memref<819200xi32, #tpu.memory_space<hbm>> -> memref<512xi32, #tpu.memory_space<hbm>>
        tpu.enqueue_dma source(%dma_start3A_23 : memref<512xi32, #tpu.memory_space<hbm>>) target(%arg5 : memref<512xi32, #tpu.memory_space<vmem>>) target_semaphore(%run_scoped3A : memref<!tpu.dma_semaphore, #tpu.memory_space<semaphore_mem>>)
        %dma_wait3A_24 = tpu.memref_slice %arg3[%mul3A_12] : memref<819200xi32, #tpu.memory_space<hbm>> -> memref<512xi32, #tpu.memory_space<hbm>>
        %dma_wait3A_25 = tpu.memref_slice %arg3[%mul3A_12] : memref<819200xi32, #tpu.memory_space<hbm>> -> memref<512xi32, #tpu.memory_space<hbm>>
        tpu.wait_dma2 semaphore(%run_scoped3A : memref<!tpu.dma_semaphore, #tpu.memory_space<semaphore_mem>>) src(%dma_wait3A_25 : memref<512xi32, #tpu.memory_space<hbm>>) dst(%arg5 : memref<512xi32, #tpu.memory_space<vmem>>)
        tpu.yield
      }) : () -> ()
      %dma_start3A = arith.constant 0 : i32
      %dma_start3A_13 = arith.constant 0 : i32
      %dma_start3A_14 = tpu.memref_slice %arg2[%dma_start3A, %dma_start3A_13] : memref<51200x64xf32, #tpu.memory_space<hbm>> -> memref<51200x64xf32, #tpu.memory_space<hbm>>
      tpu.enqueue_indirect_dma source(%dma_start3A_14 : memref<51200x64xf32, #tpu.memory_space<hbm>>) target(%arg6 : memref<512x64xf32, #tpu.memory_space<vmem>>) offsets(%arg5 : memref<512xi32, #tpu.memory_space<vmem>>) semaphore(%arg8 : memref<!tpu.dma_semaphore, #tpu.memory_space<semaphore_mem>>)
      %dma_wait3A = arith.constant 0 : i32
      %dma_wait3A_15 = arith.constant 0 : i32
      %dma_wait3A_16 = tpu.memref_slice %arg2[%dma_wait3A, %dma_wait3A_15] : memref<51200x64xf32, #tpu.memory_space<hbm>> -> memref<51200x64xf32, #tpu.memory_space<hbm>>
      tpu.wait_indirect_dma semaphore(%arg8 : memref<!tpu.dma_semaphore, #tpu.memory_space<semaphore_mem>>) src(%dma_wait3A_16 : memref<51200x64xf32, #tpu.memory_space<hbm>>) dst(%arg6 : memref<512x64xf32, #tpu.memory_space<vmem>>)
      %scan3A_17 = arith.constant 0 : i32
      %scan3A_18 = arith.constant 32 : i32
      %scan3A_19 = arith.addi %scan3A_17, %scan3A_18 : i32
      %scan3A_20 = arith.constant 1 : i32
      scf.for %scan3A_22 = %scan3A_17 to %scan3A_19 step %scan3A_20  : i32 {
        %mul3A_23 = arith.constant 16 : i32
        %mul3A_24 = arith.muli %scan3A_22, %mul3A_23 : i32
        %get3A = arith.index_cast %mul3A_24 : i32 to index
        %get3A_25 = arith.constant 0 : index
        %get3A_26 = tpu.vector_load %arg6[%get3A, %get3A_25] {strides = array<i32>} : memref<512x64xf32, #tpu.memory_space<vmem>>, vector<1x16xf32>,
        %get3A_27 = vector.shape_cast %get3A_26 : vector<1x16xf32> to vector<16xf32>
        %get3A_28 = arith.index_cast %mul3A_24 : i32 to index
        %get3A_29 = arith.constant 16 : index
        %get3A_30 = tpu.vector_load %arg6[%get3A_28, %get3A_29] {strides = array<i32>} : memref<512x64xf32, #tpu.memory_space<vmem>>, vector<1x16xf32>,
        %get3A_31 = vector.shape_cast %get3A_30 : vector<1x16xf32> to vector<16xf32>
        %get3A_32 = arith.index_cast %mul3A_24 : i32 to index
        %get3A_33 = arith.constant 32 : index
        %get3A_34 = tpu.vector_load %arg6[%get3A_32, %get3A_33] {strides = array<i32>} : memref<512x64xf32, #tpu.memory_space<vmem>>, vector<1x16xf32>,
        %get3A_35 = vector.shape_cast %get3A_34 : vector<1x16xf32> to vector<16xf32>
        %get3A_36 = arith.index_cast %mul3A_24 : i32 to index
        %get3A_37 = arith.constant 48 : index
        %get3A_38 = tpu.vector_load %arg6[%get3A_36, %get3A_37] {strides = array<i32>} : memref<512x64xf32, #tpu.memory_space<vmem>>, vector<1x16xf32>,
        %get3A_39 = vector.shape_cast %get3A_38 : vector<1x16xf32> to vector<16xf32>
        %add3A_40 = arith.constant 1 : i32
        %add3A_41 = arith.addi %mul3A_24, %add3A_40 : i32
        %get3A_42 = arith.index_cast %add3A_41 : i32 to index
        %get3A_43 = arith.constant 0 : index
        %get3A_44 = tpu.vector_load %arg6[%get3A_42, %get3A_43] {strides = array<i32>} : memref<512x64xf32, #tpu.memory_space<vmem>>, vector<1x16xf32>,
        %get3A_45 = vector.shape_cast %get3A_44 : vector<1x16xf32> to vector<16xf32>
        %max3A = arith.maximumf %get3A_27, %get3A_45 : vector<16xf32>
        %add3A_46 = arith.constant 1 : i32
        %add3A_47 = arith.addi %mul3A_24, %add3A_46 : i32
        %get3A_48 = arith.index_cast %add3A_47 : i32 to index
        %get3A_49 = arith.constant 16 : index
        %get3A_50 = tpu.vector_load %arg6[%get3A_48, %get3A_49] {strides = array<i32>} : memref<512x64xf32, #tpu.memory_space<vmem>>, vector<1x16xf32>,
        %get3A_51 = vector.shape_cast %get3A_50 : vector<1x16xf32> to vector<16xf32>
        %max3A_52 = arith.maximumf %get3A_31, %get3A_51 : vector<16xf32>
        %add3A_53 = arith.constant 1 : i32
        %add3A_54 = arith.addi %mul3A_24, %add3A_53 : i32
        %get3A_55 = arith.index_cast %add3A_54 : i32 to index
        %get3A_56 = arith.constant 32 : index
        %get3A_57 = tpu.vector_load %arg6[%get3A_55, %get3A_56] {strides = array<i32>} : memref<512x64xf32, #tpu.memory_space<vmem>>, vector<1x16xf32>,
        %get3A_58 = vector.shape_cast %get3A_57 : vector<1x16xf32> to vector<16xf32>
        %max3A_59 = arith.maximumf %get3A_35, %get3A_58 : vector<16xf32>
        %add3A_60 = arith.constant 1 : i32
        %add3A_61 = arith.addi %mul3A_24, %add3A_60 : i32
        %get3A_62 = arith.index_cast %add3A_61 : i32 to index
        %get3A_63 = arith.constant 48 : index
        %get3A_64 = tpu.vector_load %arg6[%get3A_62, %get3A_63] {strides = array<i32>} : memref<512x64xf32, #tpu.memory_space<vmem>>, vector<1x16xf32>,
        %get3A_65 = vector.shape_cast %get3A_64 : vector<1x16xf32> to vector<16xf32>
        %max3A_66 = arith.maximumf %get3A_39, %get3A_65 : vector<16xf32>
        %add3A_67 = arith.constant 2 : i32
        %add3A_68 = arith.addi %mul3A_24, %add3A_67 : i32
        %get3A_69 = arith.index_cast %add3A_68 : i32 to index
        %get3A_70 = arith.constant 0 : index
        %get3A_71 = tpu.vector_load %arg6[%get3A_69, %get3A_70] {strides = array<i32>} : memref<512x64xf32, #tpu.memory_space<vmem>>, vector<1x16xf32>,
        %get3A_72 = vector.shape_cast %get3A_71 : vector<1x16xf32> to vector<16xf32>
        %max3A_73 = arith.maximumf %max3A, %get3A_72 : vector<16xf32>
        %add3A_74 = arith.constant 2 : i32
        %add3A_75 = arith.addi %mul3A_24, %add3A_74 : i32
        %get3A_76 = arith.index_cast %add3A_75 : i32 to index
        %get3A_77 = arith.constant 16 : index
        %get3A_78 = tpu.vector_load %arg6[%get3A_76, %get3A_77] {strides = array<i32>} : memref<512x64xf32, #tpu.memory_space<vmem>>, vector<1x16xf32>,
        %get3A_79 = vector.shape_cast %get3A_78 : vector<1x16xf32> to vector<16xf32>
        %max3A_80 = arith.maximumf %max3A_52, %get3A_79 : vector<16xf32>
        %add3A_81 = arith.constant 2 : i32
        %add3A_82 = arith.addi %mul3A_24, %add3A_81 : i32
        %get3A_83 = arith.index_cast %add3A_82 : i32 to index
        %get3A_84 = arith.constant 32 : index
        %get3A_85 = tpu.vector_load %arg6[%get3A_83, %get3A_84] {strides = array<i32>} : memref<512x64xf32, #tpu.memory_space<vmem>>, vector<1x16xf32>,
        %get3A_86 = vector.shape_cast %get3A_85 : vector<1x16xf32> to vector<16xf32>
        %max3A_87 = arith.maximumf %max3A_59, %get3A_86 : vector<16xf32>
        %add3A_88 = arith.constant 2 : i32
        %add3A_89 = arith.addi %mul3A_24, %add3A_88 : i32
        %get3A_90 = arith.index_cast %add3A_89 : i32 to index
        %get3A_91 = arith.constant 48 : index
        %get3A_92 = tpu.vector_load %arg6[%get3A_90, %get3A_91] {strides = array<i32>} : memref<512x64xf32, #tpu.memory_space<vmem>>, vector<1x16xf32>,
        %get3A_93 = vector.shape_cast %get3A_92 : vector<1x16xf32> to vector<16xf32>
        %max3A_94 = arith.maximumf %max3A_66, %get3A_93 : vector<16xf32>
        %add3A_95 = arith.constant 3 : i32
        %add3A_96 = arith.addi %mul3A_24, %add3A_95 : i32
        %get3A_97 = arith.index_cast %add3A_96 : i32 to index
        %get3A_98 = arith.constant 0 : index
        %get3A_99 = tpu.vector_load %arg6[%get3A_97, %get3A_98] {strides = array<i32>} : memref<512x64xf32, #tpu.memory_space<vmem>>, vector<1x16xf32>,
        %get3A_100 = vector.shape_cast %get3A_99 : vector<1x16xf32> to vector<16xf32>
        %max3A_101 = arith.maximumf %max3A_73, %get3A_100 : vector<16xf32>
        %add3A_102 = arith.constant 3 : i32
        %add3A_103 = arith.addi %mul3A_24, %add3A_102 : i32
        %get3A_104 = arith.index_cast %add3A_103 : i32 to index
        %get3A_105 = arith.constant 16 : index
        %get3A_106 = tpu.vector_load %arg6[%get3A_104, %get3A_105] {strides = array<i32>} : memref<512x64xf32, #tpu.memory_space<vmem>>, vector<1x16xf32>,
        %get3A_107 = vector.shape_cast %get3A_106 : vector<1x16xf32> to vector<16xf32>
        %max3A_108 = arith.maximumf %max3A_80, %get3A_107 : vector<16xf32>
        %add3A_109 = arith.constant 3 : i32
        %add3A_110 = arith.addi %mul3A_24, %add3A_109 : i32
        %get3A_111 = arith.index_cast %add3A_110 : i32 to index
        %get3A_112 = arith.constant 32 : index
        %get3A_113 = tpu.vector_load %arg6[%get3A_111, %get3A_112] {strides = array<i32>} : memref<512x64xf32, #tpu.memory_space<vmem>>, vector<1x16xf32>,
        %get3A_114 = vector.shape_cast %get3A_113 : vector<1x16xf32> to vector<16xf32>
        %max3A_115 = arith.maximumf %max3A_87, %get3A_114 : vector<16xf32>
        %add3A_116 = arith.constant 3 : i32
        %add3A_117 = arith.addi %mul3A_24, %add3A_116 : i32
        %get3A_118 = arith.index_cast %add3A_117 : i32 to index
        %get3A_119 = arith.constant 48 : index
        %get3A_120 = tpu.vector_load %arg6[%get3A_118, %get3A_119] {strides = array<i32>} : memref<512x64xf32, #tpu.memory_space<vmem>>, vector<1x16xf32>,
        %get3A_121 = vector.shape_cast %get3A_120 : vector<1x16xf32> to vector<16xf32>
        %max3A_122 = arith.maximumf %max3A_94, %get3A_121 : vector<16xf32>
        %add3A_123 = arith.constant 4 : i32
        %add3A_124 = arith.addi %mul3A_24, %add3A_123 : i32
        %get3A_125 = arith.index_cast %add3A_124 : i32 to index
        %get3A_126 = arith.constant 0 : index
        %get3A_127 = tpu.vector_load %arg6[%get3A_125, %get3A_126] {strides = array<i32>} : memref<512x64xf32, #tpu.memory_space<vmem>>, vector<1x16xf32>,
        %get3A_128 = vector.shape_cast %get3A_127 : vector<1x16xf32> to vector<16xf32>
        %max3A_129 = arith.maximumf %max3A_101, %get3A_128 : vector<16xf32>
        %add3A_130 = arith.constant 4 : i32
        %add3A_131 = arith.addi %mul3A_24, %add3A_130 : i32
        %get3A_132 = arith.index_cast %add3A_131 : i32 to index
        %get3A_133 = arith.constant 16 : index
        %get3A_134 = tpu.vector_load %arg6[%get3A_132, %get3A_133] {strides = array<i32>} : memref<512x64xf32, #tpu.memory_space<vmem>>, vector<1x16xf32>,
        %get3A_135 = vector.shape_cast %get3A_134 : vector<1x16xf32> to vector<16xf32>
        %max3A_136 = arith.maximumf %max3A_108, %get3A_135 : vector<16xf32>
        %add3A_137 = arith.constant 4 : i32
        %add3A_138 = arith.addi %mul3A_24, %add3A_137 : i32
        %get3A_139 = arith.index_cast %add3A_138 : i32 to index
        %get3A_140 = arith.constant 32 : index
        %get3A_141 = tpu.vector_load %arg6[%get3A_139, %get3A_140] {strides = array<i32>} : memref<512x64xf32, #tpu.memory_space<vmem>>, vector<1x16xf32>,
        %get3A_142 = vector.shape_cast %get3A_141 : vector<1x16xf32> to vector<16xf32>
        %max3A_143 = arith.maximumf %max3A_115, %get3A_142 : vector<16xf32>
        %add3A_144 = arith.constant 4 : i32
        %add3A_145 = arith.addi %mul3A_24, %add3A_144 : i32
        %get3A_146 = arith.index_cast %add3A_145 : i32 to index
        %get3A_147 = arith.constant 48 : index
        %get3A_148 = tpu.vector_load %arg6[%get3A_146, %get3A_147] {strides = array<i32>} : memref<512x64xf32, #tpu.memory_space<vmem>>, vector<1x16xf32>,
        %get3A_149 = vector.shape_cast %get3A_148 : vector<1x16xf32> to vector<16xf32>
        %max3A_150 = arith.maximumf %max3A_122, %get3A_149 : vector<16xf32>
        %add3A_151 = arith.constant 5 : i32
        %add3A_152 = arith.addi %mul3A_24, %add3A_151 : i32
        %get3A_153 = arith.index_cast %add3A_152 : i32 to index
        %get3A_154 = arith.constant 0 : index
        %get3A_155 = tpu.vector_load %arg6[%get3A_153, %get3A_154] {strides = array<i32>} : memref<512x64xf32, #tpu.memory_space<vmem>>, vector<1x16xf32>,
        %get3A_156 = vector.shape_cast %get3A_155 : vector<1x16xf32> to vector<16xf32>
        %max3A_157 = arith.maximumf %max3A_129, %get3A_156 : vector<16xf32>
        %add3A_158 = arith.constant 5 : i32
        %add3A_159 = arith.addi %mul3A_24, %add3A_158 : i32
        %get3A_160 = arith.index_cast %add3A_159 : i32 to index
        %get3A_161 = arith.constant 16 : index
        %get3A_162 = tpu.vector_load %arg6[%get3A_160, %get3A_161] {strides = array<i32>} : memref<512x64xf32, #tpu.memory_space<vmem>>, vector<1x16xf32>,
        %get3A_163 = vector.shape_cast %get3A_162 : vector<1x16xf32> to vector<16xf32>
        %max3A_164 = arith.maximumf %max3A_136, %get3A_163 : vector<16xf32>
        %add3A_165 = arith.constant 5 : i32
        %add3A_166 = arith.addi %mul3A_24, %add3A_165 : i32
        %get3A_167 = arith.index_cast %add3A_166 : i32 to index
        %get3A_168 = arith.constant 32 : index
        %get3A_169 = tpu.vector_load %arg6[%get3A_167, %get3A_168] {strides = array<i32>} : memref<512x64xf32, #tpu.memory_space<vmem>>, vector<1x16xf32>,
        %get3A_170 = vector.shape_cast %get3A_169 : vector<1x16xf32> to vector<16xf32>
        %max3A_171 = arith.maximumf %max3A_143, %get3A_170 : vector<16xf32>
        %add3A_172 = arith.constant 5 : i32
        %add3A_173 = arith.addi %mul3A_24, %add3A_172 : i32
        %get3A_174 = arith.index_cast %add3A_173 : i32 to index
        %get3A_175 = arith.constant 48 : index
        %get3A_176 = tpu.vector_load %arg6[%get3A_174, %get3A_175] {strides = array<i32>} : memref<512x64xf32, #tpu.memory_space<vmem>>, vector<1x16xf32>,
        %get3A_177 = vector.shape_cast %get3A_176 : vector<1x16xf32> to vector<16xf32>
        %max3A_178 = arith.maximumf %max3A_150, %get3A_177 : vector<16xf32>
        %add3A_179 = arith.constant 6 : i32
        %add3A_180 = arith.addi %mul3A_24, %add3A_179 : i32
        %get3A_181 = arith.index_cast %add3A_180 : i32 to index
        %get3A_182 = arith.constant 0 : index
        %get3A_183 = tpu.vector_load %arg6[%get3A_181, %get3A_182] {strides = array<i32>} : memref<512x64xf32, #tpu.memory_space<vmem>>, vector<1x16xf32>,
        %get3A_184 = vector.shape_cast %get3A_183 : vector<1x16xf32> to vector<16xf32>
        %max3A_185 = arith.maximumf %max3A_157, %get3A_184 : vector<16xf32>
        %add3A_186 = arith.constant 6 : i32
        %add3A_187 = arith.addi %mul3A_24, %add3A_186 : i32
        %get3A_188 = arith.index_cast %add3A_187 : i32 to index
        %get3A_189 = arith.constant 16 : index
        %get3A_190 = tpu.vector_load %arg6[%get3A_188, %get3A_189] {strides = array<i32>} : memref<512x64xf32, #tpu.memory_space<vmem>>, vector<1x16xf32>,
        %get3A_191 = vector.shape_cast %get3A_190 : vector<1x16xf32> to vector<16xf32>
        %max3A_192 = arith.maximumf %max3A_164, %get3A_191 : vector<16xf32>
        %add3A_193 = arith.constant 6 : i32
        %add3A_194 = arith.addi %mul3A_24, %add3A_193 : i32
        %get3A_195 = arith.index_cast %add3A_194 : i32 to index
        %get3A_196 = arith.constant 32 : index
        %get3A_197 = tpu.vector_load %arg6[%get3A_195, %get3A_196] {strides = array<i32>} : memref<512x64xf32, #tpu.memory_space<vmem>>, vector<1x16xf32>,
        %get3A_198 = vector.shape_cast %get3A_197 : vector<1x16xf32> to vector<16xf32>
        %max3A_199 = arith.maximumf %max3A_171, %get3A_198 : vector<16xf32>
        %add3A_200 = arith.constant 6 : i32
        %add3A_201 = arith.addi %mul3A_24, %add3A_200 : i32
        %get3A_202 = arith.index_cast %add3A_201 : i32 to index
        %get3A_203 = arith.constant 48 : index
        %get3A_204 = tpu.vector_load %arg6[%get3A_202, %get3A_203] {strides = array<i32>} : memref<512x64xf32, #tpu.memory_space<vmem>>, vector<1x16xf32>,
        %get3A_205 = vector.shape_cast %get3A_204 : vector<1x16xf32> to vector<16xf32>
        %max3A_206 = arith.maximumf %max3A_178, %get3A_205 : vector<16xf32>
        %add3A_207 = arith.constant 7 : i32
        %add3A_208 = arith.addi %mul3A_24, %add3A_207 : i32
        %get3A_209 = arith.index_cast %add3A_208 : i32 to index
        %get3A_210 = arith.constant 0 : index
        %get3A_211 = tpu.vector_load %arg6[%get3A_209, %get3A_210] {strides = array<i32>} : memref<512x64xf32, #tpu.memory_space<vmem>>, vector<1x16xf32>,
        %get3A_212 = vector.shape_cast %get3A_211 : vector<1x16xf32> to vector<16xf32>
        %max3A_213 = arith.maximumf %max3A_185, %get3A_212 : vector<16xf32>
        %add3A_214 = arith.constant 7 : i32
        %add3A_215 = arith.addi %mul3A_24, %add3A_214 : i32
        %get3A_216 = arith.index_cast %add3A_215 : i32 to index
        %get3A_217 = arith.constant 16 : index
        %get3A_218 = tpu.vector_load %arg6[%get3A_216, %get3A_217] {strides = array<i32>} : memref<512x64xf32, #tpu.memory_space<vmem>>, vector<1x16xf32>,
        %get3A_219 = vector.shape_cast %get3A_218 : vector<1x16xf32> to vector<16xf32>
        %max3A_220 = arith.maximumf %max3A_192, %get3A_219 : vector<16xf32>
        %add3A_221 = arith.constant 7 : i32
        %add3A_222 = arith.addi %mul3A_24, %add3A_221 : i32
        %get3A_223 = arith.index_cast %add3A_222 : i32 to index
        %get3A_224 = arith.constant 32 : index
        %get3A_225 = tpu.vector_load %arg6[%get3A_223, %get3A_224] {strides = array<i32>} : memref<512x64xf32, #tpu.memory_space<vmem>>, vector<1x16xf32>,
        %get3A_226 = vector.shape_cast %get3A_225 : vector<1x16xf32> to vector<16xf32>
        %max3A_227 = arith.maximumf %max3A_199, %get3A_226 : vector<16xf32>
        %add3A_228 = arith.constant 7 : i32
        %add3A_229 = arith.addi %mul3A_24, %add3A_228 : i32
        %get3A_230 = arith.index_cast %add3A_229 : i32 to index
        %get3A_231 = arith.constant 48 : index
        %get3A_232 = tpu.vector_load %arg6[%get3A_230, %get3A_231] {strides = array<i32>} : memref<512x64xf32, #tpu.memory_space<vmem>>, vector<1x16xf32>,
        %get3A_233 = vector.shape_cast %get3A_232 : vector<1x16xf32> to vector<16xf32>
        %max3A_234 = arith.maximumf %max3A_206, %get3A_233 : vector<16xf32>
        %add3A_235 = arith.constant 8 : i32
        %add3A_236 = arith.addi %mul3A_24, %add3A_235 : i32
        %get3A_237 = arith.index_cast %add3A_236 : i32 to index
        %get3A_238 = arith.constant 0 : index
        %get3A_239 = tpu.vector_load %arg6[%get3A_237, %get3A_238] {strides = array<i32>} : memref<512x64xf32, #tpu.memory_space<vmem>>, vector<1x16xf32>,
        %get3A_240 = vector.shape_cast %get3A_239 : vector<1x16xf32> to vector<16xf32>
        %max3A_241 = arith.maximumf %max3A_213, %get3A_240 : vector<16xf32>
        %add3A_242 = arith.constant 8 : i32
        %add3A_243 = arith.addi %mul3A_24, %add3A_242 : i32
        %get3A_244 = arith.index_cast %add3A_243 : i32 to index
        %get3A_245 = arith.constant 16 : index
        %get3A_246 = tpu.vector_load %arg6[%get3A_244, %get3A_245] {strides = array<i32>} : memref<512x64xf32, #tpu.memory_space<vmem>>, vector<1x16xf32>,
        %get3A_247 = vector.shape_cast %get3A_246 : vector<1x16xf32> to vector<16xf32>
        %max3A_248 = arith.maximumf %max3A_220, %get3A_247 : vector<16xf32>
        %add3A_249 = arith.constant 8 : i32
        %add3A_250 = arith.addi %mul3A_24, %add3A_249 : i32
        %get3A_251 = arith.index_cast %add3A_250 : i32 to index
        %get3A_252 = arith.constant 32 : index
        %get3A_253 = tpu.vector_load %arg6[%get3A_251, %get3A_252] {strides = array<i32>} : memref<512x64xf32, #tpu.memory_space<vmem>>, vector<1x16xf32>,
        %get3A_254 = vector.shape_cast %get3A_253 : vector<1x16xf32> to vector<16xf32>
        %max3A_255 = arith.maximumf %max3A_227, %get3A_254 : vector<16xf32>
        %add3A_256 = arith.constant 8 : i32
        %add3A_257 = arith.addi %mul3A_24, %add3A_256 : i32
        %get3A_258 = arith.index_cast %add3A_257 : i32 to index
        %get3A_259 = arith.constant 48 : index
        %get3A_260 = tpu.vector_load %arg6[%get3A_258, %get3A_259] {strides = array<i32>} : memref<512x64xf32, #tpu.memory_space<vmem>>, vector<1x16xf32>,
        %get3A_261 = vector.shape_cast %get3A_260 : vector<1x16xf32> to vector<16xf32>
        %max3A_262 = arith.maximumf %max3A_234, %get3A_261 : vector<16xf32>
        %add3A_263 = arith.constant 9 : i32
        %add3A_264 = arith.addi %mul3A_24, %add3A_263 : i32
        %get3A_265 = arith.index_cast %add3A_264 : i32 to index
        %get3A_266 = arith.constant 0 : index
        %get3A_267 = tpu.vector_load %arg6[%get3A_265, %get3A_266] {strides = array<i32>} : memref<512x64xf32, #tpu.memory_space<vmem>>, vector<1x16xf32>,
        %get3A_268 = vector.shape_cast %get3A_267 : vector<1x16xf32> to vector<16xf32>
        %max3A_269 = arith.maximumf %max3A_241, %get3A_268 : vector<16xf32>
        %add3A_270 = arith.constant 9 : i32
        %add3A_271 = arith.addi %mul3A_24, %add3A_270 : i32
        %get3A_272 = arith.index_cast %add3A_271 : i32 to index
        %get3A_273 = arith.constant 16 : index
        %get3A_274 = tpu.vector_load %arg6[%get3A_272, %get3A_273] {strides = array<i32>} : memref<512x64xf32, #tpu.memory_space<vmem>>, vector<1x16xf32>,
        %get3A_275 = vector.shape_cast %get3A_274 : vector<1x16xf32> to vector<16xf32>
        %max3A_276 = arith.maximumf %max3A_248, %get3A_275 : vector<16xf32>
        %add3A_277 = arith.constant 9 : i32
        %add3A_278 = arith.addi %mul3A_24, %add3A_277 : i32
        %get3A_279 = arith.index_cast %add3A_278 : i32 to index
        %get3A_280 = arith.constant 32 : index
        %get3A_281 = tpu.vector_load %arg6[%get3A_279, %get3A_280] {strides = array<i32>} : memref<512x64xf32, #tpu.memory_space<vmem>>, vector<1x16xf32>,
        %get3A_282 = vector.shape_cast %get3A_281 : vector<1x16xf32> to vector<16xf32>
        %max3A_283 = arith.maximumf %max3A_255, %get3A_282 : vector<16xf32>
        %add3A_284 = arith.constant 9 : i32
        %add3A_285 = arith.addi %mul3A_24, %add3A_284 : i32
        %get3A_286 = arith.index_cast %add3A_285 : i32 to index
        %get3A_287 = arith.constant 48 : index
        %get3A_288 = tpu.vector_load %arg6[%get3A_286, %get3A_287] {strides = array<i32>} : memref<512x64xf32, #tpu.memory_space<vmem>>, vector<1x16xf32>,
        %get3A_289 = vector.shape_cast %get3A_288 : vector<1x16xf32> to vector<16xf32>
        %max3A_290 = arith.maximumf %max3A_262, %get3A_289 : vector<16xf32>
        %add3A_291 = arith.constant 10 : i32
        %add3A_292 = arith.addi %mul3A_24, %add3A_291 : i32
        %get3A_293 = arith.index_cast %add3A_292 : i32 to index
        %get3A_294 = arith.constant 0 : index
        %get3A_295 = tpu.vector_load %arg6[%get3A_293, %get3A_294] {strides = array<i32>} : memref<512x64xf32, #tpu.memory_space<vmem>>, vector<1x16xf32>,
        %get3A_296 = vector.shape_cast %get3A_295 : vector<1x16xf32> to vector<16xf32>
        %max3A_297 = arith.maximumf %max3A_269, %get3A_296 : vector<16xf32>
        %add3A_298 = arith.constant 10 : i32
        %add3A_299 = arith.addi %mul3A_24, %add3A_298 : i32
        %get3A_300 = arith.index_cast %add3A_299 : i32 to index
        %get3A_301 = arith.constant 16 : index
        %get3A_302 = tpu.vector_load %arg6[%get3A_300, %get3A_301] {strides = array<i32>} : memref<512x64xf32, #tpu.memory_space<vmem>>, vector<1x16xf32>,
        %get3A_303 = vector.shape_cast %get3A_302 : vector<1x16xf32> to vector<16xf32>
        %max3A_304 = arith.maximumf %max3A_276, %get3A_303 : vector<16xf32>
        %add3A_305 = arith.constant 10 : i32
        %add3A_306 = arith.addi %mul3A_24, %add3A_305 : i32
        %get3A_307 = arith.index_cast %add3A_306 : i32 to index
        %get3A_308 = arith.constant 32 : index
        %get3A_309 = tpu.vector_load %arg6[%get3A_307, %get3A_308] {strides = array<i32>} : memref<512x64xf32, #tpu.memory_space<vmem>>, vector<1x16xf32>,
        %get3A_310 = vector.shape_cast %get3A_309 : vector<1x16xf32> to vector<16xf32>
        %max3A_311 = arith.maximumf %max3A_283, %get3A_310 : vector<16xf32>
        %add3A_312 = arith.constant 10 : i32
        %add3A_313 = arith.addi %mul3A_24, %add3A_312 : i32
        %get3A_314 = arith.index_cast %add3A_313 : i32 to index
        %get3A_315 = arith.constant 48 : index
        %get3A_316 = tpu.vector_load %arg6[%get3A_314, %get3A_315] {strides = array<i32>} : memref<512x64xf32, #tpu.memory_space<vmem>>, vector<1x16xf32>,
        %get3A_317 = vector.shape_cast %get3A_316 : vector<1x16xf32> to vector<16xf32>
        %max3A_318 = arith.maximumf %max3A_290, %get3A_317 : vector<16xf32>
        %add3A_319 = arith.constant 11 : i32
        %add3A_320 = arith.addi %mul3A_24, %add3A_319 : i32
        %get3A_321 = arith.index_cast %add3A_320 : i32 to index
        %get3A_322 = arith.constant 0 : index
        %get3A_323 = tpu.vector_load %arg6[%get3A_321, %get3A_322] {strides = array<i32>} : memref<512x64xf32, #tpu.memory_space<vmem>>, vector<1x16xf32>,
        %get3A_324 = vector.shape_cast %get3A_323 : vector<1x16xf32> to vector<16xf32>
        %max3A_325 = arith.maximumf %max3A_297, %get3A_324 : vector<16xf32>
        %add3A_326 = arith.constant 11 : i32
        %add3A_327 = arith.addi %mul3A_24, %add3A_326 : i32
        %get3A_328 = arith.index_cast %add3A_327 : i32 to index
        %get3A_329 = arith.constant 16 : index
        %get3A_330 = tpu.vector_load %arg6[%get3A_328, %get3A_329] {strides = array<i32>} : memref<512x64xf32, #tpu.memory_space<vmem>>, vector<1x16xf32>,
        %get3A_331 = vector.shape_cast %get3A_330 : vector<1x16xf32> to vector<16xf32>
        %max3A_332 = arith.maximumf %max3A_304, %get3A_331 : vector<16xf32>
        %add3A_333 = arith.constant 11 : i32
        %add3A_334 = arith.addi %mul3A_24, %add3A_333 : i32
        %get3A_335 = arith.index_cast %add3A_334 : i32 to index
        %get3A_336 = arith.constant 32 : index
        %get3A_337 = tpu.vector_load %arg6[%get3A_335, %get3A_336] {strides = array<i32>} : memref<512x64xf32, #tpu.memory_space<vmem>>, vector<1x16xf32>,
        %get3A_338 = vector.shape_cast %get3A_337 : vector<1x16xf32> to vector<16xf32>
        %max3A_339 = arith.maximumf %max3A_311, %get3A_338 : vector<16xf32>
        %add3A_340 = arith.constant 11 : i32
        %add3A_341 = arith.addi %mul3A_24, %add3A_340 : i32
        %get3A_342 = arith.index_cast %add3A_341 : i32 to index
        %get3A_343 = arith.constant 48 : index
        %get3A_344 = tpu.vector_load %arg6[%get3A_342, %get3A_343] {strides = array<i32>} : memref<512x64xf32, #tpu.memory_space<vmem>>, vector<1x16xf32>,
        %get3A_345 = vector.shape_cast %get3A_344 : vector<1x16xf32> to vector<16xf32>
        %max3A_346 = arith.maximumf %max3A_318, %get3A_345 : vector<16xf32>
        %add3A_347 = arith.constant 12 : i32
        %add3A_348 = arith.addi %mul3A_24, %add3A_347 : i32
        %get3A_349 = arith.index_cast %add3A_348 : i32 to index
        %get3A_350 = arith.constant 0 : index
        %get3A_351 = tpu.vector_load %arg6[%get3A_349, %get3A_350] {strides = array<i32>} : memref<512x64xf32, #tpu.memory_space<vmem>>, vector<1x16xf32>,
        %get3A_352 = vector.shape_cast %get3A_351 : vector<1x16xf32> to vector<16xf32>
        %max3A_353 = arith.maximumf %max3A_325, %get3A_352 : vector<16xf32>
        %add3A_354 = arith.constant 12 : i32
        %add3A_355 = arith.addi %mul3A_24, %add3A_354 : i32
        %get3A_356 = arith.index_cast %add3A_355 : i32 to index
        %get3A_357 = arith.constant 16 : index
        %get3A_358 = tpu.vector_load %arg6[%get3A_356, %get3A_357] {strides = array<i32>} : memref<512x64xf32, #tpu.memory_space<vmem>>, vector<1x16xf32>,
        %get3A_359 = vector.shape_cast %get3A_358 : vector<1x16xf32> to vector<16xf32>
        %max3A_360 = arith.maximumf %max3A_332, %get3A_359 : vector<16xf32>
        %add3A_361 = arith.constant 12 : i32
        %add3A_362 = arith.addi %mul3A_24, %add3A_361 : i32
        %get3A_363 = arith.index_cast %add3A_362 : i32 to index
        %get3A_364 = arith.constant 32 : index
        %get3A_365 = tpu.vector_load %arg6[%get3A_363, %get3A_364] {strides = array<i32>} : memref<512x64xf32, #tpu.memory_space<vmem>>, vector<1x16xf32>,
        %get3A_366 = vector.shape_cast %get3A_365 : vector<1x16xf32> to vector<16xf32>
        %max3A_367 = arith.maximumf %max3A_339, %get3A_366 : vector<16xf32>
        %add3A_368 = arith.constant 12 : i32
        %add3A_369 = arith.addi %mul3A_24, %add3A_368 : i32
        %get3A_370 = arith.index_cast %add3A_369 : i32 to index
        %get3A_371 = arith.constant 48 : index
        %get3A_372 = tpu.vector_load %arg6[%get3A_370, %get3A_371] {strides = array<i32>} : memref<512x64xf32, #tpu.memory_space<vmem>>, vector<1x16xf32>,
        %get3A_373 = vector.shape_cast %get3A_372 : vector<1x16xf32> to vector<16xf32>
        %max3A_374 = arith.maximumf %max3A_346, %get3A_373 : vector<16xf32>
        %add3A_375 = arith.constant 13 : i32
        %add3A_376 = arith.addi %mul3A_24, %add3A_375 : i32
        %get3A_377 = arith.index_cast %add3A_376 : i32 to index
        %get3A_378 = arith.constant 0 : index
        %get3A_379 = tpu.vector_load %arg6[%get3A_377, %get3A_378] {strides = array<i32>} : memref<512x64xf32, #tpu.memory_space<vmem>>, vector<1x16xf32>,
        %get3A_380 = vector.shape_cast %get3A_379 : vector<1x16xf32> to vector<16xf32>
        %max3A_381 = arith.maximumf %max3A_353, %get3A_380 : vector<16xf32>
        %add3A_382 = arith.constant 13 : i32
        %add3A_383 = arith.addi %mul3A_24, %add3A_382 : i32
        %get3A_384 = arith.index_cast %add3A_383 : i32 to index
        %get3A_385 = arith.constant 16 : index
        %get3A_386 = tpu.vector_load %arg6[%get3A_384, %get3A_385] {strides = array<i32>} : memref<512x64xf32, #tpu.memory_space<vmem>>, vector<1x16xf32>,
        %get3A_387 = vector.shape_cast %get3A_386 : vector<1x16xf32> to vector<16xf32>
        %max3A_388 = arith.maximumf %max3A_360, %get3A_387 : vector<16xf32>
        %add3A_389 = arith.constant 13 : i32
        %add3A_390 = arith.addi %mul3A_24, %add3A_389 : i32
        %get3A_391 = arith.index_cast %add3A_390 : i32 to index
        %get3A_392 = arith.constant 32 : index
        %get3A_393 = tpu.vector_load %arg6[%get3A_391, %get3A_392] {strides = array<i32>} : memref<512x64xf32, #tpu.memory_space<vmem>>, vector<1x16xf32>,
        %get3A_394 = vector.shape_cast %get3A_393 : vector<1x16xf32> to vector<16xf32>
        %max3A_395 = arith.maximumf %max3A_367, %get3A_394 : vector<16xf32>
        %add3A_396 = arith.constant 13 : i32
        %add3A_397 = arith.addi %mul3A_24, %add3A_396 : i32
        %get3A_398 = arith.index_cast %add3A_397 : i32 to index
        %get3A_399 = arith.constant 48 : index
        %get3A_400 = tpu.vector_load %arg6[%get3A_398, %get3A_399] {strides = array<i32>} : memref<512x64xf32, #tpu.memory_space<vmem>>, vector<1x16xf32>,
        %get3A_401 = vector.shape_cast %get3A_400 : vector<1x16xf32> to vector<16xf32>
        %max3A_402 = arith.maximumf %max3A_374, %get3A_401 : vector<16xf32>
        %add3A_403 = arith.constant 14 : i32
        %add3A_404 = arith.addi %mul3A_24, %add3A_403 : i32
        %get3A_405 = arith.index_cast %add3A_404 : i32 to index
        %get3A_406 = arith.constant 0 : index
        %get3A_407 = tpu.vector_load %arg6[%get3A_405, %get3A_406] {strides = array<i32>} : memref<512x64xf32, #tpu.memory_space<vmem>>, vector<1x16xf32>,
        %get3A_408 = vector.shape_cast %get3A_407 : vector<1x16xf32> to vector<16xf32>
        %max3A_409 = arith.maximumf %max3A_381, %get3A_408 : vector<16xf32>
        %add3A_410 = arith.constant 14 : i32
        %add3A_411 = arith.addi %mul3A_24, %add3A_410 : i32
        %get3A_412 = arith.index_cast %add3A_411 : i32 to index
        %get3A_413 = arith.constant 16 : index
        %get3A_414 = tpu.vector_load %arg6[%get3A_412, %get3A_413] {strides = array<i32>} : memref<512x64xf32, #tpu.memory_space<vmem>>, vector<1x16xf32>,
        %get3A_415 = vector.shape_cast %get3A_414 : vector<1x16xf32> to vector<16xf32>
        %max3A_416 = arith.maximumf %max3A_388, %get3A_415 : vector<16xf32>
        %add3A_417 = arith.constant 14 : i32
        %add3A_418 = arith.addi %mul3A_24, %add3A_417 : i32
        %get3A_419 = arith.index_cast %add3A_418 : i32 to index
        %get3A_420 = arith.constant 32 : index
        %get3A_421 = tpu.vector_load %arg6[%get3A_419, %get3A_420] {strides = array<i32>} : memref<512x64xf32, #tpu.memory_space<vmem>>, vector<1x16xf32>,
        %get3A_422 = vector.shape_cast %get3A_421 : vector<1x16xf32> to vector<16xf32>
        %max3A_423 = arith.maximumf %max3A_395, %get3A_422 : vector<16xf32>
        %add3A_424 = arith.constant 14 : i32
        %add3A_425 = arith.addi %mul3A_24, %add3A_424 : i32
        %get3A_426 = arith.index_cast %add3A_425 : i32 to index
        %get3A_427 = arith.constant 48 : index
        %get3A_428 = tpu.vector_load %arg6[%get3A_426, %get3A_427] {strides = array<i32>} : memref<512x64xf32, #tpu.memory_space<vmem>>, vector<1x16xf32>,
        %get3A_429 = vector.shape_cast %get3A_428 : vector<1x16xf32> to vector<16xf32>
        %max3A_430 = arith.maximumf %max3A_402, %get3A_429 : vector<16xf32>
        %add3A_431 = arith.constant 15 : i32
        %add3A_432 = arith.addi %mul3A_24, %add3A_431 : i32
        %get3A_433 = arith.index_cast %add3A_432 : i32 to index
        %get3A_434 = arith.constant 0 : index
        %get3A_435 = tpu.vector_load %arg6[%get3A_433, %get3A_434] {strides = array<i32>} : memref<512x64xf32, #tpu.memory_space<vmem>>, vector<1x16xf32>,
        %get3A_436 = vector.shape_cast %get3A_435 : vector<1x16xf32> to vector<16xf32>
        %max3A_437 = arith.maximumf %max3A_409, %get3A_436 : vector<16xf32>
        %add3A_438 = arith.constant 15 : i32
        %add3A_439 = arith.addi %mul3A_24, %add3A_438 : i32
        %get3A_440 = arith.index_cast %add3A_439 : i32 to index
        %get3A_441 = arith.constant 16 : index
        %get3A_442 = tpu.vector_load %arg6[%get3A_440, %get3A_441] {strides = array<i32>} : memref<512x64xf32, #tpu.memory_space<vmem>>, vector<1x16xf32>,
        %get3A_443 = vector.shape_cast %get3A_442 : vector<1x16xf32> to vector<16xf32>
        %max3A_444 = arith.maximumf %max3A_416, %get3A_443 : vector<16xf32>
        %add3A_445 = arith.constant 15 : i32
        %add3A_446 = arith.addi %mul3A_24, %add3A_445 : i32
        %get3A_447 = arith.index_cast %add3A_446 : i32 to index
        %get3A_448 = arith.constant 32 : index
        %get3A_449 = tpu.vector_load %arg6[%get3A_447, %get3A_448] {strides = array<i32>} : memref<512x64xf32, #tpu.memory_space<vmem>>, vector<1x16xf32>,
        %get3A_450 = vector.shape_cast %get3A_449 : vector<1x16xf32> to vector<16xf32>
        %max3A_451 = arith.maximumf %max3A_423, %get3A_450 : vector<16xf32>
        %add3A_452 = arith.constant 15 : i32
        %add3A_453 = arith.addi %mul3A_24, %add3A_452 : i32
        %get3A_454 = arith.index_cast %add3A_453 : i32 to index
        %get3A_455 = arith.constant 48 : index
        %get3A_456 = tpu.vector_load %arg6[%get3A_454, %get3A_455] {strides = array<i32>} : memref<512x64xf32, #tpu.memory_space<vmem>>, vector<1x16xf32>,
        %get3A_457 = vector.shape_cast %get3A_456 : vector<1x16xf32> to vector<16xf32>
        %max3A_458 = arith.maximumf %max3A_430, %get3A_457 : vector<16xf32>
        %swap3A = arith.index_cast %scan3A_22 : i32 to index
        %swap3A_459 = arith.constant 0 : index
        %swap3A_460 = tpu.vector_load %arg7[%swap3A, %swap3A_459] {strides = array<i32>} : memref<32x64xf32, #tpu.memory_space<vmem>>, vector<1x16xf32>,
        %swap3A_461 = vector.shape_cast %swap3A_460 : vector<1x16xf32> to vector<16xf32>
        %swap3A_462 = vector.shape_cast %max3A_437 : vector<16xf32> to vector<1x16xf32>
        tpu.vector_store %arg7[%swap3A, %swap3A_459], %swap3A_462 {strides = array<i32>} : memref<32x64xf32, #tpu.memory_space<vmem>>, vector<1x16xf32>,
        %swap3A_463 = arith.index_cast %scan3A_22 : i32 to index
        %swap3A_464 = arith.constant 16 : index
        %swap3A_465 = tpu.vector_load %arg7[%swap3A_463, %swap3A_464] {strides = array<i32>} : memref<32x64xf32, #tpu.memory_space<vmem>>, vector<1x16xf32>,
        %swap3A_466 = vector.shape_cast %swap3A_465 : vector<1x16xf32> to vector<16xf32>
        %swap3A_467 = vector.shape_cast %max3A_444 : vector<16xf32> to vector<1x16xf32>
        tpu.vector_store %arg7[%swap3A_463, %swap3A_464], %swap3A_467 {strides = array<i32>} : memref<32x64xf32, #tpu.memory_space<vmem>>, vector<1x16xf32>,
        %swap3A_468 = arith.index_cast %scan3A_22 : i32 to index
        %swap3A_469 = arith.constant 32 : index
        %swap3A_470 = tpu.vector_load %arg7[%swap3A_468, %swap3A_469] {strides = array<i32>} : memref<32x64xf32, #tpu.memory_space<vmem>>, vector<1x16xf32>,
        %swap3A_471 = vector.shape_cast %swap3A_470 : vector<1x16xf32> to vector<16xf32>
        %swap3A_472 = vector.shape_cast %max3A_451 : vector<16xf32> to vector<1x16xf32>
        tpu.vector_store %arg7[%swap3A_468, %swap3A_469], %swap3A_472 {strides = array<i32>} : memref<32x64xf32, #tpu.memory_space<vmem>>, vector<1x16xf32>,
        %swap3A_473 = arith.index_cast %scan3A_22 : i32 to index
        %swap3A_474 = arith.constant 48 : index
        %swap3A_475 = tpu.vector_load %arg7[%swap3A_473, %swap3A_474] {strides = array<i32>} : memref<32x64xf32, #tpu.memory_space<vmem>>, vector<1x16xf32>,
        %swap3A_476 = vector.shape_cast %swap3A_475 : vector<1x16xf32> to vector<16xf32>
        %swap3A_477 = vector.shape_cast %max3A_458 : vector<16xf32> to vector<1x16xf32>
        tpu.vector_store %arg7[%swap3A_473, %swap3A_474], %swap3A_477 {strides = array<i32>} : memref<32x64xf32, #tpu.memory_space<vmem>>, vector<1x16xf32>,
      }
      %scan3A_21 = arith.constant 32 : i32
      "tpu.region"() ({
        %run_scoped3A = tpu.sem_alloc : memref<!tpu.dma_semaphore, #tpu.memory_space<semaphore_mem>>
        %dma_start3A_22 = arith.constant 0 : i32
        %dma_start3A_23 = tpu.memref_slice %arg4[%add3A_10, %dma_start3A_22] : memref<51200x64xf32, #tpu.memory_space<hbm>> -> memref<32x64xf32, #tpu.memory_space<hbm>>
        %dma_start3A_24 = arith.constant 0 : i32
        %dma_start3A_25 = tpu.memref_slice %arg4[%add3A_10, %dma_start3A_24] : memref<51200x64xf32, #tpu.memory_space<hbm>> -> memref<32x64xf32, #tpu.memory_space<hbm>>
        tpu.enqueue_dma source(%arg7 : memref<32x64xf32, #tpu.memory_space<vmem>>) target(%dma_start3A_25 : memref<32x64xf32, #tpu.memory_space<hbm>>) target_semaphore(%run_scoped3A : memref<!tpu.dma_semaphore, #tpu.memory_space<semaphore_mem>>)
        %dma_wait3A_26 = arith.constant 0 : i32
        %dma_wait3A_27 = tpu.memref_slice %arg4[%add3A_10, %dma_wait3A_26] : memref<51200x64xf32, #tpu.memory_space<hbm>> -> memref<32x64xf32, #tpu.memory_space<hbm>>
        %dma_wait3A_28 = arith.constant 0 : i32
        %dma_wait3A_29 = tpu.memref_slice %arg4[%add3A_10, %dma_wait3A_28] : memref<51200x64xf32, #tpu.memory_space<hbm>> -> memref<32x64xf32, #tpu.memory_space<hbm>>
        tpu.wait_dma2 semaphore(%run_scoped3A : memref<!tpu.dma_semaphore, #tpu.memory_space<semaphore_mem>>) src(%arg7 : memref<32x64xf32, #tpu.memory_space<vmem>>) dst(%dma_wait3A_29 : memref<32x64xf32, #tpu.memory_space<hbm>>)
        tpu.yield
      }) : () -> ()
    }
    %scan3A_4 = arith.constant 50 : i32
    return
  }
}

#map = affine_map<(d0, d1) -> (0, 0)>
#map1 = affine_map<(d0, d1) -> (0)>
module attributes {stable_mosaic.version = 14 : i64} {
  func.func @_sc_block_aggr(%arg0: i32, %arg1: i32, %arg2: memref<51200x64xf32, #tpu.memory_space<hbm>>, %arg3: memref<819200xi32, #tpu.memory_space<hbm>>, %arg4: memref<51200x64xf32, #tpu.memory_space<hbm>>, %arg5: memref<512xi32, #tpu.memory_space<vmem>>, %arg6: memref<512x64xf32, #tpu.memory_space<vmem>>, %arg7: memref<32x64xf32, #tpu.memory_space<vmem>>, %arg8: memref<!tpu.dma_semaphore, #tpu.memory_space<semaphore_mem>>) attributes {dimension_semantics = [#tpu.dimension_semantics<core_parallel>, #tpu.dimension_semantics<subcore_parallel>], iteration_bounds = array<i64: 2, 16>, scalar_prefetch = 0 : i64, scratch_operands = 4 : i64, tpu.core_type = #tpu.core_type<sc_vector_subcore>, window_params = [{transform_indices = #map}, {transform_indices = #map1}, {transform_indices = #map}]} {
    %mul3A = arith.constant 2 : i32
    %mul3A_0 = arith.muli %arg1, %mul3A : i32
    %add3A = arith.addi %mul3A_0, %arg0 : i32
    %scan3A = arith.constant 0 : i32
    %scan3A_1 = arith.constant 50 : i32
    %scan3A_2 = arith.addi %scan3A, %scan3A_1 : i32
    %scan3A_3 = arith.constant 1 : i32
    scf.for %scan3A_5 = %scan3A to %scan3A_2 step %scan3A_3  : i32 {
      %mul3A_6 = arith.constant 1600 : i32
      %mul3A_7 = arith.muli %add3A, %mul3A_6 : i32
      %mul3A_8 = arith.constant 32 : i32
      %mul3A_9 = arith.muli %scan3A_5, %mul3A_8 : i32
      %add3A_10 = arith.addi %mul3A_7, %mul3A_9 : i32
      %mul3A_11 = arith.constant 16 : i32
      %mul3A_12 = arith.muli %add3A_10, %mul3A_11 : i32
      "tpu.region"() ({
        %run_scoped3A = tpu.sem_alloc : memref<!tpu.dma_semaphore, #tpu.memory_space<semaphore_mem>>
        %dma_start3A_22 = tpu.memref_slice %arg3[%mul3A_12] : memref<819200xi32, #tpu.memory_space<hbm>> -> memref<512xi32, #tpu.memory_space<hbm>>
        %dma_start3A_23 = tpu.memref_slice %arg3[%mul3A_12] : memref<819200xi32, #tpu.memory_space<hbm>> -> memref<512xi32, #tpu.memory_space<hbm>>
        tpu.enqueue_dma source(%dma_start3A_23 : memref<512xi32, #tpu.memory_space<hbm>>) target(%arg5 : memref<512xi32, #tpu.memory_space<vmem>>) target_semaphore(%run_scoped3A : memref<!tpu.dma_semaphore, #tpu.memory_space<semaphore_mem>>)
        %dma_wait3A_24 = tpu.memref_slice %arg3[%mul3A_12] : memref<819200xi32, #tpu.memory_space<hbm>> -> memref<512xi32, #tpu.memory_space<hbm>>
        %dma_wait3A_25 = tpu.memref_slice %arg3[%mul3A_12] : memref<819200xi32, #tpu.memory_space<hbm>> -> memref<512xi32, #tpu.memory_space<hbm>>
        tpu.wait_dma2 semaphore(%run_scoped3A : memref<!tpu.dma_semaphore, #tpu.memory_space<semaphore_mem>>) src(%dma_wait3A_25 : memref<512xi32, #tpu.memory_space<hbm>>) dst(%arg5 : memref<512xi32, #tpu.memory_space<vmem>>)
        tpu.yield
      }) : () -> ()
      %dma_start3A = arith.constant 0 : i32
      %dma_start3A_13 = arith.constant 0 : i32
      %dma_start3A_14 = tpu.memref_slice %arg2[%dma_start3A, %dma_start3A_13] : memref<51200x64xf32, #tpu.memory_space<hbm>> -> memref<51200x64xf32, #tpu.memory_space<hbm>>
      tpu.enqueue_indirect_dma source(%dma_start3A_14 : memref<51200x64xf32, #tpu.memory_space<hbm>>) target(%arg6 : memref<512x64xf32, #tpu.memory_space<vmem>>) offsets(%arg5 : memref<512xi32, #tpu.memory_space<vmem>>) semaphore(%arg8 : memref<!tpu.dma_semaphore, #tpu.memory_space<semaphore_mem>>)
      %dma_wait3A = arith.constant 0 : i32
      %dma_wait3A_15 = arith.constant 0 : i32
      %dma_wait3A_16 = tpu.memref_slice %arg2[%dma_wait3A, %dma_wait3A_15] : memref<51200x64xf32, #tpu.memory_space<hbm>> -> memref<51200x64xf32, #tpu.memory_space<hbm>>
      tpu.wait_indirect_dma semaphore(%arg8 : memref<!tpu.dma_semaphore, #tpu.memory_space<semaphore_mem>>) src(%dma_wait3A_16 : memref<51200x64xf32, #tpu.memory_space<hbm>>) dst(%arg6 : memref<512x64xf32, #tpu.memory_space<vmem>>)
      %scan3A_17 = arith.constant 0 : i32
      %scan3A_18 = arith.constant 32 : i32
      %scan3A_19 = arith.addi %scan3A_17, %scan3A_18 : i32
      %scan3A_20 = arith.constant 1 : i32
      scf.for %scan3A_22 = %scan3A_17 to %scan3A_19 step %scan3A_20  : i32 {
        %mul3A_23 = arith.constant 16 : i32
        %mul3A_24 = arith.muli %scan3A_22, %mul3A_23 : i32
        %get3A = arith.index_cast %mul3A_24 : i32 to index
        %get3A_25 = arith.constant 0 : index
        %get3A_26 = tpu.vector_load %arg6[%get3A, %get3A_25] {strides = array<i32>} : memref<512x64xf32, #tpu.memory_space<vmem>>, vector<1x16xf32>,
        %get3A_27 = vector.shape_cast %get3A_26 : vector<1x16xf32> to vector<16xf32>
        %get3A_28 = arith.index_cast %mul3A_24 : i32 to index
        %get3A_29 = arith.constant 16 : index
        %get3A_30 = tpu.vector_load %arg6[%get3A_28, %get3A_29] {strides = array<i32>} : memref<512x64xf32, #tpu.memory_space<vmem>>, vector<1x16xf32>,
        %get3A_31 = vector.shape_cast %get3A_30 : vector<1x16xf32> to vector<16xf32>
        %get3A_32 = arith.index_cast %mul3A_24 : i32 to index
        %get3A_33 = arith.constant 32 : index
        %get3A_34 = tpu.vector_load %arg6[%get3A_32, %get3A_33] {strides = array<i32>} : memref<512x64xf32, #tpu.memory_space<vmem>>, vector<1x16xf32>,
        %get3A_35 = vector.shape_cast %get3A_34 : vector<1x16xf32> to vector<16xf32>
        %get3A_36 = arith.index_cast %mul3A_24 : i32 to index
        %get3A_37 = arith.constant 48 : index
        %get3A_38 = tpu.vector_load %arg6[%get3A_36, %get3A_37] {strides = array<i32>} : memref<512x64xf32, #tpu.memory_space<vmem>>, vector<1x16xf32>,
        %get3A_39 = vector.shape_cast %get3A_38 : vector<1x16xf32> to vector<16xf32>
        %add3A_40 = arith.constant 1 : i32
        %add3A_41 = arith.addi %mul3A_24, %add3A_40 : i32
        %get3A_42 = arith.index_cast %add3A_41 : i32 to index
        %get3A_43 = arith.constant 0 : index
        %get3A_44 = tpu.vector_load %arg6[%get3A_42, %get3A_43] {strides = array<i32>} : memref<512x64xf32, #tpu.memory_space<vmem>>, vector<1x16xf32>,
        %get3A_45 = vector.shape_cast %get3A_44 : vector<1x16xf32> to vector<16xf32>
        %max3A = arith.maximumf %get3A_27, %get3A_45 : vector<16xf32>
        %add3A_46 = arith.constant 1 : i32
        %add3A_47 = arith.addi %mul3A_24, %add3A_46 : i32
        %get3A_48 = arith.index_cast %add3A_47 : i32 to index
        %get3A_49 = arith.constant 16 : index
        %get3A_50 = tpu.vector_load %arg6[%get3A_48, %get3A_49] {strides = array<i32>} : memref<512x64xf32, #tpu.memory_space<vmem>>, vector<1x16xf32>,
        %get3A_51 = vector.shape_cast %get3A_50 : vector<1x16xf32> to vector<16xf32>
        %max3A_52 = arith.maximumf %get3A_31, %get3A_51 : vector<16xf32>
        %add3A_53 = arith.constant 1 : i32
        %add3A_54 = arith.addi %mul3A_24, %add3A_53 : i32
        %get3A_55 = arith.index_cast %add3A_54 : i32 to index
        %get3A_56 = arith.constant 32 : index
        %get3A_57 = tpu.vector_load %arg6[%get3A_55, %get3A_56] {strides = array<i32>} : memref<512x64xf32, #tpu.memory_space<vmem>>, vector<1x16xf32>,
        %get3A_58 = vector.shape_cast %get3A_57 : vector<1x16xf32> to vector<16xf32>
        %max3A_59 = arith.maximumf %get3A_35, %get3A_58 : vector<16xf32>
        %add3A_60 = arith.constant 1 : i32
        %add3A_61 = arith.addi %mul3A_24, %add3A_60 : i32
        %get3A_62 = arith.index_cast %add3A_61 : i32 to index
        %get3A_63 = arith.constant 48 : index
        %get3A_64 = tpu.vector_load %arg6[%get3A_62, %get3A_63] {strides = array<i32>} : memref<512x64xf32, #tpu.memory_space<vmem>>, vector<1x16xf32>,
        %get3A_65 = vector.shape_cast %get3A_64 : vector<1x16xf32> to vector<16xf32>
        %max3A_66 = arith.maximumf %get3A_39, %get3A_65 : vector<16xf32>
        %add3A_67 = arith.constant 2 : i32
        %add3A_68 = arith.addi %mul3A_24, %add3A_67 : i32
        %get3A_69 = arith.index_cast %add3A_68 : i32 to index
        %get3A_70 = arith.constant 0 : index
        %get3A_71 = tpu.vector_load %arg6[%get3A_69, %get3A_70] {strides = array<i32>} : memref<512x64xf32, #tpu.memory_space<vmem>>, vector<1x16xf32>,
        %get3A_72 = vector.shape_cast %get3A_71 : vector<1x16xf32> to vector<16xf32>
        %max3A_73 = arith.maximumf %max3A, %get3A_72 : vector<16xf32>
        %add3A_74 = arith.constant 2 : i32
        %add3A_75 = arith.addi %mul3A_24, %add3A_74 : i32
        %get3A_76 = arith.index_cast %add3A_75 : i32 to index
        %get3A_77 = arith.constant 16 : index
        %get3A_78 = tpu.vector_load %arg6[%get3A_76, %get3A_77] {strides = array<i32>} : memref<512x64xf32, #tpu.memory_space<vmem>>, vector<1x16xf32>,
        %get3A_79 = vector.shape_cast %get3A_78 : vector<1x16xf32> to vector<16xf32>
        %max3A_80 = arith.maximumf %max3A_52, %get3A_79 : vector<16xf32>
        %add3A_81 = arith.constant 2 : i32
        %add3A_82 = arith.addi %mul3A_24, %add3A_81 : i32
        %get3A_83 = arith.index_cast %add3A_82 : i32 to index
        %get3A_84 = arith.constant 32 : index
        %get3A_85 = tpu.vector_load %arg6[%get3A_83, %get3A_84] {strides = array<i32>} : memref<512x64xf32, #tpu.memory_space<vmem>>, vector<1x16xf32>,
        %get3A_86 = vector.shape_cast %get3A_85 : vector<1x16xf32> to vector<16xf32>
        %max3A_87 = arith.maximumf %max3A_59, %get3A_86 : vector<16xf32>
        %add3A_88 = arith.constant 2 : i32
        %add3A_89 = arith.addi %mul3A_24, %add3A_88 : i32
        %get3A_90 = arith.index_cast %add3A_89 : i32 to index
        %get3A_91 = arith.constant 48 : index
        %get3A_92 = tpu.vector_load %arg6[%get3A_90, %get3A_91] {strides = array<i32>} : memref<512x64xf32, #tpu.memory_space<vmem>>, vector<1x16xf32>,
        %get3A_93 = vector.shape_cast %get3A_92 : vector<1x16xf32> to vector<16xf32>
        %max3A_94 = arith.maximumf %max3A_66, %get3A_93 : vector<16xf32>
        %add3A_95 = arith.constant 3 : i32
        %add3A_96 = arith.addi %mul3A_24, %add3A_95 : i32
        %get3A_97 = arith.index_cast %add3A_96 : i32 to index
        %get3A_98 = arith.constant 0 : index
        %get3A_99 = tpu.vector_load %arg6[%get3A_97, %get3A_98] {strides = array<i32>} : memref<512x64xf32, #tpu.memory_space<vmem>>, vector<1x16xf32>,
        %get3A_100 = vector.shape_cast %get3A_99 : vector<1x16xf32> to vector<16xf32>
        %max3A_101 = arith.maximumf %max3A_73, %get3A_100 : vector<16xf32>
        %add3A_102 = arith.constant 3 : i32
        %add3A_103 = arith.addi %mul3A_24, %add3A_102 : i32
        %get3A_104 = arith.index_cast %add3A_103 : i32 to index
        %get3A_105 = arith.constant 16 : index
        %get3A_106 = tpu.vector_load %arg6[%get3A_104, %get3A_105] {strides = array<i32>} : memref<512x64xf32, #tpu.memory_space<vmem>>, vector<1x16xf32>,
        %get3A_107 = vector.shape_cast %get3A_106 : vector<1x16xf32> to vector<16xf32>
        %max3A_108 = arith.maximumf %max3A_80, %get3A_107 : vector<16xf32>
        %add3A_109 = arith.constant 3 : i32
        %add3A_110 = arith.addi %mul3A_24, %add3A_109 : i32
        %get3A_111 = arith.index_cast %add3A_110 : i32 to index
        %get3A_112 = arith.constant 32 : index
        %get3A_113 = tpu.vector_load %arg6[%get3A_111, %get3A_112] {strides = array<i32>} : memref<512x64xf32, #tpu.memory_space<vmem>>, vector<1x16xf32>,
        %get3A_114 = vector.shape_cast %get3A_113 : vector<1x16xf32> to vector<16xf32>
        %max3A_115 = arith.maximumf %max3A_87, %get3A_114 : vector<16xf32>
        %add3A_116 = arith.constant 3 : i32
        %add3A_117 = arith.addi %mul3A_24, %add3A_116 : i32
        %get3A_118 = arith.index_cast %add3A_117 : i32 to index
        %get3A_119 = arith.constant 48 : index
        %get3A_120 = tpu.vector_load %arg6[%get3A_118, %get3A_119] {strides = array<i32>} : memref<512x64xf32, #tpu.memory_space<vmem>>, vector<1x16xf32>,
        %get3A_121 = vector.shape_cast %get3A_120 : vector<1x16xf32> to vector<16xf32>
        %max3A_122 = arith.maximumf %max3A_94, %get3A_121 : vector<16xf32>
        %add3A_123 = arith.constant 4 : i32
        %add3A_124 = arith.addi %mul3A_24, %add3A_123 : i32
        %get3A_125 = arith.index_cast %add3A_124 : i32 to index
        %get3A_126 = arith.constant 0 : index
        %get3A_127 = tpu.vector_load %arg6[%get3A_125, %get3A_126] {strides = array<i32>} : memref<512x64xf32, #tpu.memory_space<vmem>>, vector<1x16xf32>,
        %get3A_128 = vector.shape_cast %get3A_127 : vector<1x16xf32> to vector<16xf32>
        %max3A_129 = arith.maximumf %max3A_101, %get3A_128 : vector<16xf32>
        %add3A_130 = arith.constant 4 : i32
        %add3A_131 = arith.addi %mul3A_24, %add3A_130 : i32
        %get3A_132 = arith.index_cast %add3A_131 : i32 to index
        %get3A_133 = arith.constant 16 : index
        %get3A_134 = tpu.vector_load %arg6[%get3A_132, %get3A_133] {strides = array<i32>} : memref<512x64xf32, #tpu.memory_space<vmem>>, vector<1x16xf32>,
        %get3A_135 = vector.shape_cast %get3A_134 : vector<1x16xf32> to vector<16xf32>
        %max3A_136 = arith.maximumf %max3A_108, %get3A_135 : vector<16xf32>
        %add3A_137 = arith.constant 4 : i32
        %add3A_138 = arith.addi %mul3A_24, %add3A_137 : i32
        %get3A_139 = arith.index_cast %add3A_138 : i32 to index
        %get3A_140 = arith.constant 32 : index
        %get3A_141 = tpu.vector_load %arg6[%get3A_139, %get3A_140] {strides = array<i32>} : memref<512x64xf32, #tpu.memory_space<vmem>>, vector<1x16xf32>,
        %get3A_142 = vector.shape_cast %get3A_141 : vector<1x16xf32> to vector<16xf32>
        %max3A_143 = arith.maximumf %max3A_115, %get3A_142 : vector<16xf32>
        %add3A_144 = arith.constant 4 : i32
        %add3A_145 = arith.addi %mul3A_24, %add3A_144 : i32
        %get3A_146 = arith.index_cast %add3A_145 : i32 to index
        %get3A_147 = arith.constant 48 : index
        %get3A_148 = tpu.vector_load %arg6[%get3A_146, %get3A_147] {strides = array<i32>} : memref<512x64xf32, #tpu.memory_space<vmem>>, vector<1x16xf32>,
        %get3A_149 = vector.shape_cast %get3A_148 : vector<1x16xf32> to vector<16xf32>
        %max3A_150 = arith.maximumf %max3A_122, %get3A_149 : vector<16xf32>
        %add3A_151 = arith.constant 5 : i32
        %add3A_152 = arith.addi %mul3A_24, %add3A_151 : i32
        %get3A_153 = arith.index_cast %add3A_152 : i32 to index
        %get3A_154 = arith.constant 0 : index
        %get3A_155 = tpu.vector_load %arg6[%get3A_153, %get3A_154] {strides = array<i32>} : memref<512x64xf32, #tpu.memory_space<vmem>>, vector<1x16xf32>,
        %get3A_156 = vector.shape_cast %get3A_155 : vector<1x16xf32> to vector<16xf32>
        %max3A_157 = arith.maximumf %max3A_129, %get3A_156 : vector<16xf32>
        %add3A_158 = arith.constant 5 : i32
        %add3A_159 = arith.addi %mul3A_24, %add3A_158 : i32
        %get3A_160 = arith.index_cast %add3A_159 : i32 to index
        %get3A_161 = arith.constant 16 : index
        %get3A_162 = tpu.vector_load %arg6[%get3A_160, %get3A_161] {strides = array<i32>} : memref<512x64xf32, #tpu.memory_space<vmem>>, vector<1x16xf32>,
        %get3A_163 = vector.shape_cast %get3A_162 : vector<1x16xf32> to vector<16xf32>
        %max3A_164 = arith.maximumf %max3A_136, %get3A_163 : vector<16xf32>
        %add3A_165 = arith.constant 5 : i32
        %add3A_166 = arith.addi %mul3A_24, %add3A_165 : i32
        %get3A_167 = arith.index_cast %add3A_166 : i32 to index
        %get3A_168 = arith.constant 32 : index
        %get3A_169 = tpu.vector_load %arg6[%get3A_167, %get3A_168] {strides = array<i32>} : memref<512x64xf32, #tpu.memory_space<vmem>>, vector<1x16xf32>,
        %get3A_170 = vector.shape_cast %get3A_169 : vector<1x16xf32> to vector<16xf32>
        %max3A_171 = arith.maximumf %max3A_143, %get3A_170 : vector<16xf32>
        %add3A_172 = arith.constant 5 : i32
        %add3A_173 = arith.addi %mul3A_24, %add3A_172 : i32
        %get3A_174 = arith.index_cast %add3A_173 : i32 to index
        %get3A_175 = arith.constant 48 : index
        %get3A_176 = tpu.vector_load %arg6[%get3A_174, %get3A_175] {strides = array<i32>} : memref<512x64xf32, #tpu.memory_space<vmem>>, vector<1x16xf32>,
        %get3A_177 = vector.shape_cast %get3A_176 : vector<1x16xf32> to vector<16xf32>
        %max3A_178 = arith.maximumf %max3A_150, %get3A_177 : vector<16xf32>
        %add3A_179 = arith.constant 6 : i32
        %add3A_180 = arith.addi %mul3A_24, %add3A_179 : i32
        %get3A_181 = arith.index_cast %add3A_180 : i32 to index
        %get3A_182 = arith.constant 0 : index
        %get3A_183 = tpu.vector_load %arg6[%get3A_181, %get3A_182] {strides = array<i32>} : memref<512x64xf32, #tpu.memory_space<vmem>>, vector<1x16xf32>,
        %get3A_184 = vector.shape_cast %get3A_183 : vector<1x16xf32> to vector<16xf32>
        %max3A_185 = arith.maximumf %max3A_157, %get3A_184 : vector<16xf32>
        %add3A_186 = arith.constant 6 : i32
        %add3A_187 = arith.addi %mul3A_24, %add3A_186 : i32
        %get3A_188 = arith.index_cast %add3A_187 : i32 to index
        %get3A_189 = arith.constant 16 : index
        %get3A_190 = tpu.vector_load %arg6[%get3A_188, %get3A_189] {strides = array<i32>} : memref<512x64xf32, #tpu.memory_space<vmem>>, vector<1x16xf32>,
        %get3A_191 = vector.shape_cast %get3A_190 : vector<1x16xf32> to vector<16xf32>
        %max3A_192 = arith.maximumf %max3A_164, %get3A_191 : vector<16xf32>
        %add3A_193 = arith.constant 6 : i32
        %add3A_194 = arith.addi %mul3A_24, %add3A_193 : i32
        %get3A_195 = arith.index_cast %add3A_194 : i32 to index
        %get3A_196 = arith.constant 32 : index
        %get3A_197 = tpu.vector_load %arg6[%get3A_195, %get3A_196] {strides = array<i32>} : memref<512x64xf32, #tpu.memory_space<vmem>>, vector<1x16xf32>,
        %get3A_198 = vector.shape_cast %get3A_197 : vector<1x16xf32> to vector<16xf32>
        %max3A_199 = arith.maximumf %max3A_171, %get3A_198 : vector<16xf32>
        %add3A_200 = arith.constant 6 : i32
        %add3A_201 = arith.addi %mul3A_24, %add3A_200 : i32
        %get3A_202 = arith.index_cast %add3A_201 : i32 to index
        %get3A_203 = arith.constant 48 : index
        %get3A_204 = tpu.vector_load %arg6[%get3A_202, %get3A_203] {strides = array<i32>} : memref<512x64xf32, #tpu.memory_space<vmem>>, vector<1x16xf32>,
        %get3A_205 = vector.shape_cast %get3A_204 : vector<1x16xf32> to vector<16xf32>
        %max3A_206 = arith.maximumf %max3A_178, %get3A_205 : vector<16xf32>
        %add3A_207 = arith.constant 7 : i32
        %add3A_208 = arith.addi %mul3A_24, %add3A_207 : i32
        %get3A_209 = arith.index_cast %add3A_208 : i32 to index
        %get3A_210 = arith.constant 0 : index
        %get3A_211 = tpu.vector_load %arg6[%get3A_209, %get3A_210] {strides = array<i32>} : memref<512x64xf32, #tpu.memory_space<vmem>>, vector<1x16xf32>,
        %get3A_212 = vector.shape_cast %get3A_211 : vector<1x16xf32> to vector<16xf32>
        %max3A_213 = arith.maximumf %max3A_185, %get3A_212 : vector<16xf32>
        %add3A_214 = arith.constant 7 : i32
        %add3A_215 = arith.addi %mul3A_24, %add3A_214 : i32
        %get3A_216 = arith.index_cast %add3A_215 : i32 to index
        %get3A_217 = arith.constant 16 : index
        %get3A_218 = tpu.vector_load %arg6[%get3A_216, %get3A_217] {strides = array<i32>} : memref<512x64xf32, #tpu.memory_space<vmem>>, vector<1x16xf32>,
        %get3A_219 = vector.shape_cast %get3A_218 : vector<1x16xf32> to vector<16xf32>
        %max3A_220 = arith.maximumf %max3A_192, %get3A_219 : vector<16xf32>
        %add3A_221 = arith.constant 7 : i32
        %add3A_222 = arith.addi %mul3A_24, %add3A_221 : i32
        %get3A_223 = arith.index_cast %add3A_222 : i32 to index
        %get3A_224 = arith.constant 32 : index
        %get3A_225 = tpu.vector_load %arg6[%get3A_223, %get3A_224] {strides = array<i32>} : memref<512x64xf32, #tpu.memory_space<vmem>>, vector<1x16xf32>,
        %get3A_226 = vector.shape_cast %get3A_225 : vector<1x16xf32> to vector<16xf32>
        %max3A_227 = arith.maximumf %max3A_199, %get3A_226 : vector<16xf32>
        %add3A_228 = arith.constant 7 : i32
        %add3A_229 = arith.addi %mul3A_24, %add3A_228 : i32
        %get3A_230 = arith.index_cast %add3A_229 : i32 to index
        %get3A_231 = arith.constant 48 : index
        %get3A_232 = tpu.vector_load %arg6[%get3A_230, %get3A_231] {strides = array<i32>} : memref<512x64xf32, #tpu.memory_space<vmem>>, vector<1x16xf32>,
        %get3A_233 = vector.shape_cast %get3A_232 : vector<1x16xf32> to vector<16xf32>
        %max3A_234 = arith.maximumf %max3A_206, %get3A_233 : vector<16xf32>
        %add3A_235 = arith.constant 8 : i32
        %add3A_236 = arith.addi %mul3A_24, %add3A_235 : i32
        %get3A_237 = arith.index_cast %add3A_236 : i32 to index
        %get3A_238 = arith.constant 0 : index
        %get3A_239 = tpu.vector_load %arg6[%get3A_237, %get3A_238] {strides = array<i32>} : memref<512x64xf32, #tpu.memory_space<vmem>>, vector<1x16xf32>,
        %get3A_240 = vector.shape_cast %get3A_239 : vector<1x16xf32> to vector<16xf32>
        %max3A_241 = arith.maximumf %max3A_213, %get3A_240 : vector<16xf32>
        %add3A_242 = arith.constant 8 : i32
        %add3A_243 = arith.addi %mul3A_24, %add3A_242 : i32
        %get3A_244 = arith.index_cast %add3A_243 : i32 to index
        %get3A_245 = arith.constant 16 : index
        %get3A_246 = tpu.vector_load %arg6[%get3A_244, %get3A_245] {strides = array<i32>} : memref<512x64xf32, #tpu.memory_space<vmem>>, vector<1x16xf32>,
        %get3A_247 = vector.shape_cast %get3A_246 : vector<1x16xf32> to vector<16xf32>
        %max3A_248 = arith.maximumf %max3A_220, %get3A_247 : vector<16xf32>
        %add3A_249 = arith.constant 8 : i32
        %add3A_250 = arith.addi %mul3A_24, %add3A_249 : i32
        %get3A_251 = arith.index_cast %add3A_250 : i32 to index
        %get3A_252 = arith.constant 32 : index
        %get3A_253 = tpu.vector_load %arg6[%get3A_251, %get3A_252] {strides = array<i32>} : memref<512x64xf32, #tpu.memory_space<vmem>>, vector<1x16xf32>,
        %get3A_254 = vector.shape_cast %get3A_253 : vector<1x16xf32> to vector<16xf32>
        %max3A_255 = arith.maximumf %max3A_227, %get3A_254 : vector<16xf32>
        %add3A_256 = arith.constant 8 : i32
        %add3A_257 = arith.addi %mul3A_24, %add3A_256 : i32
        %get3A_258 = arith.index_cast %add3A_257 : i32 to index
        %get3A_259 = arith.constant 48 : index
        %get3A_260 = tpu.vector_load %arg6[%get3A_258, %get3A_259] {strides = array<i32>} : memref<512x64xf32, #tpu.memory_space<vmem>>, vector<1x16xf32>,
        %get3A_261 = vector.shape_cast %get3A_260 : vector<1x16xf32> to vector<16xf32>
        %max3A_262 = arith.maximumf %max3A_234, %get3A_261 : vector<16xf32>
        %add3A_263 = arith.constant 9 : i32
        %add3A_264 = arith.addi %mul3A_24, %add3A_263 : i32
        %get3A_265 = arith.index_cast %add3A_264 : i32 to index
        %get3A_266 = arith.constant 0 : index
        %get3A_267 = tpu.vector_load %arg6[%get3A_265, %get3A_266] {strides = array<i32>} : memref<512x64xf32, #tpu.memory_space<vmem>>, vector<1x16xf32>,
        %get3A_268 = vector.shape_cast %get3A_267 : vector<1x16xf32> to vector<16xf32>
        %max3A_269 = arith.maximumf %max3A_241, %get3A_268 : vector<16xf32>
        %add3A_270 = arith.constant 9 : i32
        %add3A_271 = arith.addi %mul3A_24, %add3A_270 : i32
        %get3A_272 = arith.index_cast %add3A_271 : i32 to index
        %get3A_273 = arith.constant 16 : index
        %get3A_274 = tpu.vector_load %arg6[%get3A_272, %get3A_273] {strides = array<i32>} : memref<512x64xf32, #tpu.memory_space<vmem>>, vector<1x16xf32>,
        %get3A_275 = vector.shape_cast %get3A_274 : vector<1x16xf32> to vector<16xf32>
        %max3A_276 = arith.maximumf %max3A_248, %get3A_275 : vector<16xf32>
        %add3A_277 = arith.constant 9 : i32
        %add3A_278 = arith.addi %mul3A_24, %add3A_277 : i32
        %get3A_279 = arith.index_cast %add3A_278 : i32 to index
        %get3A_280 = arith.constant 32 : index
        %get3A_281 = tpu.vector_load %arg6[%get3A_279, %get3A_280] {strides = array<i32>} : memref<512x64xf32, #tpu.memory_space<vmem>>, vector<1x16xf32>,
        %get3A_282 = vector.shape_cast %get3A_281 : vector<1x16xf32> to vector<16xf32>
        %max3A_283 = arith.maximumf %max3A_255, %get3A_282 : vector<16xf32>
        %add3A_284 = arith.constant 9 : i32
        %add3A_285 = arith.addi %mul3A_24, %add3A_284 : i32
        %get3A_286 = arith.index_cast %add3A_285 : i32 to index
        %get3A_287 = arith.constant 48 : index
        %get3A_288 = tpu.vector_load %arg6[%get3A_286, %get3A_287] {strides = array<i32>} : memref<512x64xf32, #tpu.memory_space<vmem>>, vector<1x16xf32>,
        %get3A_289 = vector.shape_cast %get3A_288 : vector<1x16xf32> to vector<16xf32>
        %max3A_290 = arith.maximumf %max3A_262, %get3A_289 : vector<16xf32>
        %add3A_291 = arith.constant 10 : i32
        %add3A_292 = arith.addi %mul3A_24, %add3A_291 : i32
        %get3A_293 = arith.index_cast %add3A_292 : i32 to index
        %get3A_294 = arith.constant 0 : index
        %get3A_295 = tpu.vector_load %arg6[%get3A_293, %get3A_294] {strides = array<i32>} : memref<512x64xf32, #tpu.memory_space<vmem>>, vector<1x16xf32>,
        %get3A_296 = vector.shape_cast %get3A_295 : vector<1x16xf32> to vector<16xf32>
        %max3A_297 = arith.maximumf %max3A_269, %get3A_296 : vector<16xf32>
        %add3A_298 = arith.constant 10 : i32
        %add3A_299 = arith.addi %mul3A_24, %add3A_298 : i32
        %get3A_300 = arith.index_cast %add3A_299 : i32 to index
        %get3A_301 = arith.constant 16 : index
        %get3A_302 = tpu.vector_load %arg6[%get3A_300, %get3A_301] {strides = array<i32>} : memref<512x64xf32, #tpu.memory_space<vmem>>, vector<1x16xf32>,
        %get3A_303 = vector.shape_cast %get3A_302 : vector<1x16xf32> to vector<16xf32>
        %max3A_304 = arith.maximumf %max3A_276, %get3A_303 : vector<16xf32>
        %add3A_305 = arith.constant 10 : i32
        %add3A_306 = arith.addi %mul3A_24, %add3A_305 : i32
        %get3A_307 = arith.index_cast %add3A_306 : i32 to index
        %get3A_308 = arith.constant 32 : index
        %get3A_309 = tpu.vector_load %arg6[%get3A_307, %get3A_308] {strides = array<i32>} : memref<512x64xf32, #tpu.memory_space<vmem>>, vector<1x16xf32>,
        %get3A_310 = vector.shape_cast %get3A_309 : vector<1x16xf32> to vector<16xf32>
        %max3A_311 = arith.maximumf %max3A_283, %get3A_310 : vector<16xf32>
        %add3A_312 = arith.constant 10 : i32
        %add3A_313 = arith.addi %mul3A_24, %add3A_312 : i32
        %get3A_314 = arith.index_cast %add3A_313 : i32 to index
        %get3A_315 = arith.constant 48 : index
        %get3A_316 = tpu.vector_load %arg6[%get3A_314, %get3A_315] {strides = array<i32>} : memref<512x64xf32, #tpu.memory_space<vmem>>, vector<1x16xf32>,
        %get3A_317 = vector.shape_cast %get3A_316 : vector<1x16xf32> to vector<16xf32>
        %max3A_318 = arith.maximumf %max3A_290, %get3A_317 : vector<16xf32>
        %add3A_319 = arith.constant 11 : i32
        %add3A_320 = arith.addi %mul3A_24, %add3A_319 : i32
        %get3A_321 = arith.index_cast %add3A_320 : i32 to index
        %get3A_322 = arith.constant 0 : index
        %get3A_323 = tpu.vector_load %arg6[%get3A_321, %get3A_322] {strides = array<i32>} : memref<512x64xf32, #tpu.memory_space<vmem>>, vector<1x16xf32>,
        %get3A_324 = vector.shape_cast %get3A_323 : vector<1x16xf32> to vector<16xf32>
        %max3A_325 = arith.maximumf %max3A_297, %get3A_324 : vector<16xf32>
        %add3A_326 = arith.constant 11 : i32
        %add3A_327 = arith.addi %mul3A_24, %add3A_326 : i32
        %get3A_328 = arith.index_cast %add3A_327 : i32 to index
        %get3A_329 = arith.constant 16 : index
        %get3A_330 = tpu.vector_load %arg6[%get3A_328, %get3A_329] {strides = array<i32>} : memref<512x64xf32, #tpu.memory_space<vmem>>, vector<1x16xf32>,
        %get3A_331 = vector.shape_cast %get3A_330 : vector<1x16xf32> to vector<16xf32>
        %max3A_332 = arith.maximumf %max3A_304, %get3A_331 : vector<16xf32>
        %add3A_333 = arith.constant 11 : i32
        %add3A_334 = arith.addi %mul3A_24, %add3A_333 : i32
        %get3A_335 = arith.index_cast %add3A_334 : i32 to index
        %get3A_336 = arith.constant 32 : index
        %get3A_337 = tpu.vector_load %arg6[%get3A_335, %get3A_336] {strides = array<i32>} : memref<512x64xf32, #tpu.memory_space<vmem>>, vector<1x16xf32>,
        %get3A_338 = vector.shape_cast %get3A_337 : vector<1x16xf32> to vector<16xf32>
        %max3A_339 = arith.maximumf %max3A_311, %get3A_338 : vector<16xf32>
        %add3A_340 = arith.constant 11 : i32
        %add3A_341 = arith.addi %mul3A_24, %add3A_340 : i32
        %get3A_342 = arith.index_cast %add3A_341 : i32 to index
        %get3A_343 = arith.constant 48 : index
        %get3A_344 = tpu.vector_load %arg6[%get3A_342, %get3A_343] {strides = array<i32>} : memref<512x64xf32, #tpu.memory_space<vmem>>, vector<1x16xf32>,
        %get3A_345 = vector.shape_cast %get3A_344 : vector<1x16xf32> to vector<16xf32>
        %max3A_346 = arith.maximumf %max3A_318, %get3A_345 : vector<16xf32>
        %add3A_347 = arith.constant 12 : i32
        %add3A_348 = arith.addi %mul3A_24, %add3A_347 : i32
        %get3A_349 = arith.index_cast %add3A_348 : i32 to index
        %get3A_350 = arith.constant 0 : index
        %get3A_351 = tpu.vector_load %arg6[%get3A_349, %get3A_350] {strides = array<i32>} : memref<512x64xf32, #tpu.memory_space<vmem>>, vector<1x16xf32>,
        %get3A_352 = vector.shape_cast %get3A_351 : vector<1x16xf32> to vector<16xf32>
        %max3A_353 = arith.maximumf %max3A_325, %get3A_352 : vector<16xf32>
        %add3A_354 = arith.constant 12 : i32
        %add3A_355 = arith.addi %mul3A_24, %add3A_354 : i32
        %get3A_356 = arith.index_cast %add3A_355 : i32 to index
        %get3A_357 = arith.constant 16 : index
        %get3A_358 = tpu.vector_load %arg6[%get3A_356, %get3A_357] {strides = array<i32>} : memref<512x64xf32, #tpu.memory_space<vmem>>, vector<1x16xf32>,
        %get3A_359 = vector.shape_cast %get3A_358 : vector<1x16xf32> to vector<16xf32>
        %max3A_360 = arith.maximumf %max3A_332, %get3A_359 : vector<16xf32>
        %add3A_361 = arith.constant 12 : i32
        %add3A_362 = arith.addi %mul3A_24, %add3A_361 : i32
        %get3A_363 = arith.index_cast %add3A_362 : i32 to index
        %get3A_364 = arith.constant 32 : index
        %get3A_365 = tpu.vector_load %arg6[%get3A_363, %get3A_364] {strides = array<i32>} : memref<512x64xf32, #tpu.memory_space<vmem>>, vector<1x16xf32>,
        %get3A_366 = vector.shape_cast %get3A_365 : vector<1x16xf32> to vector<16xf32>
        %max3A_367 = arith.maximumf %max3A_339, %get3A_366 : vector<16xf32>
        %add3A_368 = arith.constant 12 : i32
        %add3A_369 = arith.addi %mul3A_24, %add3A_368 : i32
        %get3A_370 = arith.index_cast %add3A_369 : i32 to index
        %get3A_371 = arith.constant 48 : index
        %get3A_372 = tpu.vector_load %arg6[%get3A_370, %get3A_371] {strides = array<i32>} : memref<512x64xf32, #tpu.memory_space<vmem>>, vector<1x16xf32>,
        %get3A_373 = vector.shape_cast %get3A_372 : vector<1x16xf32> to vector<16xf32>
        %max3A_374 = arith.maximumf %max3A_346, %get3A_373 : vector<16xf32>
        %add3A_375 = arith.constant 13 : i32
        %add3A_376 = arith.addi %mul3A_24, %add3A_375 : i32
        %get3A_377 = arith.index_cast %add3A_376 : i32 to index
        %get3A_378 = arith.constant 0 : index
        %get3A_379 = tpu.vector_load %arg6[%get3A_377, %get3A_378] {strides = array<i32>} : memref<512x64xf32, #tpu.memory_space<vmem>>, vector<1x16xf32>,
        %get3A_380 = vector.shape_cast %get3A_379 : vector<1x16xf32> to vector<16xf32>
        %max3A_381 = arith.maximumf %max3A_353, %get3A_380 : vector<16xf32>
        %add3A_382 = arith.constant 13 : i32
        %add3A_383 = arith.addi %mul3A_24, %add3A_382 : i32
        %get3A_384 = arith.index_cast %add3A_383 : i32 to index
        %get3A_385 = arith.constant 16 : index
        %get3A_386 = tpu.vector_load %arg6[%get3A_384, %get3A_385] {strides = array<i32>} : memref<512x64xf32, #tpu.memory_space<vmem>>, vector<1x16xf32>,
        %get3A_387 = vector.shape_cast %get3A_386 : vector<1x16xf32> to vector<16xf32>
        %max3A_388 = arith.maximumf %max3A_360, %get3A_387 : vector<16xf32>
        %add3A_389 = arith.constant 13 : i32
        %add3A_390 = arith.addi %mul3A_24, %add3A_389 : i32
        %get3A_391 = arith.index_cast %add3A_390 : i32 to index
        %get3A_392 = arith.constant 32 : index
        %get3A_393 = tpu.vector_load %arg6[%get3A_391, %get3A_392] {strides = array<i32>} : memref<512x64xf32, #tpu.memory_space<vmem>>, vector<1x16xf32>,
        %get3A_394 = vector.shape_cast %get3A_393 : vector<1x16xf32> to vector<16xf32>
        %max3A_395 = arith.maximumf %max3A_367, %get3A_394 : vector<16xf32>
        %add3A_396 = arith.constant 13 : i32
        %add3A_397 = arith.addi %mul3A_24, %add3A_396 : i32
        %get3A_398 = arith.index_cast %add3A_397 : i32 to index
        %get3A_399 = arith.constant 48 : index
        %get3A_400 = tpu.vector_load %arg6[%get3A_398, %get3A_399] {strides = array<i32>} : memref<512x64xf32, #tpu.memory_space<vmem>>, vector<1x16xf32>,
        %get3A_401 = vector.shape_cast %get3A_400 : vector<1x16xf32> to vector<16xf32>
        %max3A_402 = arith.maximumf %max3A_374, %get3A_401 : vector<16xf32>
        %add3A_403 = arith.constant 14 : i32
        %add3A_404 = arith.addi %mul3A_24, %add3A_403 : i32
        %get3A_405 = arith.index_cast %add3A_404 : i32 to index
        %get3A_406 = arith.constant 0 : index
        %get3A_407 = tpu.vector_load %arg6[%get3A_405, %get3A_406] {strides = array<i32>} : memref<512x64xf32, #tpu.memory_space<vmem>>, vector<1x16xf32>,
        %get3A_408 = vector.shape_cast %get3A_407 : vector<1x16xf32> to vector<16xf32>
        %max3A_409 = arith.maximumf %max3A_381, %get3A_408 : vector<16xf32>
        %add3A_410 = arith.constant 14 : i32
        %add3A_411 = arith.addi %mul3A_24, %add3A_410 : i32
        %get3A_412 = arith.index_cast %add3A_411 : i32 to index
        %get3A_413 = arith.constant 16 : index
        %get3A_414 = tpu.vector_load %arg6[%get3A_412, %get3A_413] {strides = array<i32>} : memref<512x64xf32, #tpu.memory_space<vmem>>, vector<1x16xf32>,
        %get3A_415 = vector.shape_cast %get3A_414 : vector<1x16xf32> to vector<16xf32>
        %max3A_416 = arith.maximumf %max3A_388, %get3A_415 : vector<16xf32>
        %add3A_417 = arith.constant 14 : i32
        %add3A_418 = arith.addi %mul3A_24, %add3A_417 : i32
        %get3A_419 = arith.index_cast %add3A_418 : i32 to index
        %get3A_420 = arith.constant 32 : index
        %get3A_421 = tpu.vector_load %arg6[%get3A_419, %get3A_420] {strides = array<i32>} : memref<512x64xf32, #tpu.memory_space<vmem>>, vector<1x16xf32>,
        %get3A_422 = vector.shape_cast %get3A_421 : vector<1x16xf32> to vector<16xf32>
        %max3A_423 = arith.maximumf %max3A_395, %get3A_422 : vector<16xf32>
        %add3A_424 = arith.constant 14 : i32
        %add3A_425 = arith.addi %mul3A_24, %add3A_424 : i32
        %get3A_426 = arith.index_cast %add3A_425 : i32 to index
        %get3A_427 = arith.constant 48 : index
        %get3A_428 = tpu.vector_load %arg6[%get3A_426, %get3A_427] {strides = array<i32>} : memref<512x64xf32, #tpu.memory_space<vmem>>, vector<1x16xf32>,
        %get3A_429 = vector.shape_cast %get3A_428 : vector<1x16xf32> to vector<16xf32>
        %max3A_430 = arith.maximumf %max3A_402, %get3A_429 : vector<16xf32>
        %add3A_431 = arith.constant 15 : i32
        %add3A_432 = arith.addi %mul3A_24, %add3A_431 : i32
        %get3A_433 = arith.index_cast %add3A_432 : i32 to index
        %get3A_434 = arith.constant 0 : index
        %get3A_435 = tpu.vector_load %arg6[%get3A_433, %get3A_434] {strides = array<i32>} : memref<512x64xf32, #tpu.memory_space<vmem>>, vector<1x16xf32>,
        %get3A_436 = vector.shape_cast %get3A_435 : vector<1x16xf32> to vector<16xf32>
        %max3A_437 = arith.maximumf %max3A_409, %get3A_436 : vector<16xf32>
        %add3A_438 = arith.constant 15 : i32
        %add3A_439 = arith.addi %mul3A_24, %add3A_438 : i32
        %get3A_440 = arith.index_cast %add3A_439 : i32 to index
        %get3A_441 = arith.constant 16 : index
        %get3A_442 = tpu.vector_load %arg6[%get3A_440, %get3A_441] {strides = array<i32>} : memref<512x64xf32, #tpu.memory_space<vmem>>, vector<1x16xf32>,
        %get3A_443 = vector.shape_cast %get3A_442 : vector<1x16xf32> to vector<16xf32>
        %max3A_444 = arith.maximumf %max3A_416, %get3A_443 : vector<16xf32>
        %add3A_445 = arith.constant 15 : i32
        %add3A_446 = arith.addi %mul3A_24, %add3A_445 : i32
        %get3A_447 = arith.index_cast %add3A_446 : i32 to index
        %get3A_448 = arith.constant 32 : index
        %get3A_449 = tpu.vector_load %arg6[%get3A_447, %get3A_448] {strides = array<i32>} : memref<512x64xf32, #tpu.memory_space<vmem>>, vector<1x16xf32>,
        %get3A_450 = vector.shape_cast %get3A_449 : vector<1x16xf32> to vector<16xf32>
        %max3A_451 = arith.maximumf %max3A_423, %get3A_450 : vector<16xf32>
        %add3A_452 = arith.constant 15 : i32
        %add3A_453 = arith.addi %mul3A_24, %add3A_452 : i32
        %get3A_454 = arith.index_cast %add3A_453 : i32 to index
        %get3A_455 = arith.constant 48 : index
        %get3A_456 = tpu.vector_load %arg6[%get3A_454, %get3A_455] {strides = array<i32>} : memref<512x64xf32, #tpu.memory_space<vmem>>, vector<1x16xf32>,
        %get3A_457 = vector.shape_cast %get3A_456 : vector<1x16xf32> to vector<16xf32>
        %max3A_458 = arith.maximumf %max3A_430, %get3A_457 : vector<16xf32>
        %swap3A = arith.index_cast %scan3A_22 : i32 to index
        %swap3A_459 = arith.constant 0 : index
        %swap3A_460 = tpu.vector_load %arg7[%swap3A, %swap3A_459] {strides = array<i32>} : memref<32x64xf32, #tpu.memory_space<vmem>>, vector<1x16xf32>,
        %swap3A_461 = vector.shape_cast %swap3A_460 : vector<1x16xf32> to vector<16xf32>
        %swap3A_462 = vector.shape_cast %max3A_437 : vector<16xf32> to vector<1x16xf32>
        tpu.vector_store %arg7[%swap3A, %swap3A_459], %swap3A_462 {strides = array<i32>} : memref<32x64xf32, #tpu.memory_space<vmem>>, vector<1x16xf32>,
        %swap3A_463 = arith.index_cast %scan3A_22 : i32 to index
        %swap3A_464 = arith.constant 16 : index
        %swap3A_465 = tpu.vector_load %arg7[%swap3A_463, %swap3A_464] {strides = array<i32>} : memref<32x64xf32, #tpu.memory_space<vmem>>, vector<1x16xf32>,
        %swap3A_466 = vector.shape_cast %swap3A_465 : vector<1x16xf32> to vector<16xf32>
        %swap3A_467 = vector.shape_cast %max3A_444 : vector<16xf32> to vector<1x16xf32>
        tpu.vector_store %arg7[%swap3A_463, %swap3A_464], %swap3A_467 {strides = array<i32>} : memref<32x64xf32, #tpu.memory_space<vmem>>, vector<1x16xf32>,
        %swap3A_468 = arith.index_cast %scan3A_22 : i32 to index
        %swap3A_469 = arith.constant 32 : index
        %swap3A_470 = tpu.vector_load %arg7[%swap3A_468, %swap3A_469] {strides = array<i32>} : memref<32x64xf32, #tpu.memory_space<vmem>>, vector<1x16xf32>,
        %swap3A_471 = vector.shape_cast %swap3A_470 : vector<1x16xf32> to vector<16xf32>
        %swap3A_472 = vector.shape_cast %max3A_451 : vector<16xf32> to vector<1x16xf32>
        tpu.vector_store %arg7[%swap3A_468, %swap3A_469], %swap3A_472 {strides = array<i32>} : memref<32x64xf32, #tpu.memory_space<vmem>>, vector<1x16xf32>,
        %swap3A_473 = arith.index_cast %scan3A_22 : i32 to index
        %swap3A_474 = arith.constant 48 : index
        %swap3A_475 = tpu.vector_load %arg7[%swap3A_473, %swap3A_474] {strides = array<i32>} : memref<32x64xf32, #tpu.memory_space<vmem>>, vector<1x16xf32>,
        %swap3A_476 = vector.shape_cast %swap3A_475 : vector<1x16xf32> to vector<16xf32>
        %swap3A_477 = vector.shape_cast %max3A_458 : vector<16xf32> to vector<1x16xf32>
        tpu.vector_store %arg7[%swap3A_473, %swap3A_474], %swap3A_477 {strides = array<i32>} : memref<32x64xf32, #tpu.memory_space<vmem>>, vector<1x16xf32>,
      }
      %scan3A_21 = arith.constant 32 : i32
      "tpu.region"() ({
        %run_scoped3A = tpu.sem_alloc : memref<!tpu.dma_semaphore, #tpu.memory_space<semaphore_mem>>
        %dma_start3A_22 = arith.constant 0 : i32
        %dma_start3A_23 = tpu.memref_slice %arg4[%add3A_10, %dma_start3A_22] : memref<51200x64xf32, #tpu.memory_space<hbm>> -> memref<32x64xf32, #tpu.memory_space<hbm>>
        %dma_start3A_24 = arith.constant 0 : i32
        %dma_start3A_25 = tpu.memref_slice %arg4[%add3A_10, %dma_start3A_24] : memref<51200x64xf32, #tpu.memory_space<hbm>> -> memref<32x64xf32, #tpu.memory_space<hbm>>
        tpu.enqueue_dma source(%arg7 : memref<32x64xf32, #tpu.memory_space<vmem>>) target(%dma_start3A_25 : memref<32x64xf32, #tpu.memory_space<hbm>>) target_semaphore(%run_scoped3A : memref<!tpu.dma_semaphore, #tpu.memory_space<semaphore_mem>>)
        %dma_wait3A_26 = arith.constant 0 : i32
        %dma_wait3A_27 = tpu.memref_slice %arg4[%add3A_10, %dma_wait3A_26] : memref<51200x64xf32, #tpu.memory_space<hbm>> -> memref<32x64xf32, #tpu.memory_space<hbm>>
        %dma_wait3A_28 = arith.constant 0 : i32
        %dma_wait3A_29 = tpu.memref_slice %arg4[%add3A_10, %dma_wait3A_28] : memref<51200x64xf32, #tpu.memory_space<hbm>> -> memref<32x64xf32, #tpu.memory_space<hbm>>
        tpu.wait_dma2 semaphore(%run_scoped3A : memref<!tpu.dma_semaphore, #tpu.memory_space<semaphore_mem>>) src(%arg7 : memref<32x64xf32, #tpu.memory_space<vmem>>) dst(%dma_wait3A_29 : memref<32x64xf32, #tpu.memory_space<hbm>>)
        tpu.yield
      }) : () -> ()
    }
    %scan3A_4 = arith.constant 50 : i32
    return
  }
}

#map = affine_map<(d0, d1) -> (0, 0)>
#map1 = affine_map<(d0, d1) -> (0)>
module attributes {stable_mosaic.version = 14 : i64} {
  func.func @_sc_block_aggr(%arg0: i32, %arg1: i32, %arg2: memref<51200x64xf32, #tpu.memory_space<hbm>>, %arg3: memref<819200xi32, #tpu.memory_space<hbm>>, %arg4: memref<51200x64xf32, #tpu.memory_space<hbm>>, %arg5: memref<512xi32, #tpu.memory_space<vmem>>, %arg6: memref<512x64xf32, #tpu.memory_space<vmem>>, %arg7: memref<32x64xf32, #tpu.memory_space<vmem>>, %arg8: memref<!tpu.dma_semaphore, #tpu.memory_space<semaphore_mem>>) attributes {dimension_semantics = [#tpu.dimension_semantics<core_parallel>, #tpu.dimension_semantics<subcore_parallel>], iteration_bounds = array<i64: 2, 16>, scalar_prefetch = 0 : i64, scratch_operands = 4 : i64, tpu.core_type = #tpu.core_type<sc_vector_subcore>, window_params = [{transform_indices = #map}, {transform_indices = #map1}, {transform_indices = #map}]} {
    %mul3A = arith.constant 2 : i32
    %mul3A_0 = arith.muli %arg1, %mul3A : i32
    %add3A = arith.addi %mul3A_0, %arg0 : i32
    %scan3A = arith.constant 0 : i32
    %scan3A_1 = arith.constant 50 : i32
    %scan3A_2 = arith.addi %scan3A, %scan3A_1 : i32
    %scan3A_3 = arith.constant 1 : i32
    scf.for %scan3A_5 = %scan3A to %scan3A_2 step %scan3A_3  : i32 {
      %mul3A_6 = arith.constant 1600 : i32
      %mul3A_7 = arith.muli %add3A, %mul3A_6 : i32
      %mul3A_8 = arith.constant 32 : i32
      %mul3A_9 = arith.muli %scan3A_5, %mul3A_8 : i32
      %add3A_10 = arith.addi %mul3A_7, %mul3A_9 : i32
      %mul3A_11 = arith.constant 16 : i32
      %mul3A_12 = arith.muli %add3A_10, %mul3A_11 : i32
      "tpu.region"() ({
        %run_scoped3A = tpu.sem_alloc : memref<!tpu.dma_semaphore, #tpu.memory_space<semaphore_mem>>
        %dma_start3A_22 = tpu.memref_slice %arg3[%mul3A_12] : memref<819200xi32, #tpu.memory_space<hbm>> -> memref<512xi32, #tpu.memory_space<hbm>>
        %dma_start3A_23 = tpu.memref_slice %arg3[%mul3A_12] : memref<819200xi32, #tpu.memory_space<hbm>> -> memref<512xi32, #tpu.memory_space<hbm>>
        tpu.enqueue_dma source(%dma_start3A_23 : memref<512xi32, #tpu.memory_space<hbm>>) target(%arg5 : memref<512xi32, #tpu.memory_space<vmem>>) target_semaphore(%run_scoped3A : memref<!tpu.dma_semaphore, #tpu.memory_space<semaphore_mem>>)
        %dma_wait3A_24 = tpu.memref_slice %arg3[%mul3A_12] : memref<819200xi32, #tpu.memory_space<hbm>> -> memref<512xi32, #tpu.memory_space<hbm>>
        %dma_wait3A_25 = tpu.memref_slice %arg3[%mul3A_12] : memref<819200xi32, #tpu.memory_space<hbm>> -> memref<512xi32, #tpu.memory_space<hbm>>
        tpu.wait_dma2 semaphore(%run_scoped3A : memref<!tpu.dma_semaphore, #tpu.memory_space<semaphore_mem>>) src(%dma_wait3A_25 : memref<512xi32, #tpu.memory_space<hbm>>) dst(%arg5 : memref<512xi32, #tpu.memory_space<vmem>>)
        tpu.yield
      }) : () -> ()
      %dma_start3A = arith.constant 0 : i32
      %dma_start3A_13 = arith.constant 0 : i32
      %dma_start3A_14 = tpu.memref_slice %arg2[%dma_start3A, %dma_start3A_13] : memref<51200x64xf32, #tpu.memory_space<hbm>> -> memref<51200x64xf32, #tpu.memory_space<hbm>>
      tpu.enqueue_indirect_dma source(%dma_start3A_14 : memref<51200x64xf32, #tpu.memory_space<hbm>>) target(%arg6 : memref<512x64xf32, #tpu.memory_space<vmem>>) offsets(%arg5 : memref<512xi32, #tpu.memory_space<vmem>>) semaphore(%arg8 : memref<!tpu.dma_semaphore, #tpu.memory_space<semaphore_mem>>)
      %dma_wait3A = arith.constant 0 : i32
      %dma_wait3A_15 = arith.constant 0 : i32
      %dma_wait3A_16 = tpu.memref_slice %arg2[%dma_wait3A, %dma_wait3A_15] : memref<51200x64xf32, #tpu.memory_space<hbm>> -> memref<51200x64xf32, #tpu.memory_space<hbm>>
      tpu.wait_indirect_dma semaphore(%arg8 : memref<!tpu.dma_semaphore, #tpu.memory_space<semaphore_mem>>) src(%dma_wait3A_16 : memref<51200x64xf32, #tpu.memory_space<hbm>>) dst(%arg6 : memref<512x64xf32, #tpu.memory_space<vmem>>)
      %scan3A_17 = arith.constant 0 : i32
      %scan3A_18 = arith.constant 32 : i32
      %scan3A_19 = arith.addi %scan3A_17, %scan3A_18 : i32
      %scan3A_20 = arith.constant 1 : i32
      scf.for %scan3A_22 = %scan3A_17 to %scan3A_19 step %scan3A_20  : i32 {
        %mul3A_23 = arith.constant 16 : i32
        %mul3A_24 = arith.muli %scan3A_22, %mul3A_23 : i32
        %get3A = arith.index_cast %mul3A_24 : i32 to index
        %get3A_25 = arith.constant 0 : index
        %get3A_26 = tpu.vector_load %arg6[%get3A, %get3A_25] {strides = array<i32>} : memref<512x64xf32, #tpu.memory_space<vmem>>, vector<1x16xf32>,
        %get3A_27 = vector.shape_cast %get3A_26 : vector<1x16xf32> to vector<16xf32>
        %get3A_28 = arith.index_cast %mul3A_24 : i32 to index
        %get3A_29 = arith.constant 16 : index
        %get3A_30 = tpu.vector_load %arg6[%get3A_28, %get3A_29] {strides = array<i32>} : memref<512x64xf32, #tpu.memory_space<vmem>>, vector<1x16xf32>,
        %get3A_31 = vector.shape_cast %get3A_30 : vector<1x16xf32> to vector<16xf32>
        %get3A_32 = arith.index_cast %mul3A_24 : i32 to index
        %get3A_33 = arith.constant 32 : index
        %get3A_34 = tpu.vector_load %arg6[%get3A_32, %get3A_33] {strides = array<i32>} : memref<512x64xf32, #tpu.memory_space<vmem>>, vector<1x16xf32>,
        %get3A_35 = vector.shape_cast %get3A_34 : vector<1x16xf32> to vector<16xf32>
        %get3A_36 = arith.index_cast %mul3A_24 : i32 to index
        %get3A_37 = arith.constant 48 : index
        %get3A_38 = tpu.vector_load %arg6[%get3A_36, %get3A_37] {strides = array<i32>} : memref<512x64xf32, #tpu.memory_space<vmem>>, vector<1x16xf32>,
        %get3A_39 = vector.shape_cast %get3A_38 : vector<1x16xf32> to vector<16xf32>
        %add3A_40 = arith.constant 1 : i32
        %add3A_41 = arith.addi %mul3A_24, %add3A_40 : i32
        %get3A_42 = arith.index_cast %add3A_41 : i32 to index
        %get3A_43 = arith.constant 0 : index
        %get3A_44 = tpu.vector_load %arg6[%get3A_42, %get3A_43] {strides = array<i32>} : memref<512x64xf32, #tpu.memory_space<vmem>>, vector<1x16xf32>,
        %get3A_45 = vector.shape_cast %get3A_44 : vector<1x16xf32> to vector<16xf32>
        %max3A = arith.maximumf %get3A_27, %get3A_45 : vector<16xf32>
        %add3A_46 = arith.constant 1 : i32
        %add3A_47 = arith.addi %mul3A_24, %add3A_46 : i32
        %get3A_48 = arith.index_cast %add3A_47 : i32 to index
        %get3A_49 = arith.constant 16 : index
        %get3A_50 = tpu.vector_load %arg6[%get3A_48, %get3A_49] {strides = array<i32>} : memref<512x64xf32, #tpu.memory_space<vmem>>, vector<1x16xf32>,
        %get3A_51 = vector.shape_cast %get3A_50 : vector<1x16xf32> to vector<16xf32>
        %max3A_52 = arith.maximumf %get3A_31, %get3A_51 : vector<16xf32>
        %add3A_53 = arith.constant 1 : i32
        %add3A_54 = arith.addi %mul3A_24, %add3A_53 : i32
        %get3A_55 = arith.index_cast %add3A_54 : i32 to index
        %get3A_56 = arith.constant 32 : index
        %get3A_57 = tpu.vector_load %arg6[%get3A_55, %get3A_56] {strides = array<i32>} : memref<512x64xf32, #tpu.memory_space<vmem>>, vector<1x16xf32>,
        %get3A_58 = vector.shape_cast %get3A_57 : vector<1x16xf32> to vector<16xf32>
        %max3A_59 = arith.maximumf %get3A_35, %get3A_58 : vector<16xf32>
        %add3A_60 = arith.constant 1 : i32
        %add3A_61 = arith.addi %mul3A_24, %add3A_60 : i32
        %get3A_62 = arith.index_cast %add3A_61 : i32 to index
        %get3A_63 = arith.constant 48 : index
        %get3A_64 = tpu.vector_load %arg6[%get3A_62, %get3A_63] {strides = array<i32>} : memref<512x64xf32, #tpu.memory_space<vmem>>, vector<1x16xf32>,
        %get3A_65 = vector.shape_cast %get3A_64 : vector<1x16xf32> to vector<16xf32>
        %max3A_66 = arith.maximumf %get3A_39, %get3A_65 : vector<16xf32>
        %add3A_67 = arith.constant 2 : i32
        %add3A_68 = arith.addi %mul3A_24, %add3A_67 : i32
        %get3A_69 = arith.index_cast %add3A_68 : i32 to index
        %get3A_70 = arith.constant 0 : index
        %get3A_71 = tpu.vector_load %arg6[%get3A_69, %get3A_70] {strides = array<i32>} : memref<512x64xf32, #tpu.memory_space<vmem>>, vector<1x16xf32>,
        %get3A_72 = vector.shape_cast %get3A_71 : vector<1x16xf32> to vector<16xf32>
        %max3A_73 = arith.maximumf %max3A, %get3A_72 : vector<16xf32>
        %add3A_74 = arith.constant 2 : i32
        %add3A_75 = arith.addi %mul3A_24, %add3A_74 : i32
        %get3A_76 = arith.index_cast %add3A_75 : i32 to index
        %get3A_77 = arith.constant 16 : index
        %get3A_78 = tpu.vector_load %arg6[%get3A_76, %get3A_77] {strides = array<i32>} : memref<512x64xf32, #tpu.memory_space<vmem>>, vector<1x16xf32>,
        %get3A_79 = vector.shape_cast %get3A_78 : vector<1x16xf32> to vector<16xf32>
        %max3A_80 = arith.maximumf %max3A_52, %get3A_79 : vector<16xf32>
        %add3A_81 = arith.constant 2 : i32
        %add3A_82 = arith.addi %mul3A_24, %add3A_81 : i32
        %get3A_83 = arith.index_cast %add3A_82 : i32 to index
        %get3A_84 = arith.constant 32 : index
        %get3A_85 = tpu.vector_load %arg6[%get3A_83, %get3A_84] {strides = array<i32>} : memref<512x64xf32, #tpu.memory_space<vmem>>, vector<1x16xf32>,
        %get3A_86 = vector.shape_cast %get3A_85 : vector<1x16xf32> to vector<16xf32>
        %max3A_87 = arith.maximumf %max3A_59, %get3A_86 : vector<16xf32>
        %add3A_88 = arith.constant 2 : i32
        %add3A_89 = arith.addi %mul3A_24, %add3A_88 : i32
        %get3A_90 = arith.index_cast %add3A_89 : i32 to index
        %get3A_91 = arith.constant 48 : index
        %get3A_92 = tpu.vector_load %arg6[%get3A_90, %get3A_91] {strides = array<i32>} : memref<512x64xf32, #tpu.memory_space<vmem>>, vector<1x16xf32>,
        %get3A_93 = vector.shape_cast %get3A_92 : vector<1x16xf32> to vector<16xf32>
        %max3A_94 = arith.maximumf %max3A_66, %get3A_93 : vector<16xf32>
        %add3A_95 = arith.constant 3 : i32
        %add3A_96 = arith.addi %mul3A_24, %add3A_95 : i32
        %get3A_97 = arith.index_cast %add3A_96 : i32 to index
        %get3A_98 = arith.constant 0 : index
        %get3A_99 = tpu.vector_load %arg6[%get3A_97, %get3A_98] {strides = array<i32>} : memref<512x64xf32, #tpu.memory_space<vmem>>, vector<1x16xf32>,
        %get3A_100 = vector.shape_cast %get3A_99 : vector<1x16xf32> to vector<16xf32>
        %max3A_101 = arith.maximumf %max3A_73, %get3A_100 : vector<16xf32>
        %add3A_102 = arith.constant 3 : i32
        %add3A_103 = arith.addi %mul3A_24, %add3A_102 : i32
        %get3A_104 = arith.index_cast %add3A_103 : i32 to index
        %get3A_105 = arith.constant 16 : index
        %get3A_106 = tpu.vector_load %arg6[%get3A_104, %get3A_105] {strides = array<i32>} : memref<512x64xf32, #tpu.memory_space<vmem>>, vector<1x16xf32>,
        %get3A_107 = vector.shape_cast %get3A_106 : vector<1x16xf32> to vector<16xf32>
        %max3A_108 = arith.maximumf %max3A_80, %get3A_107 : vector<16xf32>
        %add3A_109 = arith.constant 3 : i32
        %add3A_110 = arith.addi %mul3A_24, %add3A_109 : i32
        %get3A_111 = arith.index_cast %add3A_110 : i32 to index
        %get3A_112 = arith.constant 32 : index
        %get3A_113 = tpu.vector_load %arg6[%get3A_111, %get3A_112] {strides = array<i32>} : memref<512x64xf32, #tpu.memory_space<vmem>>, vector<1x16xf32>,
        %get3A_114 = vector.shape_cast %get3A_113 : vector<1x16xf32> to vector<16xf32>
        %max3A_115 = arith.maximumf %max3A_87, %get3A_114 : vector<16xf32>
        %add3A_116 = arith.constant 3 : i32
        %add3A_117 = arith.addi %mul3A_24, %add3A_116 : i32
        %get3A_118 = arith.index_cast %add3A_117 : i32 to index
        %get3A_119 = arith.constant 48 : index
        %get3A_120 = tpu.vector_load %arg6[%get3A_118, %get3A_119] {strides = array<i32>} : memref<512x64xf32, #tpu.memory_space<vmem>>, vector<1x16xf32>,
        %get3A_121 = vector.shape_cast %get3A_120 : vector<1x16xf32> to vector<16xf32>
        %max3A_122 = arith.maximumf %max3A_94, %get3A_121 : vector<16xf32>
        %add3A_123 = arith.constant 4 : i32
        %add3A_124 = arith.addi %mul3A_24, %add3A_123 : i32
        %get3A_125 = arith.index_cast %add3A_124 : i32 to index
        %get3A_126 = arith.constant 0 : index
        %get3A_127 = tpu.vector_load %arg6[%get3A_125, %get3A_126] {strides = array<i32>} : memref<512x64xf32, #tpu.memory_space<vmem>>, vector<1x16xf32>,
        %get3A_128 = vector.shape_cast %get3A_127 : vector<1x16xf32> to vector<16xf32>
        %max3A_129 = arith.maximumf %max3A_101, %get3A_128 : vector<16xf32>
        %add3A_130 = arith.constant 4 : i32
        %add3A_131 = arith.addi %mul3A_24, %add3A_130 : i32
        %get3A_132 = arith.index_cast %add3A_131 : i32 to index
        %get3A_133 = arith.constant 16 : index
        %get3A_134 = tpu.vector_load %arg6[%get3A_132, %get3A_133] {strides = array<i32>} : memref<512x64xf32, #tpu.memory_space<vmem>>, vector<1x16xf32>,
        %get3A_135 = vector.shape_cast %get3A_134 : vector<1x16xf32> to vector<16xf32>
        %max3A_136 = arith.maximumf %max3A_108, %get3A_135 : vector<16xf32>
        %add3A_137 = arith.constant 4 : i32
        %add3A_138 = arith.addi %mul3A_24, %add3A_137 : i32
        %get3A_139 = arith.index_cast %add3A_138 : i32 to index
        %get3A_140 = arith.constant 32 : index
        %get3A_141 = tpu.vector_load %arg6[%get3A_139, %get3A_140] {strides = array<i32>} : memref<512x64xf32, #tpu.memory_space<vmem>>, vector<1x16xf32>,
        %get3A_142 = vector.shape_cast %get3A_141 : vector<1x16xf32> to vector<16xf32>
        %max3A_143 = arith.maximumf %max3A_115, %get3A_142 : vector<16xf32>
        %add3A_144 = arith.constant 4 : i32
        %add3A_145 = arith.addi %mul3A_24, %add3A_144 : i32
        %get3A_146 = arith.index_cast %add3A_145 : i32 to index
        %get3A_147 = arith.constant 48 : index
        %get3A_148 = tpu.vector_load %arg6[%get3A_146, %get3A_147] {strides = array<i32>} : memref<512x64xf32, #tpu.memory_space<vmem>>, vector<1x16xf32>,
        %get3A_149 = vector.shape_cast %get3A_148 : vector<1x16xf32> to vector<16xf32>
        %max3A_150 = arith.maximumf %max3A_122, %get3A_149 : vector<16xf32>
        %add3A_151 = arith.constant 5 : i32
        %add3A_152 = arith.addi %mul3A_24, %add3A_151 : i32
        %get3A_153 = arith.index_cast %add3A_152 : i32 to index
        %get3A_154 = arith.constant 0 : index
        %get3A_155 = tpu.vector_load %arg6[%get3A_153, %get3A_154] {strides = array<i32>} : memref<512x64xf32, #tpu.memory_space<vmem>>, vector<1x16xf32>,
        %get3A_156 = vector.shape_cast %get3A_155 : vector<1x16xf32> to vector<16xf32>
        %max3A_157 = arith.maximumf %max3A_129, %get3A_156 : vector<16xf32>
        %add3A_158 = arith.constant 5 : i32
        %add3A_159 = arith.addi %mul3A_24, %add3A_158 : i32
        %get3A_160 = arith.index_cast %add3A_159 : i32 to index
        %get3A_161 = arith.constant 16 : index
        %get3A_162 = tpu.vector_load %arg6[%get3A_160, %get3A_161] {strides = array<i32>} : memref<512x64xf32, #tpu.memory_space<vmem>>, vector<1x16xf32>,
        %get3A_163 = vector.shape_cast %get3A_162 : vector<1x16xf32> to vector<16xf32>
        %max3A_164 = arith.maximumf %max3A_136, %get3A_163 : vector<16xf32>
        %add3A_165 = arith.constant 5 : i32
        %add3A_166 = arith.addi %mul3A_24, %add3A_165 : i32
        %get3A_167 = arith.index_cast %add3A_166 : i32 to index
        %get3A_168 = arith.constant 32 : index
        %get3A_169 = tpu.vector_load %arg6[%get3A_167, %get3A_168] {strides = array<i32>} : memref<512x64xf32, #tpu.memory_space<vmem>>, vector<1x16xf32>,
        %get3A_170 = vector.shape_cast %get3A_169 : vector<1x16xf32> to vector<16xf32>
        %max3A_171 = arith.maximumf %max3A_143, %get3A_170 : vector<16xf32>
        %add3A_172 = arith.constant 5 : i32
        %add3A_173 = arith.addi %mul3A_24, %add3A_172 : i32
        %get3A_174 = arith.index_cast %add3A_173 : i32 to index
        %get3A_175 = arith.constant 48 : index
        %get3A_176 = tpu.vector_load %arg6[%get3A_174, %get3A_175] {strides = array<i32>} : memref<512x64xf32, #tpu.memory_space<vmem>>, vector<1x16xf32>,
        %get3A_177 = vector.shape_cast %get3A_176 : vector<1x16xf32> to vector<16xf32>
        %max3A_178 = arith.maximumf %max3A_150, %get3A_177 : vector<16xf32>
        %add3A_179 = arith.constant 6 : i32
        %add3A_180 = arith.addi %mul3A_24, %add3A_179 : i32
        %get3A_181 = arith.index_cast %add3A_180 : i32 to index
        %get3A_182 = arith.constant 0 : index
        %get3A_183 = tpu.vector_load %arg6[%get3A_181, %get3A_182] {strides = array<i32>} : memref<512x64xf32, #tpu.memory_space<vmem>>, vector<1x16xf32>,
        %get3A_184 = vector.shape_cast %get3A_183 : vector<1x16xf32> to vector<16xf32>
        %max3A_185 = arith.maximumf %max3A_157, %get3A_184 : vector<16xf32>
        %add3A_186 = arith.constant 6 : i32
        %add3A_187 = arith.addi %mul3A_24, %add3A_186 : i32
        %get3A_188 = arith.index_cast %add3A_187 : i32 to index
        %get3A_189 = arith.constant 16 : index
        %get3A_190 = tpu.vector_load %arg6[%get3A_188, %get3A_189] {strides = array<i32>} : memref<512x64xf32, #tpu.memory_space<vmem>>, vector<1x16xf32>,
        %get3A_191 = vector.shape_cast %get3A_190 : vector<1x16xf32> to vector<16xf32>
        %max3A_192 = arith.maximumf %max3A_164, %get3A_191 : vector<16xf32>
        %add3A_193 = arith.constant 6 : i32
        %add3A_194 = arith.addi %mul3A_24, %add3A_193 : i32
        %get3A_195 = arith.index_cast %add3A_194 : i32 to index
        %get3A_196 = arith.constant 32 : index
        %get3A_197 = tpu.vector_load %arg6[%get3A_195, %get3A_196] {strides = array<i32>} : memref<512x64xf32, #tpu.memory_space<vmem>>, vector<1x16xf32>,
        %get3A_198 = vector.shape_cast %get3A_197 : vector<1x16xf32> to vector<16xf32>
        %max3A_199 = arith.maximumf %max3A_171, %get3A_198 : vector<16xf32>
        %add3A_200 = arith.constant 6 : i32
        %add3A_201 = arith.addi %mul3A_24, %add3A_200 : i32
        %get3A_202 = arith.index_cast %add3A_201 : i32 to index
        %get3A_203 = arith.constant 48 : index
        %get3A_204 = tpu.vector_load %arg6[%get3A_202, %get3A_203] {strides = array<i32>} : memref<512x64xf32, #tpu.memory_space<vmem>>, vector<1x16xf32>,
        %get3A_205 = vector.shape_cast %get3A_204 : vector<1x16xf32> to vector<16xf32>
        %max3A_206 = arith.maximumf %max3A_178, %get3A_205 : vector<16xf32>
        %add3A_207 = arith.constant 7 : i32
        %add3A_208 = arith.addi %mul3A_24, %add3A_207 : i32
        %get3A_209 = arith.index_cast %add3A_208 : i32 to index
        %get3A_210 = arith.constant 0 : index
        %get3A_211 = tpu.vector_load %arg6[%get3A_209, %get3A_210] {strides = array<i32>} : memref<512x64xf32, #tpu.memory_space<vmem>>, vector<1x16xf32>,
        %get3A_212 = vector.shape_cast %get3A_211 : vector<1x16xf32> to vector<16xf32>
        %max3A_213 = arith.maximumf %max3A_185, %get3A_212 : vector<16xf32>
        %add3A_214 = arith.constant 7 : i32
        %add3A_215 = arith.addi %mul3A_24, %add3A_214 : i32
        %get3A_216 = arith.index_cast %add3A_215 : i32 to index
        %get3A_217 = arith.constant 16 : index
        %get3A_218 = tpu.vector_load %arg6[%get3A_216, %get3A_217] {strides = array<i32>} : memref<512x64xf32, #tpu.memory_space<vmem>>, vector<1x16xf32>,
        %get3A_219 = vector.shape_cast %get3A_218 : vector<1x16xf32> to vector<16xf32>
        %max3A_220 = arith.maximumf %max3A_192, %get3A_219 : vector<16xf32>
        %add3A_221 = arith.constant 7 : i32
        %add3A_222 = arith.addi %mul3A_24, %add3A_221 : i32
        %get3A_223 = arith.index_cast %add3A_222 : i32 to index
        %get3A_224 = arith.constant 32 : index
        %get3A_225 = tpu.vector_load %arg6[%get3A_223, %get3A_224] {strides = array<i32>} : memref<512x64xf32, #tpu.memory_space<vmem>>, vector<1x16xf32>,
        %get3A_226 = vector.shape_cast %get3A_225 : vector<1x16xf32> to vector<16xf32>
        %max3A_227 = arith.maximumf %max3A_199, %get3A_226 : vector<16xf32>
        %add3A_228 = arith.constant 7 : i32
        %add3A_229 = arith.addi %mul3A_24, %add3A_228 : i32
        %get3A_230 = arith.index_cast %add3A_229 : i32 to index
        %get3A_231 = arith.constant 48 : index
        %get3A_232 = tpu.vector_load %arg6[%get3A_230, %get3A_231] {strides = array<i32>} : memref<512x64xf32, #tpu.memory_space<vmem>>, vector<1x16xf32>,
        %get3A_233 = vector.shape_cast %get3A_232 : vector<1x16xf32> to vector<16xf32>
        %max3A_234 = arith.maximumf %max3A_206, %get3A_233 : vector<16xf32>
        %add3A_235 = arith.constant 8 : i32
        %add3A_236 = arith.addi %mul3A_24, %add3A_235 : i32
        %get3A_237 = arith.index_cast %add3A_236 : i32 to index
        %get3A_238 = arith.constant 0 : index
        %get3A_239 = tpu.vector_load %arg6[%get3A_237, %get3A_238] {strides = array<i32>} : memref<512x64xf32, #tpu.memory_space<vmem>>, vector<1x16xf32>,
        %get3A_240 = vector.shape_cast %get3A_239 : vector<1x16xf32> to vector<16xf32>
        %max3A_241 = arith.maximumf %max3A_213, %get3A_240 : vector<16xf32>
        %add3A_242 = arith.constant 8 : i32
        %add3A_243 = arith.addi %mul3A_24, %add3A_242 : i32
        %get3A_244 = arith.index_cast %add3A_243 : i32 to index
        %get3A_245 = arith.constant 16 : index
        %get3A_246 = tpu.vector_load %arg6[%get3A_244, %get3A_245] {strides = array<i32>} : memref<512x64xf32, #tpu.memory_space<vmem>>, vector<1x16xf32>,
        %get3A_247 = vector.shape_cast %get3A_246 : vector<1x16xf32> to vector<16xf32>
        %max3A_248 = arith.maximumf %max3A_220, %get3A_247 : vector<16xf32>
        %add3A_249 = arith.constant 8 : i32
        %add3A_250 = arith.addi %mul3A_24, %add3A_249 : i32
        %get3A_251 = arith.index_cast %add3A_250 : i32 to index
        %get3A_252 = arith.constant 32 : index
        %get3A_253 = tpu.vector_load %arg6[%get3A_251, %get3A_252] {strides = array<i32>} : memref<512x64xf32, #tpu.memory_space<vmem>>, vector<1x16xf32>,
        %get3A_254 = vector.shape_cast %get3A_253 : vector<1x16xf32> to vector<16xf32>
        %max3A_255 = arith.maximumf %max3A_227, %get3A_254 : vector<16xf32>
        %add3A_256 = arith.constant 8 : i32
        %add3A_257 = arith.addi %mul3A_24, %add3A_256 : i32
        %get3A_258 = arith.index_cast %add3A_257 : i32 to index
        %get3A_259 = arith.constant 48 : index
        %get3A_260 = tpu.vector_load %arg6[%get3A_258, %get3A_259] {strides = array<i32>} : memref<512x64xf32, #tpu.memory_space<vmem>>, vector<1x16xf32>,
        %get3A_261 = vector.shape_cast %get3A_260 : vector<1x16xf32> to vector<16xf32>
        %max3A_262 = arith.maximumf %max3A_234, %get3A_261 : vector<16xf32>
        %add3A_263 = arith.constant 9 : i32
        %add3A_264 = arith.addi %mul3A_24, %add3A_263 : i32
        %get3A_265 = arith.index_cast %add3A_264 : i32 to index
        %get3A_266 = arith.constant 0 : index
        %get3A_267 = tpu.vector_load %arg6[%get3A_265, %get3A_266] {strides = array<i32>} : memref<512x64xf32, #tpu.memory_space<vmem>>, vector<1x16xf32>,
        %get3A_268 = vector.shape_cast %get3A_267 : vector<1x16xf32> to vector<16xf32>
        %max3A_269 = arith.maximumf %max3A_241, %get3A_268 : vector<16xf32>
        %add3A_270 = arith.constant 9 : i32
        %add3A_271 = arith.addi %mul3A_24, %add3A_270 : i32
        %get3A_272 = arith.index_cast %add3A_271 : i32 to index
        %get3A_273 = arith.constant 16 : index
        %get3A_274 = tpu.vector_load %arg6[%get3A_272, %get3A_273] {strides = array<i32>} : memref<512x64xf32, #tpu.memory_space<vmem>>, vector<1x16xf32>,
        %get3A_275 = vector.shape_cast %get3A_274 : vector<1x16xf32> to vector<16xf32>
        %max3A_276 = arith.maximumf %max3A_248, %get3A_275 : vector<16xf32>
        %add3A_277 = arith.constant 9 : i32
        %add3A_278 = arith.addi %mul3A_24, %add3A_277 : i32
        %get3A_279 = arith.index_cast %add3A_278 : i32 to index
        %get3A_280 = arith.constant 32 : index
        %get3A_281 = tpu.vector_load %arg6[%get3A_279, %get3A_280] {strides = array<i32>} : memref<512x64xf32, #tpu.memory_space<vmem>>, vector<1x16xf32>,
        %get3A_282 = vector.shape_cast %get3A_281 : vector<1x16xf32> to vector<16xf32>
        %max3A_283 = arith.maximumf %max3A_255, %get3A_282 : vector<16xf32>
        %add3A_284 = arith.constant 9 : i32
        %add3A_285 = arith.addi %mul3A_24, %add3A_284 : i32
        %get3A_286 = arith.index_cast %add3A_285 : i32 to index
        %get3A_287 = arith.constant 48 : index
        %get3A_288 = tpu.vector_load %arg6[%get3A_286, %get3A_287] {strides = array<i32>} : memref<512x64xf32, #tpu.memory_space<vmem>>, vector<1x16xf32>,
        %get3A_289 = vector.shape_cast %get3A_288 : vector<1x16xf32> to vector<16xf32>
        %max3A_290 = arith.maximumf %max3A_262, %get3A_289 : vector<16xf32>
        %add3A_291 = arith.constant 10 : i32
        %add3A_292 = arith.addi %mul3A_24, %add3A_291 : i32
        %get3A_293 = arith.index_cast %add3A_292 : i32 to index
        %get3A_294 = arith.constant 0 : index
        %get3A_295 = tpu.vector_load %arg6[%get3A_293, %get3A_294] {strides = array<i32>} : memref<512x64xf32, #tpu.memory_space<vmem>>, vector<1x16xf32>,
        %get3A_296 = vector.shape_cast %get3A_295 : vector<1x16xf32> to vector<16xf32>
        %max3A_297 = arith.maximumf %max3A_269, %get3A_296 : vector<16xf32>
        %add3A_298 = arith.constant 10 : i32
        %add3A_299 = arith.addi %mul3A_24, %add3A_298 : i32
        %get3A_300 = arith.index_cast %add3A_299 : i32 to index
        %get3A_301 = arith.constant 16 : index
        %get3A_302 = tpu.vector_load %arg6[%get3A_300, %get3A_301] {strides = array<i32>} : memref<512x64xf32, #tpu.memory_space<vmem>>, vector<1x16xf32>,
        %get3A_303 = vector.shape_cast %get3A_302 : vector<1x16xf32> to vector<16xf32>
        %max3A_304 = arith.maximumf %max3A_276, %get3A_303 : vector<16xf32>
        %add3A_305 = arith.constant 10 : i32
        %add3A_306 = arith.addi %mul3A_24, %add3A_305 : i32
        %get3A_307 = arith.index_cast %add3A_306 : i32 to index
        %get3A_308 = arith.constant 32 : index
        %get3A_309 = tpu.vector_load %arg6[%get3A_307, %get3A_308] {strides = array<i32>} : memref<512x64xf32, #tpu.memory_space<vmem>>, vector<1x16xf32>,
        %get3A_310 = vector.shape_cast %get3A_309 : vector<1x16xf32> to vector<16xf32>
        %max3A_311 = arith.maximumf %max3A_283, %get3A_310 : vector<16xf32>
        %add3A_312 = arith.constant 10 : i32
        %add3A_313 = arith.addi %mul3A_24, %add3A_312 : i32
        %get3A_314 = arith.index_cast %add3A_313 : i32 to index
        %get3A_315 = arith.constant 48 : index
        %get3A_316 = tpu.vector_load %arg6[%get3A_314, %get3A_315] {strides = array<i32>} : memref<512x64xf32, #tpu.memory_space<vmem>>, vector<1x16xf32>,
        %get3A_317 = vector.shape_cast %get3A_316 : vector<1x16xf32> to vector<16xf32>
        %max3A_318 = arith.maximumf %max3A_290, %get3A_317 : vector<16xf32>
        %add3A_319 = arith.constant 11 : i32
        %add3A_320 = arith.addi %mul3A_24, %add3A_319 : i32
        %get3A_321 = arith.index_cast %add3A_320 : i32 to index
        %get3A_322 = arith.constant 0 : index
        %get3A_323 = tpu.vector_load %arg6[%get3A_321, %get3A_322] {strides = array<i32>} : memref<512x64xf32, #tpu.memory_space<vmem>>, vector<1x16xf32>,
        %get3A_324 = vector.shape_cast %get3A_323 : vector<1x16xf32> to vector<16xf32>
        %max3A_325 = arith.maximumf %max3A_297, %get3A_324 : vector<16xf32>
        %add3A_326 = arith.constant 11 : i32
        %add3A_327 = arith.addi %mul3A_24, %add3A_326 : i32
        %get3A_328 = arith.index_cast %add3A_327 : i32 to index
        %get3A_329 = arith.constant 16 : index
        %get3A_330 = tpu.vector_load %arg6[%get3A_328, %get3A_329] {strides = array<i32>} : memref<512x64xf32, #tpu.memory_space<vmem>>, vector<1x16xf32>,
        %get3A_331 = vector.shape_cast %get3A_330 : vector<1x16xf32> to vector<16xf32>
        %max3A_332 = arith.maximumf %max3A_304, %get3A_331 : vector<16xf32>
        %add3A_333 = arith.constant 11 : i32
        %add3A_334 = arith.addi %mul3A_24, %add3A_333 : i32
        %get3A_335 = arith.index_cast %add3A_334 : i32 to index
        %get3A_336 = arith.constant 32 : index
        %get3A_337 = tpu.vector_load %arg6[%get3A_335, %get3A_336] {strides = array<i32>} : memref<512x64xf32, #tpu.memory_space<vmem>>, vector<1x16xf32>,
        %get3A_338 = vector.shape_cast %get3A_337 : vector<1x16xf32> to vector<16xf32>
        %max3A_339 = arith.maximumf %max3A_311, %get3A_338 : vector<16xf32>
        %add3A_340 = arith.constant 11 : i32
        %add3A_341 = arith.addi %mul3A_24, %add3A_340 : i32
        %get3A_342 = arith.index_cast %add3A_341 : i32 to index
        %get3A_343 = arith.constant 48 : index
        %get3A_344 = tpu.vector_load %arg6[%get3A_342, %get3A_343] {strides = array<i32>} : memref<512x64xf32, #tpu.memory_space<vmem>>, vector<1x16xf32>,
        %get3A_345 = vector.shape_cast %get3A_344 : vector<1x16xf32> to vector<16xf32>
        %max3A_346 = arith.maximumf %max3A_318, %get3A_345 : vector<16xf32>
        %add3A_347 = arith.constant 12 : i32
        %add3A_348 = arith.addi %mul3A_24, %add3A_347 : i32
        %get3A_349 = arith.index_cast %add3A_348 : i32 to index
        %get3A_350 = arith.constant 0 : index
        %get3A_351 = tpu.vector_load %arg6[%get3A_349, %get3A_350] {strides = array<i32>} : memref<512x64xf32, #tpu.memory_space<vmem>>, vector<1x16xf32>,
        %get3A_352 = vector.shape_cast %get3A_351 : vector<1x16xf32> to vector<16xf32>
        %max3A_353 = arith.maximumf %max3A_325, %get3A_352 : vector<16xf32>
        %add3A_354 = arith.constant 12 : i32
        %add3A_355 = arith.addi %mul3A_24, %add3A_354 : i32
        %get3A_356 = arith.index_cast %add3A_355 : i32 to index
        %get3A_357 = arith.constant 16 : index
        %get3A_358 = tpu.vector_load %arg6[%get3A_356, %get3A_357] {strides = array<i32>} : memref<512x64xf32, #tpu.memory_space<vmem>>, vector<1x16xf32>,
        %get3A_359 = vector.shape_cast %get3A_358 : vector<1x16xf32> to vector<16xf32>
        %max3A_360 = arith.maximumf %max3A_332, %get3A_359 : vector<16xf32>
        %add3A_361 = arith.constant 12 : i32
        %add3A_362 = arith.addi %mul3A_24, %add3A_361 : i32
        %get3A_363 = arith.index_cast %add3A_362 : i32 to index
        %get3A_364 = arith.constant 32 : index
        %get3A_365 = tpu.vector_load %arg6[%get3A_363, %get3A_364] {strides = array<i32>} : memref<512x64xf32, #tpu.memory_space<vmem>>, vector<1x16xf32>,
        %get3A_366 = vector.shape_cast %get3A_365 : vector<1x16xf32> to vector<16xf32>
        %max3A_367 = arith.maximumf %max3A_339, %get3A_366 : vector<16xf32>
        %add3A_368 = arith.constant 12 : i32
        %add3A_369 = arith.addi %mul3A_24, %add3A_368 : i32
        %get3A_370 = arith.index_cast %add3A_369 : i32 to index
        %get3A_371 = arith.constant 48 : index
        %get3A_372 = tpu.vector_load %arg6[%get3A_370, %get3A_371] {strides = array<i32>} : memref<512x64xf32, #tpu.memory_space<vmem>>, vector<1x16xf32>,
        %get3A_373 = vector.shape_cast %get3A_372 : vector<1x16xf32> to vector<16xf32>
        %max3A_374 = arith.maximumf %max3A_346, %get3A_373 : vector<16xf32>
        %add3A_375 = arith.constant 13 : i32
        %add3A_376 = arith.addi %mul3A_24, %add3A_375 : i32
        %get3A_377 = arith.index_cast %add3A_376 : i32 to index
        %get3A_378 = arith.constant 0 : index
        %get3A_379 = tpu.vector_load %arg6[%get3A_377, %get3A_378] {strides = array<i32>} : memref<512x64xf32, #tpu.memory_space<vmem>>, vector<1x16xf32>,
        %get3A_380 = vector.shape_cast %get3A_379 : vector<1x16xf32> to vector<16xf32>
        %max3A_381 = arith.maximumf %max3A_353, %get3A_380 : vector<16xf32>
        %add3A_382 = arith.constant 13 : i32
        %add3A_383 = arith.addi %mul3A_24, %add3A_382 : i32
        %get3A_384 = arith.index_cast %add3A_383 : i32 to index
        %get3A_385 = arith.constant 16 : index
        %get3A_386 = tpu.vector_load %arg6[%get3A_384, %get3A_385] {strides = array<i32>} : memref<512x64xf32, #tpu.memory_space<vmem>>, vector<1x16xf32>,
        %get3A_387 = vector.shape_cast %get3A_386 : vector<1x16xf32> to vector<16xf32>
        %max3A_388 = arith.maximumf %max3A_360, %get3A_387 : vector<16xf32>
        %add3A_389 = arith.constant 13 : i32
        %add3A_390 = arith.addi %mul3A_24, %add3A_389 : i32
        %get3A_391 = arith.index_cast %add3A_390 : i32 to index
        %get3A_392 = arith.constant 32 : index
        %get3A_393 = tpu.vector_load %arg6[%get3A_391, %get3A_392] {strides = array<i32>} : memref<512x64xf32, #tpu.memory_space<vmem>>, vector<1x16xf32>,
        %get3A_394 = vector.shape_cast %get3A_393 : vector<1x16xf32> to vector<16xf32>
        %max3A_395 = arith.maximumf %max3A_367, %get3A_394 : vector<16xf32>
        %add3A_396 = arith.constant 13 : i32
        %add3A_397 = arith.addi %mul3A_24, %add3A_396 : i32
        %get3A_398 = arith.index_cast %add3A_397 : i32 to index
        %get3A_399 = arith.constant 48 : index
        %get3A_400 = tpu.vector_load %arg6[%get3A_398, %get3A_399] {strides = array<i32>} : memref<512x64xf32, #tpu.memory_space<vmem>>, vector<1x16xf32>,
        %get3A_401 = vector.shape_cast %get3A_400 : vector<1x16xf32> to vector<16xf32>
        %max3A_402 = arith.maximumf %max3A_374, %get3A_401 : vector<16xf32>
        %add3A_403 = arith.constant 14 : i32
        %add3A_404 = arith.addi %mul3A_24, %add3A_403 : i32
        %get3A_405 = arith.index_cast %add3A_404 : i32 to index
        %get3A_406 = arith.constant 0 : index
        %get3A_407 = tpu.vector_load %arg6[%get3A_405, %get3A_406] {strides = array<i32>} : memref<512x64xf32, #tpu.memory_space<vmem>>, vector<1x16xf32>,
        %get3A_408 = vector.shape_cast %get3A_407 : vector<1x16xf32> to vector<16xf32>
        %max3A_409 = arith.maximumf %max3A_381, %get3A_408 : vector<16xf32>
        %add3A_410 = arith.constant 14 : i32
        %add3A_411 = arith.addi %mul3A_24, %add3A_410 : i32
        %get3A_412 = arith.index_cast %add3A_411 : i32 to index
        %get3A_413 = arith.constant 16 : index
        %get3A_414 = tpu.vector_load %arg6[%get3A_412, %get3A_413] {strides = array<i32>} : memref<512x64xf32, #tpu.memory_space<vmem>>, vector<1x16xf32>,
        %get3A_415 = vector.shape_cast %get3A_414 : vector<1x16xf32> to vector<16xf32>
        %max3A_416 = arith.maximumf %max3A_388, %get3A_415 : vector<16xf32>
        %add3A_417 = arith.constant 14 : i32
        %add3A_418 = arith.addi %mul3A_24, %add3A_417 : i32
        %get3A_419 = arith.index_cast %add3A_418 : i32 to index
        %get3A_420 = arith.constant 32 : index
        %get3A_421 = tpu.vector_load %arg6[%get3A_419, %get3A_420] {strides = array<i32>} : memref<512x64xf32, #tpu.memory_space<vmem>>, vector<1x16xf32>,
        %get3A_422 = vector.shape_cast %get3A_421 : vector<1x16xf32> to vector<16xf32>
        %max3A_423 = arith.maximumf %max3A_395, %get3A_422 : vector<16xf32>
        %add3A_424 = arith.constant 14 : i32
        %add3A_425 = arith.addi %mul3A_24, %add3A_424 : i32
        %get3A_426 = arith.index_cast %add3A_425 : i32 to index
        %get3A_427 = arith.constant 48 : index
        %get3A_428 = tpu.vector_load %arg6[%get3A_426, %get3A_427] {strides = array<i32>} : memref<512x64xf32, #tpu.memory_space<vmem>>, vector<1x16xf32>,
        %get3A_429 = vector.shape_cast %get3A_428 : vector<1x16xf32> to vector<16xf32>
        %max3A_430 = arith.maximumf %max3A_402, %get3A_429 : vector<16xf32>
        %add3A_431 = arith.constant 15 : i32
        %add3A_432 = arith.addi %mul3A_24, %add3A_431 : i32
        %get3A_433 = arith.index_cast %add3A_432 : i32 to index
        %get3A_434 = arith.constant 0 : index
        %get3A_435 = tpu.vector_load %arg6[%get3A_433, %get3A_434] {strides = array<i32>} : memref<512x64xf32, #tpu.memory_space<vmem>>, vector<1x16xf32>,
        %get3A_436 = vector.shape_cast %get3A_435 : vector<1x16xf32> to vector<16xf32>
        %max3A_437 = arith.maximumf %max3A_409, %get3A_436 : vector<16xf32>
        %add3A_438 = arith.constant 15 : i32
        %add3A_439 = arith.addi %mul3A_24, %add3A_438 : i32
        %get3A_440 = arith.index_cast %add3A_439 : i32 to index
        %get3A_441 = arith.constant 16 : index
        %get3A_442 = tpu.vector_load %arg6[%get3A_440, %get3A_441] {strides = array<i32>} : memref<512x64xf32, #tpu.memory_space<vmem>>, vector<1x16xf32>,
        %get3A_443 = vector.shape_cast %get3A_442 : vector<1x16xf32> to vector<16xf32>
        %max3A_444 = arith.maximumf %max3A_416, %get3A_443 : vector<16xf32>
        %add3A_445 = arith.constant 15 : i32
        %add3A_446 = arith.addi %mul3A_24, %add3A_445 : i32
        %get3A_447 = arith.index_cast %add3A_446 : i32 to index
        %get3A_448 = arith.constant 32 : index
        %get3A_449 = tpu.vector_load %arg6[%get3A_447, %get3A_448] {strides = array<i32>} : memref<512x64xf32, #tpu.memory_space<vmem>>, vector<1x16xf32>,
        %get3A_450 = vector.shape_cast %get3A_449 : vector<1x16xf32> to vector<16xf32>
        %max3A_451 = arith.maximumf %max3A_423, %get3A_450 : vector<16xf32>
        %add3A_452 = arith.constant 15 : i32
        %add3A_453 = arith.addi %mul3A_24, %add3A_452 : i32
        %get3A_454 = arith.index_cast %add3A_453 : i32 to index
        %get3A_455 = arith.constant 48 : index
        %get3A_456 = tpu.vector_load %arg6[%get3A_454, %get3A_455] {strides = array<i32>} : memref<512x64xf32, #tpu.memory_space<vmem>>, vector<1x16xf32>,
        %get3A_457 = vector.shape_cast %get3A_456 : vector<1x16xf32> to vector<16xf32>
        %max3A_458 = arith.maximumf %max3A_430, %get3A_457 : vector<16xf32>
        %swap3A = arith.index_cast %scan3A_22 : i32 to index
        %swap3A_459 = arith.constant 0 : index
        %swap3A_460 = tpu.vector_load %arg7[%swap3A, %swap3A_459] {strides = array<i32>} : memref<32x64xf32, #tpu.memory_space<vmem>>, vector<1x16xf32>,
        %swap3A_461 = vector.shape_cast %swap3A_460 : vector<1x16xf32> to vector<16xf32>
        %swap3A_462 = vector.shape_cast %max3A_437 : vector<16xf32> to vector<1x16xf32>
        tpu.vector_store %arg7[%swap3A, %swap3A_459], %swap3A_462 {strides = array<i32>} : memref<32x64xf32, #tpu.memory_space<vmem>>, vector<1x16xf32>,
        %swap3A_463 = arith.index_cast %scan3A_22 : i32 to index
        %swap3A_464 = arith.constant 16 : index
        %swap3A_465 = tpu.vector_load %arg7[%swap3A_463, %swap3A_464] {strides = array<i32>} : memref<32x64xf32, #tpu.memory_space<vmem>>, vector<1x16xf32>,
        %swap3A_466 = vector.shape_cast %swap3A_465 : vector<1x16xf32> to vector<16xf32>
        %swap3A_467 = vector.shape_cast %max3A_444 : vector<16xf32> to vector<1x16xf32>
        tpu.vector_store %arg7[%swap3A_463, %swap3A_464], %swap3A_467 {strides = array<i32>} : memref<32x64xf32, #tpu.memory_space<vmem>>, vector<1x16xf32>,
        %swap3A_468 = arith.index_cast %scan3A_22 : i32 to index
        %swap3A_469 = arith.constant 32 : index
        %swap3A_470 = tpu.vector_load %arg7[%swap3A_468, %swap3A_469] {strides = array<i32>} : memref<32x64xf32, #tpu.memory_space<vmem>>, vector<1x16xf32>,
        %swap3A_471 = vector.shape_cast %swap3A_470 : vector<1x16xf32> to vector<16xf32>
        %swap3A_472 = vector.shape_cast %max3A_451 : vector<16xf32> to vector<1x16xf32>
        tpu.vector_store %arg7[%swap3A_468, %swap3A_469], %swap3A_472 {strides = array<i32>} : memref<32x64xf32, #tpu.memory_space<vmem>>, vector<1x16xf32>,
        %swap3A_473 = arith.index_cast %scan3A_22 : i32 to index
        %swap3A_474 = arith.constant 48 : index
        %swap3A_475 = tpu.vector_load %arg7[%swap3A_473, %swap3A_474] {strides = array<i32>} : memref<32x64xf32, #tpu.memory_space<vmem>>, vector<1x16xf32>,
        %swap3A_476 = vector.shape_cast %swap3A_475 : vector<1x16xf32> to vector<16xf32>
        %swap3A_477 = vector.shape_cast %max3A_458 : vector<16xf32> to vector<1x16xf32>
        tpu.vector_store %arg7[%swap3A_473, %swap3A_474], %swap3A_477 {strides = array<i32>} : memref<32x64xf32, #tpu.memory_space<vmem>>, vector<1x16xf32>,
      }
      %scan3A_21 = arith.constant 32 : i32
      "tpu.region"() ({
        %run_scoped3A = tpu.sem_alloc : memref<!tpu.dma_semaphore, #tpu.memory_space<semaphore_mem>>
        %dma_start3A_22 = arith.constant 0 : i32
        %dma_start3A_23 = tpu.memref_slice %arg4[%add3A_10, %dma_start3A_22] : memref<51200x64xf32, #tpu.memory_space<hbm>> -> memref<32x64xf32, #tpu.memory_space<hbm>>
        %dma_start3A_24 = arith.constant 0 : i32
        %dma_start3A_25 = tpu.memref_slice %arg4[%add3A_10, %dma_start3A_24] : memref<51200x64xf32, #tpu.memory_space<hbm>> -> memref<32x64xf32, #tpu.memory_space<hbm>>
        tpu.enqueue_dma source(%arg7 : memref<32x64xf32, #tpu.memory_space<vmem>>) target(%dma_start3A_25 : memref<32x64xf32, #tpu.memory_space<hbm>>) target_semaphore(%run_scoped3A : memref<!tpu.dma_semaphore, #tpu.memory_space<semaphore_mem>>)
        %dma_wait3A_26 = arith.constant 0 : i32
        %dma_wait3A_27 = tpu.memref_slice %arg4[%add3A_10, %dma_wait3A_26] : memref<51200x64xf32, #tpu.memory_space<hbm>> -> memref<32x64xf32, #tpu.memory_space<hbm>>
        %dma_wait3A_28 = arith.constant 0 : i32
        %dma_wait3A_29 = tpu.memref_slice %arg4[%add3A_10, %dma_wait3A_28] : memref<51200x64xf32, #tpu.memory_space<hbm>> -> memref<32x64xf32, #tpu.memory_space<hbm>>
        tpu.wait_dma2 semaphore(%run_scoped3A : memref<!tpu.dma_semaphore, #tpu.memory_space<semaphore_mem>>) src(%arg7 : memref<32x64xf32, #tpu.memory_space<vmem>>) dst(%dma_wait3A_29 : memref<32x64xf32, #tpu.memory_space<hbm>>)
        tpu.yield
      }) : () -> ()
    }
    %scan3A_4 = arith.constant 50 : i32
    return
  }
}

#map = affine_map<(d0, d1) -> (0, 0)>
#map1 = affine_map<(d0, d1) -> (0)>
module attributes {stable_mosaic.version = 14 : i64} {
  func.func @_sc_block_aggr(%arg0: i32, %arg1: i32, %arg2: memref<51200x64xf32, #tpu.memory_space<hbm>>, %arg3: memref<819200xi32, #tpu.memory_space<hbm>>, %arg4: memref<51200x64xf32, #tpu.memory_space<hbm>>, %arg5: memref<512xi32, #tpu.memory_space<vmem>>, %arg6: memref<512x64xf32, #tpu.memory_space<vmem>>, %arg7: memref<32x64xf32, #tpu.memory_space<vmem>>, %arg8: memref<!tpu.dma_semaphore, #tpu.memory_space<semaphore_mem>>) attributes {dimension_semantics = [#tpu.dimension_semantics<core_parallel>, #tpu.dimension_semantics<subcore_parallel>], iteration_bounds = array<i64: 2, 16>, scalar_prefetch = 0 : i64, scratch_operands = 4 : i64, tpu.core_type = #tpu.core_type<sc_vector_subcore>, window_params = [{transform_indices = #map}, {transform_indices = #map1}, {transform_indices = #map}]} {
    %mul3A = arith.constant 2 : i32
    %mul3A_0 = arith.muli %arg1, %mul3A : i32
    %add3A = arith.addi %mul3A_0, %arg0 : i32
    %scan3A = arith.constant 0 : i32
    %scan3A_1 = arith.constant 50 : i32
    %scan3A_2 = arith.addi %scan3A, %scan3A_1 : i32
    %scan3A_3 = arith.constant 1 : i32
    scf.for %scan3A_5 = %scan3A to %scan3A_2 step %scan3A_3  : i32 {
      %mul3A_6 = arith.constant 1600 : i32
      %mul3A_7 = arith.muli %add3A, %mul3A_6 : i32
      %mul3A_8 = arith.constant 32 : i32
      %mul3A_9 = arith.muli %scan3A_5, %mul3A_8 : i32
      %add3A_10 = arith.addi %mul3A_7, %mul3A_9 : i32
      %mul3A_11 = arith.constant 16 : i32
      %mul3A_12 = arith.muli %add3A_10, %mul3A_11 : i32
      "tpu.region"() ({
        %run_scoped3A = tpu.sem_alloc : memref<!tpu.dma_semaphore, #tpu.memory_space<semaphore_mem>>
        %dma_start3A_22 = tpu.memref_slice %arg3[%mul3A_12] : memref<819200xi32, #tpu.memory_space<hbm>> -> memref<512xi32, #tpu.memory_space<hbm>>
        %dma_start3A_23 = tpu.memref_slice %arg3[%mul3A_12] : memref<819200xi32, #tpu.memory_space<hbm>> -> memref<512xi32, #tpu.memory_space<hbm>>
        tpu.enqueue_dma source(%dma_start3A_23 : memref<512xi32, #tpu.memory_space<hbm>>) target(%arg5 : memref<512xi32, #tpu.memory_space<vmem>>) target_semaphore(%run_scoped3A : memref<!tpu.dma_semaphore, #tpu.memory_space<semaphore_mem>>)
        %dma_wait3A_24 = tpu.memref_slice %arg3[%mul3A_12] : memref<819200xi32, #tpu.memory_space<hbm>> -> memref<512xi32, #tpu.memory_space<hbm>>
        %dma_wait3A_25 = tpu.memref_slice %arg3[%mul3A_12] : memref<819200xi32, #tpu.memory_space<hbm>> -> memref<512xi32, #tpu.memory_space<hbm>>
        tpu.wait_dma2 semaphore(%run_scoped3A : memref<!tpu.dma_semaphore, #tpu.memory_space<semaphore_mem>>) src(%dma_wait3A_25 : memref<512xi32, #tpu.memory_space<hbm>>) dst(%arg5 : memref<512xi32, #tpu.memory_space<vmem>>)
        tpu.yield
      }) : () -> ()
      %dma_start3A = arith.constant 0 : i32
      %dma_start3A_13 = arith.constant 0 : i32
      %dma_start3A_14 = tpu.memref_slice %arg2[%dma_start3A, %dma_start3A_13] : memref<51200x64xf32, #tpu.memory_space<hbm>> -> memref<51200x64xf32, #tpu.memory_space<hbm>>
      tpu.enqueue_indirect_dma source(%dma_start3A_14 : memref<51200x64xf32, #tpu.memory_space<hbm>>) target(%arg6 : memref<512x64xf32, #tpu.memory_space<vmem>>) offsets(%arg5 : memref<512xi32, #tpu.memory_space<vmem>>) semaphore(%arg8 : memref<!tpu.dma_semaphore, #tpu.memory_space<semaphore_mem>>)
      %dma_wait3A = arith.constant 0 : i32
      %dma_wait3A_15 = arith.constant 0 : i32
      %dma_wait3A_16 = tpu.memref_slice %arg2[%dma_wait3A, %dma_wait3A_15] : memref<51200x64xf32, #tpu.memory_space<hbm>> -> memref<51200x64xf32, #tpu.memory_space<hbm>>
      tpu.wait_indirect_dma semaphore(%arg8 : memref<!tpu.dma_semaphore, #tpu.memory_space<semaphore_mem>>) src(%dma_wait3A_16 : memref<51200x64xf32, #tpu.memory_space<hbm>>) dst(%arg6 : memref<512x64xf32, #tpu.memory_space<vmem>>)
      %scan3A_17 = arith.constant 0 : i32
      %scan3A_18 = arith.constant 32 : i32
      %scan3A_19 = arith.addi %scan3A_17, %scan3A_18 : i32
      %scan3A_20 = arith.constant 1 : i32
      scf.for %scan3A_22 = %scan3A_17 to %scan3A_19 step %scan3A_20  : i32 {
        %mul3A_23 = arith.constant 16 : i32
        %mul3A_24 = arith.muli %scan3A_22, %mul3A_23 : i32
        %get3A = arith.index_cast %mul3A_24 : i32 to index
        %get3A_25 = arith.constant 0 : index
        %get3A_26 = tpu.vector_load %arg6[%get3A, %get3A_25] {strides = array<i32>} : memref<512x64xf32, #tpu.memory_space<vmem>>, vector<1x16xf32>,
        %get3A_27 = vector.shape_cast %get3A_26 : vector<1x16xf32> to vector<16xf32>
        %get3A_28 = arith.index_cast %mul3A_24 : i32 to index
        %get3A_29 = arith.constant 16 : index
        %get3A_30 = tpu.vector_load %arg6[%get3A_28, %get3A_29] {strides = array<i32>} : memref<512x64xf32, #tpu.memory_space<vmem>>, vector<1x16xf32>,
        %get3A_31 = vector.shape_cast %get3A_30 : vector<1x16xf32> to vector<16xf32>
        %get3A_32 = arith.index_cast %mul3A_24 : i32 to index
        %get3A_33 = arith.constant 32 : index
        %get3A_34 = tpu.vector_load %arg6[%get3A_32, %get3A_33] {strides = array<i32>} : memref<512x64xf32, #tpu.memory_space<vmem>>, vector<1x16xf32>,
        %get3A_35 = vector.shape_cast %get3A_34 : vector<1x16xf32> to vector<16xf32>
        %get3A_36 = arith.index_cast %mul3A_24 : i32 to index
        %get3A_37 = arith.constant 48 : index
        %get3A_38 = tpu.vector_load %arg6[%get3A_36, %get3A_37] {strides = array<i32>} : memref<512x64xf32, #tpu.memory_space<vmem>>, vector<1x16xf32>,
        %get3A_39 = vector.shape_cast %get3A_38 : vector<1x16xf32> to vector<16xf32>
        %add3A_40 = arith.constant 1 : i32
        %add3A_41 = arith.addi %mul3A_24, %add3A_40 : i32
        %get3A_42 = arith.index_cast %add3A_41 : i32 to index
        %get3A_43 = arith.constant 0 : index
        %get3A_44 = tpu.vector_load %arg6[%get3A_42, %get3A_43] {strides = array<i32>} : memref<512x64xf32, #tpu.memory_space<vmem>>, vector<1x16xf32>,
        %get3A_45 = vector.shape_cast %get3A_44 : vector<1x16xf32> to vector<16xf32>
        %max3A = arith.maximumf %get3A_27, %get3A_45 : vector<16xf32>
        %add3A_46 = arith.constant 1 : i32
        %add3A_47 = arith.addi %mul3A_24, %add3A_46 : i32
        %get3A_48 = arith.index_cast %add3A_47 : i32 to index
        %get3A_49 = arith.constant 16 : index
        %get3A_50 = tpu.vector_load %arg6[%get3A_48, %get3A_49] {strides = array<i32>} : memref<512x64xf32, #tpu.memory_space<vmem>>, vector<1x16xf32>,
        %get3A_51 = vector.shape_cast %get3A_50 : vector<1x16xf32> to vector<16xf32>
        %max3A_52 = arith.maximumf %get3A_31, %get3A_51 : vector<16xf32>
        %add3A_53 = arith.constant 1 : i32
        %add3A_54 = arith.addi %mul3A_24, %add3A_53 : i32
        %get3A_55 = arith.index_cast %add3A_54 : i32 to index
        %get3A_56 = arith.constant 32 : index
        %get3A_57 = tpu.vector_load %arg6[%get3A_55, %get3A_56] {strides = array<i32>} : memref<512x64xf32, #tpu.memory_space<vmem>>, vector<1x16xf32>,
        %get3A_58 = vector.shape_cast %get3A_57 : vector<1x16xf32> to vector<16xf32>
        %max3A_59 = arith.maximumf %get3A_35, %get3A_58 : vector<16xf32>
        %add3A_60 = arith.constant 1 : i32
        %add3A_61 = arith.addi %mul3A_24, %add3A_60 : i32
        %get3A_62 = arith.index_cast %add3A_61 : i32 to index
        %get3A_63 = arith.constant 48 : index
        %get3A_64 = tpu.vector_load %arg6[%get3A_62, %get3A_63] {strides = array<i32>} : memref<512x64xf32, #tpu.memory_space<vmem>>, vector<1x16xf32>,
        %get3A_65 = vector.shape_cast %get3A_64 : vector<1x16xf32> to vector<16xf32>
        %max3A_66 = arith.maximumf %get3A_39, %get3A_65 : vector<16xf32>
        %add3A_67 = arith.constant 2 : i32
        %add3A_68 = arith.addi %mul3A_24, %add3A_67 : i32
        %get3A_69 = arith.index_cast %add3A_68 : i32 to index
        %get3A_70 = arith.constant 0 : index
        %get3A_71 = tpu.vector_load %arg6[%get3A_69, %get3A_70] {strides = array<i32>} : memref<512x64xf32, #tpu.memory_space<vmem>>, vector<1x16xf32>,
        %get3A_72 = vector.shape_cast %get3A_71 : vector<1x16xf32> to vector<16xf32>
        %max3A_73 = arith.maximumf %max3A, %get3A_72 : vector<16xf32>
        %add3A_74 = arith.constant 2 : i32
        %add3A_75 = arith.addi %mul3A_24, %add3A_74 : i32
        %get3A_76 = arith.index_cast %add3A_75 : i32 to index
        %get3A_77 = arith.constant 16 : index
        %get3A_78 = tpu.vector_load %arg6[%get3A_76, %get3A_77] {strides = array<i32>} : memref<512x64xf32, #tpu.memory_space<vmem>>, vector<1x16xf32>,
        %get3A_79 = vector.shape_cast %get3A_78 : vector<1x16xf32> to vector<16xf32>
        %max3A_80 = arith.maximumf %max3A_52, %get3A_79 : vector<16xf32>
        %add3A_81 = arith.constant 2 : i32
        %add3A_82 = arith.addi %mul3A_24, %add3A_81 : i32
        %get3A_83 = arith.index_cast %add3A_82 : i32 to index
        %get3A_84 = arith.constant 32 : index
        %get3A_85 = tpu.vector_load %arg6[%get3A_83, %get3A_84] {strides = array<i32>} : memref<512x64xf32, #tpu.memory_space<vmem>>, vector<1x16xf32>,
        %get3A_86 = vector.shape_cast %get3A_85 : vector<1x16xf32> to vector<16xf32>
        %max3A_87 = arith.maximumf %max3A_59, %get3A_86 : vector<16xf32>
        %add3A_88 = arith.constant 2 : i32
        %add3A_89 = arith.addi %mul3A_24, %add3A_88 : i32
        %get3A_90 = arith.index_cast %add3A_89 : i32 to index
        %get3A_91 = arith.constant 48 : index
        %get3A_92 = tpu.vector_load %arg6[%get3A_90, %get3A_91] {strides = array<i32>} : memref<512x64xf32, #tpu.memory_space<vmem>>, vector<1x16xf32>,
        %get3A_93 = vector.shape_cast %get3A_92 : vector<1x16xf32> to vector<16xf32>
        %max3A_94 = arith.maximumf %max3A_66, %get3A_93 : vector<16xf32>
        %add3A_95 = arith.constant 3 : i32
        %add3A_96 = arith.addi %mul3A_24, %add3A_95 : i32
        %get3A_97 = arith.index_cast %add3A_96 : i32 to index
        %get3A_98 = arith.constant 0 : index
        %get3A_99 = tpu.vector_load %arg6[%get3A_97, %get3A_98] {strides = array<i32>} : memref<512x64xf32, #tpu.memory_space<vmem>>, vector<1x16xf32>,
        %get3A_100 = vector.shape_cast %get3A_99 : vector<1x16xf32> to vector<16xf32>
        %max3A_101 = arith.maximumf %max3A_73, %get3A_100 : vector<16xf32>
        %add3A_102 = arith.constant 3 : i32
        %add3A_103 = arith.addi %mul3A_24, %add3A_102 : i32
        %get3A_104 = arith.index_cast %add3A_103 : i32 to index
        %get3A_105 = arith.constant 16 : index
        %get3A_106 = tpu.vector_load %arg6[%get3A_104, %get3A_105] {strides = array<i32>} : memref<512x64xf32, #tpu.memory_space<vmem>>, vector<1x16xf32>,
        %get3A_107 = vector.shape_cast %get3A_106 : vector<1x16xf32> to vector<16xf32>
        %max3A_108 = arith.maximumf %max3A_80, %get3A_107 : vector<16xf32>
        %add3A_109 = arith.constant 3 : i32
        %add3A_110 = arith.addi %mul3A_24, %add3A_109 : i32
        %get3A_111 = arith.index_cast %add3A_110 : i32 to index
        %get3A_112 = arith.constant 32 : index
        %get3A_113 = tpu.vector_load %arg6[%get3A_111, %get3A_112] {strides = array<i32>} : memref<512x64xf32, #tpu.memory_space<vmem>>, vector<1x16xf32>,
        %get3A_114 = vector.shape_cast %get3A_113 : vector<1x16xf32> to vector<16xf32>
        %max3A_115 = arith.maximumf %max3A_87, %get3A_114 : vector<16xf32>
        %add3A_116 = arith.constant 3 : i32
        %add3A_117 = arith.addi %mul3A_24, %add3A_116 : i32
        %get3A_118 = arith.index_cast %add3A_117 : i32 to index
        %get3A_119 = arith.constant 48 : index
        %get3A_120 = tpu.vector_load %arg6[%get3A_118, %get3A_119] {strides = array<i32>} : memref<512x64xf32, #tpu.memory_space<vmem>>, vector<1x16xf32>,
        %get3A_121 = vector.shape_cast %get3A_120 : vector<1x16xf32> to vector<16xf32>
        %max3A_122 = arith.maximumf %max3A_94, %get3A_121 : vector<16xf32>
        %add3A_123 = arith.constant 4 : i32
        %add3A_124 = arith.addi %mul3A_24, %add3A_123 : i32
        %get3A_125 = arith.index_cast %add3A_124 : i32 to index
        %get3A_126 = arith.constant 0 : index
        %get3A_127 = tpu.vector_load %arg6[%get3A_125, %get3A_126] {strides = array<i32>} : memref<512x64xf32, #tpu.memory_space<vmem>>, vector<1x16xf32>,
        %get3A_128 = vector.shape_cast %get3A_127 : vector<1x16xf32> to vector<16xf32>
        %max3A_129 = arith.maximumf %max3A_101, %get3A_128 : vector<16xf32>
        %add3A_130 = arith.constant 4 : i32
        %add3A_131 = arith.addi %mul3A_24, %add3A_130 : i32
        %get3A_132 = arith.index_cast %add3A_131 : i32 to index
        %get3A_133 = arith.constant 16 : index
        %get3A_134 = tpu.vector_load %arg6[%get3A_132, %get3A_133] {strides = array<i32>} : memref<512x64xf32, #tpu.memory_space<vmem>>, vector<1x16xf32>,
        %get3A_135 = vector.shape_cast %get3A_134 : vector<1x16xf32> to vector<16xf32>
        %max3A_136 = arith.maximumf %max3A_108, %get3A_135 : vector<16xf32>
        %add3A_137 = arith.constant 4 : i32
        %add3A_138 = arith.addi %mul3A_24, %add3A_137 : i32
        %get3A_139 = arith.index_cast %add3A_138 : i32 to index
        %get3A_140 = arith.constant 32 : index
        %get3A_141 = tpu.vector_load %arg6[%get3A_139, %get3A_140] {strides = array<i32>} : memref<512x64xf32, #tpu.memory_space<vmem>>, vector<1x16xf32>,
        %get3A_142 = vector.shape_cast %get3A_141 : vector<1x16xf32> to vector<16xf32>
        %max3A_143 = arith.maximumf %max3A_115, %get3A_142 : vector<16xf32>
        %add3A_144 = arith.constant 4 : i32
        %add3A_145 = arith.addi %mul3A_24, %add3A_144 : i32
        %get3A_146 = arith.index_cast %add3A_145 : i32 to index
        %get3A_147 = arith.constant 48 : index
        %get3A_148 = tpu.vector_load %arg6[%get3A_146, %get3A_147] {strides = array<i32>} : memref<512x64xf32, #tpu.memory_space<vmem>>, vector<1x16xf32>,
        %get3A_149 = vector.shape_cast %get3A_148 : vector<1x16xf32> to vector<16xf32>
        %max3A_150 = arith.maximumf %max3A_122, %get3A_149 : vector<16xf32>
        %add3A_151 = arith.constant 5 : i32
        %add3A_152 = arith.addi %mul3A_24, %add3A_151 : i32
        %get3A_153 = arith.index_cast %add3A_152 : i32 to index
        %get3A_154 = arith.constant 0 : index
        %get3A_155 = tpu.vector_load %arg6[%get3A_153, %get3A_154] {strides = array<i32>} : memref<512x64xf32, #tpu.memory_space<vmem>>, vector<1x16xf32>,
        %get3A_156 = vector.shape_cast %get3A_155 : vector<1x16xf32> to vector<16xf32>
        %max3A_157 = arith.maximumf %max3A_129, %get3A_156 : vector<16xf32>
        %add3A_158 = arith.constant 5 : i32
        %add3A_159 = arith.addi %mul3A_24, %add3A_158 : i32
        %get3A_160 = arith.index_cast %add3A_159 : i32 to index
        %get3A_161 = arith.constant 16 : index
        %get3A_162 = tpu.vector_load %arg6[%get3A_160, %get3A_161] {strides = array<i32>} : memref<512x64xf32, #tpu.memory_space<vmem>>, vector<1x16xf32>,
        %get3A_163 = vector.shape_cast %get3A_162 : vector<1x16xf32> to vector<16xf32>
        %max3A_164 = arith.maximumf %max3A_136, %get3A_163 : vector<16xf32>
        %add3A_165 = arith.constant 5 : i32
        %add3A_166 = arith.addi %mul3A_24, %add3A_165 : i32
        %get3A_167 = arith.index_cast %add3A_166 : i32 to index
        %get3A_168 = arith.constant 32 : index
        %get3A_169 = tpu.vector_load %arg6[%get3A_167, %get3A_168] {strides = array<i32>} : memref<512x64xf32, #tpu.memory_space<vmem>>, vector<1x16xf32>,
        %get3A_170 = vector.shape_cast %get3A_169 : vector<1x16xf32> to vector<16xf32>
        %max3A_171 = arith.maximumf %max3A_143, %get3A_170 : vector<16xf32>
        %add3A_172 = arith.constant 5 : i32
        %add3A_173 = arith.addi %mul3A_24, %add3A_172 : i32
        %get3A_174 = arith.index_cast %add3A_173 : i32 to index
        %get3A_175 = arith.constant 48 : index
        %get3A_176 = tpu.vector_load %arg6[%get3A_174, %get3A_175] {strides = array<i32>} : memref<512x64xf32, #tpu.memory_space<vmem>>, vector<1x16xf32>,
        %get3A_177 = vector.shape_cast %get3A_176 : vector<1x16xf32> to vector<16xf32>
        %max3A_178 = arith.maximumf %max3A_150, %get3A_177 : vector<16xf32>
        %add3A_179 = arith.constant 6 : i32
        %add3A_180 = arith.addi %mul3A_24, %add3A_179 : i32
        %get3A_181 = arith.index_cast %add3A_180 : i32 to index
        %get3A_182 = arith.constant 0 : index
        %get3A_183 = tpu.vector_load %arg6[%get3A_181, %get3A_182] {strides = array<i32>} : memref<512x64xf32, #tpu.memory_space<vmem>>, vector<1x16xf32>,
        %get3A_184 = vector.shape_cast %get3A_183 : vector<1x16xf32> to vector<16xf32>
        %max3A_185 = arith.maximumf %max3A_157, %get3A_184 : vector<16xf32>
        %add3A_186 = arith.constant 6 : i32
        %add3A_187 = arith.addi %mul3A_24, %add3A_186 : i32
        %get3A_188 = arith.index_cast %add3A_187 : i32 to index
        %get3A_189 = arith.constant 16 : index
        %get3A_190 = tpu.vector_load %arg6[%get3A_188, %get3A_189] {strides = array<i32>} : memref<512x64xf32, #tpu.memory_space<vmem>>, vector<1x16xf32>,
        %get3A_191 = vector.shape_cast %get3A_190 : vector<1x16xf32> to vector<16xf32>
        %max3A_192 = arith.maximumf %max3A_164, %get3A_191 : vector<16xf32>
        %add3A_193 = arith.constant 6 : i32
        %add3A_194 = arith.addi %mul3A_24, %add3A_193 : i32
        %get3A_195 = arith.index_cast %add3A_194 : i32 to index
        %get3A_196 = arith.constant 32 : index
        %get3A_197 = tpu.vector_load %arg6[%get3A_195, %get3A_196] {strides = array<i32>} : memref<512x64xf32, #tpu.memory_space<vmem>>, vector<1x16xf32>,
        %get3A_198 = vector.shape_cast %get3A_197 : vector<1x16xf32> to vector<16xf32>
        %max3A_199 = arith.maximumf %max3A_171, %get3A_198 : vector<16xf32>
        %add3A_200 = arith.constant 6 : i32
        %add3A_201 = arith.addi %mul3A_24, %add3A_200 : i32
        %get3A_202 = arith.index_cast %add3A_201 : i32 to index
        %get3A_203 = arith.constant 48 : index
        %get3A_204 = tpu.vector_load %arg6[%get3A_202, %get3A_203] {strides = array<i32>} : memref<512x64xf32, #tpu.memory_space<vmem>>, vector<1x16xf32>,
        %get3A_205 = vector.shape_cast %get3A_204 : vector<1x16xf32> to vector<16xf32>
        %max3A_206 = arith.maximumf %max3A_178, %get3A_205 : vector<16xf32>
        %add3A_207 = arith.constant 7 : i32
        %add3A_208 = arith.addi %mul3A_24, %add3A_207 : i32
        %get3A_209 = arith.index_cast %add3A_208 : i32 to index
        %get3A_210 = arith.constant 0 : index
        %get3A_211 = tpu.vector_load %arg6[%get3A_209, %get3A_210] {strides = array<i32>} : memref<512x64xf32, #tpu.memory_space<vmem>>, vector<1x16xf32>,
        %get3A_212 = vector.shape_cast %get3A_211 : vector<1x16xf32> to vector<16xf32>
        %max3A_213 = arith.maximumf %max3A_185, %get3A_212 : vector<16xf32>
        %add3A_214 = arith.constant 7 : i32
        %add3A_215 = arith.addi %mul3A_24, %add3A_214 : i32
        %get3A_216 = arith.index_cast %add3A_215 : i32 to index
        %get3A_217 = arith.constant 16 : index
        %get3A_218 = tpu.vector_load %arg6[%get3A_216, %get3A_217] {strides = array<i32>} : memref<512x64xf32, #tpu.memory_space<vmem>>, vector<1x16xf32>,
        %get3A_219 = vector.shape_cast %get3A_218 : vector<1x16xf32> to vector<16xf32>
        %max3A_220 = arith.maximumf %max3A_192, %get3A_219 : vector<16xf32>
        %add3A_221 = arith.constant 7 : i32
        %add3A_222 = arith.addi %mul3A_24, %add3A_221 : i32
        %get3A_223 = arith.index_cast %add3A_222 : i32 to index
        %get3A_224 = arith.constant 32 : index
        %get3A_225 = tpu.vector_load %arg6[%get3A_223, %get3A_224] {strides = array<i32>} : memref<512x64xf32, #tpu.memory_space<vmem>>, vector<1x16xf32>,
        %get3A_226 = vector.shape_cast %get3A_225 : vector<1x16xf32> to vector<16xf32>
        %max3A_227 = arith.maximumf %max3A_199, %get3A_226 : vector<16xf32>
        %add3A_228 = arith.constant 7 : i32
        %add3A_229 = arith.addi %mul3A_24, %add3A_228 : i32
        %get3A_230 = arith.index_cast %add3A_229 : i32 to index
        %get3A_231 = arith.constant 48 : index
        %get3A_232 = tpu.vector_load %arg6[%get3A_230, %get3A_231] {strides = array<i32>} : memref<512x64xf32, #tpu.memory_space<vmem>>, vector<1x16xf32>,
        %get3A_233 = vector.shape_cast %get3A_232 : vector<1x16xf32> to vector<16xf32>
        %max3A_234 = arith.maximumf %max3A_206, %get3A_233 : vector<16xf32>
        %add3A_235 = arith.constant 8 : i32
        %add3A_236 = arith.addi %mul3A_24, %add3A_235 : i32
        %get3A_237 = arith.index_cast %add3A_236 : i32 to index
        %get3A_238 = arith.constant 0 : index
        %get3A_239 = tpu.vector_load %arg6[%get3A_237, %get3A_238] {strides = array<i32>} : memref<512x64xf32, #tpu.memory_space<vmem>>, vector<1x16xf32>,
        %get3A_240 = vector.shape_cast %get3A_239 : vector<1x16xf32> to vector<16xf32>
        %max3A_241 = arith.maximumf %max3A_213, %get3A_240 : vector<16xf32>
        %add3A_242 = arith.constant 8 : i32
        %add3A_243 = arith.addi %mul3A_24, %add3A_242 : i32
        %get3A_244 = arith.index_cast %add3A_243 : i32 to index
        %get3A_245 = arith.constant 16 : index
        %get3A_246 = tpu.vector_load %arg6[%get3A_244, %get3A_245] {strides = array<i32>} : memref<512x64xf32, #tpu.memory_space<vmem>>, vector<1x16xf32>,
        %get3A_247 = vector.shape_cast %get3A_246 : vector<1x16xf32> to vector<16xf32>
        %max3A_248 = arith.maximumf %max3A_220, %get3A_247 : vector<16xf32>
        %add3A_249 = arith.constant 8 : i32
        %add3A_250 = arith.addi %mul3A_24, %add3A_249 : i32
        %get3A_251 = arith.index_cast %add3A_250 : i32 to index
        %get3A_252 = arith.constant 32 : index
        %get3A_253 = tpu.vector_load %arg6[%get3A_251, %get3A_252] {strides = array<i32>} : memref<512x64xf32, #tpu.memory_space<vmem>>, vector<1x16xf32>,
        %get3A_254 = vector.shape_cast %get3A_253 : vector<1x16xf32> to vector<16xf32>
        %max3A_255 = arith.maximumf %max3A_227, %get3A_254 : vector<16xf32>
        %add3A_256 = arith.constant 8 : i32
        %add3A_257 = arith.addi %mul3A_24, %add3A_256 : i32
        %get3A_258 = arith.index_cast %add3A_257 : i32 to index
        %get3A_259 = arith.constant 48 : index
        %get3A_260 = tpu.vector_load %arg6[%get3A_258, %get3A_259] {strides = array<i32>} : memref<512x64xf32, #tpu.memory_space<vmem>>, vector<1x16xf32>,
        %get3A_261 = vector.shape_cast %get3A_260 : vector<1x16xf32> to vector<16xf32>
        %max3A_262 = arith.maximumf %max3A_234, %get3A_261 : vector<16xf32>
        %add3A_263 = arith.constant 9 : i32
        %add3A_264 = arith.addi %mul3A_24, %add3A_263 : i32
        %get3A_265 = arith.index_cast %add3A_264 : i32 to index
        %get3A_266 = arith.constant 0 : index
        %get3A_267 = tpu.vector_load %arg6[%get3A_265, %get3A_266] {strides = array<i32>} : memref<512x64xf32, #tpu.memory_space<vmem>>, vector<1x16xf32>,
        %get3A_268 = vector.shape_cast %get3A_267 : vector<1x16xf32> to vector<16xf32>
        %max3A_269 = arith.maximumf %max3A_241, %get3A_268 : vector<16xf32>
        %add3A_270 = arith.constant 9 : i32
        %add3A_271 = arith.addi %mul3A_24, %add3A_270 : i32
        %get3A_272 = arith.index_cast %add3A_271 : i32 to index
        %get3A_273 = arith.constant 16 : index
        %get3A_274 = tpu.vector_load %arg6[%get3A_272, %get3A_273] {strides = array<i32>} : memref<512x64xf32, #tpu.memory_space<vmem>>, vector<1x16xf32>,
        %get3A_275 = vector.shape_cast %get3A_274 : vector<1x16xf32> to vector<16xf32>
        %max3A_276 = arith.maximumf %max3A_248, %get3A_275 : vector<16xf32>
        %add3A_277 = arith.constant 9 : i32
        %add3A_278 = arith.addi %mul3A_24, %add3A_277 : i32
        %get3A_279 = arith.index_cast %add3A_278 : i32 to index
        %get3A_280 = arith.constant 32 : index
        %get3A_281 = tpu.vector_load %arg6[%get3A_279, %get3A_280] {strides = array<i32>} : memref<512x64xf32, #tpu.memory_space<vmem>>, vector<1x16xf32>,
        %get3A_282 = vector.shape_cast %get3A_281 : vector<1x16xf32> to vector<16xf32>
        %max3A_283 = arith.maximumf %max3A_255, %get3A_282 : vector<16xf32>
        %add3A_284 = arith.constant 9 : i32
        %add3A_285 = arith.addi %mul3A_24, %add3A_284 : i32
        %get3A_286 = arith.index_cast %add3A_285 : i32 to index
        %get3A_287 = arith.constant 48 : index
        %get3A_288 = tpu.vector_load %arg6[%get3A_286, %get3A_287] {strides = array<i32>} : memref<512x64xf32, #tpu.memory_space<vmem>>, vector<1x16xf32>,
        %get3A_289 = vector.shape_cast %get3A_288 : vector<1x16xf32> to vector<16xf32>
        %max3A_290 = arith.maximumf %max3A_262, %get3A_289 : vector<16xf32>
        %add3A_291 = arith.constant 10 : i32
        %add3A_292 = arith.addi %mul3A_24, %add3A_291 : i32
        %get3A_293 = arith.index_cast %add3A_292 : i32 to index
        %get3A_294 = arith.constant 0 : index
        %get3A_295 = tpu.vector_load %arg6[%get3A_293, %get3A_294] {strides = array<i32>} : memref<512x64xf32, #tpu.memory_space<vmem>>, vector<1x16xf32>,
        %get3A_296 = vector.shape_cast %get3A_295 : vector<1x16xf32> to vector<16xf32>
        %max3A_297 = arith.maximumf %max3A_269, %get3A_296 : vector<16xf32>
        %add3A_298 = arith.constant 10 : i32
        %add3A_299 = arith.addi %mul3A_24, %add3A_298 : i32
        %get3A_300 = arith.index_cast %add3A_299 : i32 to index
        %get3A_301 = arith.constant 16 : index
        %get3A_302 = tpu.vector_load %arg6[%get3A_300, %get3A_301] {strides = array<i32>} : memref<512x64xf32, #tpu.memory_space<vmem>>, vector<1x16xf32>,
        %get3A_303 = vector.shape_cast %get3A_302 : vector<1x16xf32> to vector<16xf32>
        %max3A_304 = arith.maximumf %max3A_276, %get3A_303 : vector<16xf32>
        %add3A_305 = arith.constant 10 : i32
        %add3A_306 = arith.addi %mul3A_24, %add3A_305 : i32
        %get3A_307 = arith.index_cast %add3A_306 : i32 to index
        %get3A_308 = arith.constant 32 : index
        %get3A_309 = tpu.vector_load %arg6[%get3A_307, %get3A_308] {strides = array<i32>} : memref<512x64xf32, #tpu.memory_space<vmem>>, vector<1x16xf32>,
        %get3A_310 = vector.shape_cast %get3A_309 : vector<1x16xf32> to vector<16xf32>
        %max3A_311 = arith.maximumf %max3A_283, %get3A_310 : vector<16xf32>
        %add3A_312 = arith.constant 10 : i32
        %add3A_313 = arith.addi %mul3A_24, %add3A_312 : i32
        %get3A_314 = arith.index_cast %add3A_313 : i32 to index
        %get3A_315 = arith.constant 48 : index
        %get3A_316 = tpu.vector_load %arg6[%get3A_314, %get3A_315] {strides = array<i32>} : memref<512x64xf32, #tpu.memory_space<vmem>>, vector<1x16xf32>,
        %get3A_317 = vector.shape_cast %get3A_316 : vector<1x16xf32> to vector<16xf32>
        %max3A_318 = arith.maximumf %max3A_290, %get3A_317 : vector<16xf32>
        %add3A_319 = arith.constant 11 : i32
        %add3A_320 = arith.addi %mul3A_24, %add3A_319 : i32
        %get3A_321 = arith.index_cast %add3A_320 : i32 to index
        %get3A_322 = arith.constant 0 : index
        %get3A_323 = tpu.vector_load %arg6[%get3A_321, %get3A_322] {strides = array<i32>} : memref<512x64xf32, #tpu.memory_space<vmem>>, vector<1x16xf32>,
        %get3A_324 = vector.shape_cast %get3A_323 : vector<1x16xf32> to vector<16xf32>
        %max3A_325 = arith.maximumf %max3A_297, %get3A_324 : vector<16xf32>
        %add3A_326 = arith.constant 11 : i32
        %add3A_327 = arith.addi %mul3A_24, %add3A_326 : i32
        %get3A_328 = arith.index_cast %add3A_327 : i32 to index
        %get3A_329 = arith.constant 16 : index
        %get3A_330 = tpu.vector_load %arg6[%get3A_328, %get3A_329] {strides = array<i32>} : memref<512x64xf32, #tpu.memory_space<vmem>>, vector<1x16xf32>,
        %get3A_331 = vector.shape_cast %get3A_330 : vector<1x16xf32> to vector<16xf32>
        %max3A_332 = arith.maximumf %max3A_304, %get3A_331 : vector<16xf32>
        %add3A_333 = arith.constant 11 : i32
        %add3A_334 = arith.addi %mul3A_24, %add3A_333 : i32
        %get3A_335 = arith.index_cast %add3A_334 : i32 to index
        %get3A_336 = arith.constant 32 : index
        %get3A_337 = tpu.vector_load %arg6[%get3A_335, %get3A_336] {strides = array<i32>} : memref<512x64xf32, #tpu.memory_space<vmem>>, vector<1x16xf32>,
        %get3A_338 = vector.shape_cast %get3A_337 : vector<1x16xf32> to vector<16xf32>
        %max3A_339 = arith.maximumf %max3A_311, %get3A_338 : vector<16xf32>
        %add3A_340 = arith.constant 11 : i32
        %add3A_341 = arith.addi %mul3A_24, %add3A_340 : i32
        %get3A_342 = arith.index_cast %add3A_341 : i32 to index
        %get3A_343 = arith.constant 48 : index
        %get3A_344 = tpu.vector_load %arg6[%get3A_342, %get3A_343] {strides = array<i32>} : memref<512x64xf32, #tpu.memory_space<vmem>>, vector<1x16xf32>,
        %get3A_345 = vector.shape_cast %get3A_344 : vector<1x16xf32> to vector<16xf32>
        %max3A_346 = arith.maximumf %max3A_318, %get3A_345 : vector<16xf32>
        %add3A_347 = arith.constant 12 : i32
        %add3A_348 = arith.addi %mul3A_24, %add3A_347 : i32
        %get3A_349 = arith.index_cast %add3A_348 : i32 to index
        %get3A_350 = arith.constant 0 : index
        %get3A_351 = tpu.vector_load %arg6[%get3A_349, %get3A_350] {strides = array<i32>} : memref<512x64xf32, #tpu.memory_space<vmem>>, vector<1x16xf32>,
        %get3A_352 = vector.shape_cast %get3A_351 : vector<1x16xf32> to vector<16xf32>
        %max3A_353 = arith.maximumf %max3A_325, %get3A_352 : vector<16xf32>
        %add3A_354 = arith.constant 12 : i32
        %add3A_355 = arith.addi %mul3A_24, %add3A_354 : i32
        %get3A_356 = arith.index_cast %add3A_355 : i32 to index
        %get3A_357 = arith.constant 16 : index
        %get3A_358 = tpu.vector_load %arg6[%get3A_356, %get3A_357] {strides = array<i32>} : memref<512x64xf32, #tpu.memory_space<vmem>>, vector<1x16xf32>,
        %get3A_359 = vector.shape_cast %get3A_358 : vector<1x16xf32> to vector<16xf32>
        %max3A_360 = arith.maximumf %max3A_332, %get3A_359 : vector<16xf32>
        %add3A_361 = arith.constant 12 : i32
        %add3A_362 = arith.addi %mul3A_24, %add3A_361 : i32
        %get3A_363 = arith.index_cast %add3A_362 : i32 to index
        %get3A_364 = arith.constant 32 : index
        %get3A_365 = tpu.vector_load %arg6[%get3A_363, %get3A_364] {strides = array<i32>} : memref<512x64xf32, #tpu.memory_space<vmem>>, vector<1x16xf32>,
        %get3A_366 = vector.shape_cast %get3A_365 : vector<1x16xf32> to vector<16xf32>
        %max3A_367 = arith.maximumf %max3A_339, %get3A_366 : vector<16xf32>
        %add3A_368 = arith.constant 12 : i32
        %add3A_369 = arith.addi %mul3A_24, %add3A_368 : i32
        %get3A_370 = arith.index_cast %add3A_369 : i32 to index
        %get3A_371 = arith.constant 48 : index
        %get3A_372 = tpu.vector_load %arg6[%get3A_370, %get3A_371] {strides = array<i32>} : memref<512x64xf32, #tpu.memory_space<vmem>>, vector<1x16xf32>,
        %get3A_373 = vector.shape_cast %get3A_372 : vector<1x16xf32> to vector<16xf32>
        %max3A_374 = arith.maximumf %max3A_346, %get3A_373 : vector<16xf32>
        %add3A_375 = arith.constant 13 : i32
        %add3A_376 = arith.addi %mul3A_24, %add3A_375 : i32
        %get3A_377 = arith.index_cast %add3A_376 : i32 to index
        %get3A_378 = arith.constant 0 : index
        %get3A_379 = tpu.vector_load %arg6[%get3A_377, %get3A_378] {strides = array<i32>} : memref<512x64xf32, #tpu.memory_space<vmem>>, vector<1x16xf32>,
        %get3A_380 = vector.shape_cast %get3A_379 : vector<1x16xf32> to vector<16xf32>
        %max3A_381 = arith.maximumf %max3A_353, %get3A_380 : vector<16xf32>
        %add3A_382 = arith.constant 13 : i32
        %add3A_383 = arith.addi %mul3A_24, %add3A_382 : i32
        %get3A_384 = arith.index_cast %add3A_383 : i32 to index
        %get3A_385 = arith.constant 16 : index
        %get3A_386 = tpu.vector_load %arg6[%get3A_384, %get3A_385] {strides = array<i32>} : memref<512x64xf32, #tpu.memory_space<vmem>>, vector<1x16xf32>,
        %get3A_387 = vector.shape_cast %get3A_386 : vector<1x16xf32> to vector<16xf32>
        %max3A_388 = arith.maximumf %max3A_360, %get3A_387 : vector<16xf32>
        %add3A_389 = arith.constant 13 : i32
        %add3A_390 = arith.addi %mul3A_24, %add3A_389 : i32
        %get3A_391 = arith.index_cast %add3A_390 : i32 to index
        %get3A_392 = arith.constant 32 : index
        %get3A_393 = tpu.vector_load %arg6[%get3A_391, %get3A_392] {strides = array<i32>} : memref<512x64xf32, #tpu.memory_space<vmem>>, vector<1x16xf32>,
        %get3A_394 = vector.shape_cast %get3A_393 : vector<1x16xf32> to vector<16xf32>
        %max3A_395 = arith.maximumf %max3A_367, %get3A_394 : vector<16xf32>
        %add3A_396 = arith.constant 13 : i32
        %add3A_397 = arith.addi %mul3A_24, %add3A_396 : i32
        %get3A_398 = arith.index_cast %add3A_397 : i32 to index
        %get3A_399 = arith.constant 48 : index
        %get3A_400 = tpu.vector_load %arg6[%get3A_398, %get3A_399] {strides = array<i32>} : memref<512x64xf32, #tpu.memory_space<vmem>>, vector<1x16xf32>,
        %get3A_401 = vector.shape_cast %get3A_400 : vector<1x16xf32> to vector<16xf32>
        %max3A_402 = arith.maximumf %max3A_374, %get3A_401 : vector<16xf32>
        %add3A_403 = arith.constant 14 : i32
        %add3A_404 = arith.addi %mul3A_24, %add3A_403 : i32
        %get3A_405 = arith.index_cast %add3A_404 : i32 to index
        %get3A_406 = arith.constant 0 : index
        %get3A_407 = tpu.vector_load %arg6[%get3A_405, %get3A_406] {strides = array<i32>} : memref<512x64xf32, #tpu.memory_space<vmem>>, vector<1x16xf32>,
        %get3A_408 = vector.shape_cast %get3A_407 : vector<1x16xf32> to vector<16xf32>
        %max3A_409 = arith.maximumf %max3A_381, %get3A_408 : vector<16xf32>
        %add3A_410 = arith.constant 14 : i32
        %add3A_411 = arith.addi %mul3A_24, %add3A_410 : i32
        %get3A_412 = arith.index_cast %add3A_411 : i32 to index
        %get3A_413 = arith.constant 16 : index
        %get3A_414 = tpu.vector_load %arg6[%get3A_412, %get3A_413] {strides = array<i32>} : memref<512x64xf32, #tpu.memory_space<vmem>>, vector<1x16xf32>,
        %get3A_415 = vector.shape_cast %get3A_414 : vector<1x16xf32> to vector<16xf32>
        %max3A_416 = arith.maximumf %max3A_388, %get3A_415 : vector<16xf32>
        %add3A_417 = arith.constant 14 : i32
        %add3A_418 = arith.addi %mul3A_24, %add3A_417 : i32
        %get3A_419 = arith.index_cast %add3A_418 : i32 to index
        %get3A_420 = arith.constant 32 : index
        %get3A_421 = tpu.vector_load %arg6[%get3A_419, %get3A_420] {strides = array<i32>} : memref<512x64xf32, #tpu.memory_space<vmem>>, vector<1x16xf32>,
        %get3A_422 = vector.shape_cast %get3A_421 : vector<1x16xf32> to vector<16xf32>
        %max3A_423 = arith.maximumf %max3A_395, %get3A_422 : vector<16xf32>
        %add3A_424 = arith.constant 14 : i32
        %add3A_425 = arith.addi %mul3A_24, %add3A_424 : i32
        %get3A_426 = arith.index_cast %add3A_425 : i32 to index
        %get3A_427 = arith.constant 48 : index
        %get3A_428 = tpu.vector_load %arg6[%get3A_426, %get3A_427] {strides = array<i32>} : memref<512x64xf32, #tpu.memory_space<vmem>>, vector<1x16xf32>,
        %get3A_429 = vector.shape_cast %get3A_428 : vector<1x16xf32> to vector<16xf32>
        %max3A_430 = arith.maximumf %max3A_402, %get3A_429 : vector<16xf32>
        %add3A_431 = arith.constant 15 : i32
        %add3A_432 = arith.addi %mul3A_24, %add3A_431 : i32
        %get3A_433 = arith.index_cast %add3A_432 : i32 to index
        %get3A_434 = arith.constant 0 : index
        %get3A_435 = tpu.vector_load %arg6[%get3A_433, %get3A_434] {strides = array<i32>} : memref<512x64xf32, #tpu.memory_space<vmem>>, vector<1x16xf32>,
        %get3A_436 = vector.shape_cast %get3A_435 : vector<1x16xf32> to vector<16xf32>
        %max3A_437 = arith.maximumf %max3A_409, %get3A_436 : vector<16xf32>
        %add3A_438 = arith.constant 15 : i32
        %add3A_439 = arith.addi %mul3A_24, %add3A_438 : i32
        %get3A_440 = arith.index_cast %add3A_439 : i32 to index
        %get3A_441 = arith.constant 16 : index
        %get3A_442 = tpu.vector_load %arg6[%get3A_440, %get3A_441] {strides = array<i32>} : memref<512x64xf32, #tpu.memory_space<vmem>>, vector<1x16xf32>,
        %get3A_443 = vector.shape_cast %get3A_442 : vector<1x16xf32> to vector<16xf32>
        %max3A_444 = arith.maximumf %max3A_416, %get3A_443 : vector<16xf32>
        %add3A_445 = arith.constant 15 : i32
        %add3A_446 = arith.addi %mul3A_24, %add3A_445 : i32
        %get3A_447 = arith.index_cast %add3A_446 : i32 to index
        %get3A_448 = arith.constant 32 : index
        %get3A_449 = tpu.vector_load %arg6[%get3A_447, %get3A_448] {strides = array<i32>} : memref<512x64xf32, #tpu.memory_space<vmem>>, vector<1x16xf32>,
        %get3A_450 = vector.shape_cast %get3A_449 : vector<1x16xf32> to vector<16xf32>
        %max3A_451 = arith.maximumf %max3A_423, %get3A_450 : vector<16xf32>
        %add3A_452 = arith.constant 15 : i32
        %add3A_453 = arith.addi %mul3A_24, %add3A_452 : i32
        %get3A_454 = arith.index_cast %add3A_453 : i32 to index
        %get3A_455 = arith.constant 48 : index
        %get3A_456 = tpu.vector_load %arg6[%get3A_454, %get3A_455] {strides = array<i32>} : memref<512x64xf32, #tpu.memory_space<vmem>>, vector<1x16xf32>,
        %get3A_457 = vector.shape_cast %get3A_456 : vector<1x16xf32> to vector<16xf32>
        %max3A_458 = arith.maximumf %max3A_430, %get3A_457 : vector<16xf32>
        %swap3A = arith.index_cast %scan3A_22 : i32 to index
        %swap3A_459 = arith.constant 0 : index
        %swap3A_460 = tpu.vector_load %arg7[%swap3A, %swap3A_459] {strides = array<i32>} : memref<32x64xf32, #tpu.memory_space<vmem>>, vector<1x16xf32>,
        %swap3A_461 = vector.shape_cast %swap3A_460 : vector<1x16xf32> to vector<16xf32>
        %swap3A_462 = vector.shape_cast %max3A_437 : vector<16xf32> to vector<1x16xf32>
        tpu.vector_store %arg7[%swap3A, %swap3A_459], %swap3A_462 {strides = array<i32>} : memref<32x64xf32, #tpu.memory_space<vmem>>, vector<1x16xf32>,
        %swap3A_463 = arith.index_cast %scan3A_22 : i32 to index
        %swap3A_464 = arith.constant 16 : index
        %swap3A_465 = tpu.vector_load %arg7[%swap3A_463, %swap3A_464] {strides = array<i32>} : memref<32x64xf32, #tpu.memory_space<vmem>>, vector<1x16xf32>,
        %swap3A_466 = vector.shape_cast %swap3A_465 : vector<1x16xf32> to vector<16xf32>
        %swap3A_467 = vector.shape_cast %max3A_444 : vector<16xf32> to vector<1x16xf32>
        tpu.vector_store %arg7[%swap3A_463, %swap3A_464], %swap3A_467 {strides = array<i32>} : memref<32x64xf32, #tpu.memory_space<vmem>>, vector<1x16xf32>,
        %swap3A_468 = arith.index_cast %scan3A_22 : i32 to index
        %swap3A_469 = arith.constant 32 : index
        %swap3A_470 = tpu.vector_load %arg7[%swap3A_468, %swap3A_469] {strides = array<i32>} : memref<32x64xf32, #tpu.memory_space<vmem>>, vector<1x16xf32>,
        %swap3A_471 = vector.shape_cast %swap3A_470 : vector<1x16xf32> to vector<16xf32>
        %swap3A_472 = vector.shape_cast %max3A_451 : vector<16xf32> to vector<1x16xf32>
        tpu.vector_store %arg7[%swap3A_468, %swap3A_469], %swap3A_472 {strides = array<i32>} : memref<32x64xf32, #tpu.memory_space<vmem>>, vector<1x16xf32>,
        %swap3A_473 = arith.index_cast %scan3A_22 : i32 to index
        %swap3A_474 = arith.constant 48 : index
        %swap3A_475 = tpu.vector_load %arg7[%swap3A_473, %swap3A_474] {strides = array<i32>} : memref<32x64xf32, #tpu.memory_space<vmem>>, vector<1x16xf32>,
        %swap3A_476 = vector.shape_cast %swap3A_475 : vector<1x16xf32> to vector<16xf32>
        %swap3A_477 = vector.shape_cast %max3A_458 : vector<16xf32> to vector<1x16xf32>
        tpu.vector_store %arg7[%swap3A_473, %swap3A_474], %swap3A_477 {strides = array<i32>} : memref<32x64xf32, #tpu.memory_space<vmem>>, vector<1x16xf32>,
      }
      %scan3A_21 = arith.constant 32 : i32
      "tpu.region"() ({
        %run_scoped3A = tpu.sem_alloc : memref<!tpu.dma_semaphore, #tpu.memory_space<semaphore_mem>>
        %dma_start3A_22 = arith.constant 0 : i32
        %dma_start3A_23 = tpu.memref_slice %arg4[%add3A_10, %dma_start3A_22] : memref<51200x64xf32, #tpu.memory_space<hbm>> -> memref<32x64xf32, #tpu.memory_space<hbm>>
        %dma_start3A_24 = arith.constant 0 : i32
        %dma_start3A_25 = tpu.memref_slice %arg4[%add3A_10, %dma_start3A_24] : memref<51200x64xf32, #tpu.memory_space<hbm>> -> memref<32x64xf32, #tpu.memory_space<hbm>>
        tpu.enqueue_dma source(%arg7 : memref<32x64xf32, #tpu.memory_space<vmem>>) target(%dma_start3A_25 : memref<32x64xf32, #tpu.memory_space<hbm>>) target_semaphore(%run_scoped3A : memref<!tpu.dma_semaphore, #tpu.memory_space<semaphore_mem>>)
        %dma_wait3A_26 = arith.constant 0 : i32
        %dma_wait3A_27 = tpu.memref_slice %arg4[%add3A_10, %dma_wait3A_26] : memref<51200x64xf32, #tpu.memory_space<hbm>> -> memref<32x64xf32, #tpu.memory_space<hbm>>
        %dma_wait3A_28 = arith.constant 0 : i32
        %dma_wait3A_29 = tpu.memref_slice %arg4[%add3A_10, %dma_wait3A_28] : memref<51200x64xf32, #tpu.memory_space<hbm>> -> memref<32x64xf32, #tpu.memory_space<hbm>>
        tpu.wait_dma2 semaphore(%run_scoped3A : memref<!tpu.dma_semaphore, #tpu.memory_space<semaphore_mem>>) src(%arg7 : memref<32x64xf32, #tpu.memory_space<vmem>>) dst(%dma_wait3A_29 : memref<32x64xf32, #tpu.memory_space<hbm>>)
        tpu.yield
      }) : () -> ()
    }
    %scan3A_4 = arith.constant 50 : i32
    return
  }
}

module attributes {stable_mosaic.version = 14 : i64} {
  func.func @_hstats1(%arg0: i32, %arg1: memref<4096x8xf32, #tpu.memory_space<vmem>>, %arg2: memref<256x8xf32, #tpu.memory_space<vmem>>, %arg3: memref<8x32xf32, #tpu.memory_space<vmem>>, %arg4: memref<8x128xf32, #tpu.memory_space<vmem>>) attributes {dimension_semantics = [#tpu.dimension_semantics<arbitrary>], iteration_bounds = array<i64: 200>, scalar_prefetch = 0 : i64, scratch_operands = 0 : i64, tpu.core_type = #tpu.core_type<tc>, window_params = [{transform_indices = @transform_0, window_bounds = array<i64: 4096, 8>}, {transform_indices = @transform_1, window_bounds = array<i64: 256, 8>}, {pipeline_mode = #tpu.pipeline_mode<synchronous>, transform_indices = @transform_2, window_bounds = array<i64: 8, 32>}, {pipeline_mode = #tpu.pipeline_mode<synchronous>, transform_indices = @transform_3, window_bounds = array<i64: 8, 128>}]} {
    %get3A = arith.constant 0 : index
    %get3A_0 = arith.constant 0 : index
    %get3A_1 = vector.load %arg3[%get3A, %get3A_0] : memref<8x32xf32, #tpu.memory_space<vmem>>, vector<8x32xf32>
    %get3A_2 = arith.constant 0 : index
    %get3A_3 = arith.constant 0 : index
    %get3A_4 = vector.load %arg1[%get3A_2, %get3A_3] : memref<4096x8xf32, #tpu.memory_space<vmem>>, vector<4096x8xf32>
    %get3A_5 = arith.constant 0 : index
    %get3A_6 = arith.constant 0 : index
    %get3A_7 = vector.load %arg2[%get3A_5, %get3A_6] : memref<256x8xf32, #tpu.memory_space<vmem>>, vector<256x8xf32>
    %iota3A = tpu.iota {dimensions = array<i32: 1>} : vector<1x8xi32>
    %lt3A = arith.constant 3 : i32
    %lt3A_8 = vector.broadcast %lt3A : i32 to vector<1x8xi32>
    %lt3A_9 = arith.cmpi slt, %iota3A, %lt3A_8 : vector<1x8xi32>
    %convert_element_type3A = arith.extui %lt3A_9 : vector<1x8xi1> to vector<1x8xi32>
    %convert_element_type3A_10 = arith.sitofp %convert_element_type3A : vector<1x8xi32> to vector<1x8xf32>
    %reshape3A = vector.shape_cast %get3A_4 : vector<4096x8xf32> to vector<256x16x8xf32>
    %mul3A = vector.broadcast %convert_element_type3A_10 : vector<1x8xf32> to vector<256x8xf32>
    %mul3A_11 = arith.mulf %get3A_7, %mul3A : vector<256x8xf32>
    %broadcast_in_dim3A = vector.shape_cast %mul3A_11 : vector<256x8xf32> to vector<256x1x8xf32>
    %sub3A = vector.broadcast %broadcast_in_dim3A : vector<256x1x8xf32> to vector<256x16x8xf32>
    %sub3A_12 = arith.subf %reshape3A, %sub3A : vector<256x16x8xf32>
    %reshape3A_13 = vector.shape_cast %sub3A_12 : vector<256x16x8xf32> to vector<4096x8xf32>
    %dot_general3A = arith.constant dense<0.000000e+00> : vector<4096x32xf32>
    %dot_general3A_14 = tpu.matmul %reshape3A_13, %get3A_1, %dot_general3A {dimension_numbers = #tpu.dot_dimension_numbers<[1], [0], [0], [1], [0, 0, 1, 1], [], []>, transpose_lhs_hint = false} : vector<4096x8xf32>, vector<8x32xf32>, vector<4096x32xf32> -> vector<4096x32xf32>
    %iota3A_15 = tpu.iota {dimensions = array<i32: 0>} : vector<4096x1xi32>
    %jit3A = arith.constant 16 : i32
    %div3A = vector.broadcast %jit3A : i32 to vector<4096x1xi32>
    %div3A_16 = arith.divsi %iota3A_15, %div3A : vector<4096x1xi32>
    %sign3A = arith.constant 0 : i32
    %sign3A_17 = vector.broadcast %sign3A : i32 to vector<4096x1xi32>
    %sign3A_18 = arith.cmpi sgt, %iota3A_15, %sign3A_17 : vector<4096x1xi32>
    %sign3A_19 = arith.extui %sign3A_18 : vector<4096x1xi1> to vector<4096x1xi32>
    %sign3A_20 = arith.constant 0 : i32
    %sign3A_21 = vector.broadcast %sign3A_20 : i32 to vector<4096x1xi32>
    %sign3A_22 = arith.cmpi slt, %iota3A_15, %sign3A_21 : vector<4096x1xi32>
    %sign3A_23 = arith.extui %sign3A_22 : vector<4096x1xi1> to vector<4096x1xi32>
    %sign3A_24 = arith.subi %sign3A_19, %sign3A_23 : vector<4096x1xi32>
    %sign3A_25 = arith.constant 0 : i32
    %sign3A_26 = arith.cmpi sgt, %jit3A, %sign3A_25 : i32
    %sign3A_27 = arith.extui %sign3A_26 : i1 to i32
    %sign3A_28 = arith.constant 0 : i32
    %sign3A_29 = arith.cmpi slt, %jit3A, %sign3A_28 : i32
    %sign3A_30 = arith.extui %sign3A_29 : i1 to i32
    %sign3A_31 = arith.subi %sign3A_27, %sign3A_30 : i32
    %ne3A = vector.broadcast %sign3A_31 : i32 to vector<4096x1xi32>
    %ne3A_32 = arith.cmpi ne, %sign3A_24, %ne3A : vector<4096x1xi32>
    %rem3A = vector.broadcast %jit3A : i32 to vector<4096x1xi32>
    %rem3A_33 = arith.remsi %iota3A_15, %rem3A : vector<4096x1xi32>
    %ne3A_34 = arith.constant 0 : i32
    %ne3A_35 = vector.broadcast %ne3A_34 : i32 to vector<4096x1xi32>
    %ne3A_36 = arith.cmpi ne, %rem3A_33, %ne3A_35 : vector<4096x1xi32>
    %and3A = arith.andi %ne3A_32, %ne3A_36 : vector<4096x1xi1>
    %sub3A_37 = arith.constant 1 : i32
    %sub3A_38 = vector.broadcast %sub3A_37 : i32 to vector<4096x1xi32>
    %sub3A_39 = arith.subi %div3A_16, %sub3A_38 : vector<4096x1xi32>
    %select_n3A = arith.select %and3A, %sub3A_39, %div3A_16 : vector<4096x1xi1>, vector<4096x1xi32>
    %mul3A_40 = arith.constant 256 : i32
    %mul3A_41 = arith.muli %arg0, %mul3A_40 : i32
    %add3A = vector.broadcast %mul3A_41 : i32 to vector<4096x1xi32>
    %add3A_42 = arith.addi %select_n3A, %add3A : vector<4096x1xi32>
    %lt3A_43 = arith.constant 50000 : i32
    %lt3A_44 = vector.broadcast %lt3A_43 : i32 to vector<4096x1xi32>
    %lt3A_45 = arith.cmpi slt, %add3A_42, %lt3A_44 : vector<4096x1xi32>
    %convert_element_type3A_46 = arith.extui %lt3A_45 : vector<4096x1xi1> to vector<4096x1xi32>
    %convert_element_type3A_47 = arith.sitofp %convert_element_type3A_46 : vector<4096x1xi32> to vector<4096x1xf32>
    %mul3A_48 = vector.broadcast %convert_element_type3A_47 : vector<4096x1xf32> to vector<4096x32xf32>
    %mul3A_49 = arith.mulf %dot_general3A_14, %mul3A_48 : vector<4096x32xf32>
    %reduce_sum3A = arith.constant dense<0.000000e+00> : vector<32xf32>
    %reduce_sum3A_50 = vector.multi_reduction <add>, %mul3A_49, %reduce_sum3A [0] : vector<4096x32xf32> to vector<32xf32>
    %mul3A_51 = arith.mulf %dot_general3A_14, %dot_general3A_14 : vector<4096x32xf32>
    %mul3A_52 = vector.broadcast %convert_element_type3A_47 : vector<4096x1xf32> to vector<4096x32xf32>
    %mul3A_53 = arith.mulf %mul3A_51, %mul3A_52 : vector<4096x32xf32>
    %reduce_sum3A_54 = arith.constant dense<0.000000e+00> : vector<32xf32>
    %reduce_sum3A_55 = vector.multi_reduction <add>, %mul3A_53, %reduce_sum3A_54 [0] : vector<4096x32xf32> to vector<32xf32>
    %broadcast_in_dim3A_56 = arith.constant 0.000000e+00 : f32
    %broadcast_in_dim3A_57 = vector.broadcast %broadcast_in_dim3A_56 : f32 to vector<1x96xf32>
    %broadcast_in_dim3A_58 = vector.shape_cast %reduce_sum3A_50 : vector<32xf32> to vector<1x32xf32>
    %concatenate3A = tpu.concatenate %broadcast_in_dim3A_58, %broadcast_in_dim3A_57 in 1 : vector<1x32xf32>, vector<1x96xf32> -> vector<1x128xf32>
    %broadcast_in_dim3A_59 = vector.shape_cast %reduce_sum3A_55 : vector<32xf32> to vector<1x32xf32>
    %concatenate3A_60 = tpu.concatenate %broadcast_in_dim3A_59, %broadcast_in_dim3A_57 in 1 : vector<1x32xf32>, vector<1x96xf32> -> vector<1x128xf32>
    %eq3A = arith.constant 0 : i32
    %eq3A_61 = arith.cmpi eq, %arg0, %eq3A : i32
    %convert_element_type3A_62 = arith.extui %eq3A_61 : i1 to i32
    %cond3A = arith.constant 0 : i32
    %cond3A_63 = arith.cmpi ne, %convert_element_type3A_62, %cond3A : i32
    scf.if %cond3A_63 {
      %broadcast_in_dim3A_69 = arith.constant 0.000000e+00 : f32
      %broadcast_in_dim3A_70 = vector.broadcast %broadcast_in_dim3A_69 : f32 to vector<6x128xf32>
      %concatenate3A_71 = tpu.concatenate %concatenate3A, %concatenate3A_60, %broadcast_in_dim3A_70 in 0 : vector<1x128xf32>, vector<1x128xf32>, vector<6x128xf32> -> vector<8x128xf32>
      %swap3A = arith.constant 0 : index
      %swap3A_72 = arith.constant 0 : index
      %swap3A_73 = vector.load %arg4[%swap3A, %swap3A_72] : memref<8x128xf32, #tpu.memory_space<vmem>>, vector<8x128xf32>
      tpu.vector_store %arg4[%swap3A, %swap3A_72], %concatenate3A_71 {strides = array<i32>} : memref<8x128xf32, #tpu.memory_space<vmem>>, vector<8x128xf32>,
    } else {
    }
    %ne3A_64 = arith.constant 0 : i32
    %ne3A_65 = arith.cmpi ne, %arg0, %ne3A_64 : i32
    %convert_element_type3A_66 = arith.extui %ne3A_65 : i1 to i32
    %cond3A_67 = arith.constant 0 : i32
    %cond3A_68 = arith.cmpi ne, %convert_element_type3A_66, %cond3A_67 : i32
    scf.if %cond3A_68 {
      %get3A_69 = arith.constant 0 : index
      %get3A_70 = arith.constant 0 : index
      %get3A_71 = vector.load %arg4[%get3A_69, %get3A_70] : memref<8x128xf32, #tpu.memory_space<vmem>>, vector<2x128xf32>
      %get3A_72 = arith.constant 2 : index
      %get3A_73 = arith.constant 0 : index
      %get3A_74 = vector.load %arg4[%get3A_72, %get3A_73] : memref<8x128xf32, #tpu.memory_space<vmem>>, vector<2x128xf32>
      %concatenate3A_75 = tpu.concatenate %concatenate3A, %concatenate3A_60 in 0 : vector<1x128xf32>, vector<1x128xf32> -> vector<2x128xf32>
      %sub3A_76 = arith.subf %concatenate3A_75, %get3A_74 : vector<2x128xf32>
      %add3A_77 = arith.addf %get3A_71, %sub3A_76 : vector<2x128xf32>
      %sub3A_78 = arith.subf %add3A_77, %get3A_71 : vector<2x128xf32>
      %sub3A_79 = arith.subf %sub3A_78, %sub3A_76 : vector<2x128xf32>
      %swap3A = arith.constant 2 : index
      %swap3A_80 = arith.constant 0 : index
      %swap3A_81 = vector.load %arg4[%swap3A, %swap3A_80] : memref<8x128xf32, #tpu.memory_space<vmem>>, vector<2x128xf32>
      tpu.vector_store %arg4[%swap3A, %swap3A_80], %sub3A_79 {strides = array<i32>} : memref<8x128xf32, #tpu.memory_space<vmem>>, vector<2x128xf32>,
      %swap3A_82 = arith.constant 0 : index
      %swap3A_83 = arith.constant 0 : index
      %swap3A_84 = vector.load %arg4[%swap3A_82, %swap3A_83] : memref<8x128xf32, #tpu.memory_space<vmem>>, vector<2x128xf32>
      tpu.vector_store %arg4[%swap3A_82, %swap3A_83], %add3A_77 {strides = array<i32>} : memref<8x128xf32, #tpu.memory_space<vmem>>, vector<2x128xf32>,
    } else {
    }
    return
  }
  func.func @transform_0(%arg0: i32) -> (i32, i32) {
    %c0_i32 = arith.constant 0 : i32
    %c0_i32_0 = arith.constant 0 : i32
    return %arg0, %c0_i32 : i32, i32
  }
  func.func @transform_1(%arg0: i32) -> (i32, i32) {
    %c0_i32 = arith.constant 0 : i32
    %c0_i32_0 = arith.constant 0 : i32
    return %arg0, %c0_i32 : i32, i32
  }
  func.func @transform_2(%arg0: i32) -> (i32, i32) {
    %c0_i32 = arith.constant 0 : i32
    %c0_i32_0 = arith.constant 0 : i32
    %c0_i32_1 = arith.constant 0 : i32
    return %c0_i32, %c0_i32_0 : i32, i32
  }
  func.func @transform_3(%arg0: i32) -> (i32, i32) {
    %c0_i32 = arith.constant 0 : i32
    %c0_i32_0 = arith.constant 0 : i32
    %c0_i32_1 = arith.constant 0 : i32
    return %c0_i32, %c0_i32_0 : i32, i32
  }
}

module attributes {stable_mosaic.version = 14 : i64} {
  func.func @_hstats2(%arg0: i32, %arg1: memref<4096x8xf32, #tpu.memory_space<vmem>>, %arg2: memref<256x8xf32, #tpu.memory_space<vmem>>, %arg3: memref<8x32xf32, #tpu.memory_space<vmem>>, %arg4: memref<8x128xf32, #tpu.memory_space<vmem>>, %arg5: memref<32x16xf32, #tpu.memory_space<vmem>>, %arg6: memref<8x128xf32, #tpu.memory_space<vmem>>) attributes {dimension_semantics = [#tpu.dimension_semantics<arbitrary>], iteration_bounds = array<i64: 200>, scalar_prefetch = 0 : i64, scratch_operands = 0 : i64, tpu.core_type = #tpu.core_type<tc>, window_params = [{transform_indices = @transform_0, window_bounds = array<i64: 4096, 8>}, {transform_indices = @transform_1, window_bounds = array<i64: 256, 8>}, {pipeline_mode = #tpu.pipeline_mode<synchronous>, transform_indices = @transform_2, window_bounds = array<i64: 8, 32>}, {pipeline_mode = #tpu.pipeline_mode<synchronous>, transform_indices = @transform_3, window_bounds = array<i64: 8, 128>}, {pipeline_mode = #tpu.pipeline_mode<synchronous>, transform_indices = @transform_4, window_bounds = array<i64: 32, 16>}, {pipeline_mode = #tpu.pipeline_mode<synchronous>, transform_indices = @transform_5, window_bounds = array<i64: 8, 128>}]} {
    %get3A = arith.constant 0 : index
    %get3A_0 = arith.constant 0 : index
    %get3A_1 = vector.load %arg4[%get3A, %get3A_0] : memref<8x128xf32, #tpu.memory_space<vmem>>, vector<8x128xf32>
    %get3A_2 = arith.constant 0 : index
    %get3A_3 = arith.constant 0 : index
    %get3A_4 = vector.load %arg3[%get3A_2, %get3A_3] : memref<8x32xf32, #tpu.memory_space<vmem>>, vector<8x32xf32>
    %get3A_5 = arith.constant 0 : index
    %get3A_6 = arith.constant 0 : index
    %get3A_7 = vector.load %arg5[%get3A_5, %get3A_6] : memref<32x16xf32, #tpu.memory_space<vmem>>, vector<32x16xf32>
    %get3A_8 = arith.constant 0 : index
    %get3A_9 = arith.constant 0 : index
    %get3A_10 = vector.load %arg1[%get3A_8, %get3A_9] : memref<4096x8xf32, #tpu.memory_space<vmem>>, vector<4096x8xf32>
    %get3A_11 = arith.constant 0 : index
    %get3A_12 = arith.constant 0 : index
    %get3A_13 = vector.load %arg2[%get3A_11, %get3A_12] : memref<256x8xf32, #tpu.memory_space<vmem>>, vector<256x8xf32>
    %iota3A = tpu.iota {dimensions = array<i32: 1>} : vector<1x8xi32>
    %lt3A = arith.constant 3 : i32
    %lt3A_14 = vector.broadcast %lt3A : i32 to vector<1x8xi32>
    %lt3A_15 = arith.cmpi slt, %iota3A, %lt3A_14 : vector<1x8xi32>
    %convert_element_type3A = arith.extui %lt3A_15 : vector<1x8xi1> to vector<1x8xi32>
    %convert_element_type3A_16 = arith.sitofp %convert_element_type3A : vector<1x8xi32> to vector<1x8xf32>
    %reshape3A = vector.shape_cast %get3A_10 : vector<4096x8xf32> to vector<256x16x8xf32>
    %mul3A = vector.broadcast %convert_element_type3A_16 : vector<1x8xf32> to vector<256x8xf32>
    %mul3A_17 = arith.mulf %get3A_13, %mul3A : vector<256x8xf32>
    %broadcast_in_dim3A = vector.shape_cast %mul3A_17 : vector<256x8xf32> to vector<256x1x8xf32>
    %sub3A = vector.broadcast %broadcast_in_dim3A : vector<256x1x8xf32> to vector<256x16x8xf32>
    %sub3A_18 = arith.subf %reshape3A, %sub3A : vector<256x16x8xf32>
    %reshape3A_19 = vector.shape_cast %sub3A_18 : vector<256x16x8xf32> to vector<4096x8xf32>
    %dot_general3A = arith.constant dense<0.000000e+00> : vector<4096x32xf32>
    %dot_general3A_20 = tpu.matmul %reshape3A_19, %get3A_4, %dot_general3A {dimension_numbers = #tpu.dot_dimension_numbers<[1], [0], [0], [1], [0, 0, 1, 1], [], []>, transpose_lhs_hint = false} : vector<4096x8xf32>, vector<8x32xf32>, vector<4096x32xf32> -> vector<4096x32xf32>
    %slice3A = vector.extract_strided_slice %get3A_1 {offsets = [0, 0], sizes = [1, 32], strides = [1, 1]} : vector<8x128xf32> to vector<1x32xf32>
    %sub3A_21 = vector.broadcast %slice3A : vector<1x32xf32> to vector<4096x32xf32>
    %sub3A_22 = arith.subf %dot_general3A_20, %sub3A_21 : vector<4096x32xf32>
    %slice3A_23 = vector.extract_strided_slice %get3A_1 {offsets = [1, 0], sizes = [1, 32], strides = [1, 1]} : vector<8x128xf32> to vector<1x32xf32>
    %mul3A_24 = vector.broadcast %slice3A_23 : vector<1x32xf32> to vector<4096x32xf32>
    %mul3A_25 = arith.mulf %sub3A_22, %mul3A_24 : vector<4096x32xf32>
    %slice3A_26 = vector.extract_strided_slice %get3A_1 {offsets = [2, 0], sizes = [1, 32], strides = [1, 1]} : vector<8x128xf32> to vector<1x32xf32>
    %mul3A_27 = vector.broadcast %slice3A_26 : vector<1x32xf32> to vector<4096x32xf32>
    %mul3A_28 = arith.mulf %mul3A_25, %mul3A_27 : vector<4096x32xf32>
    %slice3A_29 = vector.extract_strided_slice %get3A_1 {offsets = [3, 0], sizes = [1, 32], strides = [1, 1]} : vector<8x128xf32> to vector<1x32xf32>
    %add3A = vector.broadcast %slice3A_29 : vector<1x32xf32> to vector<4096x32xf32>
    %add3A_30 = arith.addf %mul3A_28, %add3A : vector<4096x32xf32>
    %max3A = arith.constant 0.000000e+00 : f32
    %max3A_31 = vector.broadcast %max3A : f32 to vector<4096x32xf32>
    %max3A_32 = arith.maximumf %add3A_30, %max3A_31 : vector<4096x32xf32>
    %dot_general3A_33 = arith.constant dense<0.000000e+00> : vector<4096x16xf32>
    %dot_general3A_34 = tpu.matmul %max3A_32, %get3A_7, %dot_general3A_33 {dimension_numbers = #tpu.dot_dimension_numbers<[1], [0], [0], [1], [0, 0, 1, 1], [], []>, transpose_lhs_hint = false} : vector<4096x32xf32>, vector<32x16xf32>, vector<4096x16xf32> -> vector<4096x16xf32>
    %iota3A_35 = tpu.iota {dimensions = array<i32: 0>} : vector<4096x1xi32>
    %jit3A = arith.constant 16 : i32
    %div3A = vector.broadcast %jit3A : i32 to vector<4096x1xi32>
    %div3A_36 = arith.divsi %iota3A_35, %div3A : vector<4096x1xi32>
    %sign3A = arith.constant 0 : i32
    %sign3A_37 = vector.broadcast %sign3A : i32 to vector<4096x1xi32>
    %sign3A_38 = arith.cmpi sgt, %iota3A_35, %sign3A_37 : vector<4096x1xi32>
    %sign3A_39 = arith.extui %sign3A_38 : vector<4096x1xi1> to vector<4096x1xi32>
    %sign3A_40 = arith.constant 0 : i32
    %sign3A_41 = vector.broadcast %sign3A_40 : i32 to vector<4096x1xi32>
    %sign3A_42 = arith.cmpi slt, %iota3A_35, %sign3A_41 : vector<4096x1xi32>
    %sign3A_43 = arith.extui %sign3A_42 : vector<4096x1xi1> to vector<4096x1xi32>
    %sign3A_44 = arith.subi %sign3A_39, %sign3A_43 : vector<4096x1xi32>
    %sign3A_45 = arith.constant 0 : i32
    %sign3A_46 = arith.cmpi sgt, %jit3A, %sign3A_45 : i32
    %sign3A_47 = arith.extui %sign3A_46 : i1 to i32
    %sign3A_48 = arith.constant 0 : i32
    %sign3A_49 = arith.cmpi slt, %jit3A, %sign3A_48 : i32
    %sign3A_50 = arith.extui %sign3A_49 : i1 to i32
    %sign3A_51 = arith.subi %sign3A_47, %sign3A_50 : i32
    %ne3A = vector.broadcast %sign3A_51 : i32 to vector<4096x1xi32>
    %ne3A_52 = arith.cmpi ne, %sign3A_44, %ne3A : vector<4096x1xi32>
    %rem3A = vector.broadcast %jit3A : i32 to vector<4096x1xi32>
    %rem3A_53 = arith.remsi %iota3A_35, %rem3A : vector<4096x1xi32>
    %ne3A_54 = arith.constant 0 : i32
    %ne3A_55 = vector.broadcast %ne3A_54 : i32 to vector<4096x1xi32>
    %ne3A_56 = arith.cmpi ne, %rem3A_53, %ne3A_55 : vector<4096x1xi32>
    %and3A = arith.andi %ne3A_52, %ne3A_56 : vector<4096x1xi1>
    %sub3A_57 = arith.constant 1 : i32
    %sub3A_58 = vector.broadcast %sub3A_57 : i32 to vector<4096x1xi32>
    %sub3A_59 = arith.subi %div3A_36, %sub3A_58 : vector<4096x1xi32>
    %select_n3A = arith.select %and3A, %sub3A_59, %div3A_36 : vector<4096x1xi1>, vector<4096x1xi32>
    %mul3A_60 = arith.constant 256 : i32
    %mul3A_61 = arith.muli %arg0, %mul3A_60 : i32
    %add3A_62 = vector.broadcast %mul3A_61 : i32 to vector<4096x1xi32>
    %add3A_63 = arith.addi %select_n3A, %add3A_62 : vector<4096x1xi32>
    %lt3A_64 = arith.constant 50000 : i32
    %lt3A_65 = vector.broadcast %lt3A_64 : i32 to vector<4096x1xi32>
    %lt3A_66 = arith.cmpi slt, %add3A_63, %lt3A_65 : vector<4096x1xi32>
    %convert_element_type3A_67 = arith.extui %lt3A_66 : vector<4096x1xi1> to vector<4096x1xi32>
    %convert_element_type3A_68 = arith.sitofp %convert_element_type3A_67 : vector<4096x1xi32> to vector<4096x1xf32>
    %mul3A_69 = vector.broadcast %convert_element_type3A_68 : vector<4096x1xf32> to vector<4096x16xf32>
    %mul3A_70 = arith.mulf %dot_general3A_34, %mul3A_69 : vector<4096x16xf32>
    %reduce_sum3A = arith.constant dense<0.000000e+00> : vector<16xf32>
    %reduce_sum3A_71 = vector.multi_reduction <add>, %mul3A_70, %reduce_sum3A [0] : vector<4096x16xf32> to vector<16xf32>
    %mul3A_72 = arith.mulf %dot_general3A_34, %dot_general3A_34 : vector<4096x16xf32>
    %mul3A_73 = vector.broadcast %convert_element_type3A_68 : vector<4096x1xf32> to vector<4096x16xf32>
    %mul3A_74 = arith.mulf %mul3A_72, %mul3A_73 : vector<4096x16xf32>
    %reduce_sum3A_75 = arith.constant dense<0.000000e+00> : vector<16xf32>
    %reduce_sum3A_76 = vector.multi_reduction <add>, %mul3A_74, %reduce_sum3A_75 [0] : vector<4096x16xf32> to vector<16xf32>
    %broadcast_in_dim3A_77 = arith.constant 0.000000e+00 : f32
    %broadcast_in_dim3A_78 = vector.broadcast %broadcast_in_dim3A_77 : f32 to vector<1x112xf32>
    %broadcast_in_dim3A_79 = vector.shape_cast %reduce_sum3A_71 : vector<16xf32> to vector<1x16xf32>
    %concatenate3A = tpu.concatenate %broadcast_in_dim3A_79, %broadcast_in_dim3A_78 in 1 : vector<1x16xf32>, vector<1x112xf32> -> vector<1x128xf32>
    %broadcast_in_dim3A_80 = vector.shape_cast %reduce_sum3A_76 : vector<16xf32> to vector<1x16xf32>
    %concatenate3A_81 = tpu.concatenate %broadcast_in_dim3A_80, %broadcast_in_dim3A_78 in 1 : vector<1x16xf32>, vector<1x112xf32> -> vector<1x128xf32>
    %eq3A = arith.constant 0 : i32
    %eq3A_82 = arith.cmpi eq, %arg0, %eq3A : i32
    %convert_element_type3A_83 = arith.extui %eq3A_82 : i1 to i32
    %cond3A = arith.constant 0 : i32
    %cond3A_84 = arith.cmpi ne, %convert_element_type3A_83, %cond3A : i32
    scf.if %cond3A_84 {
      %broadcast_in_dim3A_90 = arith.constant 0.000000e+00 : f32
      %broadcast_in_dim3A_91 = vector.broadcast %broadcast_in_dim3A_90 : f32 to vector<6x128xf32>
      %concatenate3A_92 = tpu.concatenate %concatenate3A, %concatenate3A_81, %broadcast_in_dim3A_91 in 0 : vector<1x128xf32>, vector<1x128xf32>, vector<6x128xf32> -> vector<8x128xf32>
      %swap3A = arith.constant 0 : index
      %swap3A_93 = arith.constant 0 : index
      %swap3A_94 = vector.load %arg6[%swap3A, %swap3A_93] : memref<8x128xf32, #tpu.memory_space<vmem>>, vector<8x128xf32>
      tpu.vector_store %arg6[%swap3A, %swap3A_93], %concatenate3A_92 {strides = array<i32>} : memref<8x128xf32, #tpu.memory_space<vmem>>, vector<8x128xf32>,
    } else {
    }
    %ne3A_85 = arith.constant 0 : i32
    %ne3A_86 = arith.cmpi ne, %arg0, %ne3A_85 : i32
    %convert_element_type3A_87 = arith.extui %ne3A_86 : i1 to i32
    %cond3A_88 = arith.constant 0 : i32
    %cond3A_89 = arith.cmpi ne, %convert_element_type3A_87, %cond3A_88 : i32
    scf.if %cond3A_89 {
      %get3A_90 = arith.constant 0 : index
      %get3A_91 = arith.constant 0 : index
      %get3A_92 = vector.load %arg6[%get3A_90, %get3A_91] : memref<8x128xf32, #tpu.memory_space<vmem>>, vector<2x128xf32>
      %get3A_93 = arith.constant 2 : index
      %get3A_94 = arith.constant 0 : index
      %get3A_95 = vector.load %arg6[%get3A_93, %get3A_94] : memref<8x128xf32, #tpu.memory_space<vmem>>, vector<2x128xf32>
      %concatenate3A_96 = tpu.concatenate %concatenate3A, %concatenate3A_81 in 0 : vector<1x128xf32>, vector<1x128xf32> -> vector<2x128xf32>
      %sub3A_97 = arith.subf %concatenate3A_96, %get3A_95 : vector<2x128xf32>
      %add3A_98 = arith.addf %get3A_92, %sub3A_97 : vector<2x128xf32>
      %sub3A_99 = arith.subf %add3A_98, %get3A_92 : vector<2x128xf32>
      %sub3A_100 = arith.subf %sub3A_99, %sub3A_97 : vector<2x128xf32>
      %swap3A = arith.constant 2 : index
      %swap3A_101 = arith.constant 0 : index
      %swap3A_102 = vector.load %arg6[%swap3A, %swap3A_101] : memref<8x128xf32, #tpu.memory_space<vmem>>, vector<2x128xf32>
      tpu.vector_store %arg6[%swap3A, %swap3A_101], %sub3A_100 {strides = array<i32>} : memref<8x128xf32, #tpu.memory_space<vmem>>, vector<2x128xf32>,
      %swap3A_103 = arith.constant 0 : index
      %swap3A_104 = arith.constant 0 : index
      %swap3A_105 = vector.load %arg6[%swap3A_103, %swap3A_104] : memref<8x128xf32, #tpu.memory_space<vmem>>, vector<2x128xf32>
      tpu.vector_store %arg6[%swap3A_103, %swap3A_104], %add3A_98 {strides = array<i32>} : memref<8x128xf32, #tpu.memory_space<vmem>>, vector<2x128xf32>,
    } else {
    }
    return
  }
  func.func @transform_0(%arg0: i32) -> (i32, i32) {
    %c0_i32 = arith.constant 0 : i32
    %c0_i32_0 = arith.constant 0 : i32
    return %arg0, %c0_i32 : i32, i32
  }
  func.func @transform_1(%arg0: i32) -> (i32, i32) {
    %c0_i32 = arith.constant 0 : i32
    %c0_i32_0 = arith.constant 0 : i32
    return %arg0, %c0_i32 : i32, i32
  }
  func.func @transform_2(%arg0: i32) -> (i32, i32) {
    %c0_i32 = arith.constant 0 : i32
    %c0_i32_0 = arith.constant 0 : i32
    %c0_i32_1 = arith.constant 0 : i32
    return %c0_i32, %c0_i32_0 : i32, i32
  }
  func.func @transform_3(%arg0: i32) -> (i32, i32) {
    %c0_i32 = arith.constant 0 : i32
    %c0_i32_0 = arith.constant 0 : i32
    %c0_i32_1 = arith.constant 0 : i32
    return %c0_i32, %c0_i32_0 : i32, i32
  }
  func.func @transform_4(%arg0: i32) -> (i32, i32) {
    %c0_i32 = arith.constant 0 : i32
    %c0_i32_0 = arith.constant 0 : i32
    %c0_i32_1 = arith.constant 0 : i32
    return %c0_i32, %c0_i32_0 : i32, i32
  }
  func.func @transform_5(%arg0: i32) -> (i32, i32) {
    %c0_i32 = arith.constant 0 : i32
    %c0_i32_0 = arith.constant 0 : i32
    %c0_i32_1 = arith.constant 0 : i32
    return %c0_i32, %c0_i32_0 : i32, i32
  }
}

module attributes {stable_mosaic.version = 14 : i64} {
  func.func @_hstats3(%arg0: i32, %arg1: memref<4096x8xf32, #tpu.memory_space<vmem>>, %arg2: memref<256x8xf32, #tpu.memory_space<vmem>>, %arg3: memref<8x32xf32, #tpu.memory_space<vmem>>, %arg4: memref<8x128xf32, #tpu.memory_space<vmem>>, %arg5: memref<32x16xf32, #tpu.memory_space<vmem>>, %arg6: memref<8x128xf32, #tpu.memory_space<vmem>>, %arg7: memref<16x64xf32, #tpu.memory_space<vmem>>, %arg8: memref<8x128xf32, #tpu.memory_space<vmem>>) attributes {dimension_semantics = [#tpu.dimension_semantics<arbitrary>], iteration_bounds = array<i64: 200>, scalar_prefetch = 0 : i64, scratch_operands = 0 : i64, tpu.core_type = #tpu.core_type<tc>, window_params = [{transform_indices = @transform_0, window_bounds = array<i64: 4096, 8>}, {transform_indices = @transform_1, window_bounds = array<i64: 256, 8>}, {pipeline_mode = #tpu.pipeline_mode<synchronous>, transform_indices = @transform_2, window_bounds = array<i64: 8, 32>}, {pipeline_mode = #tpu.pipeline_mode<synchronous>, transform_indices = @transform_3, window_bounds = array<i64: 8, 128>}, {pipeline_mode = #tpu.pipeline_mode<synchronous>, transform_indices = @transform_4, window_bounds = array<i64: 32, 16>}, {pipeline_mode = #tpu.pipeline_mode<synchronous>, transform_indices = @transform_5, window_bounds = array<i64: 8, 128>}, {pipeline_mode = #tpu.pipeline_mode<synchronous>, transform_indices = @transform_6, window_bounds = array<i64: 16, 64>}, {pipeline_mode = #tpu.pipeline_mode<synchronous>, transform_indices = @transform_7, window_bounds = array<i64: 8, 128>}]} {
    %get3A = arith.constant 0 : index
    %get3A_0 = arith.constant 0 : index
    %get3A_1 = vector.load %arg4[%get3A, %get3A_0] : memref<8x128xf32, #tpu.memory_space<vmem>>, vector<8x128xf32>
    %get3A_2 = arith.constant 0 : index
    %get3A_3 = arith.constant 0 : index
    %get3A_4 = vector.load %arg6[%get3A_2, %get3A_3] : memref<8x128xf32, #tpu.memory_space<vmem>>, vector<8x128xf32>
    %get3A_5 = arith.constant 0 : index
    %get3A_6 = arith.constant 0 : index
    %get3A_7 = vector.load %arg3[%get3A_5, %get3A_6] : memref<8x32xf32, #tpu.memory_space<vmem>>, vector<8x32xf32>
    %get3A_8 = arith.constant 0 : index
    %get3A_9 = arith.constant 0 : index
    %get3A_10 = vector.load %arg5[%get3A_8, %get3A_9] : memref<32x16xf32, #tpu.memory_space<vmem>>, vector<32x16xf32>
    %get3A_11 = arith.constant 0 : index
    %get3A_12 = arith.constant 0 : index
    %get3A_13 = vector.load %arg7[%get3A_11, %get3A_12] : memref<16x64xf32, #tpu.memory_space<vmem>>, vector<16x64xf32>
    %get3A_14 = arith.constant 0 : index
    %get3A_15 = arith.constant 0 : index
    %get3A_16 = vector.load %arg1[%get3A_14, %get3A_15] : memref<4096x8xf32, #tpu.memory_space<vmem>>, vector<4096x8xf32>
    %get3A_17 = arith.constant 0 : index
    %get3A_18 = arith.constant 0 : index
    %get3A_19 = vector.load %arg2[%get3A_17, %get3A_18] : memref<256x8xf32, #tpu.memory_space<vmem>>, vector<256x8xf32>
    %iota3A = tpu.iota {dimensions = array<i32: 1>} : vector<1x8xi32>
    %lt3A = arith.constant 3 : i32
    %lt3A_20 = vector.broadcast %lt3A : i32 to vector<1x8xi32>
    %lt3A_21 = arith.cmpi slt, %iota3A, %lt3A_20 : vector<1x8xi32>
    %convert_element_type3A = arith.extui %lt3A_21 : vector<1x8xi1> to vector<1x8xi32>
    %convert_element_type3A_22 = arith.sitofp %convert_element_type3A : vector<1x8xi32> to vector<1x8xf32>
    %reshape3A = vector.shape_cast %get3A_16 : vector<4096x8xf32> to vector<256x16x8xf32>
    %mul3A = vector.broadcast %convert_element_type3A_22 : vector<1x8xf32> to vector<256x8xf32>
    %mul3A_23 = arith.mulf %get3A_19, %mul3A : vector<256x8xf32>
    %broadcast_in_dim3A = vector.shape_cast %mul3A_23 : vector<256x8xf32> to vector<256x1x8xf32>
    %sub3A = vector.broadcast %broadcast_in_dim3A : vector<256x1x8xf32> to vector<256x16x8xf32>
    %sub3A_24 = arith.subf %reshape3A, %sub3A : vector<256x16x8xf32>
    %reshape3A_25 = vector.shape_cast %sub3A_24 : vector<256x16x8xf32> to vector<4096x8xf32>
    %dot_general3A = arith.constant dense<0.000000e+00> : vector<4096x32xf32>
    %dot_general3A_26 = tpu.matmul %reshape3A_25, %get3A_7, %dot_general3A {dimension_numbers = #tpu.dot_dimension_numbers<[1], [0], [0], [1], [0, 0, 1, 1], [], []>, transpose_lhs_hint = false} : vector<4096x8xf32>, vector<8x32xf32>, vector<4096x32xf32> -> vector<4096x32xf32>
    %slice3A = vector.extract_strided_slice %get3A_1 {offsets = [0, 0], sizes = [1, 32], strides = [1, 1]} : vector<8x128xf32> to vector<1x32xf32>
    %sub3A_27 = vector.broadcast %slice3A : vector<1x32xf32> to vector<4096x32xf32>
    %sub3A_28 = arith.subf %dot_general3A_26, %sub3A_27 : vector<4096x32xf32>
    %slice3A_29 = vector.extract_strided_slice %get3A_1 {offsets = [1, 0], sizes = [1, 32], strides = [1, 1]} : vector<8x128xf32> to vector<1x32xf32>
    %mul3A_30 = vector.broadcast %slice3A_29 : vector<1x32xf32> to vector<4096x32xf32>
    %mul3A_31 = arith.mulf %sub3A_28, %mul3A_30 : vector<4096x32xf32>
    %slice3A_32 = vector.extract_strided_slice %get3A_1 {offsets = [2, 0], sizes = [1, 32], strides = [1, 1]} : vector<8x128xf32> to vector<1x32xf32>
    %mul3A_33 = vector.broadcast %slice3A_32 : vector<1x32xf32> to vector<4096x32xf32>
    %mul3A_34 = arith.mulf %mul3A_31, %mul3A_33 : vector<4096x32xf32>
    %slice3A_35 = vector.extract_strided_slice %get3A_1 {offsets = [3, 0], sizes = [1, 32], strides = [1, 1]} : vector<8x128xf32> to vector<1x32xf32>
    %add3A = vector.broadcast %slice3A_35 : vector<1x32xf32> to vector<4096x32xf32>
    %add3A_36 = arith.addf %mul3A_34, %add3A : vector<4096x32xf32>
    %max3A = arith.constant 0.000000e+00 : f32
    %max3A_37 = vector.broadcast %max3A : f32 to vector<4096x32xf32>
    %max3A_38 = arith.maximumf %add3A_36, %max3A_37 : vector<4096x32xf32>
    %dot_general3A_39 = arith.constant dense<0.000000e+00> : vector<4096x16xf32>
    %dot_general3A_40 = tpu.matmul %max3A_38, %get3A_10, %dot_general3A_39 {dimension_numbers = #tpu.dot_dimension_numbers<[1], [0], [0], [1], [0, 0, 1, 1], [], []>, transpose_lhs_hint = false} : vector<4096x32xf32>, vector<32x16xf32>, vector<4096x16xf32> -> vector<4096x16xf32>
    %slice3A_41 = vector.extract_strided_slice %get3A_4 {offsets = [0, 0], sizes = [1, 16], strides = [1, 1]} : vector<8x128xf32> to vector<1x16xf32>
    %sub3A_42 = vector.broadcast %slice3A_41 : vector<1x16xf32> to vector<4096x16xf32>
    %sub3A_43 = arith.subf %dot_general3A_40, %sub3A_42 : vector<4096x16xf32>
    %slice3A_44 = vector.extract_strided_slice %get3A_4 {offsets = [1, 0], sizes = [1, 16], strides = [1, 1]} : vector<8x128xf32> to vector<1x16xf32>
    %mul3A_45 = vector.broadcast %slice3A_44 : vector<1x16xf32> to vector<4096x16xf32>
    %mul3A_46 = arith.mulf %sub3A_43, %mul3A_45 : vector<4096x16xf32>
    %slice3A_47 = vector.extract_strided_slice %get3A_4 {offsets = [2, 0], sizes = [1, 16], strides = [1, 1]} : vector<8x128xf32> to vector<1x16xf32>
    %mul3A_48 = vector.broadcast %slice3A_47 : vector<1x16xf32> to vector<4096x16xf32>
    %mul3A_49 = arith.mulf %mul3A_46, %mul3A_48 : vector<4096x16xf32>
    %slice3A_50 = vector.extract_strided_slice %get3A_4 {offsets = [3, 0], sizes = [1, 16], strides = [1, 1]} : vector<8x128xf32> to vector<1x16xf32>
    %add3A_51 = vector.broadcast %slice3A_50 : vector<1x16xf32> to vector<4096x16xf32>
    %add3A_52 = arith.addf %mul3A_49, %add3A_51 : vector<4096x16xf32>
    %max3A_53 = arith.constant 0.000000e+00 : f32
    %max3A_54 = vector.broadcast %max3A_53 : f32 to vector<4096x16xf32>
    %max3A_55 = arith.maximumf %add3A_52, %max3A_54 : vector<4096x16xf32>
    %dot_general3A_56 = arith.constant dense<0.000000e+00> : vector<4096x64xf32>
    %dot_general3A_57 = tpu.matmul %max3A_55, %get3A_13, %dot_general3A_56 {dimension_numbers = #tpu.dot_dimension_numbers<[1], [0], [0], [1], [0, 0, 1, 1], [], []>, transpose_lhs_hint = false} : vector<4096x16xf32>, vector<16x64xf32>, vector<4096x64xf32> -> vector<4096x64xf32>
    %iota3A_58 = tpu.iota {dimensions = array<i32: 0>} : vector<4096x1xi32>
    %jit3A = arith.constant 16 : i32
    %div3A = vector.broadcast %jit3A : i32 to vector<4096x1xi32>
    %div3A_59 = arith.divsi %iota3A_58, %div3A : vector<4096x1xi32>
    %sign3A = arith.constant 0 : i32
    %sign3A_60 = vector.broadcast %sign3A : i32 to vector<4096x1xi32>
    %sign3A_61 = arith.cmpi sgt, %iota3A_58, %sign3A_60 : vector<4096x1xi32>
    %sign3A_62 = arith.extui %sign3A_61 : vector<4096x1xi1> to vector<4096x1xi32>
    %sign3A_63 = arith.constant 0 : i32
    %sign3A_64 = vector.broadcast %sign3A_63 : i32 to vector<4096x1xi32>
    %sign3A_65 = arith.cmpi slt, %iota3A_58, %sign3A_64 : vector<4096x1xi32>
    %sign3A_66 = arith.extui %sign3A_65 : vector<4096x1xi1> to vector<4096x1xi32>
    %sign3A_67 = arith.subi %sign3A_62, %sign3A_66 : vector<4096x1xi32>
    %sign3A_68 = arith.constant 0 : i32
    %sign3A_69 = arith.cmpi sgt, %jit3A, %sign3A_68 : i32
    %sign3A_70 = arith.extui %sign3A_69 : i1 to i32
    %sign3A_71 = arith.constant 0 : i32
    %sign3A_72 = arith.cmpi slt, %jit3A, %sign3A_71 : i32
    %sign3A_73 = arith.extui %sign3A_72 : i1 to i32
    %sign3A_74 = arith.subi %sign3A_70, %sign3A_73 : i32
    %ne3A = vector.broadcast %sign3A_74 : i32 to vector<4096x1xi32>
    %ne3A_75 = arith.cmpi ne, %sign3A_67, %ne3A : vector<4096x1xi32>
    %rem3A = vector.broadcast %jit3A : i32 to vector<4096x1xi32>
    %rem3A_76 = arith.remsi %iota3A_58, %rem3A : vector<4096x1xi32>
    %ne3A_77 = arith.constant 0 : i32
    %ne3A_78 = vector.broadcast %ne3A_77 : i32 to vector<4096x1xi32>
    %ne3A_79 = arith.cmpi ne, %rem3A_76, %ne3A_78 : vector<4096x1xi32>
    %and3A = arith.andi %ne3A_75, %ne3A_79 : vector<4096x1xi1>
    %sub3A_80 = arith.constant 1 : i32
    %sub3A_81 = vector.broadcast %sub3A_80 : i32 to vector<4096x1xi32>
    %sub3A_82 = arith.subi %div3A_59, %sub3A_81 : vector<4096x1xi32>
    %select_n3A = arith.select %and3A, %sub3A_82, %div3A_59 : vector<4096x1xi1>, vector<4096x1xi32>
    %mul3A_83 = arith.constant 256 : i32
    %mul3A_84 = arith.muli %arg0, %mul3A_83 : i32
    %add3A_85 = vector.broadcast %mul3A_84 : i32 to vector<4096x1xi32>
    %add3A_86 = arith.addi %select_n3A, %add3A_85 : vector<4096x1xi32>
    %lt3A_87 = arith.constant 50000 : i32
    %lt3A_88 = vector.broadcast %lt3A_87 : i32 to vector<4096x1xi32>
    %lt3A_89 = arith.cmpi slt, %add3A_86, %lt3A_88 : vector<4096x1xi32>
    %convert_element_type3A_90 = arith.extui %lt3A_89 : vector<4096x1xi1> to vector<4096x1xi32>
    %convert_element_type3A_91 = arith.sitofp %convert_element_type3A_90 : vector<4096x1xi32> to vector<4096x1xf32>
    %mul3A_92 = vector.broadcast %convert_element_type3A_91 : vector<4096x1xf32> to vector<4096x64xf32>
    %mul3A_93 = arith.mulf %dot_general3A_57, %mul3A_92 : vector<4096x64xf32>
    %reduce_sum3A = arith.constant dense<0.000000e+00> : vector<64xf32>
    %reduce_sum3A_94 = vector.multi_reduction <add>, %mul3A_93, %reduce_sum3A [0] : vector<4096x64xf32> to vector<64xf32>
    %mul3A_95 = arith.mulf %dot_general3A_57, %dot_general3A_57 : vector<4096x64xf32>
    %mul3A_96 = vector.broadcast %convert_element_type3A_91 : vector<4096x1xf32> to vector<4096x64xf32>
    %mul3A_97 = arith.mulf %mul3A_95, %mul3A_96 : vector<4096x64xf32>
    %reduce_sum3A_98 = arith.constant dense<0.000000e+00> : vector<64xf32>
    %reduce_sum3A_99 = vector.multi_reduction <add>, %mul3A_97, %reduce_sum3A_98 [0] : vector<4096x64xf32> to vector<64xf32>
    %broadcast_in_dim3A_100 = arith.constant 0.000000e+00 : f32
    %broadcast_in_dim3A_101 = vector.broadcast %broadcast_in_dim3A_100 : f32 to vector<1x64xf32>
    %broadcast_in_dim3A_102 = vector.shape_cast %reduce_sum3A_94 : vector<64xf32> to vector<1x64xf32>
    %concatenate3A = tpu.concatenate %broadcast_in_dim3A_102, %broadcast_in_dim3A_101 in 1 : vector<1x64xf32>, vector<1x64xf32> -> vector<1x128xf32>
    %broadcast_in_dim3A_103 = vector.shape_cast %reduce_sum3A_99 : vector<64xf32> to vector<1x64xf32>
    %concatenate3A_104 = tpu.concatenate %broadcast_in_dim3A_103, %broadcast_in_dim3A_101 in 1 : vector<1x64xf32>, vector<1x64xf32> -> vector<1x128xf32>
    %eq3A = arith.constant 0 : i32
    %eq3A_105 = arith.cmpi eq, %arg0, %eq3A : i32
    %convert_element_type3A_106 = arith.extui %eq3A_105 : i1 to i32
    %cond3A = arith.constant 0 : i32
    %cond3A_107 = arith.cmpi ne, %convert_element_type3A_106, %cond3A : i32
    scf.if %cond3A_107 {
      %broadcast_in_dim3A_113 = arith.constant 0.000000e+00 : f32
      %broadcast_in_dim3A_114 = vector.broadcast %broadcast_in_dim3A_113 : f32 to vector<6x128xf32>
      %concatenate3A_115 = tpu.concatenate %concatenate3A, %concatenate3A_104, %broadcast_in_dim3A_114 in 0 : vector<1x128xf32>, vector<1x128xf32>, vector<6x128xf32> -> vector<8x128xf32>
      %swap3A = arith.constant 0 : index
      %swap3A_116 = arith.constant 0 : index
      %swap3A_117 = vector.load %arg8[%swap3A, %swap3A_116] : memref<8x128xf32, #tpu.memory_space<vmem>>, vector<8x128xf32>
      tpu.vector_store %arg8[%swap3A, %swap3A_116], %concatenate3A_115 {strides = array<i32>} : memref<8x128xf32, #tpu.memory_space<vmem>>, vector<8x128xf32>,
    } else {
    }
    %ne3A_108 = arith.constant 0 : i32
    %ne3A_109 = arith.cmpi ne, %arg0, %ne3A_108 : i32
    %convert_element_type3A_110 = arith.extui %ne3A_109 : i1 to i32
    %cond3A_111 = arith.constant 0 : i32
    %cond3A_112 = arith.cmpi ne, %convert_element_type3A_110, %cond3A_111 : i32
    scf.if %cond3A_112 {
      %get3A_113 = arith.constant 0 : index
      %get3A_114 = arith.constant 0 : index
      %get3A_115 = vector.load %arg8[%get3A_113, %get3A_114] : memref<8x128xf32, #tpu.memory_space<vmem>>, vector<2x128xf32>
      %get3A_116 = arith.constant 2 : index
      %get3A_117 = arith.constant 0 : index
      %get3A_118 = vector.load %arg8[%get3A_116, %get3A_117] : memref<8x128xf32, #tpu.memory_space<vmem>>, vector<2x128xf32>
      %concatenate3A_119 = tpu.concatenate %concatenate3A, %concatenate3A_104 in 0 : vector<1x128xf32>, vector<1x128xf32> -> vector<2x128xf32>
      %sub3A_120 = arith.subf %concatenate3A_119, %get3A_118 : vector<2x128xf32>
      %add3A_121 = arith.addf %get3A_115, %sub3A_120 : vector<2x128xf32>
      %sub3A_122 = arith.subf %add3A_121, %get3A_115 : vector<2x128xf32>
      %sub3A_123 = arith.subf %sub3A_122, %sub3A_120 : vector<2x128xf32>
      %swap3A = arith.constant 2 : index
      %swap3A_124 = arith.constant 0 : index
      %swap3A_125 = vector.load %arg8[%swap3A, %swap3A_124] : memref<8x128xf32, #tpu.memory_space<vmem>>, vector<2x128xf32>
      tpu.vector_store %arg8[%swap3A, %swap3A_124], %sub3A_123 {strides = array<i32>} : memref<8x128xf32, #tpu.memory_space<vmem>>, vector<2x128xf32>,
      %swap3A_126 = arith.constant 0 : index
      %swap3A_127 = arith.constant 0 : index
      %swap3A_128 = vector.load %arg8[%swap3A_126, %swap3A_127] : memref<8x128xf32, #tpu.memory_space<vmem>>, vector<2x128xf32>
      tpu.vector_store %arg8[%swap3A_126, %swap3A_127], %add3A_121 {strides = array<i32>} : memref<8x128xf32, #tpu.memory_space<vmem>>, vector<2x128xf32>,
    } else {
    }
    return
  }
  func.func @transform_0(%arg0: i32) -> (i32, i32) {
    %c0_i32 = arith.constant 0 : i32
    %c0_i32_0 = arith.constant 0 : i32
    return %arg0, %c0_i32 : i32, i32
  }
  func.func @transform_1(%arg0: i32) -> (i32, i32) {
    %c0_i32 = arith.constant 0 : i32
    %c0_i32_0 = arith.constant 0 : i32
    return %arg0, %c0_i32 : i32, i32
  }
  func.func @transform_2(%arg0: i32) -> (i32, i32) {
    %c0_i32 = arith.constant 0 : i32
    %c0_i32_0 = arith.constant 0 : i32
    %c0_i32_1 = arith.constant 0 : i32
    return %c0_i32, %c0_i32_0 : i32, i32
  }
  func.func @transform_3(%arg0: i32) -> (i32, i32) {
    %c0_i32 = arith.constant 0 : i32
    %c0_i32_0 = arith.constant 0 : i32
    %c0_i32_1 = arith.constant 0 : i32
    return %c0_i32, %c0_i32_0 : i32, i32
  }
  func.func @transform_4(%arg0: i32) -> (i32, i32) {
    %c0_i32 = arith.constant 0 : i32
    %c0_i32_0 = arith.constant 0 : i32
    %c0_i32_1 = arith.constant 0 : i32
    return %c0_i32, %c0_i32_0 : i32, i32
  }
  func.func @transform_5(%arg0: i32) -> (i32, i32) {
    %c0_i32 = arith.constant 0 : i32
    %c0_i32_0 = arith.constant 0 : i32
    %c0_i32_1 = arith.constant 0 : i32
    return %c0_i32, %c0_i32_0 : i32, i32
  }
  func.func @transform_6(%arg0: i32) -> (i32, i32) {
    %c0_i32 = arith.constant 0 : i32
    %c0_i32_0 = arith.constant 0 : i32
    %c0_i32_1 = arith.constant 0 : i32
    return %c0_i32, %c0_i32_0 : i32, i32
  }
  func.func @transform_7(%arg0: i32) -> (i32, i32) {
    %c0_i32 = arith.constant 0 : i32
    %c0_i32_0 = arith.constant 0 : i32
    %c0_i32_1 = arith.constant 0 : i32
    return %c0_i32, %c0_i32_0 : i32, i32
  }
}

module attributes {stable_mosaic.version = 14 : i64} {
  func.func @_hfinal(%arg0: i32, %arg1: memref<4096x8xf32, #tpu.memory_space<vmem>>, %arg2: memref<256x8xf32, #tpu.memory_space<vmem>>, %arg3: memref<8x32xf32, #tpu.memory_space<vmem>>, %arg4: memref<8x128xf32, #tpu.memory_space<vmem>>, %arg5: memref<32x16xf32, #tpu.memory_space<vmem>>, %arg6: memref<8x128xf32, #tpu.memory_space<vmem>>, %arg7: memref<16x64xf32, #tpu.memory_space<vmem>>, %arg8: memref<8x128xf32, #tpu.memory_space<vmem>>, %arg9: memref<256x64xf32, #tpu.memory_space<vmem>>) attributes {dimension_semantics = [#tpu.dimension_semantics<arbitrary>], iteration_bounds = array<i64: 200>, scalar_prefetch = 0 : i64, scratch_operands = 0 : i64, tpu.core_type = #tpu.core_type<tc>, window_params = [{transform_indices = @transform_0, window_bounds = array<i64: 4096, 8>}, {transform_indices = @transform_1, window_bounds = array<i64: 256, 8>}, {pipeline_mode = #tpu.pipeline_mode<synchronous>, transform_indices = @transform_2, window_bounds = array<i64: 8, 32>}, {pipeline_mode = #tpu.pipeline_mode<synchronous>, transform_indices = @transform_3, window_bounds = array<i64: 8, 128>}, {pipeline_mode = #tpu.pipeline_mode<synchronous>, transform_indices = @transform_4, window_bounds = array<i64: 32, 16>}, {pipeline_mode = #tpu.pipeline_mode<synchronous>, transform_indices = @transform_5, window_bounds = array<i64: 8, 128>}, {pipeline_mode = #tpu.pipeline_mode<synchronous>, transform_indices = @transform_6, window_bounds = array<i64: 16, 64>}, {pipeline_mode = #tpu.pipeline_mode<synchronous>, transform_indices = @transform_7, window_bounds = array<i64: 8, 128>}, {transform_indices = @transform_8, window_bounds = array<i64: 256, 64>}]} {
    %get3A = arith.constant 0 : index
    %get3A_0 = arith.constant 0 : index
    %get3A_1 = vector.load %arg4[%get3A, %get3A_0] : memref<8x128xf32, #tpu.memory_space<vmem>>, vector<8x128xf32>
    %get3A_2 = arith.constant 0 : index
    %get3A_3 = arith.constant 0 : index
    %get3A_4 = vector.load %arg6[%get3A_2, %get3A_3] : memref<8x128xf32, #tpu.memory_space<vmem>>, vector<8x128xf32>
    %get3A_5 = arith.constant 0 : index
    %get3A_6 = arith.constant 0 : index
    %get3A_7 = vector.load %arg8[%get3A_5, %get3A_6] : memref<8x128xf32, #tpu.memory_space<vmem>>, vector<8x128xf32>
    %get3A_8 = arith.constant 0 : index
    %get3A_9 = arith.constant 0 : index
    %get3A_10 = vector.load %arg3[%get3A_8, %get3A_9] : memref<8x32xf32, #tpu.memory_space<vmem>>, vector<8x32xf32>
    %get3A_11 = arith.constant 0 : index
    %get3A_12 = arith.constant 0 : index
    %get3A_13 = vector.load %arg5[%get3A_11, %get3A_12] : memref<32x16xf32, #tpu.memory_space<vmem>>, vector<32x16xf32>
    %get3A_14 = arith.constant 0 : index
    %get3A_15 = arith.constant 0 : index
    %get3A_16 = vector.load %arg7[%get3A_14, %get3A_15] : memref<16x64xf32, #tpu.memory_space<vmem>>, vector<16x64xf32>
    %get3A_17 = arith.constant 0 : index
    %get3A_18 = arith.constant 0 : index
    %get3A_19 = vector.load %arg1[%get3A_17, %get3A_18] : memref<4096x8xf32, #tpu.memory_space<vmem>>, vector<4096x8xf32>
    %get3A_20 = arith.constant 0 : index
    %get3A_21 = arith.constant 0 : index
    %get3A_22 = vector.load %arg2[%get3A_20, %get3A_21] : memref<256x8xf32, #tpu.memory_space<vmem>>, vector<256x8xf32>
    %iota3A = tpu.iota {dimensions = array<i32: 1>} : vector<1x8xi32>
    %lt3A = arith.constant 3 : i32
    %lt3A_23 = vector.broadcast %lt3A : i32 to vector<1x8xi32>
    %lt3A_24 = arith.cmpi slt, %iota3A, %lt3A_23 : vector<1x8xi32>
    %convert_element_type3A = arith.extui %lt3A_24 : vector<1x8xi1> to vector<1x8xi32>
    %convert_element_type3A_25 = arith.sitofp %convert_element_type3A : vector<1x8xi32> to vector<1x8xf32>
    %reshape3A = vector.shape_cast %get3A_19 : vector<4096x8xf32> to vector<256x16x8xf32>
    %mul3A = vector.broadcast %convert_element_type3A_25 : vector<1x8xf32> to vector<256x8xf32>
    %mul3A_26 = arith.mulf %get3A_22, %mul3A : vector<256x8xf32>
    %broadcast_in_dim3A = vector.shape_cast %mul3A_26 : vector<256x8xf32> to vector<256x1x8xf32>
    %sub3A = vector.broadcast %broadcast_in_dim3A : vector<256x1x8xf32> to vector<256x16x8xf32>
    %sub3A_27 = arith.subf %reshape3A, %sub3A : vector<256x16x8xf32>
    %reshape3A_28 = vector.shape_cast %sub3A_27 : vector<256x16x8xf32> to vector<4096x8xf32>
    %dot_general3A = arith.constant dense<0.000000e+00> : vector<4096x32xf32>
    %dot_general3A_29 = tpu.matmul %reshape3A_28, %get3A_10, %dot_general3A {dimension_numbers = #tpu.dot_dimension_numbers<[1], [0], [0], [1], [0, 0, 1, 1], [], []>, transpose_lhs_hint = false} : vector<4096x8xf32>, vector<8x32xf32>, vector<4096x32xf32> -> vector<4096x32xf32>
    %slice3A = vector.extract_strided_slice %get3A_1 {offsets = [0, 0], sizes = [1, 32], strides = [1, 1]} : vector<8x128xf32> to vector<1x32xf32>
    %sub3A_30 = vector.broadcast %slice3A : vector<1x32xf32> to vector<4096x32xf32>
    %sub3A_31 = arith.subf %dot_general3A_29, %sub3A_30 : vector<4096x32xf32>
    %slice3A_32 = vector.extract_strided_slice %get3A_1 {offsets = [1, 0], sizes = [1, 32], strides = [1, 1]} : vector<8x128xf32> to vector<1x32xf32>
    %mul3A_33 = vector.broadcast %slice3A_32 : vector<1x32xf32> to vector<4096x32xf32>
    %mul3A_34 = arith.mulf %sub3A_31, %mul3A_33 : vector<4096x32xf32>
    %slice3A_35 = vector.extract_strided_slice %get3A_1 {offsets = [2, 0], sizes = [1, 32], strides = [1, 1]} : vector<8x128xf32> to vector<1x32xf32>
    %mul3A_36 = vector.broadcast %slice3A_35 : vector<1x32xf32> to vector<4096x32xf32>
    %mul3A_37 = arith.mulf %mul3A_34, %mul3A_36 : vector<4096x32xf32>
    %slice3A_38 = vector.extract_strided_slice %get3A_1 {offsets = [3, 0], sizes = [1, 32], strides = [1, 1]} : vector<8x128xf32> to vector<1x32xf32>
    %add3A = vector.broadcast %slice3A_38 : vector<1x32xf32> to vector<4096x32xf32>
    %add3A_39 = arith.addf %mul3A_37, %add3A : vector<4096x32xf32>
    %max3A = arith.constant 0.000000e+00 : f32
    %max3A_40 = vector.broadcast %max3A : f32 to vector<4096x32xf32>
    %max3A_41 = arith.maximumf %add3A_39, %max3A_40 : vector<4096x32xf32>
    %dot_general3A_42 = arith.constant dense<0.000000e+00> : vector<4096x16xf32>
    %dot_general3A_43 = tpu.matmul %max3A_41, %get3A_13, %dot_general3A_42 {dimension_numbers = #tpu.dot_dimension_numbers<[1], [0], [0], [1], [0, 0, 1, 1], [], []>, transpose_lhs_hint = false} : vector<4096x32xf32>, vector<32x16xf32>, vector<4096x16xf32> -> vector<4096x16xf32>
    %slice3A_44 = vector.extract_strided_slice %get3A_4 {offsets = [0, 0], sizes = [1, 16], strides = [1, 1]} : vector<8x128xf32> to vector<1x16xf32>
    %sub3A_45 = vector.broadcast %slice3A_44 : vector<1x16xf32> to vector<4096x16xf32>
    %sub3A_46 = arith.subf %dot_general3A_43, %sub3A_45 : vector<4096x16xf32>
    %slice3A_47 = vector.extract_strided_slice %get3A_4 {offsets = [1, 0], sizes = [1, 16], strides = [1, 1]} : vector<8x128xf32> to vector<1x16xf32>
    %mul3A_48 = vector.broadcast %slice3A_47 : vector<1x16xf32> to vector<4096x16xf32>
    %mul3A_49 = arith.mulf %sub3A_46, %mul3A_48 : vector<4096x16xf32>
    %slice3A_50 = vector.extract_strided_slice %get3A_4 {offsets = [2, 0], sizes = [1, 16], strides = [1, 1]} : vector<8x128xf32> to vector<1x16xf32>
    %mul3A_51 = vector.broadcast %slice3A_50 : vector<1x16xf32> to vector<4096x16xf32>
    %mul3A_52 = arith.mulf %mul3A_49, %mul3A_51 : vector<4096x16xf32>
    %slice3A_53 = vector.extract_strided_slice %get3A_4 {offsets = [3, 0], sizes = [1, 16], strides = [1, 1]} : vector<8x128xf32> to vector<1x16xf32>
    %add3A_54 = vector.broadcast %slice3A_53 : vector<1x16xf32> to vector<4096x16xf32>
    %add3A_55 = arith.addf %mul3A_52, %add3A_54 : vector<4096x16xf32>
    %max3A_56 = arith.constant 0.000000e+00 : f32
    %max3A_57 = vector.broadcast %max3A_56 : f32 to vector<4096x16xf32>
    %max3A_58 = arith.maximumf %add3A_55, %max3A_57 : vector<4096x16xf32>
    %dot_general3A_59 = arith.constant dense<0.000000e+00> : vector<4096x64xf32>
    %dot_general3A_60 = tpu.matmul %max3A_58, %get3A_16, %dot_general3A_59 {dimension_numbers = #tpu.dot_dimension_numbers<[1], [0], [0], [1], [0, 0, 1, 1], [], []>, transpose_lhs_hint = false} : vector<4096x16xf32>, vector<16x64xf32>, vector<4096x64xf32> -> vector<4096x64xf32>
    %slice3A_61 = vector.extract_strided_slice %get3A_7 {offsets = [0, 0], sizes = [1, 64], strides = [1, 1]} : vector<8x128xf32> to vector<1x64xf32>
    %sub3A_62 = vector.broadcast %slice3A_61 : vector<1x64xf32> to vector<4096x64xf32>
    %sub3A_63 = arith.subf %dot_general3A_60, %sub3A_62 : vector<4096x64xf32>
    %slice3A_64 = vector.extract_strided_slice %get3A_7 {offsets = [1, 0], sizes = [1, 64], strides = [1, 1]} : vector<8x128xf32> to vector<1x64xf32>
    %mul3A_65 = vector.broadcast %slice3A_64 : vector<1x64xf32> to vector<4096x64xf32>
    %mul3A_66 = arith.mulf %sub3A_63, %mul3A_65 : vector<4096x64xf32>
    %slice3A_67 = vector.extract_strided_slice %get3A_7 {offsets = [2, 0], sizes = [1, 64], strides = [1, 1]} : vector<8x128xf32> to vector<1x64xf32>
    %mul3A_68 = vector.broadcast %slice3A_67 : vector<1x64xf32> to vector<4096x64xf32>
    %mul3A_69 = arith.mulf %mul3A_66, %mul3A_68 : vector<4096x64xf32>
    %slice3A_70 = vector.extract_strided_slice %get3A_7 {offsets = [3, 0], sizes = [1, 64], strides = [1, 1]} : vector<8x128xf32> to vector<1x64xf32>
    %add3A_71 = vector.broadcast %slice3A_70 : vector<1x64xf32> to vector<4096x64xf32>
    %add3A_72 = arith.addf %mul3A_69, %add3A_71 : vector<4096x64xf32>
    %reshape3A_73 = vector.shape_cast %add3A_72 : vector<4096x64xf32> to vector<256x16x64xf32>
    %slice3A_74 = vector.extract_strided_slice %reshape3A_73 {offsets = [0, 0, 0], sizes = [256, 1, 64], strides = [1, 1, 1]} : vector<256x16x64xf32> to vector<256x1x64xf32>
    %squeeze3A = vector.shape_cast %slice3A_74 : vector<256x1x64xf32> to vector<256x64xf32>
    %slice3A_75 = vector.extract_strided_slice %reshape3A_73 {offsets = [0, 1, 0], sizes = [256, 1, 64], strides = [1, 1, 1]} : vector<256x16x64xf32> to vector<256x1x64xf32>
    %squeeze3A_76 = vector.shape_cast %slice3A_75 : vector<256x1x64xf32> to vector<256x64xf32>
    %max3A_77 = arith.maximumf %squeeze3A, %squeeze3A_76 : vector<256x64xf32>
    %slice3A_78 = vector.extract_strided_slice %reshape3A_73 {offsets = [0, 2, 0], sizes = [256, 1, 64], strides = [1, 1, 1]} : vector<256x16x64xf32> to vector<256x1x64xf32>
    %squeeze3A_79 = vector.shape_cast %slice3A_78 : vector<256x1x64xf32> to vector<256x64xf32>
    %max3A_80 = arith.maximumf %max3A_77, %squeeze3A_79 : vector<256x64xf32>
    %slice3A_81 = vector.extract_strided_slice %reshape3A_73 {offsets = [0, 3, 0], sizes = [256, 1, 64], strides = [1, 1, 1]} : vector<256x16x64xf32> to vector<256x1x64xf32>
    %squeeze3A_82 = vector.shape_cast %slice3A_81 : vector<256x1x64xf32> to vector<256x64xf32>
    %max3A_83 = arith.maximumf %max3A_80, %squeeze3A_82 : vector<256x64xf32>
    %slice3A_84 = vector.extract_strided_slice %reshape3A_73 {offsets = [0, 4, 0], sizes = [256, 1, 64], strides = [1, 1, 1]} : vector<256x16x64xf32> to vector<256x1x64xf32>
    %squeeze3A_85 = vector.shape_cast %slice3A_84 : vector<256x1x64xf32> to vector<256x64xf32>
    %max3A_86 = arith.maximumf %max3A_83, %squeeze3A_85 : vector<256x64xf32>
    %slice3A_87 = vector.extract_strided_slice %reshape3A_73 {offsets = [0, 5, 0], sizes = [256, 1, 64], strides = [1, 1, 1]} : vector<256x16x64xf32> to vector<256x1x64xf32>
    %squeeze3A_88 = vector.shape_cast %slice3A_87 : vector<256x1x64xf32> to vector<256x64xf32>
    %max3A_89 = arith.maximumf %max3A_86, %squeeze3A_88 : vector<256x64xf32>
    %slice3A_90 = vector.extract_strided_slice %reshape3A_73 {offsets = [0, 6, 0], sizes = [256, 1, 64], strides = [1, 1, 1]} : vector<256x16x64xf32> to vector<256x1x64xf32>
    %squeeze3A_91 = vector.shape_cast %slice3A_90 : vector<256x1x64xf32> to vector<256x64xf32>
    %max3A_92 = arith.maximumf %max3A_89, %squeeze3A_91 : vector<256x64xf32>
    %slice3A_93 = vector.extract_strided_slice %reshape3A_73 {offsets = [0, 7, 0], sizes = [256, 1, 64], strides = [1, 1, 1]} : vector<256x16x64xf32> to vector<256x1x64xf32>
    %squeeze3A_94 = vector.shape_cast %slice3A_93 : vector<256x1x64xf32> to vector<256x64xf32>
    %max3A_95 = arith.maximumf %max3A_92, %squeeze3A_94 : vector<256x64xf32>
    %slice3A_96 = vector.extract_strided_slice %reshape3A_73 {offsets = [0, 8, 0], sizes = [256, 1, 64], strides = [1, 1, 1]} : vector<256x16x64xf32> to vector<256x1x64xf32>
    %squeeze3A_97 = vector.shape_cast %slice3A_96 : vector<256x1x64xf32> to vector<256x64xf32>
    %max3A_98 = arith.maximumf %max3A_95, %squeeze3A_97 : vector<256x64xf32>
    %slice3A_99 = vector.extract_strided_slice %reshape3A_73 {offsets = [0, 9, 0], sizes = [256, 1, 64], strides = [1, 1, 1]} : vector<256x16x64xf32> to vector<256x1x64xf32>
    %squeeze3A_100 = vector.shape_cast %slice3A_99 : vector<256x1x64xf32> to vector<256x64xf32>
    %max3A_101 = arith.maximumf %max3A_98, %squeeze3A_100 : vector<256x64xf32>
    %slice3A_102 = vector.extract_strided_slice %reshape3A_73 {offsets = [0, 10, 0], sizes = [256, 1, 64], strides = [1, 1, 1]} : vector<256x16x64xf32> to vector<256x1x64xf32>
    %squeeze3A_103 = vector.shape_cast %slice3A_102 : vector<256x1x64xf32> to vector<256x64xf32>
    %max3A_104 = arith.maximumf %max3A_101, %squeeze3A_103 : vector<256x64xf32>
    %slice3A_105 = vector.extract_strided_slice %reshape3A_73 {offsets = [0, 11, 0], sizes = [256, 1, 64], strides = [1, 1, 1]} : vector<256x16x64xf32> to vector<256x1x64xf32>
    %squeeze3A_106 = vector.shape_cast %slice3A_105 : vector<256x1x64xf32> to vector<256x64xf32>
    %max3A_107 = arith.maximumf %max3A_104, %squeeze3A_106 : vector<256x64xf32>
    %slice3A_108 = vector.extract_strided_slice %reshape3A_73 {offsets = [0, 12, 0], sizes = [256, 1, 64], strides = [1, 1, 1]} : vector<256x16x64xf32> to vector<256x1x64xf32>
    %squeeze3A_109 = vector.shape_cast %slice3A_108 : vector<256x1x64xf32> to vector<256x64xf32>
    %max3A_110 = arith.maximumf %max3A_107, %squeeze3A_109 : vector<256x64xf32>
    %slice3A_111 = vector.extract_strided_slice %reshape3A_73 {offsets = [0, 13, 0], sizes = [256, 1, 64], strides = [1, 1, 1]} : vector<256x16x64xf32> to vector<256x1x64xf32>
    %squeeze3A_112 = vector.shape_cast %slice3A_111 : vector<256x1x64xf32> to vector<256x64xf32>
    %max3A_113 = arith.maximumf %max3A_110, %squeeze3A_112 : vector<256x64xf32>
    %slice3A_114 = vector.extract_strided_slice %reshape3A_73 {offsets = [0, 14, 0], sizes = [256, 1, 64], strides = [1, 1, 1]} : vector<256x16x64xf32> to vector<256x1x64xf32>
    %squeeze3A_115 = vector.shape_cast %slice3A_114 : vector<256x1x64xf32> to vector<256x64xf32>
    %max3A_116 = arith.maximumf %max3A_113, %squeeze3A_115 : vector<256x64xf32>
    %slice3A_117 = vector.extract_strided_slice %reshape3A_73 {offsets = [0, 15, 0], sizes = [256, 1, 64], strides = [1, 1, 1]} : vector<256x16x64xf32> to vector<256x1x64xf32>
    %squeeze3A_118 = vector.shape_cast %slice3A_117 : vector<256x1x64xf32> to vector<256x64xf32>
    %max3A_119 = arith.maximumf %max3A_116, %squeeze3A_118 : vector<256x64xf32>
    %swap3A = arith.constant 0 : index
    %swap3A_120 = arith.constant 0 : index
    %swap3A_121 = vector.load %arg9[%swap3A, %swap3A_120] : memref<256x64xf32, #tpu.memory_space<vmem>>, vector<256x64xf32>
    tpu.vector_store %arg9[%swap3A, %swap3A_120], %max3A_119 {strides = array<i32>} : memref<256x64xf32, #tpu.memory_space<vmem>>, vector<256x64xf32>,
    return
  }
  func.func @transform_0(%arg0: i32) -> (i32, i32) {
    %c0_i32 = arith.constant 0 : i32
    %c0_i32_0 = arith.constant 0 : i32
    return %arg0, %c0_i32 : i32, i32
  }
  func.func @transform_1(%arg0: i32) -> (i32, i32) {
    %c0_i32 = arith.constant 0 : i32
    %c0_i32_0 = arith.constant 0 : i32
    return %arg0, %c0_i32 : i32, i32
  }
  func.func @transform_2(%arg0: i32) -> (i32, i32) {
    %c0_i32 = arith.constant 0 : i32
    %c0_i32_0 = arith.constant 0 : i32
    %c0_i32_1 = arith.constant 0 : i32
    return %c0_i32, %c0_i32_0 : i32, i32
  }
  func.func @transform_3(%arg0: i32) -> (i32, i32) {
    %c0_i32 = arith.constant 0 : i32
    %c0_i32_0 = arith.constant 0 : i32
    %c0_i32_1 = arith.constant 0 : i32
    return %c0_i32, %c0_i32_0 : i32, i32
  }
  func.func @transform_4(%arg0: i32) -> (i32, i32) {
    %c0_i32 = arith.constant 0 : i32
    %c0_i32_0 = arith.constant 0 : i32
    %c0_i32_1 = arith.constant 0 : i32
    return %c0_i32, %c0_i32_0 : i32, i32
  }
  func.func @transform_5(%arg0: i32) -> (i32, i32) {
    %c0_i32 = arith.constant 0 : i32
    %c0_i32_0 = arith.constant 0 : i32
    %c0_i32_1 = arith.constant 0 : i32
    return %c0_i32, %c0_i32_0 : i32, i32
  }
  func.func @transform_6(%arg0: i32) -> (i32, i32) {
    %c0_i32 = arith.constant 0 : i32
    %c0_i32_0 = arith.constant 0 : i32
    %c0_i32_1 = arith.constant 0 : i32
    return %c0_i32, %c0_i32_0 : i32, i32
  }
  func.func @transform_7(%arg0: i32) -> (i32, i32) {
    %c0_i32 = arith.constant 0 : i32
    %c0_i32_0 = arith.constant 0 : i32
    %c0_i32_1 = arith.constant 0 : i32
    return %c0_i32, %c0_i32_0 : i32, i32
  }
  func.func @transform_8(%arg0: i32) -> (i32, i32) {
    %c0_i32 = arith.constant 0 : i32
    %c0_i32_0 = arith.constant 0 : i32
    return %arg0, %c0_i32 : i32, i32
  }
}

module attributes {stable_mosaic.version = 14 : i64} {
  func.func @_bstats(%arg0: i32, %arg1: memref<256x64xf32, #tpu.memory_space<vmem>>, %arg2: memref<64x128xf32, #tpu.memory_space<vmem>>, %arg3: memref<128x64xf32, #tpu.memory_space<vmem>>, %arg4: memref<8x128xf32, #tpu.memory_space<vmem>>) attributes {dimension_semantics = [#tpu.dimension_semantics<arbitrary>], iteration_bounds = array<i64: 200>, scalar_prefetch = 0 : i64, scratch_operands = 0 : i64, tpu.core_type = #tpu.core_type<tc>, window_params = [{transform_indices = @transform_0, window_bounds = array<i64: 256, 64>}, {pipeline_mode = #tpu.pipeline_mode<synchronous>, transform_indices = @transform_1, window_bounds = array<i64: 64, 128>}, {pipeline_mode = #tpu.pipeline_mode<synchronous>, transform_indices = @transform_2, window_bounds = array<i64: 128, 64>}, {pipeline_mode = #tpu.pipeline_mode<synchronous>, transform_indices = @transform_3, window_bounds = array<i64: 8, 128>}]} {
    %get3A = arith.constant 0 : index
    %get3A_0 = arith.constant 0 : index
    %get3A_1 = vector.load %arg1[%get3A, %get3A_0] : memref<256x64xf32, #tpu.memory_space<vmem>>, vector<256x64xf32>
    %get3A_2 = arith.constant 0 : index
    %get3A_3 = arith.constant 0 : index
    %get3A_4 = vector.load %arg2[%get3A_2, %get3A_3] : memref<64x128xf32, #tpu.memory_space<vmem>>, vector<64x128xf32>
    %dot_general3A = arith.constant dense<0.000000e+00> : vector<256x128xf32>
    %dot_general3A_5 = tpu.matmul %get3A_1, %get3A_4, %dot_general3A {dimension_numbers = #tpu.dot_dimension_numbers<[1], [0], [0], [1], [0, 0, 1, 1], [], []>, transpose_lhs_hint = false} : vector<256x64xf32>, vector<64x128xf32>, vector<256x128xf32> -> vector<256x128xf32>
    %max3A = arith.constant 0.000000e+00 : f32
    %max3A_6 = vector.broadcast %max3A : f32 to vector<256x128xf32>
    %max3A_7 = arith.maximumf %dot_general3A_5, %max3A_6 : vector<256x128xf32>
    %get3A_8 = arith.constant 0 : index
    %get3A_9 = arith.constant 0 : index
    %get3A_10 = vector.load %arg3[%get3A_8, %get3A_9] : memref<128x64xf32, #tpu.memory_space<vmem>>, vector<128x64xf32>
    %dot_general3A_11 = arith.constant dense<0.000000e+00> : vector<256x64xf32>
    %dot_general3A_12 = tpu.matmul %max3A_7, %get3A_10, %dot_general3A_11 {dimension_numbers = #tpu.dot_dimension_numbers<[1], [0], [0], [1], [0, 0, 1, 1], [], []>, transpose_lhs_hint = false} : vector<256x128xf32>, vector<128x64xf32>, vector<256x64xf32> -> vector<256x64xf32>
    %iota3A = tpu.iota {dimensions = array<i32: 0>} : vector<256x1xi32>
    %mul3A = arith.constant 256 : i32
    %mul3A_13 = arith.muli %arg0, %mul3A : i32
    %add3A = vector.broadcast %mul3A_13 : i32 to vector<256x1xi32>
    %add3A_14 = arith.addi %iota3A, %add3A : vector<256x1xi32>
    %lt3A = arith.constant 50000 : i32
    %lt3A_15 = vector.broadcast %lt3A : i32 to vector<256x1xi32>
    %lt3A_16 = arith.cmpi slt, %add3A_14, %lt3A_15 : vector<256x1xi32>
    %convert_element_type3A = arith.extui %lt3A_16 : vector<256x1xi1> to vector<256x1xi32>
    %convert_element_type3A_17 = arith.sitofp %convert_element_type3A : vector<256x1xi32> to vector<256x1xf32>
    %mul3A_18 = vector.broadcast %convert_element_type3A_17 : vector<256x1xf32> to vector<256x64xf32>
    %mul3A_19 = arith.mulf %dot_general3A_12, %mul3A_18 : vector<256x64xf32>
    %reduce_sum3A = arith.constant dense<0.000000e+00> : vector<64xf32>
    %reduce_sum3A_20 = vector.multi_reduction <add>, %mul3A_19, %reduce_sum3A [0] : vector<256x64xf32> to vector<64xf32>
    %mul3A_21 = arith.mulf %dot_general3A_12, %dot_general3A_12 : vector<256x64xf32>
    %mul3A_22 = vector.broadcast %convert_element_type3A_17 : vector<256x1xf32> to vector<256x64xf32>
    %mul3A_23 = arith.mulf %mul3A_21, %mul3A_22 : vector<256x64xf32>
    %reduce_sum3A_24 = arith.constant dense<0.000000e+00> : vector<64xf32>
    %reduce_sum3A_25 = vector.multi_reduction <add>, %mul3A_23, %reduce_sum3A_24 [0] : vector<256x64xf32> to vector<64xf32>
    %broadcast_in_dim3A = arith.constant 0.000000e+00 : f32
    %broadcast_in_dim3A_26 = vector.broadcast %broadcast_in_dim3A : f32 to vector<1x64xf32>
    %broadcast_in_dim3A_27 = vector.shape_cast %reduce_sum3A_20 : vector<64xf32> to vector<1x64xf32>
    %concatenate3A = tpu.concatenate %broadcast_in_dim3A_27, %broadcast_in_dim3A_26 in 1 : vector<1x64xf32>, vector<1x64xf32> -> vector<1x128xf32>
    %broadcast_in_dim3A_28 = vector.shape_cast %reduce_sum3A_25 : vector<64xf32> to vector<1x64xf32>
    %concatenate3A_29 = tpu.concatenate %broadcast_in_dim3A_28, %broadcast_in_dim3A_26 in 1 : vector<1x64xf32>, vector<1x64xf32> -> vector<1x128xf32>
    %eq3A = arith.constant 0 : i32
    %eq3A_30 = arith.cmpi eq, %arg0, %eq3A : i32
    %convert_element_type3A_31 = arith.extui %eq3A_30 : i1 to i32
    %cond3A = arith.constant 0 : i32
    %cond3A_32 = arith.cmpi ne, %convert_element_type3A_31, %cond3A : i32
    scf.if %cond3A_32 {
      %broadcast_in_dim3A_37 = arith.constant 0.000000e+00 : f32
      %broadcast_in_dim3A_38 = vector.broadcast %broadcast_in_dim3A_37 : f32 to vector<6x128xf32>
      %concatenate3A_39 = tpu.concatenate %concatenate3A, %concatenate3A_29, %broadcast_in_dim3A_38 in 0 : vector<1x128xf32>, vector<1x128xf32>, vector<6x128xf32> -> vector<8x128xf32>
      %swap3A = arith.constant 0 : index
      %swap3A_40 = arith.constant 0 : index
      %swap3A_41 = vector.load %arg4[%swap3A, %swap3A_40] : memref<8x128xf32, #tpu.memory_space<vmem>>, vector<8x128xf32>
      tpu.vector_store %arg4[%swap3A, %swap3A_40], %concatenate3A_39 {strides = array<i32>} : memref<8x128xf32, #tpu.memory_space<vmem>>, vector<8x128xf32>,
    } else {
    }
    %ne3A = arith.constant 0 : i32
    %ne3A_33 = arith.cmpi ne, %arg0, %ne3A : i32
    %convert_element_type3A_34 = arith.extui %ne3A_33 : i1 to i32
    %cond3A_35 = arith.constant 0 : i32
    %cond3A_36 = arith.cmpi ne, %convert_element_type3A_34, %cond3A_35 : i32
    scf.if %cond3A_36 {
      %get3A_37 = arith.constant 0 : index
      %get3A_38 = arith.constant 0 : index
      %get3A_39 = vector.load %arg4[%get3A_37, %get3A_38] : memref<8x128xf32, #tpu.memory_space<vmem>>, vector<2x128xf32>
      %get3A_40 = arith.constant 2 : index
      %get3A_41 = arith.constant 0 : index
      %get3A_42 = vector.load %arg4[%get3A_40, %get3A_41] : memref<8x128xf32, #tpu.memory_space<vmem>>, vector<2x128xf32>
      %concatenate3A_43 = tpu.concatenate %concatenate3A, %concatenate3A_29 in 0 : vector<1x128xf32>, vector<1x128xf32> -> vector<2x128xf32>
      %sub3A = arith.subf %concatenate3A_43, %get3A_42 : vector<2x128xf32>
      %add3A_44 = arith.addf %get3A_39, %sub3A : vector<2x128xf32>
      %sub3A_45 = arith.subf %add3A_44, %get3A_39 : vector<2x128xf32>
      %sub3A_46 = arith.subf %sub3A_45, %sub3A : vector<2x128xf32>
      %swap3A = arith.constant 2 : index
      %swap3A_47 = arith.constant 0 : index
      %swap3A_48 = vector.load %arg4[%swap3A, %swap3A_47] : memref<8x128xf32, #tpu.memory_space<vmem>>, vector<2x128xf32>
      tpu.vector_store %arg4[%swap3A, %swap3A_47], %sub3A_46 {strides = array<i32>} : memref<8x128xf32, #tpu.memory_space<vmem>>, vector<2x128xf32>,
      %swap3A_49 = arith.constant 0 : index
      %swap3A_50 = arith.constant 0 : index
      %swap3A_51 = vector.load %arg4[%swap3A_49, %swap3A_50] : memref<8x128xf32, #tpu.memory_space<vmem>>, vector<2x128xf32>
      tpu.vector_store %arg4[%swap3A_49, %swap3A_50], %add3A_44 {strides = array<i32>} : memref<8x128xf32, #tpu.memory_space<vmem>>, vector<2x128xf32>,
    } else {
    }
    return
  }
  func.func @transform_0(%arg0: i32) -> (i32, i32) {
    %c0_i32 = arith.constant 0 : i32
    %c0_i32_0 = arith.constant 0 : i32
    return %arg0, %c0_i32 : i32, i32
  }
  func.func @transform_1(%arg0: i32) -> (i32, i32) {
    %c0_i32 = arith.constant 0 : i32
    %c0_i32_0 = arith.constant 0 : i32
    %c0_i32_1 = arith.constant 0 : i32
    return %c0_i32, %c0_i32_0 : i32, i32
  }
  func.func @transform_2(%arg0: i32) -> (i32, i32) {
    %c0_i32 = arith.constant 0 : i32
    %c0_i32_0 = arith.constant 0 : i32
    %c0_i32_1 = arith.constant 0 : i32
    return %c0_i32, %c0_i32_0 : i32, i32
  }
  func.func @transform_3(%arg0: i32) -> (i32, i32) {
    %c0_i32 = arith.constant 0 : i32
    %c0_i32_0 = arith.constant 0 : i32
    %c0_i32_1 = arith.constant 0 : i32
    return %c0_i32, %c0_i32_0 : i32, i32
  }
}

module attributes {stable_mosaic.version = 14 : i64} {
  func.func @_bupdate(%arg0: i32, %arg1: memref<256x64xf32, #tpu.memory_space<vmem>>, %arg2: memref<256x64xf32, #tpu.memory_space<vmem>>, %arg3: memref<64x128xf32, #tpu.memory_space<vmem>>, %arg4: memref<128x64xf32, #tpu.memory_space<vmem>>, %arg5: memref<8x128xf32, #tpu.memory_space<vmem>>, %arg6: memref<256x64xf32, #tpu.memory_space<vmem>>) attributes {dimension_semantics = [#tpu.dimension_semantics<arbitrary>], iteration_bounds = array<i64: 200>, scalar_prefetch = 0 : i64, scratch_operands = 0 : i64, tpu.core_type = #tpu.core_type<tc>, window_params = [{transform_indices = @transform_0, window_bounds = array<i64: 256, 64>}, {transform_indices = @transform_1, window_bounds = array<i64: 256, 64>}, {pipeline_mode = #tpu.pipeline_mode<synchronous>, transform_indices = @transform_2, window_bounds = array<i64: 64, 128>}, {pipeline_mode = #tpu.pipeline_mode<synchronous>, transform_indices = @transform_3, window_bounds = array<i64: 128, 64>}, {pipeline_mode = #tpu.pipeline_mode<synchronous>, transform_indices = @transform_4, window_bounds = array<i64: 8, 128>}, {transform_indices = @transform_5, window_bounds = array<i64: 256, 64>}]} {
    %get3A = arith.constant 0 : index
    %get3A_0 = arith.constant 0 : index
    %get3A_1 = vector.load %arg1[%get3A, %get3A_0] : memref<256x64xf32, #tpu.memory_space<vmem>>, vector<256x64xf32>
    %get3A_2 = arith.constant 0 : index
    %get3A_3 = arith.constant 0 : index
    %get3A_4 = vector.load %arg3[%get3A_2, %get3A_3] : memref<64x128xf32, #tpu.memory_space<vmem>>, vector<64x128xf32>
    %dot_general3A = arith.constant dense<0.000000e+00> : vector<256x128xf32>
    %dot_general3A_5 = tpu.matmul %get3A_1, %get3A_4, %dot_general3A {dimension_numbers = #tpu.dot_dimension_numbers<[1], [0], [0], [1], [0, 0, 1, 1], [], []>, transpose_lhs_hint = false} : vector<256x64xf32>, vector<64x128xf32>, vector<256x128xf32> -> vector<256x128xf32>
    %max3A = arith.constant 0.000000e+00 : f32
    %max3A_6 = vector.broadcast %max3A : f32 to vector<256x128xf32>
    %max3A_7 = arith.maximumf %dot_general3A_5, %max3A_6 : vector<256x128xf32>
    %get3A_8 = arith.constant 0 : index
    %get3A_9 = arith.constant 0 : index
    %get3A_10 = vector.load %arg4[%get3A_8, %get3A_9] : memref<128x64xf32, #tpu.memory_space<vmem>>, vector<128x64xf32>
    %dot_general3A_11 = arith.constant dense<0.000000e+00> : vector<256x64xf32>
    %dot_general3A_12 = tpu.matmul %max3A_7, %get3A_10, %dot_general3A_11 {dimension_numbers = #tpu.dot_dimension_numbers<[1], [0], [0], [1], [0, 0, 1, 1], [], []>, transpose_lhs_hint = false} : vector<256x128xf32>, vector<128x64xf32>, vector<256x64xf32> -> vector<256x64xf32>
    %get3A_13 = arith.constant 0 : index
    %get3A_14 = arith.constant 0 : index
    %get3A_15 = vector.load %arg5[%get3A_13, %get3A_14] : memref<8x128xf32, #tpu.memory_space<vmem>>, vector<8x128xf32>
    %get3A_16 = arith.constant 0 : index
    %get3A_17 = arith.constant 0 : index
    %get3A_18 = vector.load %arg2[%get3A_16, %get3A_17] : memref<256x64xf32, #tpu.memory_space<vmem>>, vector<256x64xf32>
    %slice3A = vector.extract_strided_slice %get3A_15 {offsets = [0, 0], sizes = [1, 64], strides = [1, 1]} : vector<8x128xf32> to vector<1x64xf32>
    %sub3A = vector.broadcast %slice3A : vector<1x64xf32> to vector<256x64xf32>
    %sub3A_19 = arith.subf %dot_general3A_12, %sub3A : vector<256x64xf32>
    %slice3A_20 = vector.extract_strided_slice %get3A_15 {offsets = [1, 0], sizes = [1, 64], strides = [1, 1]} : vector<8x128xf32> to vector<1x64xf32>
    %mul3A = vector.broadcast %slice3A_20 : vector<1x64xf32> to vector<256x64xf32>
    %mul3A_21 = arith.mulf %sub3A_19, %mul3A : vector<256x64xf32>
    %slice3A_22 = vector.extract_strided_slice %get3A_15 {offsets = [2, 0], sizes = [1, 64], strides = [1, 1]} : vector<8x128xf32> to vector<1x64xf32>
    %mul3A_23 = vector.broadcast %slice3A_22 : vector<1x64xf32> to vector<256x64xf32>
    %mul3A_24 = arith.mulf %mul3A_21, %mul3A_23 : vector<256x64xf32>
    %slice3A_25 = vector.extract_strided_slice %get3A_15 {offsets = [3, 0], sizes = [1, 64], strides = [1, 1]} : vector<8x128xf32> to vector<1x64xf32>
    %add3A = vector.broadcast %slice3A_25 : vector<1x64xf32> to vector<256x64xf32>
    %add3A_26 = arith.addf %mul3A_24, %add3A : vector<256x64xf32>
    %add3A_27 = arith.addf %get3A_18, %add3A_26 : vector<256x64xf32>
    %swap3A = arith.constant 0 : index
    %swap3A_28 = arith.constant 0 : index
    %swap3A_29 = vector.load %arg6[%swap3A, %swap3A_28] : memref<256x64xf32, #tpu.memory_space<vmem>>, vector<256x64xf32>
    tpu.vector_store %arg6[%swap3A, %swap3A_28], %add3A_27 {strides = array<i32>} : memref<256x64xf32, #tpu.memory_space<vmem>>, vector<256x64xf32>,
    return
  }
  func.func @transform_0(%arg0: i32) -> (i32, i32) {
    %c0_i32 = arith.constant 0 : i32
    %c0_i32_0 = arith.constant 0 : i32
    return %arg0, %c0_i32 : i32, i32
  }
  func.func @transform_1(%arg0: i32) -> (i32, i32) {
    %c0_i32 = arith.constant 0 : i32
    %c0_i32_0 = arith.constant 0 : i32
    return %arg0, %c0_i32 : i32, i32
  }
  func.func @transform_2(%arg0: i32) -> (i32, i32) {
    %c0_i32 = arith.constant 0 : i32
    %c0_i32_0 = arith.constant 0 : i32
    %c0_i32_1 = arith.constant 0 : i32
    return %c0_i32, %c0_i32_0 : i32, i32
  }
  func.func @transform_3(%arg0: i32) -> (i32, i32) {
    %c0_i32 = arith.constant 0 : i32
    %c0_i32_0 = arith.constant 0 : i32
    %c0_i32_1 = arith.constant 0 : i32
    return %c0_i32, %c0_i32_0 : i32, i32
  }
  func.func @transform_4(%arg0: i32) -> (i32, i32) {
    %c0_i32 = arith.constant 0 : i32
    %c0_i32_0 = arith.constant 0 : i32
    %c0_i32_1 = arith.constant 0 : i32
    return %c0_i32, %c0_i32_0 : i32, i32
  }
  func.func @transform_5(%arg0: i32) -> (i32, i32) {
    %c0_i32 = arith.constant 0 : i32
    %c0_i32_0 = arith.constant 0 : i32
    return %arg0, %c0_i32 : i32, i32
  }
}

module attributes {stable_mosaic.version = 14 : i64} {
  func.func @_bupdate_stats(%arg0: i32, %arg1: memref<256x64xf32, #tpu.memory_space<vmem>>, %arg2: memref<256x64xf32, #tpu.memory_space<vmem>>, %arg3: memref<64x128xf32, #tpu.memory_space<vmem>>, %arg4: memref<128x64xf32, #tpu.memory_space<vmem>>, %arg5: memref<8x128xf32, #tpu.memory_space<vmem>>, %arg6: memref<256x64xf32, #tpu.memory_space<vmem>>, %arg7: memref<8x128xf32, #tpu.memory_space<vmem>>) attributes {dimension_semantics = [#tpu.dimension_semantics<arbitrary>], iteration_bounds = array<i64: 200>, scalar_prefetch = 0 : i64, scratch_operands = 0 : i64, tpu.core_type = #tpu.core_type<tc>, window_params = [{transform_indices = @transform_0, window_bounds = array<i64: 256, 64>}, {transform_indices = @transform_1, window_bounds = array<i64: 256, 64>}, {pipeline_mode = #tpu.pipeline_mode<synchronous>, transform_indices = @transform_2, window_bounds = array<i64: 64, 128>}, {pipeline_mode = #tpu.pipeline_mode<synchronous>, transform_indices = @transform_3, window_bounds = array<i64: 128, 64>}, {pipeline_mode = #tpu.pipeline_mode<synchronous>, transform_indices = @transform_4, window_bounds = array<i64: 8, 128>}, {transform_indices = @transform_5, window_bounds = array<i64: 256, 64>}, {pipeline_mode = #tpu.pipeline_mode<synchronous>, transform_indices = @transform_6, window_bounds = array<i64: 8, 128>}]} {
    %get3A = arith.constant 0 : index
    %get3A_0 = arith.constant 0 : index
    %get3A_1 = vector.load %arg1[%get3A, %get3A_0] : memref<256x64xf32, #tpu.memory_space<vmem>>, vector<256x64xf32>
    %get3A_2 = arith.constant 0 : index
    %get3A_3 = arith.constant 0 : index
    %get3A_4 = vector.load %arg3[%get3A_2, %get3A_3] : memref<64x128xf32, #tpu.memory_space<vmem>>, vector<64x128xf32>
    %dot_general3A = arith.constant dense<0.000000e+00> : vector<256x128xf32>
    %dot_general3A_5 = tpu.matmul %get3A_1, %get3A_4, %dot_general3A {dimension_numbers = #tpu.dot_dimension_numbers<[1], [0], [0], [1], [0, 0, 1, 1], [], []>, transpose_lhs_hint = false} : vector<256x64xf32>, vector<64x128xf32>, vector<256x128xf32> -> vector<256x128xf32>
    %max3A = arith.constant 0.000000e+00 : f32
    %max3A_6 = vector.broadcast %max3A : f32 to vector<256x128xf32>
    %max3A_7 = arith.maximumf %dot_general3A_5, %max3A_6 : vector<256x128xf32>
    %get3A_8 = arith.constant 0 : index
    %get3A_9 = arith.constant 0 : index
    %get3A_10 = vector.load %arg4[%get3A_8, %get3A_9] : memref<128x64xf32, #tpu.memory_space<vmem>>, vector<128x64xf32>
    %dot_general3A_11 = arith.constant dense<0.000000e+00> : vector<256x64xf32>
    %dot_general3A_12 = tpu.matmul %max3A_7, %get3A_10, %dot_general3A_11 {dimension_numbers = #tpu.dot_dimension_numbers<[1], [0], [0], [1], [0, 0, 1, 1], [], []>, transpose_lhs_hint = false} : vector<256x128xf32>, vector<128x64xf32>, vector<256x64xf32> -> vector<256x64xf32>
    %get3A_13 = arith.constant 0 : index
    %get3A_14 = arith.constant 0 : index
    %get3A_15 = vector.load %arg5[%get3A_13, %get3A_14] : memref<8x128xf32, #tpu.memory_space<vmem>>, vector<8x128xf32>
    %get3A_16 = arith.constant 0 : index
    %get3A_17 = arith.constant 0 : index
    %get3A_18 = vector.load %arg2[%get3A_16, %get3A_17] : memref<256x64xf32, #tpu.memory_space<vmem>>, vector<256x64xf32>
    %slice3A = vector.extract_strided_slice %get3A_15 {offsets = [0, 0], sizes = [1, 64], strides = [1, 1]} : vector<8x128xf32> to vector<1x64xf32>
    %sub3A = vector.broadcast %slice3A : vector<1x64xf32> to vector<256x64xf32>
    %sub3A_19 = arith.subf %dot_general3A_12, %sub3A : vector<256x64xf32>
    %slice3A_20 = vector.extract_strided_slice %get3A_15 {offsets = [1, 0], sizes = [1, 64], strides = [1, 1]} : vector<8x128xf32> to vector<1x64xf32>
    %mul3A = vector.broadcast %slice3A_20 : vector<1x64xf32> to vector<256x64xf32>
    %mul3A_21 = arith.mulf %sub3A_19, %mul3A : vector<256x64xf32>
    %slice3A_22 = vector.extract_strided_slice %get3A_15 {offsets = [2, 0], sizes = [1, 64], strides = [1, 1]} : vector<8x128xf32> to vector<1x64xf32>
    %mul3A_23 = vector.broadcast %slice3A_22 : vector<1x64xf32> to vector<256x64xf32>
    %mul3A_24 = arith.mulf %mul3A_21, %mul3A_23 : vector<256x64xf32>
    %slice3A_25 = vector.extract_strided_slice %get3A_15 {offsets = [3, 0], sizes = [1, 64], strides = [1, 1]} : vector<8x128xf32> to vector<1x64xf32>
    %add3A = vector.broadcast %slice3A_25 : vector<1x64xf32> to vector<256x64xf32>
    %add3A_26 = arith.addf %mul3A_24, %add3A : vector<256x64xf32>
    %add3A_27 = arith.addf %get3A_18, %add3A_26 : vector<256x64xf32>
    %swap3A = arith.constant 0 : index
    %swap3A_28 = arith.constant 0 : index
    %swap3A_29 = vector.load %arg6[%swap3A, %swap3A_28] : memref<256x64xf32, #tpu.memory_space<vmem>>, vector<256x64xf32>
    tpu.vector_store %arg6[%swap3A, %swap3A_28], %add3A_27 {strides = array<i32>} : memref<256x64xf32, #tpu.memory_space<vmem>>, vector<256x64xf32>,
    %iota3A = tpu.iota {dimensions = array<i32: 0>} : vector<256x1xi32>
    %mul3A_30 = arith.constant 256 : i32
    %mul3A_31 = arith.muli %arg0, %mul3A_30 : i32
    %add3A_32 = vector.broadcast %mul3A_31 : i32 to vector<256x1xi32>
    %add3A_33 = arith.addi %iota3A, %add3A_32 : vector<256x1xi32>
    %lt3A = arith.constant 50000 : i32
    %lt3A_34 = vector.broadcast %lt3A : i32 to vector<256x1xi32>
    %lt3A_35 = arith.cmpi slt, %add3A_33, %lt3A_34 : vector<256x1xi32>
    %convert_element_type3A = arith.extui %lt3A_35 : vector<256x1xi1> to vector<256x1xi32>
    %convert_element_type3A_36 = arith.sitofp %convert_element_type3A : vector<256x1xi32> to vector<256x1xf32>
    %mul3A_37 = vector.broadcast %convert_element_type3A_36 : vector<256x1xf32> to vector<256x64xf32>
    %mul3A_38 = arith.mulf %add3A_27, %mul3A_37 : vector<256x64xf32>
    %reduce_sum3A = arith.constant dense<0.000000e+00> : vector<64xf32>
    %reduce_sum3A_39 = vector.multi_reduction <add>, %mul3A_38, %reduce_sum3A [0] : vector<256x64xf32> to vector<64xf32>
    %mul3A_40 = arith.mulf %add3A_27, %add3A_27 : vector<256x64xf32>
    %mul3A_41 = vector.broadcast %convert_element_type3A_36 : vector<256x1xf32> to vector<256x64xf32>
    %mul3A_42 = arith.mulf %mul3A_40, %mul3A_41 : vector<256x64xf32>
    %reduce_sum3A_43 = arith.constant dense<0.000000e+00> : vector<64xf32>
    %reduce_sum3A_44 = vector.multi_reduction <add>, %mul3A_42, %reduce_sum3A_43 [0] : vector<256x64xf32> to vector<64xf32>
    %broadcast_in_dim3A = arith.constant 0.000000e+00 : f32
    %broadcast_in_dim3A_45 = vector.broadcast %broadcast_in_dim3A : f32 to vector<1x64xf32>
    %broadcast_in_dim3A_46 = vector.shape_cast %reduce_sum3A_39 : vector<64xf32> to vector<1x64xf32>
    %concatenate3A = tpu.concatenate %broadcast_in_dim3A_46, %broadcast_in_dim3A_45 in 1 : vector<1x64xf32>, vector<1x64xf32> -> vector<1x128xf32>
    %broadcast_in_dim3A_47 = vector.shape_cast %reduce_sum3A_44 : vector<64xf32> to vector<1x64xf32>
    %concatenate3A_48 = tpu.concatenate %broadcast_in_dim3A_47, %broadcast_in_dim3A_45 in 1 : vector<1x64xf32>, vector<1x64xf32> -> vector<1x128xf32>
    %eq3A = arith.constant 0 : i32
    %eq3A_49 = arith.cmpi eq, %arg0, %eq3A : i32
    %convert_element_type3A_50 = arith.extui %eq3A_49 : i1 to i32
    %cond3A = arith.constant 0 : i32
    %cond3A_51 = arith.cmpi ne, %convert_element_type3A_50, %cond3A : i32
    scf.if %cond3A_51 {
      %broadcast_in_dim3A_56 = arith.constant 0.000000e+00 : f32
      %broadcast_in_dim3A_57 = vector.broadcast %broadcast_in_dim3A_56 : f32 to vector<6x128xf32>
      %concatenate3A_58 = tpu.concatenate %concatenate3A, %concatenate3A_48, %broadcast_in_dim3A_57 in 0 : vector<1x128xf32>, vector<1x128xf32>, vector<6x128xf32> -> vector<8x128xf32>
      %swap3A_59 = arith.constant 0 : index
      %swap3A_60 = arith.constant 0 : index
      %swap3A_61 = vector.load %arg7[%swap3A_59, %swap3A_60] : memref<8x128xf32, #tpu.memory_space<vmem>>, vector<8x128xf32>
      tpu.vector_store %arg7[%swap3A_59, %swap3A_60], %concatenate3A_58 {strides = array<i32>} : memref<8x128xf32, #tpu.memory_space<vmem>>, vector<8x128xf32>,
    } else {
    }
    %ne3A = arith.constant 0 : i32
    %ne3A_52 = arith.cmpi ne, %arg0, %ne3A : i32
    %convert_element_type3A_53 = arith.extui %ne3A_52 : i1 to i32
    %cond3A_54 = arith.constant 0 : i32
    %cond3A_55 = arith.cmpi ne, %convert_element_type3A_53, %cond3A_54 : i32
    scf.if %cond3A_55 {
      %get3A_56 = arith.constant 0 : index
      %get3A_57 = arith.constant 0 : index
      %get3A_58 = vector.load %arg7[%get3A_56, %get3A_57] : memref<8x128xf32, #tpu.memory_space<vmem>>, vector<2x128xf32>
      %get3A_59 = arith.constant 2 : index
      %get3A_60 = arith.constant 0 : index
      %get3A_61 = vector.load %arg7[%get3A_59, %get3A_60] : memref<8x128xf32, #tpu.memory_space<vmem>>, vector<2x128xf32>
      %concatenate3A_62 = tpu.concatenate %concatenate3A, %concatenate3A_48 in 0 : vector<1x128xf32>, vector<1x128xf32> -> vector<2x128xf32>
      %sub3A_63 = arith.subf %concatenate3A_62, %get3A_61 : vector<2x128xf32>
      %add3A_64 = arith.addf %get3A_58, %sub3A_63 : vector<2x128xf32>
      %sub3A_65 = arith.subf %add3A_64, %get3A_58 : vector<2x128xf32>
      %sub3A_66 = arith.subf %sub3A_65, %sub3A_63 : vector<2x128xf32>
      %swap3A_67 = arith.constant 2 : index
      %swap3A_68 = arith.constant 0 : index
      %swap3A_69 = vector.load %arg7[%swap3A_67, %swap3A_68] : memref<8x128xf32, #tpu.memory_space<vmem>>, vector<2x128xf32>
      tpu.vector_store %arg7[%swap3A_67, %swap3A_68], %sub3A_66 {strides = array<i32>} : memref<8x128xf32, #tpu.memory_space<vmem>>, vector<2x128xf32>,
      %swap3A_70 = arith.constant 0 : index
      %swap3A_71 = arith.constant 0 : index
      %swap3A_72 = vector.load %arg7[%swap3A_70, %swap3A_71] : memref<8x128xf32, #tpu.memory_space<vmem>>, vector<2x128xf32>
      tpu.vector_store %arg7[%swap3A_70, %swap3A_71], %add3A_64 {strides = array<i32>} : memref<8x128xf32, #tpu.memory_space<vmem>>, vector<2x128xf32>,
    } else {
    }
    return
  }
  func.func @transform_0(%arg0: i32) -> (i32, i32) {
    %c0_i32 = arith.constant 0 : i32
    %c0_i32_0 = arith.constant 0 : i32
    return %arg0, %c0_i32 : i32, i32
  }
  func.func @transform_1(%arg0: i32) -> (i32, i32) {
    %c0_i32 = arith.constant 0 : i32
    %c0_i32_0 = arith.constant 0 : i32
    return %arg0, %c0_i32 : i32, i32
  }
  func.func @transform_2(%arg0: i32) -> (i32, i32) {
    %c0_i32 = arith.constant 0 : i32
    %c0_i32_0 = arith.constant 0 : i32
    %c0_i32_1 = arith.constant 0 : i32
    return %c0_i32, %c0_i32_0 : i32, i32
  }
  func.func @transform_3(%arg0: i32) -> (i32, i32) {
    %c0_i32 = arith.constant 0 : i32
    %c0_i32_0 = arith.constant 0 : i32
    %c0_i32_1 = arith.constant 0 : i32
    return %c0_i32, %c0_i32_0 : i32, i32
  }
  func.func @transform_4(%arg0: i32) -> (i32, i32) {
    %c0_i32 = arith.constant 0 : i32
    %c0_i32_0 = arith.constant 0 : i32
    %c0_i32_1 = arith.constant 0 : i32
    return %c0_i32, %c0_i32_0 : i32, i32
  }
  func.func @transform_5(%arg0: i32) -> (i32, i32) {
    %c0_i32 = arith.constant 0 : i32
    %c0_i32_0 = arith.constant 0 : i32
    return %arg0, %c0_i32 : i32, i32
  }
  func.func @transform_6(%arg0: i32) -> (i32, i32) {
    %c0_i32 = arith.constant 0 : i32
    %c0_i32_0 = arith.constant 0 : i32
    %c0_i32_1 = arith.constant 0 : i32
    return %c0_i32, %c0_i32_0 : i32, i32
  }
}

module attributes {stable_mosaic.version = 14 : i64} {
  func.func @_decoder(%arg0: i32, %arg1: memref<256x64xf32, #tpu.memory_space<vmem>>, %arg2: memref<8x128xf32, #tpu.memory_space<vmem>>, %arg3: memref<64x256xf32, #tpu.memory_space<vmem>>, %arg4: memref<256x256xf32, #tpu.memory_space<vmem>>) attributes {dimension_semantics = [#tpu.dimension_semantics<arbitrary>], iteration_bounds = array<i64: 200>, scalar_prefetch = 0 : i64, scratch_operands = 0 : i64, tpu.core_type = #tpu.core_type<tc>, window_params = [{transform_indices = @transform_0, window_bounds = array<i64: 256, 64>}, {pipeline_mode = #tpu.pipeline_mode<synchronous>, transform_indices = @transform_1, window_bounds = array<i64: 8, 128>}, {pipeline_mode = #tpu.pipeline_mode<synchronous>, transform_indices = @transform_2, window_bounds = array<i64: 64, 256>}, {transform_indices = @transform_3, window_bounds = array<i64: 256, 256>}]} {
    %get3A = arith.constant 0 : index
    %get3A_0 = arith.constant 0 : index
    %get3A_1 = vector.load %arg2[%get3A, %get3A_0] : memref<8x128xf32, #tpu.memory_space<vmem>>, vector<8x128xf32>
    %get3A_2 = arith.constant 0 : index
    %get3A_3 = arith.constant 0 : index
    %get3A_4 = vector.load %arg1[%get3A_2, %get3A_3] : memref<256x64xf32, #tpu.memory_space<vmem>>, vector<256x64xf32>
    %slice3A = vector.extract_strided_slice %get3A_1 {offsets = [0, 0], sizes = [1, 64], strides = [1, 1]} : vector<8x128xf32> to vector<1x64xf32>
    %sub3A = vector.broadcast %slice3A : vector<1x64xf32> to vector<256x64xf32>
    %sub3A_5 = arith.subf %get3A_4, %sub3A : vector<256x64xf32>
    %slice3A_6 = vector.extract_strided_slice %get3A_1 {offsets = [1, 0], sizes = [1, 64], strides = [1, 1]} : vector<8x128xf32> to vector<1x64xf32>
    %mul3A = vector.broadcast %slice3A_6 : vector<1x64xf32> to vector<256x64xf32>
    %mul3A_7 = arith.mulf %sub3A_5, %mul3A : vector<256x64xf32>
    %slice3A_8 = vector.extract_strided_slice %get3A_1 {offsets = [2, 0], sizes = [1, 64], strides = [1, 1]} : vector<8x128xf32> to vector<1x64xf32>
    %mul3A_9 = vector.broadcast %slice3A_8 : vector<1x64xf32> to vector<256x64xf32>
    %mul3A_10 = arith.mulf %mul3A_7, %mul3A_9 : vector<256x64xf32>
    %slice3A_11 = vector.extract_strided_slice %get3A_1 {offsets = [3, 0], sizes = [1, 64], strides = [1, 1]} : vector<8x128xf32> to vector<1x64xf32>
    %add3A = vector.broadcast %slice3A_11 : vector<1x64xf32> to vector<256x64xf32>
    %add3A_12 = arith.addf %mul3A_10, %add3A : vector<256x64xf32>
    %get3A_13 = arith.constant 0 : index
    %get3A_14 = arith.constant 0 : index
    %get3A_15 = vector.load %arg3[%get3A_13, %get3A_14] : memref<64x256xf32, #tpu.memory_space<vmem>>, vector<64x256xf32>
    %dot_general3A = arith.constant dense<0.000000e+00> : vector<256x256xf32>
    %dot_general3A_16 = tpu.matmul %add3A_12, %get3A_15, %dot_general3A {dimension_numbers = #tpu.dot_dimension_numbers<[1], [0], [0], [1], [0, 0, 1, 1], [], []>, transpose_lhs_hint = false} : vector<256x64xf32>, vector<64x256xf32>, vector<256x256xf32> -> vector<256x256xf32>
    %swap3A = arith.constant 0 : index
    %swap3A_17 = arith.constant 0 : index
    %swap3A_18 = vector.load %arg4[%swap3A, %swap3A_17] : memref<256x256xf32, #tpu.memory_space<vmem>>, vector<256x256xf32>
    tpu.vector_store %arg4[%swap3A, %swap3A_17], %dot_general3A_16 {strides = array<i32>} : memref<256x256xf32, #tpu.memory_space<vmem>>, vector<256x256xf32>,
    return
  }
  func.func @transform_0(%arg0: i32) -> (i32, i32) {
    %c0_i32 = arith.constant 0 : i32
    %c0_i32_0 = arith.constant 0 : i32
    return %arg0, %c0_i32 : i32, i32
  }
  func.func @transform_1(%arg0: i32) -> (i32, i32) {
    %c0_i32 = arith.constant 0 : i32
    %c0_i32_0 = arith.constant 0 : i32
    %c0_i32_1 = arith.constant 0 : i32
    return %c0_i32, %c0_i32_0 : i32, i32
  }
  func.func @transform_2(%arg0: i32) -> (i32, i32) {
    %c0_i32 = arith.constant 0 : i32
    %c0_i32_0 = arith.constant 0 : i32
    %c0_i32_1 = arith.constant 0 : i32
    return %c0_i32, %c0_i32_0 : i32, i32
  }
  func.func @transform_3(%arg0: i32) -> (i32, i32) {
    %c0_i32 = arith.constant 0 : i32
    %c0_i32_0 = arith.constant 0 : i32
    return %arg0, %c0_i32 : i32, i32
  }
}

</mosaic_0001>

<sc_bundles>
// kernel: kernel.20.cloned.1.call-start
scs
__scs_entry_jumppad:
0x0: {  	(pc) =	sbr.rel $0x88, $3  }
0x1: {  	(tag) =	ssettag $0x0;
	lr =	simm.s32 $0x1  }
0x2: {  	[smem:$0x3F82] =	sst lr;
	_ =	strace $0xD0000000  }
0x3: {  	_ = 	snop  }
0x4: {  	_ = 	snop  }
0x5: {  	_ = 	snop  }
0x6: {  	_ = 	snop  }
0x7: {  	_ = 	snop  }
__scs_overlays_trampoline_lowered:
0x8: {  	[smem:$0x3F91] =	sst s0  }
0x9: {  	[smem:$0x3F92] =	sst s1  }
0xa: {  	[smem:$0x3F93] =	sst s2  }
0xb: {  	[smem:$0x3F94] =	sst s3  }
0xc: {  	[smem:$0x3F95] =	sst s4  }
0xd: {  	[smem:$0x3F96] =	sst s5  }
0xe: {  	[smem:$0x3F97] =	sst s6  }
0xf: {  	[smem:$0x3F98] =	sst s7  }
0x10: {  	[smem:$0x3F99] =	sst s8  }
0x11: {  	[smem:$0x3F9A] =	sst s9;
	s0 =	simm.s32 @!p0 $0x0  }
0x12: {  	s1 =	sld [smem:$0x3F80];
	s0 =	simm.s32 @p0 $0x1  }
0x13: {  	[smem:$0x3F9B] =	sst s0;
	s0 =	simm.s32 @!p1 $0x0  }
0x14: {  	s2 =	sld [smem:$0x3F7F];
	s0 =	simm.s32 @p1 $0x1  }
0x15: {  	[smem:$0x3F9C] =	sst s0;
	s0 =	simm.s32 @!p2 $0x0  }
0x16: {  	s3 =	sld [smem:$0x3FDB];
	s0 =	simm.s32 @p2 $0x1  }
0x17: {  	s4 =	simm.s32 $0x1BF5;
	[smem:$0x3F9E] =	sst s0  }
0x18: {  	s0 =	sld [smem:$0x3F81];
	_ =	swait.ge [sflag:s4], $0x0  }
0x19: {  	s7 =	sld [smem:$0x3F82]  }
0x1a: {  	s8 =	sadd.s32 $0xFFFFE003, lr  }
0x1b: {  	s9 =	sadd.s32 $0xFFFFFEF7, lr;
	s5 =	simm.s32 $0xFFFFFFFF;
	p2 =	slt.u32 s8, $0xFFFFF086  }
0x1c: {  	p1 =	slt.u32 s9, $0xF7A;
	s5 =	simm.s32 @!p2 $0x0  }
0x1d: {  	s5 =	simm.s32 @p1 $0x1;
	p0 =	seq.s32 s7, s2  }
0x1e: {  	s7 =	smul.u32 @!p0 $0xF7A, s2;
	p2 =	seq.s32 @!p0 s5, $0x0  }
0x1f: {  	s9 =	smul.u32 $0xF7A, s1;
	s8 =	simm.s32 @!p0 $0x1BF5;
	p2 =	por !p2, p0  }
0x20: {  	[sflag:s8] =	ssyncset.s32 @!p0 $0xFFFFF086;
	s6 =	sadd.s32 @!p0 s3, s7;
	s7 =	simm.s32 @!p0 $0x108  }
0x21: {  	s3 =	sadd.s32 s3, s9;
	s6 =	sadd.s32 @!p0 $0x88, s6;
	s7 =	simm.s32 @p2 $0x1082  }
0x22: {  	[simem:s7], [sflag:s8] =	dma.local @!p0 [hbm:s6], $0xF7A  }
0x23: {  	s9 =	sor.u32 $0xD0000000, s2;
	s6 =	simm.s32 $0x108;
	_ =	swait.ge @!p0 [sflag:s8], $0x0  }
0x24: {  	s3 =	sadd.s32 $0x88, s3;
	s6 =	simm.s32 @!p1 $0x1082;
	[sflag:s4] =	ssyncset.s32 $0xFFFFF086  }
0x25: {  	[simem:s6], [sflag:s4] =	dma.local [hbm:s3], $0xF7A  }
0x26: {  	[smem:$0x3F82] =	sst s1;
	(tag) =	ssettag s2;
	_ =	strace s9  }
0x27: {  	s1 =	sld [smem:$0x3F92]  }
0x28: {  	s2 =	sld [smem:$0x3F93]  }
0x29: {  	s4 =	sld [smem:$0x3F95]  }
0x2a: {  	p0 =	seq.s32 s5, $0x0;
	s5 =	sld [smem:$0x3F96]  }
0x2b: {  	s6 =	sld [smem:$0x3F97]  }
0x2c: {  	s7 =	sld [smem:$0x3F98]  }
0x2d: {  	s3 =	simm.s32 $0x108;
	s8 =	sld [smem:$0x3F99]  }
0x2e: {  	s3 =	simm.s32 @!p0 $0x1082;
	s9 =	sld [smem:$0x3F9A]  }
0x2f: {  	lr =	sadd.s32 s0, s3;
	s0 =	sld [smem:$0x3F91]  }
0x30: {  	s3 =	sld [smem:$0x3F94]  }
0x31: {  	[smem:$0x3F9D] =	sst s10  }
0x32: {  	s10 =	sld [smem:$0x3F9B];
	_ =	sdelay $0x3  }
0x33: {  	p0 =	seq.s32 s10, $0x1;
	s10 =	sld [smem:$0x3F9D];
	_ =	sdelay $0x3  }
0x34: {  	[smem:$0x3F9D] =	sst s10  }
0x35: {  	s10 =	sld [smem:$0x3F9C];
	_ =	sdelay $0x3  }
0x36: {  	p1 =	seq.s32 s10, $0x1;
	s10 =	sld [smem:$0x3F9D];
	_ =	sdelay $0x3  }
0x37: {  	[smem:$0x3F9D] =	sst s10  }
0x38: {  	s10 =	sld [smem:$0x3F9E]  }
0x39: {  	_ = 	snop;
	(pc) =	sbr.ind lr, $3  }
0x3a: {  	_ = 	snop  }
0x3b: {  	_ = 	snop  }
0x3c: {  	p2 =	seq.s32 s10, $0x1;
	s10 =	sld [smem:$0x3F9D]  }
0x3d: {  	_ =	shalt  }
0x3e: {  	_ =	shalt  }
0x3f: {  	_ =	shalt  }
0x40: {  	_ =	shalt  }
0x41: {  	_ =	shalt  }
0x42: {  	_ =	shalt  }
0x43: {  	_ =	shalt  }
0x44: {  	_ =	shalt  }
0x45: {  	_ =	shalt  }
0x46: {  	_ =	shalt  }
0x47: {  	_ =	shalt  }
0x48: {  	_ =	shalt  }
0x49: {  	_ =	shalt  }
0x4a: {  	_ =	shalt  }
0x4b: {  	_ =	shalt  }
0x4c: {  	_ =	shalt  }
0x4d: {  	_ =	shalt  }
0x4e: {  	_ =	shalt  }
0x4f: {  	_ =	shalt  }
0x50: {  	_ =	shalt  }
0x51: {  	_ =	shalt  }
0x52: {  	_ =	shalt  }
0x53: {  	_ =	shalt  }
0x54: {  	_ =	shalt  }
0x55: {  	_ =	shalt  }
0x56: {  	_ =	shalt  }
0x57: {  	_ =	shalt  }
0x58: {  	_ =	shalt  }
0x59: {  	_ =	shalt  }
0x5a: {  	_ =	shalt  }
0x5b: {  	_ =	shalt  }
0x5c: {  	_ =	shalt  }
0x5d: {  	_ =	shalt  }
0x5e: {  	_ =	shalt  }
0x5f: {  	_ =	shalt  }
0x60: {  	_ =	shalt  }
0x61: {  	_ =	shalt  }
0x62: {  	_ =	shalt  }
0x63: {  	_ =	shalt  }
0x64: {  	_ =	shalt  }
0x65: {  	_ =	shalt  }
0x66: {  	_ =	shalt  }
0x67: {  	_ =	shalt  }
0x68: {  	_ =	shalt  }
0x69: {  	_ =	shalt  }
0x6a: {  	_ =	shalt  }
0x6b: {  	_ =	shalt  }
0x6c: {  	_ =	shalt  }
0x6d: {  	_ =	shalt  }
0x6e: {  	_ =	shalt  }
0x6f: {  	_ =	shalt  }
0x70: {  	_ =	shalt  }
0x71: {  	_ =	shalt  }
0x72: {  	_ =	shalt  }
0x73: {  	_ =	shalt  }
0x74: {  	_ =	shalt  }
0x75: {  	_ =	shalt  }
0x76: {  	_ =	shalt  }
0x77: {  	_ =	shalt  }
0x78: {  	_ =	shalt  }
0x79: {  	_ =	shalt  }
0x7a: {  	_ =	shalt  }
0x7b: {  	_ =	shalt  }
0x7c: {  	_ =	shalt  }
0x7d: {  	_ =	shalt  }
0x7e: {  	_ =	shalt  }
0x7f: {  	_ =	shalt  }
0x80: {  	_ =	shalt  }
0x81: {  	_ =	shalt  }
0x82: {  	_ =	shalt  }
0x83: {  	_ =	shalt  }
0x84: {  	_ =	shalt  }
0x85: {  	_ =	shalt  }
0x86: {  	_ =	shalt  }
0x87: {  	_ =	shalt  }
.Lfunc_end0:
.L_simem_size_0:
called_computation_lowered:
.L_overlay_start_0:
0x88: {  	s2 =	sld [smem:$0x3FD9]  }
0x89: {  	s3 =	sld [smem:$0x3FFE];
	_ =	sdelay $0x1  }
0x8a: {  	s1 =	srdreg.scid  }
0x8b: {  	s0 =	sand.u32 $0x1, s1  }
0x8c: {  	s17 =	sshll.u32 s0, $0xA;
	s2 =	sadd.s32 s3, s2  }
0x8d: {  	s2 =	sadd.s32 s2, s17  }
0x8e: {  	[smem:$0x3FA9] =	sst s2  }
0x8f: {  	_ = 	snop  }
0x90: {  	s2 =	sld [smem:$0x3FD0];
	(tm) =	ssettm $0x1  }
0x91: {  	s18 =	sld [smem:$0x3FFB];
	_ =	sdelay $0x3  }
0x92: {  	_ =	strace s18  }
0x93: {  	s3 =	sld [smem:$0x3FFC];
	_ =	sdelay $0x3  }
0x94: {  	_ =	strace s3  }
0x95: {  	s3 =	sld [smem:$0x3FFD];
	_ =	sdelay $0x3  }
0x96: {  	_ =	strace s3  }
0x97: {  	_ =	strace $0x8FFFFFFF  }
0x98: {  	s19 =	sld [smem:$0x3FDB];
	_ =	sdelay $0x1  }
0x99: {  	s4 =	simm.s32 $_scs_section_size  }
0x9a: {  	s5 =	simm.s32 $_size__tile_overlayer_lowered;
	s6 =	simm.s32 $_tile_overlayer_lowered  }
0x9b: {  	s22 =	simm.s32 $0x1BFF;
	s21 =	sshll.u32 s6, $0x1;
	s3 =	sadd.s32 s4, s19  }
0x9c: {  	s7 =	simm.s32 $0x0;
	s20 =	sshll.u32 s5, $0x1;
	s5 =	sadd.s32 s21, s3  }
0x9d: {  	[timem:s7], [sflag:s22] =	dma.local [hbm:s5], s20  }
0x9e: {  	_ =	swait.ge [sflag:s22], s20  }
0x9f: {  	s4 =	ssub.s32 $0x0, s20;
	[sflag:s22] =	ssyncset.done $0x0  }
0xa0: {  	[sflag:s22] =	ssyncadd.s32 s4;
	_ =	sdelay $0x1  }
0xa1: {  	s23 =	simm.s32 $0x1B8B  }
0xa2: {  	_ =	swait.ge [sflag:s23], $0x1  }
0xa3: {  	[sflag:s23] =	ssyncset.done $0x0  }
0xa4: {  	s25 =	simm.s32 $0x1B8E;
	s24 =	sld [smem:$0x3FFE];
	[sflag:s23] =	ssyncadd.s32 $0xFFFFFFFF  }
0xa5: {  	s26 =	simm.s32 $execute0_lowered;
	[smem:$0x3FD2] =	sst s25  }
0xa6: {  	s5 =	sshll.u32 s26, $0x1;
	_ =	strace $0x80000046;
	[dreg:$0x1] =	wrdreg $0xFFFFFFFF  }
0xa7: {  	s28 =	simm.s32 $_size_execute0_lowered;
	s3 =	sadd.s32 s3, s5;
	[dreg:$0x0] =	wrdreg $0x0  }
0xa8: {  	s5 =	sshll.u32 s28, $0x1;
	[dreg:$0x2] =	wrdreg s3  }
0xa9: {  	[dreg:$0x3] =	wrdreg s5  }
0xaa: {  	[dreg:$0x4] =	wrdreg $0xC0  }
0xab: {  	_ =	task [dreg:s7], $0x5FFFF  }
0xac: {  	[dreg:$0x1] =	wrdreg $0xFFFFFFFF  }
0xad: {  	[dreg:$0x0] =	wrdreg $0x60  }
0xae: {  	[dreg:$0x2] =	wrdreg s24  }
0xaf: {  	[dreg:$0x3] =	wrdreg s2  }
0xb0: {  	[dreg:$0x4] =	wrdreg $0x9  }
0xb1: {  	_ =	task.clear_ibuf [dreg:s7], $0x5FFFF;
	_ =	strace $0x90000046  }
0xb2: {  	s29 =	simm.s32 $0x9;
	_ =	strace $0x80000048  }
0xb3: {  	_ =	swait.ge [sflag:s29], $0x1  }
0xb4: {  	[sflag:s29] =	ssyncadd.s32 $0xFFFFFFFF  }
0xb5: {  	_ =	strace $0x90000048  }
0xb6: {  	_ =	sfence  }
0xb7: {  	s30 =	sld [smem:$0x0];
	_ =	sdelay $0x2  }
0xb8: {  	s31 =	sshll.u32 s1, $0xD;
	s1 =	sshrl.u32 s1, $0x2  }
0xb9: {  	s3 =	sand.u32 $0x4000, s31;
	s1 =	sadd.s32 s1, s30  }
0xba: {  	s0 =	sor.u32 s3, s0;
	s1 =	sshll.u32 s1, $0x11  }
0xbb: {  	s0 =	sor.u32 s1, s0  }
0xbc: {  	s0 =	sadd.s32 $0x8F2B, s0  }
0xbd: {  	[sflag:s0] =	ssyncadd.remote.s32 $0x1  }
0xbe: {  	_ =	sfence.sel $0xFFFF  }
0xbf: {  	[dreg:$0x0] =	wrdreg $0xFFFFFFFF;
	(pc) =	sbr.abs _section_cstart, $3  }
0xc0: {  	[dreg:$0x1] =	wrdreg $0xFFFFFFFF  }
0xc1: {  	_ =	task.clear_ibuf [dreg:s7], $0x2FFFF;
	_ =	strace $0x9FFFFFFF  }
0xc2: {  	(tm) =	ssettm $0x7FFFFFFF  }
0xc3: {  	_ =	shalt  }
tec
execute0_lowered:
.L_overlay_start_1:
0x0: {  	(tag) =	ssettag $0x1  }
0x1: {  	s1 =	srdreg.scid;
	s0 =	stileid.u32  }
0x2: {  	s23 =	sand.u32 $0x1, s1;
	s30 =	sshll.u32 s0, $0x1  }
0x3: {  	s5 =	rddreg [dreg:$0x0];
	s1 =	sor.u32 s23, s30  }
0x4: {  	s22 =	rddreg [dreg:$0x1];
	s2 =	simm.s32 $0x0;
	s24 =	smul.u32 $0x6400, s1  }
0x5: {  	[smem:$0x7FF] =	sst s2  }
0x6: {  	s21 =	sadd.s32 $0xDAE00, s5;
	s1 =	rddreg [dreg:$0x2];
	s3 =	sshrl.u32 s24, $0x3  }
0x7: {  	_ =	strace $0x80000047;
	s4 =	sadd.s32 s21, s3;
	s3 =	simm.s32 $0x2  }
0x8: {  	[tilespmem:s2], [sflag:$0x2] =	stream.linear.gather [hbm4b:s4+s2], $0xC80, $0x38;
	[tilespmem:$0x7080] =	vst v63  }
0x9: {  	_ =	swait.ge [sflag:s3], $0xC80  }
0xa: {  	s6 =	simm.s32 $0xC80;
	[sflag:s3] =	ssyncset.done $0x0  }
0xb: {  	s7 =	simm.s32 $0x1;
	s5 =	sadd.s32 $0xCE600, s5;
	[sflag:s3] =	ssyncadd.s32 $0xFFFFF380  }
0xc: {  	[tilespmem:s6], [sflag:$0x1] =	stream.indirect.gather [hbm4b:s5+s6], $0x8, s2, s6, $0xb8;
	[tilespmem:$0x7080] =	vst v63  }
0xd: {  	_ =	swait.ge [sflag:s7], $0x6400  }
0xe: {  	[sflag:s7] =	ssyncset.done $0x0  }
0xf: {  	s8 =	sadd.s32 s22, s24;
	[sflag:s7] =	ssyncadd.s32 $0xFFFF9C00  }
0x10: {  	[hbm4b:s8+s2] =	stream.linear.scatter [tilespmem:s6], [sflag:$0x2], $0x6400, $0x38;
	[tilespmem:$0x7080] =	vst v63  }
0x11: {  	s10 =	sadd.s32 $0xC80, s24;
	_ =	swait.ge [sflag:s3], $0x6400  }
0x12: {  	s9 =	sshrl.u32 s10, $0x3;
	[sflag:s3] =	ssyncset.done $0x0  }
0x13: {  	s9 =	sadd.s32 s21, s9;
	[sflag:s3] =	ssyncadd.s32 $0xFFFF9C00  }
0x14: {  	[tilespmem:s2], [sflag:$0x2] =	stream.linear.gather [hbm4b:s9+s2], $0xC80, $0x38;
	[tilespmem:$0x7080] =	vst v63  }
0x15: {  	_ =	swait.ge [sflag:s3], $0xC80  }
0x16: {  	[sflag:s3] =	ssyncset.done $0x0  }
0x17: {  	[sflag:s3] =	ssyncadd.s32 $0xFFFFF380  }
0x18: {  	[tilespmem:s6], [sflag:$0x1] =	stream.indirect.gather [hbm4b:s5+s6], $0x8, s2, s6, $0xb8;
	[tilespmem:$0x7080] =	vst v63  }
0x19: {  	_ =	swait.ge [sflag:s7], $0x6400  }
0x1a: {  	[sflag:s7] =	ssyncset.done $0x0  }
0x1b: {  	s10 =	sadd.s32 s22, s10;
	[sflag:s7] =	ssyncadd.s32 $0xFFFF9C00  }
0x1c: {  	[hbm4b:s10+s2] =	stream.linear.scatter [tilespmem:s6], [sflag:$0x2], $0x6400, $0x38;
	[tilespmem:$0x7080] =	vst v63  }
0x1d: {  	s12 =	sadd.s32 $0x1900, s24;
	_ =	swait.ge [sflag:s3], $0x6400  }
0x1e: {  	s11 =	sshrl.u32 s12, $0x3;
	[sflag:s3] =	ssyncset.done $0x0  }
0x1f: {  	s11 =	sadd.s32 s21, s11;
	[sflag:s3] =	ssyncadd.s32 $0xFFFF9C00  }
0x20: {  	[tilespmem:s2], [sflag:$0x2] =	stream.linear.gather [hbm4b:s11+s2], $0xC80, $0x38;
	[tilespmem:$0x7080] =	vst v63  }
0x21: {  	_ =	swait.ge [sflag:s3], $0xC80  }
0x22: {  	[sflag:s3] =	ssyncset.done $0x0  }
0x23: {  	[sflag:s3] =	ssyncadd.s32 $0xFFFFF380  }
0x24: {  	[tilespmem:s6], [sflag:$0x1] =	stream.indirect.gather [hbm4b:s5+s6], $0x8, s2, s6, $0xb8;
	[tilespmem:$0x7080] =	vst v63  }
0x25: {  	_ =	swait.ge [sflag:s7], $0x6400  }
0x26: {  	[sflag:s7] =	ssyncset.done $0x0  }
0x27: {  	s12 =	sadd.s32 s22, s12;
	[sflag:s7] =	ssyncadd.s32 $0xFFFF9C00  }
0x28: {  	[hbm4b:s12+s2] =	stream.linear.scatter [tilespmem:s6], [sflag:$0x2], $0x6400, $0x38;
	[tilespmem:$0x7080] =	vst v63  }
0x29: {  	s14 =	sadd.s32 $0x2580, s24;
	_ =	swait.ge [sflag:s3], $0x6400  }
0x2a: {  	s13 =	sshrl.u32 s14, $0x3;
	[sflag:s3] =	ssyncset.done $0x0  }
0x2b: {  	s13 =	sadd.s32 s21, s13;
	[sflag:s3] =	ssyncadd.s32 $0xFFFF9C00  }
0x2c: {  	[tilespmem:s2], [sflag:$0x2] =	stream.linear.gather [hbm4b:s13+s2], $0xC80, $0x38;
	[tilespmem:$0x7080] =	vst v63  }
0x2d: {  	_ =	swait.ge [sflag:s3], $0xC80  }
0x2e: {  	[sflag:s3] =	ssyncset.done $0x0  }
0x2f: {  	[sflag:s3] =	ssyncadd.s32 $0xFFFFF380  }
0x30: {  	[tilespmem:s6], [sflag:$0x1] =	stream.indirect.gather [hbm4b:s5+s6], $0x8, s2, s6, $0xb8;
	[tilespmem:$0x7080] =	vst v63  }
0x31: {  	_ =	swait.ge [sflag:s7], $0x6400  }
0x32: {  	[sflag:s7] =	ssyncset.done $0x0  }
0x33: {  	s14 =	sadd.s32 s22, s14;
	[sflag:s7] =	ssyncadd.s32 $0xFFFF9C00  }
0x34: {  	[hbm4b:s14+s2] =	stream.linear.scatter [tilespmem:s6], [sflag:$0x2], $0x6400, $0x38;
	[tilespmem:$0x7080] =	vst v63  }
0x35: {  	s16 =	sadd.s32 $0x3200, s24;
	_ =	swait.ge [sflag:s3], $0x6400  }
0x36: {  	s15 =	sshrl.u32 s16, $0x3;
	[sflag:s3] =	ssyncset.done $0x0  }
0x37: {  	s15 =	sadd.s32 s21, s15;
	[sflag:s3] =	ssyncadd.s32 $0xFFFF9C00  }
0x38: {  	[tilespmem:s2], [sflag:$0x2] =	stream.linear.gather [hbm4b:s15+s2], $0xC80, $0x38;
	[tilespmem:$0x7080] =	vst v63  }
0x39: {  	_ =	swait.ge [sflag:s3], $0xC80  }
0x3a: {  	[sflag:s3] =	ssyncset.done $0x0  }
0x3b: {  	[sflag:s3] =	ssyncadd.s32 $0xFFFFF380  }
0x3c: {  	[tilespmem:s6], [sflag:$0x1] =	stream.indirect.gather [hbm4b:s5+s6], $0x8, s2, s6, $0xb8;
	[tilespmem:$0x7080] =	vst v63  }
0x3d: {  	_ =	swait.ge [sflag:s7], $0x6400  }
0x3e: {  	[sflag:s7] =	ssyncset.done $0x0  }
0x3f: {  	s16 =	sadd.s32 s22, s16;
	[sflag:s7] =	ssyncadd.s32 $0xFFFF9C00  }
0x40: {  	[hbm4b:s16+s2] =	stream.linear.scatter [tilespmem:s6], [sflag:$0x2], $0x6400, $0x38;
	[tilespmem:$0x7080] =	vst v63  }
0x41: {  	s18 =	sadd.s32 $0x3E80, s24;
	_ =	swait.ge [sflag:s3], $0x6400  }
0x42: {  	s17 =	sshrl.u32 s18, $0x3;
	[sflag:s3] =	ssyncset.done $0x0  }
0x43: {  	s17 =	sadd.s32 s21, s17;
	[sflag:s3] =	ssyncadd.s32 $0xFFFF9C00  }
0x44: {  	[tilespmem:s2], [sflag:$0x2] =	stream.linear.gather [hbm4b:s17+s2], $0xC80, $0x38;
	[tilespmem:$0x7080] =	vst v63  }
0x45: {  	_ =	swait.ge [sflag:s3], $0xC80  }
0x46: {  	[sflag:s3] =	ssyncset.done $0x0  }
0x47: {  	[sflag:s3] =	ssyncadd.s32 $0xFFFFF380  }
0x48: {  	[tilespmem:s6], [sflag:$0x1] =	stream.indirect.gather [hbm4b:s5+s6], $0x8, s2, s6, $0xb8;
	[tilespmem:$0x7080] =	vst v63  }
0x49: {  	_ =	swait.ge [sflag:s7], $0x6400  }
0x4a: {  	[sflag:s7] =	ssyncset.done $0x0  }
0x4b: {  	s18 =	sadd.s32 s22, s18;
	[sflag:s7] =	ssyncadd.s32 $0xFFFF9C00  }
0x4c: {  	[hbm4b:s18+s2] =	stream.linear.scatter [tilespmem:s6], [sflag:$0x2], $0x6400, $0x38;
	[tilespmem:$0x7080] =	vst v63  }
0x4d: {  	s20 =	sadd.s32 $0x4B00, s24;
	_ =	swait.ge [sflag:s3], $0x6400  }
0x4e: {  	s19 =	sshrl.u32 s20, $0x3;
	[sflag:s3] =	ssyncset.done $0x0  }
0x4f: {  	s19 =	sadd.s32 s21, s19;
	[sflag:s3] =	ssyncadd.s32 $0xFFFF9C00  }
0x50: {  	[tilespmem:s2], [sflag:$0x2] =	stream.linear.gather [hbm4b:s19+s2], $0xC80, $0x38;
	[tilespmem:$0x7080] =	vst v63  }
0x51: {  	_ =	swait.ge [sflag:s3], $0xC80  }
0x52: {  	[sflag:s3] =	ssyncset.done $0x0  }
0x53: {  	[sflag:s3] =	ssyncadd.s32 $0xFFFFF380  }
0x54: {  	[tilespmem:s6], [sflag:$0x1] =	stream.indirect.gather [hbm4b:s5+s6], $0x8, s2, s6, $0xb8;
	[tilespmem:$0x7080] =	vst v63  }
0x55: {  	_ =	swait.ge [sflag:s7], $0x6400  }
0x56: {  	[sflag:s7] =	ssyncset.done $0x0  }
0x57: {  	s20 =	sadd.s32 s22, s20;
	[sflag:s7] =	ssyncadd.s32 $0xFFFF9C00  }
0x58: {  	[hbm4b:s20+s2] =	stream.linear.scatter [tilespmem:s6], [sflag:$0x2], $0x6400, $0x38;
	[tilespmem:$0x7080] =	vst v63  }
0x59: {  	s24 =	sadd.s32 $0x5780, s24;
	_ =	swait.ge [sflag:s3], $0x6400  }
0x5a: {  	s25 =	sshrl.u32 s24, $0x3;
	[sflag:s3] =	ssyncset.done $0x0  }
0x5b: {  	s23 =	ssub.s32 $0x2, s23;
	s21 =	sadd.s32 s21, s25;
	[sflag:s3] =	ssyncadd.s32 $0xFFFF9C00  }
0x5c: {  	[tilespmem:s2], [sflag:$0x2] =	stream.linear.gather [hbm4b:s21+s2], $0xC80, $0x38;
	[tilespmem:$0x7080] =	vst v63  }
0x5d: {  	s31 =	sshrl.u32 s23, $0x1;
	_ =	swait.ge [sflag:s3], $0xC80  }
0x5e: {  	s23 =	ssub.s32 s23, s31;
	[sflag:s3] =	ssyncset.done $0x0  }
0x5f: {  	s23 =	smax.u32 s23, $0x1;
	[sflag:s3] =	ssyncadd.s32 $0xFFFFF380  }
0x60: {  	[tilespmem:s6], [sflag:$0x1] =	stream.indirect.gather [hbm4b:s5+s6], $0x8, s2, s6, $0xb8;
	[tilespmem:$0x7080] =	vst v63  }
0x61: {  	p0 =	sne.s32 s23, $0x1;
	_ =	swait.ge [sflag:s7], $0x6400  }
.Ltmp0:
0x62: {  	[sflag:s7] =	ssyncset.done $0x0;
	(pc) =	sbr.rel @!p0 .LBB2_2-.Ltmp0, $4  }
0x63: {  	s22 =	sadd.s32 s22, s24;
	[sflag:s7] =	ssyncadd.s32 $0xFFFF9C00  }
0x64: {  	[hbm4b:s22+s2] =	stream.linear.scatter [tilespmem:s6], [sflag:$0x2], $0x6400, $0x38;
	[tilespmem:$0x7080] =	vst v63  }
0x65: {  	_ =	swait.ge [sflag:s3], $0x6400  }
0x66: {  	s23 =	sadd.s32 $0xFFFFFFFF, s23;
	[sflag:s3] =	ssyncset.done $0x0  }
.LBB2_1:
0x67: {  	p0 =	sne.s32 s23, $0x1;
	s23 =	sadd.s32 $0xFFFFFFFF, s23;
	[sflag:s3] =	ssyncadd.s32 $0xFFFF9C00  }
0x68: {  	[tilespmem:s2], [sflag:$0x2] =	stream.linear.gather [hbm4b:s4+s2], $0xC80, $0x38;
	[tilespmem:$0x7080] =	vst v63  }
0x69: {  	_ =	swait.ge [sflag:s3], $0xC80  }
0x6a: {  	[sflag:s3] =	ssyncset.done $0x0  }
0x6b: {  	[sflag:s3] =	ssyncadd.s32 $0xFFFFF380  }
0x6c: {  	[tilespmem:s6], [sflag:$0x1] =	stream.indirect.gather [hbm4b:s5+s6], $0x8, s2, s6, $0xb8;
	[tilespmem:$0x7080] =	vst v63  }
0x6d: {  	_ =	swait.ge [sflag:s7], $0x6400  }
0x6e: {  	[sflag:s7] =	ssyncset.done $0x0  }
0x6f: {  	[sflag:s7] =	ssyncadd.s32 $0xFFFF9C00  }
0x70: {  	[hbm4b:s8+s2] =	stream.linear.scatter [tilespmem:s6], [sflag:$0x2], $0x6400, $0x38;
	[tilespmem:$0x7080] =	vst v63  }
0x71: {  	_ =	swait.ge [sflag:s3], $0x6400  }
0x72: {  	[sflag:s3] =	ssyncset.done $0x0  }
0x73: {  	[sflag:s3] =	ssyncadd.s32 $0xFFFF9C00  }
0x74: {  	[tilespmem:s2], [sflag:$0x2] =	stream.linear.gather [hbm4b:s9+s2], $0xC80, $0x38;
	[tilespmem:$0x7080] =	vst v63  }
0x75: {  	_ =	swait.ge [sflag:s3], $0xC80  }
0x76: {  	[sflag:s3] =	ssyncset.done $0x0  }
0x77: {  	[sflag:s3] =	ssyncadd.s32 $0xFFFFF380  }
0x78: {  	[tilespmem:s6], [sflag:$0x1] =	stream.indirect.gather [hbm4b:s5+s6], $0x8, s2, s6, $0xb8;
	[tilespmem:$0x7080] =	vst v63  }
0x79: {  	_ =	swait.ge [sflag:s7], $0x6400  }
0x7a: {  	[sflag:s7] =	ssyncset.done $0x0  }
0x7b: {  	[sflag:s7] =	ssyncadd.s32 $0xFFFF9C00  }
0x7c: {  	[hbm4b:s10+s2] =	stream.linear.scatter [tilespmem:s6], [sflag:$0x2], $0x6400, $0x38;
	[tilespmem:$0x7080] =	vst v63  }
0x7d: {  	_ =	swait.ge [sflag:s3], $0x6400  }
0x7e: {  	[sflag:s3] =	ssyncset.done $0x0  }
0x7f: {  	[sflag:s3] =	ssyncadd.s32 $0xFFFF9C00  }
0x80: {  	[tilespmem:s2], [sflag:$0x2] =	stream.linear.gather [hbm4b:s11+s2], $0xC80, $0x38;
	[tilespmem:$0x7080] =	vst v63  }
0x81: {  	_ =	swait.ge [sflag:s3], $0xC80  }
0x82: {  	[sflag:s3] =	ssyncset.done $0x0  }
0x83: {  	[sflag:s3] =	ssyncadd.s32 $0xFFFFF380  }
0x84: {  	[tilespmem:s6], [sflag:$0x1] =	stream.indirect.gather [hbm4b:s5+s6], $0x8, s2, s6, $0xb8;
	[tilespmem:$0x7080] =	vst v63  }
0x85: {  	_ =	swait.ge [sflag:s7], $0x6400  }
0x86: {  	[sflag:s7] =	ssyncset.done $0x0  }
0x87: {  	[sflag:s7] =	ssyncadd.s32 $0xFFFF9C00  }
0x88: {  	[hbm4b:s12+s2] =	stream.linear.scatter [tilespmem:s6], [sflag:$0x2], $0x6400, $0x38;
	[tilespmem:$0x7080] =	vst v63  }
0x89: {  	_ =	swait.ge [sflag:s3], $0x6400  }
0x8a: {  	[sflag:s3] =	ssyncset.done $0x0  }
0x8b: {  	[sflag:s3] =	ssyncadd.s32 $0xFFFF9C00  }
0x8c: {  	[tilespmem:s2], [sflag:$0x2] =	stream.linear.gather [hbm4b:s13+s2], $0xC80, $0x38;
	[tilespmem:$0x7080] =	vst v63  }
0x8d: {  	_ =	swait.ge [sflag:s3], $0xC80  }
0x8e: {  	[sflag:s3] =	ssyncset.done $0x0  }
0x8f: {  	[sflag:s3] =	ssyncadd.s32 $0xFFFFF380  }
0x90: {  	[tilespmem:s6], [sflag:$0x1] =	stream.indirect.gather [hbm4b:s5+s6], $0x8, s2, s6, $0xb8;
	[tilespmem:$0x7080] =	vst v63  }
0x91: {  	_ =	swait.ge [sflag:s7], $0x6400  }
0x92: {  	[sflag:s7] =	ssyncset.done $0x0  }
0x93: {  	[sflag:s7] =	ssyncadd.s32 $0xFFFF9C00  }
0x94: {  	[hbm4b:s14+s2] =	stream.linear.scatter [tilespmem:s6], [sflag:$0x2], $0x6400, $0x38;
	[tilespmem:$0x7080] =	vst v63  }
0x95: {  	_ =	swait.ge [sflag:s3], $0x6400  }
0x96: {  	[sflag:s3] =	ssyncset.done $0x0  }
0x97: {  	[sflag:s3] =	ssyncadd.s32 $0xFFFF9C00  }
0x98: {  	[tilespmem:s2], [sflag:$0x2] =	stream.linear.gather [hbm4b:s15+s2], $0xC80, $0x38;
	[tilespmem:$0x7080] =	vst v63  }
0x99: {  	_ =	swait.ge [sflag:s3], $0xC80  }
0x9a: {  	[sflag:s3] =	ssyncset.done $0x0  }
0x9b: {  	[sflag:s3] =	ssyncadd.s32 $0xFFFFF380  }
0x9c: {  	[tilespmem:s6], [sflag:$0x1] =	stream.indirect.gather [hbm4b:s5+s6], $0x8, s2, s6, $0xb8;
	[tilespmem:$0x7080] =	vst v63  }
0x9d: {  	_ =	swait.ge [sflag:s7], $0x6400  }
0x9e: {  	[sflag:s7] =	ssyncset.done $0x0  }
0x9f: {  	[sflag:s7] =	ssyncadd.s32 $0xFFFF9C00  }
0xa0: {  	[hbm4b:s16+s2] =	stream.linear.scatter [tilespmem:s6], [sflag:$0x2], $0x6400, $0x38;
	[tilespmem:$0x7080] =	vst v63  }
0xa1: {  	_ =	swait.ge [sflag:s3], $0x6400  }
0xa2: {  	[sflag:s3] =	ssyncset.done $0x0  }
0xa3: {  	[sflag:s3] =	ssyncadd.s32 $0xFFFF9C00  }
0xa4: {  	[tilespmem:s2], [sflag:$0x2] =	stream.linear.gather [hbm4b:s17+s2], $0xC80, $0x38;
	[tilespmem:$0x7080] =	vst v63  }
0xa5: {  	_ =	swait.ge [sflag:s3], $0xC80  }
0xa6: {  	[sflag:s3] =	ssyncset.done $0x0  }
0xa7: {  	[sflag:s3] =	ssyncadd.s32 $0xFFFFF380  }
0xa8: {  	[tilespmem:s6], [sflag:$0x1] =	stream.indirect.gather [hbm4b:s5+s6], $0x8, s2, s6, $0xb8;
	[tilespmem:$0x7080] =	vst v63  }
0xa9: {  	_ =	swait.ge [sflag:s7], $0x6400  }
0xaa: {  	[sflag:s7] =	ssyncset.done $0x0  }
0xab: {  	[sflag:s7] =	ssyncadd.s32 $0xFFFF9C00  }
0xac: {  	[hbm4b:s18+s2] =	stream.linear.scatter [tilespmem:s6], [sflag:$0x2], $0x6400, $0x38;
	[tilespmem:$0x7080] =	vst v63  }
0xad: {  	_ =	swait.ge [sflag:s3], $0x6400  }
0xae: {  	[sflag:s3] =	ssyncset.done $0x0  }
0xaf: {  	[sflag:s3] =	ssyncadd.s32 $0xFFFF9C00  }
0xb0: {  	[tilespmem:s2], [sflag:$0x2] =	stream.linear.gather [hbm4b:s19+s2], $0xC80, $0x38;
	[tilespmem:$0x7080] =	vst v63  }
0xb1: {  	_ =	swait.ge [sflag:s3], $0xC80  }
0xb2: {  	[sflag:s3] =	ssyncset.done $0x0  }
0xb3: {  	[sflag:s3] =	ssyncadd.s32 $0xFFFFF380  }
0xb4: {  	[tilespmem:s6], [sflag:$0x1] =	stream.indirect.gather [hbm4b:s5+s6], $0x8, s2, s6, $0xb8;
	[tilespmem:$0x7080] =	vst v63  }
0xb5: {  	_ =	swait.ge [sflag:s7], $0x6400  }
0xb6: {  	[sflag:s7] =	ssyncset.done $0x0  }
0xb7: {  	[sflag:s7] =	ssyncadd.s32 $0xFFFF9C00  }
0xb8: {  	[hbm4b:s20+s2] =	stream.linear.scatter [tilespmem:s6], [sflag:$0x2], $0x6400, $0x38;
	[tilespmem:$0x7080] =	vst v63  }
0xb9: {  	_ =	swait.ge [sflag:s3], $0x6400  }
0xba: {  	[sflag:s3] =	ssyncset.done $0x0  }
0xbb: {  	[sflag:s3] =	ssyncadd.s32 $0xFFFF9C00  }
0xbc: {  	[tilespmem:s2], [sflag:$0x2] =	stream.linear.gather [hbm4b:s21+s2], $0xC80, $0x38;
	[tilespmem:$0x7080] =	vst v63  }
0xbd: {  	_ =	swait.ge [sflag:s3], $0xC80  }
0xbe: {  	[sflag:s3] =	ssyncset.done $0x0  }
0xbf: {  	[sflag:s3] =	ssyncadd.s32 $0xFFFFF380  }
0xc0: {  	[tilespmem:s6], [sflag:$0x1] =	stream.indirect.gather [hbm4b:s5+s6], $0x8, s2, s6, $0xb8;
	[tilespmem:$0x7080] =	vst v63  }
0xc1: {  	_ =	swait.ge [sflag:s7], $0x6400  }
.Ltmp1:
0xc2: {  	[sflag:s7] =	ssyncset.done $0x0;
	(pc) =	sbr.rel @p0 .LBB2_1-.Ltmp1, $4  }
0xc3: {  	[sflag:s7] =	ssyncadd.s32 $0xFFFF9C00  }
0xc4: {  	[hbm4b:s22+s2] =	stream.linear.scatter [tilespmem:s6], [sflag:$0x2], $0x6400, $0x38;
	[tilespmem:$0x7080] =	vst v63  }
0xc5: {  	_ =	swait.ge [sflag:s3], $0x6400  }
0xc6: {  	[sflag:s3] =	ssyncset.done $0x0  }
.LBB2_2:
0xc7: {  	[sflag:s3] =	ssyncadd.s32 $0xFFFF9C00  }
0xc8: {  	_ =	sfence.sel $0x180000  }
0xc9: {  	[bflag:$0x0] =	sbarrier.arrive $0xFFFF  }
0xca: {  	p0 =	sne.s32 s0, $0x0;
	_ =	strace $0x90000047  }
0xcb: {  	s0 =	sadd.s32 @!p0 $0x100000, s1;
	[bflag:$0x2] =	sbarrier.arrive $0xFFFF  }
0xcc: {  	[sflag:s0] =	ssyncadd.tile.s32 @!p0 $0x1;
	_ =	shalt  }
.Lfunc_end2:
_tile_overlayer_lowered:
.L_overlay_start_2:
0xcd: {  	(tag) =	ssettag $0x2  }
0xce: {  	s0 =	rddreg [dreg:$0x0];
	s2 =	stileid.u32  }
0xcf: {  	s1 =	rddreg [dreg:$0x1];
	p0 =	sne.s32 s2, $0x0  }
0xd0: {  	s3 =	rddreg [dreg:$0x2];
	[bflag:$0x3] =	sbarrier.arrive $0xFFFF;
	s2 =	simm.s32 @!p0 $0x1C02  }
0xd1: {  	[timem:s3], [sflag:s2] =	dma.local @!p0 [hbm:s0], s1  }
0xd2: {  	s0 =	simm.s32 @!p0 $0x2  }
0xd3: {  	_ =	swait.ge @!p0 [sflag:s0], s1  }
0xd4: {  	s1 =	ssub.s32 @!p0 $0x0, s1;
	[sflag:s0] =	ssyncset.done @!p0 $0x0  }
0xd5: {  	[sflag:s0] =	ssyncadd.s32 @!p0 s1  }
0xd6: {  	[bflag:$0x3] =	sbarrier.arrive $0xFFFF  }
0xd7: {  	_ =	shalt  }

// kernel: kernel.23.cloned.1.call-start
scs
__scs_entry_jumppad:
0x0: {  	(pc) =	sbr.rel $0x88, $3  }
0x1: {  	(tag) =	ssettag $0x0;
	lr =	simm.s32 $0x1  }
0x2: {  	[smem:$0x3F82] =	sst lr;
	_ =	strace $0xD0000000  }
0x3: {  	_ = 	snop  }
0x4: {  	_ = 	snop  }
0x5: {  	_ = 	snop  }
0x6: {  	_ = 	snop  }
0x7: {  	_ = 	snop  }
__scs_overlays_trampoline_lowered:
0x8: {  	[smem:$0x3F91] =	sst s0  }
0x9: {  	[smem:$0x3F92] =	sst s1  }
0xa: {  	[smem:$0x3F93] =	sst s2  }
0xb: {  	[smem:$0x3F94] =	sst s3  }
0xc: {  	[smem:$0x3F95] =	sst s4  }
0xd: {  	[smem:$0x3F96] =	sst s5  }
0xe: {  	[smem:$0x3F97] =	sst s6  }
0xf: {  	[smem:$0x3F98] =	sst s7  }
0x10: {  	[smem:$0x3F99] =	sst s8  }
0x11: {  	[smem:$0x3F9A] =	sst s9;
	s0 =	simm.s32 @!p0 $0x0  }
0x12: {  	s1 =	sld [smem:$0x3F80];
	s0 =	simm.s32 @p0 $0x1  }
0x13: {  	[smem:$0x3F9B] =	sst s0;
	s0 =	simm.s32 @!p1 $0x0  }
0x14: {  	s2 =	sld [smem:$0x3F7F];
	s0 =	simm.s32 @p1 $0x1  }
0x15: {  	[smem:$0x3F9C] =	sst s0;
	s0 =	simm.s32 @!p2 $0x0  }
0x16: {  	s3 =	sld [smem:$0x3FDB];
	s0 =	simm.s32 @p2 $0x1  }
0x17: {  	s4 =	simm.s32 $0x1BF5;
	[smem:$0x3F9E] =	sst s0  }
0x18: {  	s0 =	sld [smem:$0x3F81];
	_ =	swait.ge [sflag:s4], $0x0  }
0x19: {  	s7 =	sld [smem:$0x3F82]  }
0x1a: {  	s8 =	sadd.s32 $0xFFFFE003, lr  }
0x1b: {  	s9 =	sadd.s32 $0xFFFFFEF7, lr;
	s5 =	simm.s32 $0xFFFFFFFF;
	p2 =	slt.u32 s8, $0xFFFFF086  }
0x1c: {  	p1 =	slt.u32 s9, $0xF7A;
	s5 =	simm.s32 @!p2 $0x0  }
0x1d: {  	s5 =	simm.s32 @p1 $0x1;
	p0 =	seq.s32 s7, s2  }
0x1e: {  	s7 =	smul.u32 @!p0 $0xF7A, s2;
	p2 =	seq.s32 @!p0 s5, $0x0  }
0x1f: {  	s9 =	smul.u32 $0xF7A, s1;
	s8 =	simm.s32 @!p0 $0x1BF5;
	p2 =	por !p2, p0  }
0x20: {  	[sflag:s8] =	ssyncset.s32 @!p0 $0xFFFFF086;
	s6 =	sadd.s32 @!p0 s3, s7;
	s7 =	simm.s32 @!p0 $0x108  }
0x21: {  	s3 =	sadd.s32 s3, s9;
	s6 =	sadd.s32 @!p0 $0x88, s6;
	s7 =	simm.s32 @p2 $0x1082  }
0x22: {  	[simem:s7], [sflag:s8] =	dma.local @!p0 [hbm:s6], $0xF7A  }
0x23: {  	s9 =	sor.u32 $0xD0000000, s2;
	s6 =	simm.s32 $0x108;
	_ =	swait.ge @!p0 [sflag:s8], $0x0  }
0x24: {  	s3 =	sadd.s32 $0x88, s3;
	s6 =	simm.s32 @!p1 $0x1082;
	[sflag:s4] =	ssyncset.s32 $0xFFFFF086  }
0x25: {  	[simem:s6], [sflag:s4] =	dma.local [hbm:s3], $0xF7A  }
0x26: {  	[smem:$0x3F82] =	sst s1;
	(tag) =	ssettag s2;
	_ =	strace s9  }
0x27: {  	s1 =	sld [smem:$0x3F92]  }
0x28: {  	s2 =	sld [smem:$0x3F93]  }
0x29: {  	s4 =	sld [smem:$0x3F95]  }
0x2a: {  	p0 =	seq.s32 s5, $0x0;
	s5 =	sld [smem:$0x3F96]  }
0x2b: {  	s6 =	sld [smem:$0x3F97]  }
0x2c: {  	s7 =	sld [smem:$0x3F98]  }
0x2d: {  	s3 =	simm.s32 $0x108;
	s8 =	sld [smem:$0x3F99]  }
0x2e: {  	s3 =	simm.s32 @!p0 $0x1082;
	s9 =	sld [smem:$0x3F9A]  }
0x2f: {  	lr =	sadd.s32 s0, s3;
	s0 =	sld [smem:$0x3F91]  }
0x30: {  	s3 =	sld [smem:$0x3F94]  }
0x31: {  	[smem:$0x3F9D] =	sst s10  }
0x32: {  	s10 =	sld [smem:$0x3F9B];
	_ =	sdelay $0x3  }
0x33: {  	p0 =	seq.s32 s10, $0x1;
	s10 =	sld [smem:$0x3F9D];
	_ =	sdelay $0x3  }
0x34: {  	[smem:$0x3F9D] =	sst s10  }
0x35: {  	s10 =	sld [smem:$0x3F9C];
	_ =	sdelay $0x3  }
0x36: {  	p1 =	seq.s32 s10, $0x1;
	s10 =	sld [smem:$0x3F9D];
	_ =	sdelay $0x3  }
0x37: {  	[smem:$0x3F9D] =	sst s10  }
0x38: {  	s10 =	sld [smem:$0x3F9E]  }
0x39: {  	_ = 	snop;
	(pc) =	sbr.ind lr, $3  }
0x3a: {  	_ = 	snop  }
0x3b: {  	_ = 	snop  }
0x3c: {  	p2 =	seq.s32 s10, $0x1;
	s10 =	sld [smem:$0x3F9D]  }
0x3d: {  	_ =	shalt  }
0x3e: {  	_ =	shalt  }
0x3f: {  	_ =	shalt  }
0x40: {  	_ =	shalt  }
0x41: {  	_ =	shalt  }
0x42: {  	_ =	shalt  }
0x43: {  	_ =	shalt  }
0x44: {  	_ =	shalt  }
0x45: {  	_ =	shalt  }
0x46: {  	_ =	shalt  }
0x47: {  	_ =	shalt  }
0x48: {  	_ =	shalt  }
0x49: {  	_ =	shalt  }
0x4a: {  	_ =	shalt  }
0x4b: {  	_ =	shalt  }
0x4c: {  	_ =	shalt  }
0x4d: {  	_ =	shalt  }
0x4e: {  	_ =	shalt  }
0x4f: {  	_ =	shalt  }
0x50: {  	_ =	shalt  }
0x51: {  	_ =	shalt  }
0x52: {  	_ =	shalt  }
0x53: {  	_ =	shalt  }
0x54: {  	_ =	shalt  }
0x55: {  	_ =	shalt  }
0x56: {  	_ =	shalt  }
0x57: {  	_ =	shalt  }
0x58: {  	_ =	shalt  }
0x59: {  	_ =	shalt  }
0x5a: {  	_ =	shalt  }
0x5b: {  	_ =	shalt  }
0x5c: {  	_ =	shalt  }
0x5d: {  	_ =	shalt  }
0x5e: {  	_ =	shalt  }
0x5f: {  	_ =	shalt  }
0x60: {  	_ =	shalt  }
0x61: {  	_ =	shalt  }
0x62: {  	_ =	shalt  }
0x63: {  	_ =	shalt  }
0x64: {  	_ =	shalt  }
0x65: {  	_ =	shalt  }
0x66: {  	_ =	shalt  }
0x67: {  	_ =	shalt  }
0x68: {  	_ =	shalt  }
0x69: {  	_ =	shalt  }
0x6a: {  	_ =	shalt  }
0x6b: {  	_ =	shalt  }
0x6c: {  	_ =	shalt  }
0x6d: {  	_ =	shalt  }
0x6e: {  	_ =	shalt  }
0x6f: {  	_ =	shalt  }
0x70: {  	_ =	shalt  }
0x71: {  	_ =	shalt  }
0x72: {  	_ =	shalt  }
0x73: {  	_ =	shalt  }
0x74: {  	_ =	shalt  }
0x75: {  	_ =	shalt  }
0x76: {  	_ =	shalt  }
0x77: {  	_ =	shalt  }
0x78: {  	_ =	shalt  }
0x79: {  	_ =	shalt  }
0x7a: {  	_ =	shalt  }
0x7b: {  	_ =	shalt  }
0x7c: {  	_ =	shalt  }
0x7d: {  	_ =	shalt  }
0x7e: {  	_ =	shalt  }
0x7f: {  	_ =	shalt  }
0x80: {  	_ =	shalt  }
0x81: {  	_ =	shalt  }
0x82: {  	_ =	shalt  }
0x83: {  	_ =	shalt  }
0x84: {  	_ =	shalt  }
0x85: {  	_ =	shalt  }
0x86: {  	_ =	shalt  }
0x87: {  	_ =	shalt  }
.Lfunc_end0:
.L_simem_size_0:
called_computation.1_lowered:
.L_overlay_start_0:
0x88: {  	s2 =	sld [smem:$0x3FD9]  }
0x89: {  	s3 =	sld [smem:$0x3FFE];
	_ =	sdelay $0x1  }
0x8a: {  	s1 =	srdreg.scid  }
0x8b: {  	s0 =	sand.u32 $0x1, s1  }
0x8c: {  	s16 =	sshll.u32 s0, $0xA;
	s2 =	sadd.s32 s3, s2  }
0x8d: {  	s2 =	sadd.s32 s2, s16  }
0x8e: {  	[smem:$0x3FA9] =	sst s2  }
0x8f: {  	_ = 	snop  }
0x90: {  	(tm) =	ssettm $0x1  }
0x91: {  	s17 =	sld [smem:$0x3FFB];
	_ =	sdelay $0x3  }
0x92: {  	_ =	strace s17  }
0x93: {  	s2 =	sld [smem:$0x3FFC];
	_ =	sdelay $0x3  }
0x94: {  	_ =	strace s2  }
0x95: {  	s2 =	sld [smem:$0x3FFD];
	_ =	sdelay $0x3  }
0x96: {  	_ =	strace s2  }
0x97: {  	_ =	strace $0x8FFFFFFF  }
0x98: {  	s18 =	sld [smem:$0x3FDB];
	_ =	sdelay $0x1  }
0x99: {  	s19 =	simm.s32 $_scs_section_size  }
0x9a: {  	s4 =	simm.s32 $_size__tile_overlayer_lowered;
	s5 =	simm.s32 $_tile_overlayer_lowered  }
0x9b: {  	s22 =	simm.s32 $0x1BFF;
	s21 =	sshll.u32 s5, $0x1;
	s2 =	sadd.s32 s19, s18  }
0x9c: {  	s6 =	simm.s32 $0x0;
	s20 =	sshll.u32 s4, $0x1;
	s4 =	sadd.s32 s21, s2  }
0x9d: {  	[timem:s6], [sflag:s22] =	dma.local [hbm:s4], s20  }
0x9e: {  	_ =	swait.ge [sflag:s22], s20  }
0x9f: {  	s3 =	ssub.s32 $0x0, s20;
	[sflag:s22] =	ssyncset.done $0x0  }
0xa0: {  	[sflag:s22] =	ssyncadd.s32 s3;
	_ =	sdelay $0x1  }
0xa1: {  	s23 =	simm.s32 $0x1B8B  }
0xa2: {  	_ =	swait.ge [sflag:s23], $0x1  }
0xa3: {  	[sflag:s23] =	ssyncset.done $0x0  }
0xa4: {  	s25 =	simm.s32 $0x1B8E;
	s24 =	sld [smem:$0x3FFE];
	[sflag:s23] =	ssyncadd.s32 $0xFFFFFFFF  }
0xa5: {  	s26 =	simm.s32 $execute0_lowered;
	[smem:$0x3FD2] =	sst s25  }
0xa6: {  	s4 =	sshll.u32 s26, $0x1;
	_ =	strace $0x80000049;
	[dreg:$0x1] =	wrdreg $0xFFFFFFFF  }
0xa7: {  	s28 =	simm.s32 $_size_execute0_lowered;
	s2 =	sadd.s32 s2, s4;
	[dreg:$0x0] =	wrdreg $0x0  }
0xa8: {  	s4 =	sshll.u32 s28, $0x1;
	[dreg:$0x2] =	wrdreg s2  }
0xa9: {  	[dreg:$0x3] =	wrdreg s4  }
0xaa: {  	[dreg:$0x4] =	wrdreg $0xC0  }
0xab: {  	_ =	task [dreg:s6], $0x5FFFF  }
0xac: {  	[dreg:$0x1] =	wrdreg $0xFFFFFFFF  }
0xad: {  	[dreg:$0x0] =	wrdreg $0x60  }
0xae: {  	[dreg:$0x2] =	wrdreg s24  }
0xaf: {  	[dreg:$0x3] =	wrdreg $0x9  }
0xb0: {  	_ =	task.clear_ibuf [dreg:s6], $0x4FFFF;
	_ =	strace $0x90000049  }
0xb1: {  	s29 =	simm.s32 $0x9;
	_ =	strace $0x8000004B  }
0xb2: {  	_ =	swait.ge [sflag:s29], $0x1  }
0xb3: {  	[sflag:s29] =	ssyncadd.s32 $0xFFFFFFFF  }
0xb4: {  	_ =	strace $0x9000004B  }
0xb5: {  	_ =	sfence  }
0xb6: {  	s30 =	sld [smem:$0x0];
	_ =	sdelay $0x2  }
0xb7: {  	s31 =	sshll.u32 s1, $0xD;
	s1 =	sshrl.u32 s1, $0x2  }
0xb8: {  	s3 =	sand.u32 $0x4000, s31;
	s1 =	sadd.s32 s1, s30  }
0xb9: {  	s0 =	sor.u32 s3, s0;
	s1 =	sshll.u32 s1, $0x11  }
0xba: {  	s0 =	sor.u32 s1, s0  }
0xbb: {  	s0 =	sadd.s32 $0x8F2B, s0  }
0xbc: {  	[sflag:s0] =	ssyncadd.remote.s32 $0x1  }
0xbd: {  	_ =	sfence.sel $0xFFFF  }
0xbe: {  	[dreg:$0x0] =	wrdreg $0xFFFFFFFF;
	(pc) =	sbr.abs _section_cstart, $3  }
0xbf: {  	[dreg:$0x1] =	wrdreg $0xFFFFFFFF  }
0xc0: {  	_ =	task.clear_ibuf [dreg:s6], $0x2FFFF;
	_ =	strace $0x9FFFFFFF  }
0xc1: {  	(tm) =	ssettm $0x7FFFFFFF  }
tec
execute0_lowered:
.L_overlay_start_1:
0x0: {  	(tag) =	ssettag $0x1  }
0x1: {  	s5 =	rddreg [dreg:$0x0]  }
0x2: {  	s0 =	rddreg [dreg:$0x1]  }
0x3: {  	s2 =	simm.s32 $0x0;
	s3 =	srdreg.scid;
	s1 =	stileid.u32  }
0x4: {  	s10 =	simm.s32 $0x1;
	s11 =	simm.s32 $0x8200;
	s12 =	simm.s32 $0x0  }
0x5: {  	[smem:$0x7FF] =	sst s2;
	s6 =	sand.u32 $0x1, s3;
	s3 =	sadd.s32 $0x6600, s5  }
0x6: {  	s8 =	sshll.u32 s1, $0x1;
	s4 =	sadd.s32 $0xDAE00, s5;
	s7 =	ssub.s32 $0x2, s6  }
0x7: {  	s5 =	sadd.s32 $0x6A600, s5;
	_ =	strace $0x8000004A;
	s9 =	sshrl.u32 s7, $0x1  }
0x8: {  	s6 =	sor.u32 s6, s8;
	s8 =	simm.s32 $0x2;
	s7 =	ssub.s32 s7, s9  }
0x9: {  	s6 =	smul.u32 $0x640, s6;
	s9 =	simm.s32 $0x200;
	s7 =	smax.u32 s7, $0x1  }
.LBB2_1:
0xa: {  	s13 =	simm.s32 $0x0  }
.LBB2_2:
0xb: {  	s14 =	sshll.u32 s13, $0x5  }
0xc: {  	s14 =	sadd.s32 s6, s14  }
0xd: {  	s15 =	sshll.u32 s14, $0x1  }
0xe: {  	s16 =	simm.s32 $0x0;
	s15 =	sadd.s32 s4, s15  }
0xf: {  	[tilespmem:s16], [sflag:$0x2] =	stream.linear.gather [hbm4b:s15+s16], $0x200, $0x38;
	[tilespmem:$0x8A00] =	vst v63  }
0x10: {  	_ =	swait.ge [sflag:s8], $0x200  }
0x11: {  	[sflag:s8] =	ssyncset.done $0x0  }
0x12: {  	[sflag:s8] =	ssyncadd.s32 $0xFFFFFE00  }
0x13: {  	[tilespmem:s9], [sflag:$0x1] =	stream.indirect.gather [hbm4b:s3+s9], $0x40, s16, s9, $0xb8;
	[tilespmem:$0x8A00] =	vst v63  }
0x14: {  	_ =	swait.ge [sflag:s10], $0x8000  }
0x15: {  	[sflag:s10] =	ssyncset.done $0x0  }
0x16: {  	s15 =	simm.s32 $0x400;
	[sflag:s10] =	ssyncadd.s32 $0xFFFF8000  }
0x17: {  	v0 =	vld [tilespmem:s15+$0x1F0]  }
0x18: {  	v1 =	vld [tilespmem:s15+$0xFFFFFED0]  }
0x19: {  	v2 =	vld [tilespmem:s15+$0x1B0]  }
0x1a: {  	v3 =	vld [tilespmem:s15+$0x140]  }
0x1b: {  	v4 =	vld [tilespmem:s15+$0x120]  }
0x1c: {  	v5 =	vld [tilespmem:s15+$0x100]  }
0x1d: {  	v6 =	vld [tilespmem:s15+$0xC0]  }
0x1e: {  	v7 =	vld [tilespmem:s15+$0x80]  }
0x1f: {  	v8 =	vld [tilespmem:s15+$0x170]  }
0x20: {  	v9 =	vld [tilespmem:s15+$0xE0]  }
0x21: {  	v10 =	vld [tilespmem:s15+$0x0]  }
0x22: {  	v11 =	vld [tilespmem:s15+$0xFFFFFFF0]  }
0x23: {  	v12 =	vld [tilespmem:s15+$0xFFFFFFE0]  }
0x24: {  	v13 =	vld [tilespmem:s15+$0x130]  }
0x25: {  	v14 =	vld [tilespmem:s15+$0xFFFFFFC0]  }
0x26: {  	v15 =	vld [tilespmem:s15+$0xFFFFFFB0]  }
0x27: {  	v16 =	vld [tilespmem:s15+$0xA0]  }
0x28: {  	v17 =	vld [tilespmem:s15+$0xFFFFFFA0]  }
0x29: {  	v18 =	vld [tilespmem:s15+$0xFFFFFF80]  }
0x2a: {  	v19 =	vld [tilespmem:s15+$0xFFFFFF70]  }
0x2b: {  	v20 =	vld [tilespmem:s15+$0xFFFFFF60]  }
0x2c: {  	v21 =	vld [tilespmem:s15+$0xF0]  }
0x2d: {  	v22 =	vld [tilespmem:s15+$0xFFFFFF40]  }
0x2e: {  	v23 =	vld [tilespmem:s15+$0xFFFFFF30]  }
0x2f: {  	v24 =	vld [tilespmem:s15+$0xB0]  }
0x30: {  	v25 =	vld [tilespmem:s15+$0xFFFFFF20]  }
0x31: {  	v26 =	vld [tilespmem:s15+$0xFFFFFF00]  }
0x32: {  	v27 =	vld [tilespmem:s15+$0xFFFFFEE0]  }
0x33: {  	v28 =	vld [tilespmem:s15+$0xFFFFFEF0]  }
0x34: {  	v29 =	vld [tilespmem:s15+$0xFFFFFEC0]  }
0x35: {  	v30 =	vld [tilespmem:s15+$0xFFFFFEB0]  }
0x36: {  	v31 =	vld [tilespmem:s15+$0xFFFFFEA0]  }
0x37: {  	v32 =	vld [tilespmem:s15+$0x70]  }
0x38: {  	v33 =	vld [tilespmem:s15+$0x40]  }
0x39: {  	v34 =	vld [tilespmem:s15+$0xFFFFFE80]  }
0x3a: {  	v35 =	vld [tilespmem:s15+$0xFFFFFE60]  }
0x3b: {  	v36 =	vld [tilespmem:s15+$0x30]  }
0x3c: {  	v37 =	vld [tilespmem:s15+$0x60]  }
0x3d: {  	v38 =	vld [tilespmem:s15+$0xFFFFFE00]  }
0x3e: {  	v40 =	vld [tilespmem:s15+$0xFFFFFE70]  }
0x3f: {  	v41 =	vld [tilespmem:s15+$0xFFFFFE30]  }
0x40: {  	v42 =	vld [tilespmem:s15+$0xFFFFFE40]  }
0x41: {  	v43 =	vld [tilespmem:s15+$0xFFFFFE20]  }
0x42: {  	v63 =	vld [tilespmem:s15+$0xFFFFFE50]  }
0x43: {  	v47 =	vld [tilespmem:s15+$0xFFFFFE10]  }
0x44: {  	v62 =	vld [tilespmem:s15+$0xFFFFFE90]  }
0x45: {  	v39 =	vld [tilespmem:s15+$0x20]  }
0x46: {  	v44 =	vld [tilespmem:s15+$0x180]  }
0x47: {  	v50 =	vld [tilespmem:s15+$0xFFFFFF10];
	v40 =	vmax.f32 v41, v40;
	v38 =	vmax.f32 v38, v42;
	v35 =	vmax.f32 v43, v35  }
0x48: {  	v51 =	vld [tilespmem:s15+$0xFFFFFF50];
	v52 =	vmax.f32 v47, v63;
	v30 =	vmax.f32 v40, v30;
	v34 =	vmax.f32 v38, v34  }
0x49: {  	v53 =	vld [tilespmem:s15+$0xFFFFFF90];
	v31 =	vmax.f32 v35, v31;
	v54 =	vmax.f32 v52, v62;
	v28 =	vmax.f32 v30, v28  }
0x4a: {  	v45 =	vld [tilespmem:s15+$0x1C0];
	v29 =	vmax.f32 v34, v29;
	v27 =	vmax.f32 v31, v27;
	v1 =	vmax.f32 v54, v1  }
0x4b: {  	v55 =	vld [tilespmem:s15+$0xFFFFFFD0];
	v23 =	vmax.f32 v28, v23;
	v26 =	vmax.f32 v29, v26;
	v25 =	vmax.f32 v27, v25  }
0x4c: {  	v56 =	vld [tilespmem:s15+$0x10];
	v1 =	vmax.f32 v1, v50;
	v19 =	vmax.f32 v23, v19;
	v22 =	vmax.f32 v26, v22  }
0x4d: {  	v57 =	vld [tilespmem:s15+$0x50];
	v20 =	vmax.f32 v25, v20;
	v1 =	vmax.f32 v1, v51;
	v15 =	vmax.f32 v19, v15  }
0x4e: {  	v46 =	vld [tilespmem:s15+$0x1E0];
	v18 =	vmax.f32 v22, v18;
	v17 =	vmax.f32 v20, v17;
	v1 =	vmax.f32 v1, v53  }
0x4f: {  	v58 =	vld [tilespmem:s15+$0x90];
	v11 =	vmax.f32 v15, v11;
	v14 =	vmax.f32 v18, v14;
	v12 =	vmax.f32 v17, v12  }
0x50: {  	v59 =	vld [tilespmem:s15+$0xD0];
	v1 =	vmax.f32 v1, v55;
	v11 =	vmax.f32 v11, v36;
	v10 =	vmax.f32 v14, v10  }
0x51: {  	v48 =	vld [tilespmem:s15+$0x160];
	v12 =	vmax.f32 v12, v39;
	v1 =	vmax.f32 v1, v56;
	v11 =	vmax.f32 v11, v32  }
0x52: {  	v60 =	vld [tilespmem:s15+$0x110];
	v10 =	vmax.f32 v10, v33;
	v12 =	vmax.f32 v12, v37;
	v1 =	vmax.f32 v1, v57  }
0x53: {  	v49 =	vld [tilespmem:s15+$0x1A0];
	v7 =	vmax.f32 v10, v7;
	v11 =	vmax.f32 v11, v24;
	v12 =	vmax.f32 v12, v16  }
0x54: {  	v61 =	vld [tilespmem:s15+$0x150];
	v1 =	vmax.f32 v1, v58;
	v11 =	vmax.f32 v11, v21;
	v6 =	vmax.f32 v7, v6  }
0x55: {  	v62 =	vld [tilespmem:s15+$0x190];
	v9 =	vmax.f32 v12, v9;
	v1 =	vmax.f32 v1, v59;
	v11 =	vmax.f32 v11, v13  }
0x56: {  	v63 =	vld [tilespmem:s15+$0x1D0];
	v5 =	vmax.f32 v6, v5;
	v4 =	vmax.f32 v9, v4;
	v8 =	vmax.f32 v11, v8  }
0x57: {  	v1 =	vmax.f32 v1, v60;
	v3 =	vmax.f32 v5, v3;
	v2 =	vmax.f32 v8, v2  }
0x58: {  	s17 =	simm.s32 $0x0;
	v4 =	vmax.f32 v4, v48;
	v3 =	vmax.f32 v3, v44;
	v0 =	vmax.f32 v2, v0  }
0x59: {  	v2 =	vmax.f32 v4, v49;
	v3 =	vmax.f32 v3, v45;
	[tilespmem:s17+$0x8230] =	vst v0;
	v0 =	vmax.f32 v1, v61  }
0x5a: {  	v1 =	vmax.f32 v2, v46;
	[tilespmem:s17+$0x8200] =	vst v3;
	v0 =	vmax.f32 v0, v62  }
0x5b: {  	s16 =	simm.s32 $0x100;
	[tilespmem:s17+$0x8220] =	vst v1;
	v0 =	vmax.f32 v0, v63  }
.LBB2_3:
0x5c: {  	p0 =	sne.s32 s16, $0x1F00  }
0x5d: {  	[tilespmem:s17+$0x8210] =	vst v0;
	s15 =	sadd.s32 $0x400, s15;
	s17 =	smov.u32 s16;
	s16 =	sadd.s32 $0x100, s16  }
0x5e: {  	v0 =	vld [tilespmem:s15+$0x1F0]  }
0x5f: {  	v8 =	vld [tilespmem:s15+$0xFFFFFED0]  }
0x60: {  	v1 =	vld [tilespmem:s15+$0x1B0]  }
0x61: {  	v2 =	vld [tilespmem:s15+$0x140]  }
0x62: {  	v3 =	vld [tilespmem:s15+$0x120]  }
0x63: {  	v5 =	vld [tilespmem:s15+$0x100]  }
0x64: {  	v6 =	vld [tilespmem:s15+$0xC0]  }
0x65: {  	v10 =	vld [tilespmem:s15+$0x80]  }
0x66: {  	v4 =	vld [tilespmem:s15+$0x170]  }
0x67: {  	v7 =	vld [tilespmem:s15+$0xE0]  }
0x68: {  	v11 =	vld [tilespmem:s15+$0x0]  }
0x69: {  	v12 =	vld [tilespmem:s15+$0xFFFFFFF0]  }
0x6a: {  	v13 =	vld [tilespmem:s15+$0xFFFFFFE0]  }
0x6b: {  	v9 =	vld [tilespmem:s15+$0x130]  }
0x6c: {  	v14 =	vld [tilespmem:s15+$0xFFFFFFC0]  }
0x6d: {  	v15 =	vld [tilespmem:s15+$0xFFFFFFB0]  }
0x6e: {  	v16 =	vld [tilespmem:s15+$0xA0]  }
0x6f: {  	v17 =	vld [tilespmem:s15+$0xFFFFFFA0]  }
0x70: {  	v18 =	vld [tilespmem:s15+$0xFFFFFF80]  }
0x71: {  	v19 =	vld [tilespmem:s15+$0xFFFFFF70]  }
0x72: {  	v20 =	vld [tilespmem:s15+$0xFFFFFF60]  }
0x73: {  	v21 =	vld [tilespmem:s15+$0xF0]  }
0x74: {  	v22 =	vld [tilespmem:s15+$0xFFFFFF40]  }
0x75: {  	v23 =	vld [tilespmem:s15+$0xFFFFFF30]  }
0x76: {  	v24 =	vld [tilespmem:s15+$0xB0]  }
0x77: {  	v25 =	vld [tilespmem:s15+$0xFFFFFF20]  }
0x78: {  	v26 =	vld [tilespmem:s15+$0xFFFFFF00]  }
0x79: {  	v27 =	vld [tilespmem:s15+$0xFFFFFEE0]  }
0x7a: {  	v28 =	vld [tilespmem:s15+$0xFFFFFEF0]  }
0x7b: {  	v29 =	vld [tilespmem:s15+$0xFFFFFEC0]  }
0x7c: {  	v30 =	vld [tilespmem:s15+$0xFFFFFEB0]  }
0x7d: {  	v31 =	vld [tilespmem:s15+$0xFFFFFEA0]  }
0x7e: {  	v32 =	vld [tilespmem:s15+$0x70]  }
0x7f: {  	v33 =	vld [tilespmem:s15+$0x40]  }
0x80: {  	v34 =	vld [tilespmem:s15+$0xFFFFFE80]  }
0x81: {  	v35 =	vld [tilespmem:s15+$0xFFFFFE60]  }
0x82: {  	v36 =	vld [tilespmem:s15+$0x30]  }
0x83: {  	v37 =	vld [tilespmem:s15+$0x60]  }
0x84: {  	v38 =	vld [tilespmem:s15+$0xFFFFFE00]  }
0x85: {  	v39 =	vld [tilespmem:s15+$0x20]  }
0x86: {  	v40 =	vld [tilespmem:s15+$0xFFFFFE70]  }
0x87: {  	v41 =	vld [tilespmem:s15+$0xFFFFFE30]  }
0x88: {  	v42 =	vld [tilespmem:s15+$0xFFFFFE40]  }
0x89: {  	v43 =	vld [tilespmem:s15+$0xFFFFFE20]  }
0x8a: {  	v44 =	vld [tilespmem:s15+$0x180]  }
0x8b: {  	v45 =	vld [tilespmem:s15+$0x1C0]  }
0x8c: {  	v40 =	vmax.f32 v41, v40;
	v41 =	vld [tilespmem:s15+$0x1E0]  }
0x8d: {  	v38 =	vmax.f32 v38, v42;
	v42 =	vld [tilespmem:s15+$0xFFFFFE90];
	v30 =	vmax.f32 v40, v30  }
0x8e: {  	v40 =	vld [tilespmem:s15+$0xFFFFFE50];
	v35 =	vmax.f32 v43, v35;
	v34 =	vmax.f32 v38, v34;
	v28 =	vmax.f32 v30, v28  }
0x8f: {  	v30 =	vld [tilespmem:s15+$0xFFFFFE10];
	v31 =	vmax.f32 v35, v31;
	v29 =	vmax.f32 v34, v29;
	v23 =	vmax.f32 v28, v23  }
0x90: {  	v27 =	vmax.f32 v31, v27;
	v26 =	vmax.f32 v29, v26;
	v19 =	vmax.f32 v23, v19;
	v23 =	vld [tilespmem:s15+$0x160]  }
0x91: {  	v25 =	vmax.f32 v27, v25;
	v22 =	vmax.f32 v26, v22;
	v15 =	vmax.f32 v19, v15;
	v19 =	vld [tilespmem:s15+$0x1A0]  }
0x92: {  	v26 =	vld [tilespmem:s15+$0xFFFFFF10];
	v20 =	vmax.f32 v25, v20;
	v18 =	vmax.f32 v22, v18;
	v12 =	vmax.f32 v15, v12  }
0x93: {  	v15 =	vld [tilespmem:s15+$0xFFFFFF50];
	v17 =	vmax.f32 v20, v17;
	v14 =	vmax.f32 v18, v14;
	v12 =	vmax.f32 v12, v36  }
0x94: {  	v18 =	vmax.f32 v30, v40;
	v20 =	vld [tilespmem:s15+$0xFFFFFF90];
	v13 =	vmax.f32 v17, v13;
	v11 =	vmax.f32 v14, v11  }
0x95: {  	v12 =	vmax.f32 v12, v32;
	v14 =	vmax.f32 v18, v42;
	v17 =	vld [tilespmem:s15+$0xFFFFFFD0];
	v13 =	vmax.f32 v13, v39  }
0x96: {  	v11 =	vmax.f32 v11, v33;
	v8 =	vmax.f32 v14, v8;
	v14 =	vld [tilespmem:s15+$0x10];
	v13 =	vmax.f32 v13, v37  }
0x97: {  	v10 =	vmax.f32 v11, v10;
	v11 =	vmax.f32 v12, v24;
	v8 =	vmax.f32 v8, v26;
	v18 =	vld [tilespmem:s15+$0x50]  }
0x98: {  	v13 =	vmax.f32 v13, v16;
	v11 =	vmax.f32 v11, v21;
	v8 =	vmax.f32 v8, v15;
	v12 =	vld [tilespmem:s15+$0x90]  }
0x99: {  	v6 =	vmax.f32 v10, v6;
	v7 =	vmax.f32 v13, v7;
	v8 =	vmax.f32 v8, v20;
	v10 =	vld [tilespmem:s15+$0xD0]  }
0x9a: {  	v5 =	vmax.f32 v6, v5;
	v9 =	vmax.f32 v11, v9;
	v8 =	vmax.f32 v8, v17;
	v6 =	vld [tilespmem:s15+$0x110]  }
0x9b: {  	v3 =	vmax.f32 v7, v3;
	v4 =	vmax.f32 v9, v4;
	v8 =	vmax.f32 v8, v14;
	v7 =	vld [tilespmem:s15+$0x150]  }
0x9c: {  	v2 =	vmax.f32 v5, v2;
	v3 =	vmax.f32 v3, v23;
	v8 =	vmax.f32 v8, v18;
	v5 =	vld [tilespmem:s15+$0x190]  }
0x9d: {  	v2 =	vmax.f32 v2, v44;
	v1 =	vmax.f32 v4, v1;
	v8 =	vmax.f32 v8, v12;
	v4 =	vld [tilespmem:s15+$0x1D0]  }
.Ltmp0:
0x9e: {  	s17 =	sshra.s32 s17, $0x2;
	v3 =	vmax.f32 v3, v19;
	v0 =	vmax.f32 v1, v0;
	v8 =	vmax.f32 v8, v10;
	(pc) =	sbr.rel @p0 .LBB2_3-.Ltmp0, $4  }
0x9f: {  	v2 =	vmax.f32 v2, v45;
	v3 =	vmax.f32 v3, v41;
	v1 =	vmax.f32 v8, v6;
	[tilespmem:s17+$0x8230] =	vst v0  }
0xa0: {  	v0 =	vmax.f32 v1, v7;
	[tilespmem:s17+$0x8200] =	vst v2  }
0xa1: {  	v0 =	vmax.f32 v0, v5;
	[tilespmem:s17+$0x8220] =	vst v3  }
0xa2: {  	v0 =	vmax.f32 v0, v4  }
0xa3: {  	s13 =	sadd.s32 $0x1, s13  }
0xa4: {  	s14 =	sshll.u32 s14, $0x3;
	p0 =	sne.s32 s13, $0x32  }
.Ltmp1:
0xa5: {  	[tilespmem:s17+$0x8210] =	vst v0;
	s14 =	sadd.s32 s5, s14;
	(pc) =	sbr.rel @p0 .LBB2_2-.Ltmp1, $4  }
0xa6: {  	[hbm4b:s14+s2] =	stream.linear.scatter [tilespmem:s11], [sflag:$0x2], $0x800, $0x38;
	[tilespmem:$0x8A00] =	vst v63  }
0xa7: {  	_ =	swait.ge [sflag:s8], $0x800  }
0xa8: {  	[sflag:s8] =	ssyncset.done $0x0  }
0xa9: {  	[sflag:s8] =	ssyncadd.s32 $0xFFFFF800  }
0xaa: {  	s12 =	sadd.s32 $0x1, s12  }
0xab: {  	p0 =	sne.s32 s12, s7  }
.Ltmp2:
0xac: {  	_ = 	snop;
	(pc) =	sbr.rel @p0 .LBB2_1-.Ltmp2, $1  }
0xad: {  	_ =	sdelay $0x3  }
0xae: {  	_ =	sfence.sel $0x180000  }
0xaf: {  	[bflag:$0x0] =	sbarrier.arrive $0xFFFF  }
0xb0: {  	p0 =	sne.s32 s1, $0x0;
	_ =	strace $0x9000004A  }
0xb1: {  	s0 =	sadd.s32 @!p0 $0x100000, s0;
	[bflag:$0x2] =	sbarrier.arrive $0xFFFF  }
0xb2: {  	[sflag:s0] =	ssyncadd.tile.s32 @!p0 $0x1;
	_ =	shalt  }
.Lfunc_end2:
_tile_overlayer_lowered:
.L_overlay_start_2:
0xb3: {  	(tag) =	ssettag $0x2  }
0xb4: {  	s0 =	rddreg [dreg:$0x0];
	s2 =	stileid.u32  }
0xb5: {  	s1 =	rddreg [dreg:$0x1];
	p0 =	sne.s32 s2, $0x0  }
0xb6: {  	s3 =	rddreg [dreg:$0x2];
	[bflag:$0x3] =	sbarrier.arrive $0xFFFF;
	s2 =	simm.s32 @!p0 $0x1C02  }
0xb7: {  	[timem:s3], [sflag:s2] =	dma.local @!p0 [hbm:s0], s1  }
0xb8: {  	s0 =	simm.s32 @!p0 $0x2  }
0xb9: {  	_ =	swait.ge @!p0 [sflag:s0], s1  }
0xba: {  	s1 =	ssub.s32 @!p0 $0x0, s1;
	[sflag:s0] =	ssyncset.done @!p0 $0x0  }
0xbb: {  	[sflag:s0] =	ssyncadd.s32 @!p0 s1  }
0xbc: {  	[bflag:$0x3] =	sbarrier.arrive $0xFFFF  }
0xbd: {  	_ =	shalt  }

// kernel: kernel.26.cloned.1.call-start
scs
__scs_entry_jumppad:
0x0: {  	(pc) =	sbr.rel $0x88, $3  }
0x1: {  	(tag) =	ssettag $0x0;
	lr =	simm.s32 $0x1  }
0x2: {  	[smem:$0x3F82] =	sst lr;
	_ =	strace $0xD0000000  }
0x3: {  	_ = 	snop  }
0x4: {  	_ = 	snop  }
0x5: {  	_ = 	snop  }
0x6: {  	_ = 	snop  }
0x7: {  	_ = 	snop  }
__scs_overlays_trampoline_lowered:
0x8: {  	[smem:$0x3F91] =	sst s0  }
0x9: {  	[smem:$0x3F92] =	sst s1  }
0xa: {  	[smem:$0x3F93] =	sst s2  }
0xb: {  	[smem:$0x3F94] =	sst s3  }
0xc: {  	[smem:$0x3F95] =	sst s4  }
0xd: {  	[smem:$0x3F96] =	sst s5  }
0xe: {  	[smem:$0x3F97] =	sst s6  }
0xf: {  	[smem:$0x3F98] =	sst s7  }
0x10: {  	[smem:$0x3F99] =	sst s8  }
0x11: {  	[smem:$0x3F9A] =	sst s9;
	s0 =	simm.s32 @!p0 $0x0  }
0x12: {  	s1 =	sld [smem:$0x3F80];
	s0 =	simm.s32 @p0 $0x1  }
0x13: {  	[smem:$0x3F9B] =	sst s0;
	s0 =	simm.s32 @!p1 $0x0  }
0x14: {  	s2 =	sld [smem:$0x3F7F];
	s0 =	simm.s32 @p1 $0x1  }
0x15: {  	[smem:$0x3F9C] =	sst s0;
	s0 =	simm.s32 @!p2 $0x0  }
0x16: {  	s3 =	sld [smem:$0x3FDB];
	s0 =	simm.s32 @p2 $0x1  }
0x17: {  	s4 =	simm.s32 $0x1BF5;
	[smem:$0x3F9E] =	sst s0  }
0x18: {  	s0 =	sld [smem:$0x3F81];
	_ =	swait.ge [sflag:s4], $0x0  }
0x19: {  	s7 =	sld [smem:$0x3F82]  }
0x1a: {  	s8 =	sadd.s32 $0xFFFFE003, lr  }
0x1b: {  	s9 =	sadd.s32 $0xFFFFFEF7, lr;
	s5 =	simm.s32 $0xFFFFFFFF;
	p2 =	slt.u32 s8, $0xFFFFF086  }
0x1c: {  	p1 =	slt.u32 s9, $0xF7A;
	s5 =	simm.s32 @!p2 $0x0  }
0x1d: {  	s5 =	simm.s32 @p1 $0x1;
	p0 =	seq.s32 s7, s2  }
0x1e: {  	s7 =	smul.u32 @!p0 $0xF7A, s2;
	p2 =	seq.s32 @!p0 s5, $0x0  }
0x1f: {  	s9 =	smul.u32 $0xF7A, s1;
	s8 =	simm.s32 @!p0 $0x1BF5;
	p2 =	por !p2, p0  }
0x20: {  	[sflag:s8] =	ssyncset.s32 @!p0 $0xFFFFF086;
	s6 =	sadd.s32 @!p0 s3, s7;
	s7 =	simm.s32 @!p0 $0x108  }
0x21: {  	s3 =	sadd.s32 s3, s9;
	s6 =	sadd.s32 @!p0 $0x88, s6;
	s7 =	simm.s32 @p2 $0x1082  }
0x22: {  	[simem:s7], [sflag:s8] =	dma.local @!p0 [hbm:s6], $0xF7A  }
0x23: {  	s9 =	sor.u32 $0xD0000000, s2;
	s6 =	simm.s32 $0x108;
	_ =	swait.ge @!p0 [sflag:s8], $0x0  }
0x24: {  	s3 =	sadd.s32 $0x88, s3;
	s6 =	simm.s32 @!p1 $0x1082;
	[sflag:s4] =	ssyncset.s32 $0xFFFFF086  }
0x25: {  	[simem:s6], [sflag:s4] =	dma.local [hbm:s3], $0xF7A  }
0x26: {  	[smem:$0x3F82] =	sst s1;
	(tag) =	ssettag s2;
	_ =	strace s9  }
0x27: {  	s1 =	sld [smem:$0x3F92]  }
0x28: {  	s2 =	sld [smem:$0x3F93]  }
0x29: {  	s4 =	sld [smem:$0x3F95]  }
0x2a: {  	p0 =	seq.s32 s5, $0x0;
	s5 =	sld [smem:$0x3F96]  }
0x2b: {  	s6 =	sld [smem:$0x3F97]  }
0x2c: {  	s7 =	sld [smem:$0x3F98]  }
0x2d: {  	s3 =	simm.s32 $0x108;
	s8 =	sld [smem:$0x3F99]  }
0x2e: {  	s3 =	simm.s32 @!p0 $0x1082;
	s9 =	sld [smem:$0x3F9A]  }
0x2f: {  	lr =	sadd.s32 s0, s3;
	s0 =	sld [smem:$0x3F91]  }
0x30: {  	s3 =	sld [smem:$0x3F94]  }
0x31: {  	[smem:$0x3F9D] =	sst s10  }
0x32: {  	s10 =	sld [smem:$0x3F9B];
	_ =	sdelay $0x3  }
0x33: {  	p0 =	seq.s32 s10, $0x1;
	s10 =	sld [smem:$0x3F9D];
	_ =	sdelay $0x3  }
0x34: {  	[smem:$0x3F9D] =	sst s10  }
0x35: {  	s10 =	sld [smem:$0x3F9C];
	_ =	sdelay $0x3  }
0x36: {  	p1 =	seq.s32 s10, $0x1;
	s10 =	sld [smem:$0x3F9D];
	_ =	sdelay $0x3  }
0x37: {  	[smem:$0x3F9D] =	sst s10  }
0x38: {  	s10 =	sld [smem:$0x3F9E]  }
0x39: {  	_ = 	snop;
	(pc) =	sbr.ind lr, $3  }
0x3a: {  	_ = 	snop  }
0x3b: {  	_ = 	snop  }
0x3c: {  	p2 =	seq.s32 s10, $0x1;
	s10 =	sld [smem:$0x3F9D]  }
0x3d: {  	_ =	shalt  }
0x3e: {  	_ =	shalt  }
0x3f: {  	_ =	shalt  }
0x40: {  	_ =	shalt  }
0x41: {  	_ =	shalt  }
0x42: {  	_ =	shalt  }
0x43: {  	_ =	shalt  }
0x44: {  	_ =	shalt  }
0x45: {  	_ =	shalt  }
0x46: {  	_ =	shalt  }
0x47: {  	_ =	shalt  }
0x48: {  	_ =	shalt  }
0x49: {  	_ =	shalt  }
0x4a: {  	_ =	shalt  }
0x4b: {  	_ =	shalt  }
0x4c: {  	_ =	shalt  }
0x4d: {  	_ =	shalt  }
0x4e: {  	_ =	shalt  }
0x4f: {  	_ =	shalt  }
0x50: {  	_ =	shalt  }
0x51: {  	_ =	shalt  }
0x52: {  	_ =	shalt  }
0x53: {  	_ =	shalt  }
0x54: {  	_ =	shalt  }
0x55: {  	_ =	shalt  }
0x56: {  	_ =	shalt  }
0x57: {  	_ =	shalt  }
0x58: {  	_ =	shalt  }
0x59: {  	_ =	shalt  }
0x5a: {  	_ =	shalt  }
0x5b: {  	_ =	shalt  }
0x5c: {  	_ =	shalt  }
0x5d: {  	_ =	shalt  }
0x5e: {  	_ =	shalt  }
0x5f: {  	_ =	shalt  }
0x60: {  	_ =	shalt  }
0x61: {  	_ =	shalt  }
0x62: {  	_ =	shalt  }
0x63: {  	_ =	shalt  }
0x64: {  	_ =	shalt  }
0x65: {  	_ =	shalt  }
0x66: {  	_ =	shalt  }
0x67: {  	_ =	shalt  }
0x68: {  	_ =	shalt  }
0x69: {  	_ =	shalt  }
0x6a: {  	_ =	shalt  }
0x6b: {  	_ =	shalt  }
0x6c: {  	_ =	shalt  }
0x6d: {  	_ =	shalt  }
0x6e: {  	_ =	shalt  }
0x6f: {  	_ =	shalt  }
0x70: {  	_ =	shalt  }
0x71: {  	_ =	shalt  }
0x72: {  	_ =	shalt  }
0x73: {  	_ =	shalt  }
0x74: {  	_ =	shalt  }
0x75: {  	_ =	shalt  }
0x76: {  	_ =	shalt  }
0x77: {  	_ =	shalt  }
0x78: {  	_ =	shalt  }
0x79: {  	_ =	shalt  }
0x7a: {  	_ =	shalt  }
0x7b: {  	_ =	shalt  }
0x7c: {  	_ =	shalt  }
0x7d: {  	_ =	shalt  }
0x7e: {  	_ =	shalt  }
0x7f: {  	_ =	shalt  }
0x80: {  	_ =	shalt  }
0x81: {  	_ =	shalt  }
0x82: {  	_ =	shalt  }
0x83: {  	_ =	shalt  }
0x84: {  	_ =	shalt  }
0x85: {  	_ =	shalt  }
0x86: {  	_ =	shalt  }
0x87: {  	_ =	shalt  }
.Lfunc_end0:
.L_simem_size_0:
called_computation.2_lowered:
.L_overlay_start_0:
0x88: {  	s2 =	sld [smem:$0x3FD9]  }
0x89: {  	s3 =	sld [smem:$0x3FFE];
	_ =	sdelay $0x1  }
0x8a: {  	s1 =	srdreg.scid  }
0x8b: {  	s0 =	sand.u32 $0x1, s1  }
0x8c: {  	s17 =	sshll.u32 s0, $0xA;
	s2 =	sadd.s32 s3, s2  }
0x8d: {  	s2 =	sadd.s32 s2, s17  }
0x8e: {  	[smem:$0x3FA9] =	sst s2  }
0x8f: {  	_ = 	snop  }
0x90: {  	s2 =	sld [smem:$0x3FD0];
	(tm) =	ssettm $0x1  }
0x91: {  	s18 =	sld [smem:$0x3FFB];
	_ =	sdelay $0x3  }
0x92: {  	_ =	strace s18  }
0x93: {  	s3 =	sld [smem:$0x3FFC];
	_ =	sdelay $0x3  }
0x94: {  	_ =	strace s3  }
0x95: {  	s3 =	sld [smem:$0x3FFD];
	_ =	sdelay $0x3  }
0x96: {  	_ =	strace s3  }
0x97: {  	_ =	strace $0x8FFFFFFF  }
0x98: {  	s19 =	sld [smem:$0x3FDB];
	_ =	sdelay $0x1  }
0x99: {  	s4 =	simm.s32 $_scs_section_size  }
0x9a: {  	s5 =	simm.s32 $_size__tile_overlayer_lowered;
	s6 =	simm.s32 $_tile_overlayer_lowered  }
0x9b: {  	s22 =	simm.s32 $0x1BFF;
	s21 =	sshll.u32 s6, $0x1;
	s3 =	sadd.s32 s4, s19  }
0x9c: {  	s7 =	simm.s32 $0x0;
	s20 =	sshll.u32 s5, $0x1;
	s5 =	sadd.s32 s21, s3  }
0x9d: {  	[timem:s7], [sflag:s22] =	dma.local [hbm:s5], s20  }
0x9e: {  	_ =	swait.ge [sflag:s22], s20  }
0x9f: {  	s4 =	ssub.s32 $0x0, s20;
	[sflag:s22] =	ssyncset.done $0x0  }
0xa0: {  	[sflag:s22] =	ssyncadd.s32 s4;
	_ =	sdelay $0x1  }
0xa1: {  	s23 =	simm.s32 $0x1B8B  }
0xa2: {  	_ =	swait.ge [sflag:s23], $0x1  }
0xa3: {  	[sflag:s23] =	ssyncset.done $0x0  }
0xa4: {  	s25 =	simm.s32 $0x1B8E;
	s24 =	sld [smem:$0x3FFE];
	[sflag:s23] =	ssyncadd.s32 $0xFFFFFFFF  }
0xa5: {  	s26 =	simm.s32 $execute0_lowered;
	[smem:$0x3FD2] =	sst s25  }
0xa6: {  	s5 =	sshll.u32 s26, $0x1;
	_ =	strace $0x8000004C;
	[dreg:$0x1] =	wrdreg $0xFFFFFFFF  }
0xa7: {  	s28 =	simm.s32 $_size_execute0_lowered;
	s3 =	sadd.s32 s3, s5;
	[dreg:$0x0] =	wrdreg $0x0  }
0xa8: {  	s5 =	sshll.u32 s28, $0x1;
	[dreg:$0x2] =	wrdreg s3  }
0xa9: {  	[dreg:$0x3] =	wrdreg s5  }
0xaa: {  	[dreg:$0x4] =	wrdreg $0xC0  }
0xab: {  	_ =	task [dreg:s7], $0x5FFFF  }
0xac: {  	[dreg:$0x1] =	wrdreg $0xFFFFFFFF  }
0xad: {  	[dreg:$0x0] =	wrdreg $0x60  }
0xae: {  	[dreg:$0x2] =	wrdreg s2  }
0xaf: {  	[dreg:$0x3] =	wrdreg s24  }
0xb0: {  	[dreg:$0x4] =	wrdreg $0x9  }
0xb1: {  	_ =	task.clear_ibuf [dreg:s7], $0x5FFFF;
	_ =	strace $0x9000004C  }
0xb2: {  	s29 =	simm.s32 $0x9;
	_ =	strace $0x8000004E  }
0xb3: {  	_ =	swait.ge [sflag:s29], $0x1  }
0xb4: {  	[sflag:s29] =	ssyncadd.s32 $0xFFFFFFFF  }
0xb5: {  	_ =	strace $0x9000004E  }
0xb6: {  	_ =	sfence  }
0xb7: {  	s30 =	sld [smem:$0x0];
	_ =	sdelay $0x2  }
0xb8: {  	s31 =	sshll.u32 s1, $0xD;
	s1 =	sshrl.u32 s1, $0x2  }
0xb9: {  	s3 =	sand.u32 $0x4000, s31;
	s1 =	sadd.s32 s1, s30  }
0xba: {  	s0 =	sor.u32 s3, s0;
	s1 =	sshll.u32 s1, $0x11  }
0xbb: {  	s0 =	sor.u32 s1, s0  }
0xbc: {  	s0 =	sadd.s32 $0x8F2B, s0  }
0xbd: {  	[sflag:s0] =	ssyncadd.remote.s32 $0x1  }
0xbe: {  	_ =	sfence.sel $0xFFFF  }
0xbf: {  	[dreg:$0x0] =	wrdreg $0xFFFFFFFF;
	(pc) =	sbr.abs _section_cstart, $3  }
0xc0: {  	[dreg:$0x1] =	wrdreg $0xFFFFFFFF  }
0xc1: {  	_ =	task.clear_ibuf [dreg:s7], $0x2FFFF;
	_ =	strace $0x9FFFFFFF  }
0xc2: {  	(tm) =	ssettm $0x7FFFFFFF  }
0xc3: {  	_ =	shalt  }
tec
execute0_lowered:
.L_overlay_start_1:
0x0: {  	(tag) =	ssettag $0x1  }
0x1: {  	s1 =	rddreg [dreg:$0x0]  }
0x2: {  	s5 =	rddreg [dreg:$0x1]  }
0x3: {  	s0 =	rddreg [dreg:$0x2];
	s3 =	simm.s32 $0x0;
	s4 =	srdreg.scid  }
0x4: {  	s2 =	stileid.u32;
	s10 =	simm.s32 $0x1;
	s11 =	simm.s32 $0x8200  }
0x5: {  	s12 =	simm.s32 $0x0;
	[smem:$0x7FF] =	sst s3;
	s6 =	sand.u32 $0x1, s4  }
0x6: {  	s8 =	sshll.u32 s2, $0x1;
	s4 =	sadd.s32 $0xDAE00, s5;
	s7 =	ssub.s32 $0x2, s6  }
0x7: {  	s5 =	sadd.s32 $0xF3E00, s5;
	_ =	strace $0x8000004D;
	s9 =	sshrl.u32 s7, $0x1  }
0x8: {  	s6 =	sor.u32 s6, s8;
	s8 =	simm.s32 $0x2;
	s7 =	ssub.s32 s7, s9  }
0x9: {  	s6 =	smul.u32 $0x640, s6;
	s9 =	simm.s32 $0x200;
	s7 =	smax.u32 s7, $0x1  }
.LBB2_1:
0xa: {  	s13 =	simm.s32 $0x0  }
.LBB2_2:
0xb: {  	s14 =	sshll.u32 s13, $0x5  }
0xc: {  	s14 =	sadd.s32 s6, s14  }
0xd: {  	s15 =	sshll.u32 s14, $0x1  }
0xe: {  	s16 =	simm.s32 $0x0;
	s15 =	sadd.s32 s4, s15  }
0xf: {  	[tilespmem:s16], [sflag:$0x2] =	stream.linear.gather [hbm4b:s15+s16], $0x200, $0x38;
	[tilespmem:$0x8A00] =	vst v63  }
0x10: {  	_ =	swait.ge [sflag:s8], $0x200  }
0x11: {  	[sflag:s8] =	ssyncset.done $0x0  }
0x12: {  	[sflag:s8] =	ssyncadd.s32 $0xFFFFFE00  }
0x13: {  	[tilespmem:s9], [sflag:$0x1] =	stream.indirect.gather [hbm4b:s1+s9], $0x40, s16, s9, $0xb8;
	[tilespmem:$0x8A00] =	vst v63  }
0x14: {  	_ =	swait.ge [sflag:s10], $0x8000  }
0x15: {  	[sflag:s10] =	ssyncset.done $0x0  }
0x16: {  	s15 =	simm.s32 $0x400;
	[sflag:s10] =	ssyncadd.s32 $0xFFFF8000  }
0x17: {  	v0 =	vld [tilespmem:s15+$0x1F0]  }
0x18: {  	v1 =	vld [tilespmem:s15+$0xFFFFFED0]  }
0x19: {  	v2 =	vld [tilespmem:s15+$0x1B0]  }
0x1a: {  	v3 =	vld [tilespmem:s15+$0x140]  }
0x1b: {  	v4 =	vld [tilespmem:s15+$0x120]  }
0x1c: {  	v5 =	vld [tilespmem:s15+$0x100]  }
0x1d: {  	v6 =	vld [tilespmem:s15+$0xC0]  }
0x1e: {  	v7 =	vld [tilespmem:s15+$0x80]  }
0x1f: {  	v8 =	vld [tilespmem:s15+$0x170]  }
0x20: {  	v9 =	vld [tilespmem:s15+$0xE0]  }
0x21: {  	v10 =	vld [tilespmem:s15+$0x0]  }
0x22: {  	v11 =	vld [tilespmem:s15+$0xFFFFFFF0]  }
0x23: {  	v12 =	vld [tilespmem:s15+$0xFFFFFFE0]  }
0x24: {  	v13 =	vld [tilespmem:s15+$0x130]  }
0x25: {  	v14 =	vld [tilespmem:s15+$0xFFFFFFC0]  }
0x26: {  	v15 =	vld [tilespmem:s15+$0xFFFFFFB0]  }
0x27: {  	v16 =	vld [tilespmem:s15+$0xA0]  }
0x28: {  	v17 =	vld [tilespmem:s15+$0xFFFFFFA0]  }
0x29: {  	v18 =	vld [tilespmem:s15+$0xFFFFFF80]  }
0x2a: {  	v19 =	vld [tilespmem:s15+$0xFFFFFF70]  }
0x2b: {  	v20 =	vld [tilespmem:s15+$0xFFFFFF60]  }
0x2c: {  	v21 =	vld [tilespmem:s15+$0xF0]  }
0x2d: {  	v22 =	vld [tilespmem:s15+$0xFFFFFF40]  }
0x2e: {  	v23 =	vld [tilespmem:s15+$0xFFFFFF30]  }
0x2f: {  	v24 =	vld [tilespmem:s15+$0xB0]  }
0x30: {  	v25 =	vld [tilespmem:s15+$0xFFFFFF20]  }
0x31: {  	v26 =	vld [tilespmem:s15+$0xFFFFFF00]  }
0x32: {  	v27 =	vld [tilespmem:s15+$0xFFFFFEE0]  }
0x33: {  	v28 =	vld [tilespmem:s15+$0xFFFFFEF0]  }
0x34: {  	v29 =	vld [tilespmem:s15+$0xFFFFFEC0]  }
0x35: {  	v30 =	vld [tilespmem:s15+$0xFFFFFEB0]  }
0x36: {  	v31 =	vld [tilespmem:s15+$0xFFFFFEA0]  }
0x37: {  	v32 =	vld [tilespmem:s15+$0x70]  }
0x38: {  	v33 =	vld [tilespmem:s15+$0x40]  }
0x39: {  	v34 =	vld [tilespmem:s15+$0xFFFFFE80]  }
0x3a: {  	v35 =	vld [tilespmem:s15+$0xFFFFFE60]  }
0x3b: {  	v36 =	vld [tilespmem:s15+$0x30]  }
0x3c: {  	v37 =	vld [tilespmem:s15+$0x60]  }
0x3d: {  	v38 =	vld [tilespmem:s15+$0xFFFFFE00]  }
0x3e: {  	v40 =	vld [tilespmem:s15+$0xFFFFFE70]  }
0x3f: {  	v41 =	vld [tilespmem:s15+$0xFFFFFE30]  }
0x40: {  	v42 =	vld [tilespmem:s15+$0xFFFFFE40]  }
0x41: {  	v43 =	vld [tilespmem:s15+$0xFFFFFE20]  }
0x42: {  	v63 =	vld [tilespmem:s15+$0xFFFFFE50]  }
0x43: {  	v47 =	vld [tilespmem:s15+$0xFFFFFE10]  }
0x44: {  	v62 =	vld [tilespmem:s15+$0xFFFFFE90]  }
0x45: {  	v39 =	vld [tilespmem:s15+$0x20]  }
0x46: {  	v44 =	vld [tilespmem:s15+$0x180]  }
0x47: {  	v50 =	vld [tilespmem:s15+$0xFFFFFF10];
	v40 =	vmax.f32 v41, v40;
	v38 =	vmax.f32 v38, v42;
	v35 =	vmax.f32 v43, v35  }
0x48: {  	v51 =	vld [tilespmem:s15+$0xFFFFFF50];
	v52 =	vmax.f32 v47, v63;
	v30 =	vmax.f32 v40, v30;
	v34 =	vmax.f32 v38, v34  }
0x49: {  	v53 =	vld [tilespmem:s15+$0xFFFFFF90];
	v31 =	vmax.f32 v35, v31;
	v54 =	vmax.f32 v52, v62;
	v28 =	vmax.f32 v30, v28  }
0x4a: {  	v45 =	vld [tilespmem:s15+$0x1C0];
	v29 =	vmax.f32 v34, v29;
	v27 =	vmax.f32 v31, v27;
	v1 =	vmax.f32 v54, v1  }
0x4b: {  	v55 =	vld [tilespmem:s15+$0xFFFFFFD0];
	v23 =	vmax.f32 v28, v23;
	v26 =	vmax.f32 v29, v26;
	v25 =	vmax.f32 v27, v25  }
0x4c: {  	v56 =	vld [tilespmem:s15+$0x10];
	v1 =	vmax.f32 v1, v50;
	v19 =	vmax.f32 v23, v19;
	v22 =	vmax.f32 v26, v22  }
0x4d: {  	v57 =	vld [tilespmem:s15+$0x50];
	v20 =	vmax.f32 v25, v20;
	v1 =	vmax.f32 v1, v51;
	v15 =	vmax.f32 v19, v15  }
0x4e: {  	v46 =	vld [tilespmem:s15+$0x1E0];
	v18 =	vmax.f32 v22, v18;
	v17 =	vmax.f32 v20, v17;
	v1 =	vmax.f32 v1, v53  }
0x4f: {  	v58 =	vld [tilespmem:s15+$0x90];
	v11 =	vmax.f32 v15, v11;
	v14 =	vmax.f32 v18, v14;
	v12 =	vmax.f32 v17, v12  }
0x50: {  	v59 =	vld [tilespmem:s15+$0xD0];
	v1 =	vmax.f32 v1, v55;
	v11 =	vmax.f32 v11, v36;
	v10 =	vmax.f32 v14, v10  }
0x51: {  	v48 =	vld [tilespmem:s15+$0x160];
	v12 =	vmax.f32 v12, v39;
	v1 =	vmax.f32 v1, v56;
	v11 =	vmax.f32 v11, v32  }
0x52: {  	v60 =	vld [tilespmem:s15+$0x110];
	v10 =	vmax.f32 v10, v33;
	v12 =	vmax.f32 v12, v37;
	v1 =	vmax.f32 v1, v57  }
0x53: {  	v49 =	vld [tilespmem:s15+$0x1A0];
	v7 =	vmax.f32 v10, v7;
	v11 =	vmax.f32 v11, v24;
	v12 =	vmax.f32 v12, v16  }
0x54: {  	v61 =	vld [tilespmem:s15+$0x150];
	v1 =	vmax.f32 v1, v58;
	v11 =	vmax.f32 v11, v21;
	v6 =	vmax.f32 v7, v6  }
0x55: {  	v62 =	vld [tilespmem:s15+$0x190];
	v9 =	vmax.f32 v12, v9;
	v1 =	vmax.f32 v1, v59;
	v11 =	vmax.f32 v11, v13  }
0x56: {  	v63 =	vld [tilespmem:s15+$0x1D0];
	v5 =	vmax.f32 v6, v5;
	v4 =	vmax.f32 v9, v4;
	v8 =	vmax.f32 v11, v8  }
0x57: {  	v1 =	vmax.f32 v1, v60;
	v3 =	vmax.f32 v5, v3;
	v2 =	vmax.f32 v8, v2  }
0x58: {  	s17 =	simm.s32 $0x0;
	v4 =	vmax.f32 v4, v48;
	v3 =	vmax.f32 v3, v44;
	v0 =	vmax.f32 v2, v0  }
0x59: {  	v2 =	vmax.f32 v4, v49;
	v3 =	vmax.f32 v3, v45;
	[tilespmem:s17+$0x8230] =	vst v0;
	v0 =	vmax.f32 v1, v61  }
0x5a: {  	v1 =	vmax.f32 v2, v46;
	[tilespmem:s17+$0x8200] =	vst v3;
	v0 =	vmax.f32 v0, v62  }
0x5b: {  	s16 =	simm.s32 $0x100;
	[tilespmem:s17+$0x8220] =	vst v1;
	v0 =	vmax.f32 v0, v63  }
.LBB2_3:
0x5c: {  	p0 =	sne.s32 s16, $0x1F00  }
0x5d: {  	[tilespmem:s17+$0x8210] =	vst v0;
	s15 =	sadd.s32 $0x400, s15;
	s17 =	smov.u32 s16;
	s16 =	sadd.s32 $0x100, s16  }
0x5e: {  	v0 =	vld [tilespmem:s15+$0x1F0]  }
0x5f: {  	v8 =	vld [tilespmem:s15+$0xFFFFFED0]  }
0x60: {  	v1 =	vld [tilespmem:s15+$0x1B0]  }
0x61: {  	v2 =	vld [tilespmem:s15+$0x140]  }
0x62: {  	v3 =	vld [tilespmem:s15+$0x120]  }
0x63: {  	v5 =	vld [tilespmem:s15+$0x100]  }
0x64: {  	v6 =	vld [tilespmem:s15+$0xC0]  }
0x65: {  	v10 =	vld [tilespmem:s15+$0x80]  }
0x66: {  	v4 =	vld [tilespmem:s15+$0x170]  }
0x67: {  	v7 =	vld [tilespmem:s15+$0xE0]  }
0x68: {  	v11 =	vld [tilespmem:s15+$0x0]  }
0x69: {  	v12 =	vld [tilespmem:s15+$0xFFFFFFF0]  }
0x6a: {  	v13 =	vld [tilespmem:s15+$0xFFFFFFE0]  }
0x6b: {  	v9 =	vld [tilespmem:s15+$0x130]  }
0x6c: {  	v14 =	vld [tilespmem:s15+$0xFFFFFFC0]  }
0x6d: {  	v15 =	vld [tilespmem:s15+$0xFFFFFFB0]  }
0x6e: {  	v16 =	vld [tilespmem:s15+$0xA0]  }
0x6f: {  	v17 =	vld [tilespmem:s15+$0xFFFFFFA0]  }
0x70: {  	v18 =	vld [tilespmem:s15+$0xFFFFFF80]  }
0x71: {  	v19 =	vld [tilespmem:s15+$0xFFFFFF70]  }
0x72: {  	v20 =	vld [tilespmem:s15+$0xFFFFFF60]  }
0x73: {  	v21 =	vld [tilespmem:s15+$0xF0]  }
0x74: {  	v22 =	vld [tilespmem:s15+$0xFFFFFF40]  }
0x75: {  	v23 =	vld [tilespmem:s15+$0xFFFFFF30]  }
0x76: {  	v24 =	vld [tilespmem:s15+$0xB0]  }
0x77: {  	v25 =	vld [tilespmem:s15+$0xFFFFFF20]  }
0x78: {  	v26 =	vld [tilespmem:s15+$0xFFFFFF00]  }
0x79: {  	v27 =	vld [tilespmem:s15+$0xFFFFFEE0]  }
0x7a: {  	v28 =	vld [tilespmem:s15+$0xFFFFFEF0]  }
0x7b: {  	v29 =	vld [tilespmem:s15+$0xFFFFFEC0]  }
0x7c: {  	v30 =	vld [tilespmem:s15+$0xFFFFFEB0]  }
0x7d: {  	v31 =	vld [tilespmem:s15+$0xFFFFFEA0]  }
0x7e: {  	v32 =	vld [tilespmem:s15+$0x70]  }
0x7f: {  	v33 =	vld [tilespmem:s15+$0x40]  }
0x80: {  	v34 =	vld [tilespmem:s15+$0xFFFFFE80]  }
0x81: {  	v35 =	vld [tilespmem:s15+$0xFFFFFE60]  }
0x82: {  	v36 =	vld [tilespmem:s15+$0x30]  }
0x83: {  	v37 =	vld [tilespmem:s15+$0x60]  }
0x84: {  	v38 =	vld [tilespmem:s15+$0xFFFFFE00]  }
0x85: {  	v39 =	vld [tilespmem:s15+$0x20]  }
0x86: {  	v40 =	vld [tilespmem:s15+$0xFFFFFE70]  }
0x87: {  	v41 =	vld [tilespmem:s15+$0xFFFFFE30]  }
0x88: {  	v42 =	vld [tilespmem:s15+$0xFFFFFE40]  }
0x89: {  	v43 =	vld [tilespmem:s15+$0xFFFFFE20]  }
0x8a: {  	v44 =	vld [tilespmem:s15+$0x180]  }
0x8b: {  	v45 =	vld [tilespmem:s15+$0x1C0]  }
0x8c: {  	v40 =	vmax.f32 v41, v40;
	v41 =	vld [tilespmem:s15+$0x1E0]  }
0x8d: {  	v38 =	vmax.f32 v38, v42;
	v42 =	vld [tilespmem:s15+$0xFFFFFE90];
	v30 =	vmax.f32 v40, v30  }
0x8e: {  	v40 =	vld [tilespmem:s15+$0xFFFFFE50];
	v35 =	vmax.f32 v43, v35;
	v34 =	vmax.f32 v38, v34;
	v28 =	vmax.f32 v30, v28  }
0x8f: {  	v30 =	vld [tilespmem:s15+$0xFFFFFE10];
	v31 =	vmax.f32 v35, v31;
	v29 =	vmax.f32 v34, v29;
	v23 =	vmax.f32 v28, v23  }
0x90: {  	v27 =	vmax.f32 v31, v27;
	v26 =	vmax.f32 v29, v26;
	v19 =	vmax.f32 v23, v19;
	v23 =	vld [tilespmem:s15+$0x160]  }
0x91: {  	v25 =	vmax.f32 v27, v25;
	v22 =	vmax.f32 v26, v22;
	v15 =	vmax.f32 v19, v15;
	v19 =	vld [tilespmem:s15+$0x1A0]  }
0x92: {  	v26 =	vld [tilespmem:s15+$0xFFFFFF10];
	v20 =	vmax.f32 v25, v20;
	v18 =	vmax.f32 v22, v18;
	v12 =	vmax.f32 v15, v12  }
0x93: {  	v15 =	vld [tilespmem:s15+$0xFFFFFF50];
	v17 =	vmax.f32 v20, v17;
	v14 =	vmax.f32 v18, v14;
	v12 =	vmax.f32 v12, v36  }
0x94: {  	v18 =	vmax.f32 v30, v40;
	v20 =	vld [tilespmem:s15+$0xFFFFFF90];
	v13 =	vmax.f32 v17, v13;
	v11 =	vmax.f32 v14, v11  }
0x95: {  	v12 =	vmax.f32 v12, v32;
	v14 =	vmax.f32 v18, v42;
	v17 =	vld [tilespmem:s15+$0xFFFFFFD0];
	v13 =	vmax.f32 v13, v39  }
0x96: {  	v11 =	vmax.f32 v11, v33;
	v8 =	vmax.f32 v14, v8;
	v14 =	vld [tilespmem:s15+$0x10];
	v13 =	vmax.f32 v13, v37  }
0x97: {  	v10 =	vmax.f32 v11, v10;
	v11 =	vmax.f32 v12, v24;
	v8 =	vmax.f32 v8, v26;
	v18 =	vld [tilespmem:s15+$0x50]  }
0x98: {  	v13 =	vmax.f32 v13, v16;
	v11 =	vmax.f32 v11, v21;
	v8 =	vmax.f32 v8, v15;
	v12 =	vld [tilespmem:s15+$0x90]  }
0x99: {  	v6 =	vmax.f32 v10, v6;
	v7 =	vmax.f32 v13, v7;
	v8 =	vmax.f32 v8, v20;
	v10 =	vld [tilespmem:s15+$0xD0]  }
0x9a: {  	v5 =	vmax.f32 v6, v5;
	v9 =	vmax.f32 v11, v9;
	v8 =	vmax.f32 v8, v17;
	v6 =	vld [tilespmem:s15+$0x110]  }
0x9b: {  	v3 =	vmax.f32 v7, v3;
	v4 =	vmax.f32 v9, v4;
	v8 =	vmax.f32 v8, v14;
	v7 =	vld [tilespmem:s15+$0x150]  }
0x9c: {  	v2 =	vmax.f32 v5, v2;
	v3 =	vmax.f32 v3, v23;
	v8 =	vmax.f32 v8, v18;
	v5 =	vld [tilespmem:s15+$0x190]  }
0x9d: {  	v2 =	vmax.f32 v2, v44;
	v1 =	vmax.f32 v4, v1;
	v8 =	vmax.f32 v8, v12;
	v4 =	vld [tilespmem:s15+$0x1D0]  }
.Ltmp0:
0x9e: {  	s17 =	sshra.s32 s17, $0x2;
	v3 =	vmax.f32 v3, v19;
	v0 =	vmax.f32 v1, v0;
	v8 =	vmax.f32 v8, v10;
	(pc) =	sbr.rel @p0 .LBB2_3-.Ltmp0, $4  }
0x9f: {  	v2 =	vmax.f32 v2, v45;
	v3 =	vmax.f32 v3, v41;
	v1 =	vmax.f32 v8, v6;
	[tilespmem:s17+$0x8230] =	vst v0  }
0xa0: {  	v0 =	vmax.f32 v1, v7;
	[tilespmem:s17+$0x8200] =	vst v2  }
0xa1: {  	v0 =	vmax.f32 v0, v5;
	[tilespmem:s17+$0x8220] =	vst v3  }
0xa2: {  	v0 =	vmax.f32 v0, v4  }
0xa3: {  	s13 =	sadd.s32 $0x1, s13  }
0xa4: {  	s14 =	sshll.u32 s14, $0x3;
	p0 =	sne.s32 s13, $0x32  }
.Ltmp1:
0xa5: {  	[tilespmem:s17+$0x8210] =	vst v0;
	s14 =	sadd.s32 s5, s14;
	(pc) =	sbr.rel @p0 .LBB2_2-.Ltmp1, $4  }
0xa6: {  	[hbm4b:s14+s3] =	stream.linear.scatter [tilespmem:s11], [sflag:$0x2], $0x800, $0x38;
	[tilespmem:$0x8A00] =	vst v63  }
0xa7: {  	_ =	swait.ge [sflag:s8], $0x800  }
0xa8: {  	[sflag:s8] =	ssyncset.done $0x0  }
0xa9: {  	[sflag:s8] =	ssyncadd.s32 $0xFFFFF800  }
0xaa: {  	s12 =	sadd.s32 $0x1, s12  }
0xab: {  	p0 =	sne.s32 s12, s7  }
.Ltmp2:
0xac: {  	_ = 	snop;
	(pc) =	sbr.rel @p0 .LBB2_1-.Ltmp2, $1  }
0xad: {  	_ =	sdelay $0x3  }
0xae: {  	_ =	sfence.sel $0x180000  }
0xaf: {  	[bflag:$0x0] =	sbarrier.arrive $0xFFFF  }
0xb0: {  	p0 =	sne.s32 s2, $0x0;
	_ =	strace $0x9000004D  }
0xb1: {  	s0 =	sadd.s32 @!p0 $0x100000, s0;
	[bflag:$0x2] =	sbarrier.arrive $0xFFFF  }
0xb2: {  	[sflag:s0] =	ssyncadd.tile.s32 @!p0 $0x1;
	_ =	shalt  }
.Lfunc_end2:
_tile_overlayer_lowered:
.L_overlay_start_2:
0xb3: {  	(tag) =	ssettag $0x2  }
0xb4: {  	s0 =	rddreg [dreg:$0x0];
	s2 =	stileid.u32  }
0xb5: {  	s1 =	rddreg [dreg:$0x1];
	p0 =	sne.s32 s2, $0x0  }
0xb6: {  	s3 =	rddreg [dreg:$0x2];
	[bflag:$0x3] =	sbarrier.arrive $0xFFFF;
	s2 =	simm.s32 @!p0 $0x1C02  }
0xb7: {  	[timem:s3], [sflag:s2] =	dma.local @!p0 [hbm:s0], s1  }
0xb8: {  	s0 =	simm.s32 @!p0 $0x2  }
0xb9: {  	_ =	swait.ge @!p0 [sflag:s0], s1  }
0xba: {  	s1 =	ssub.s32 @!p0 $0x0, s1;
	[sflag:s0] =	ssyncset.done @!p0 $0x0  }
0xbb: {  	[sflag:s0] =	ssyncadd.s32 @!p0 s1  }
0xbc: {  	[bflag:$0x3] =	sbarrier.arrive $0xFFFF  }
0xbd: {  	_ =	shalt  }

// kernel: kernel.29.cloned.1.call-start
scs
__scs_entry_jumppad:
0x0: {  	(pc) =	sbr.rel $0x88, $3  }
0x1: {  	(tag) =	ssettag $0x0;
	lr =	simm.s32 $0x1  }
0x2: {  	[smem:$0x3F82] =	sst lr;
	_ =	strace $0xD0000000  }
0x3: {  	_ = 	snop  }
0x4: {  	_ = 	snop  }
0x5: {  	_ = 	snop  }
0x6: {  	_ = 	snop  }
0x7: {  	_ = 	snop  }
__scs_overlays_trampoline_lowered:
0x8: {  	[smem:$0x3F91] =	sst s0  }
0x9: {  	[smem:$0x3F92] =	sst s1  }
0xa: {  	[smem:$0x3F93] =	sst s2  }
0xb: {  	[smem:$0x3F94] =	sst s3  }
0xc: {  	[smem:$0x3F95] =	sst s4  }
0xd: {  	[smem:$0x3F96] =	sst s5  }
0xe: {  	[smem:$0x3F97] =	sst s6  }
0xf: {  	[smem:$0x3F98] =	sst s7  }
0x10: {  	[smem:$0x3F99] =	sst s8  }
0x11: {  	[smem:$0x3F9A] =	sst s9;
	s0 =	simm.s32 @!p0 $0x0  }
0x12: {  	s1 =	sld [smem:$0x3F80];
	s0 =	simm.s32 @p0 $0x1  }
0x13: {  	[smem:$0x3F9B] =	sst s0;
	s0 =	simm.s32 @!p1 $0x0  }
0x14: {  	s2 =	sld [smem:$0x3F7F];
	s0 =	simm.s32 @p1 $0x1  }
0x15: {  	[smem:$0x3F9C] =	sst s0;
	s0 =	simm.s32 @!p2 $0x0  }
0x16: {  	s3 =	sld [smem:$0x3FDB];
	s0 =	simm.s32 @p2 $0x1  }
0x17: {  	s4 =	simm.s32 $0x1BF5;
	[smem:$0x3F9E] =	sst s0  }
0x18: {  	s0 =	sld [smem:$0x3F81];
	_ =	swait.ge [sflag:s4], $0x0  }
0x19: {  	s7 =	sld [smem:$0x3F82]  }
0x1a: {  	s8 =	sadd.s32 $0xFFFFE003, lr  }
0x1b: {  	s9 =	sadd.s32 $0xFFFFFEF7, lr;
	s5 =	simm.s32 $0xFFFFFFFF;
	p2 =	slt.u32 s8, $0xFFFFF086  }
0x1c: {  	p1 =	slt.u32 s9, $0xF7A;
	s5 =	simm.s32 @!p2 $0x0  }
0x1d: {  	s5 =	simm.s32 @p1 $0x1;
	p0 =	seq.s32 s7, s2  }
0x1e: {  	s7 =	smul.u32 @!p0 $0xF7A, s2;
	p2 =	seq.s32 @!p0 s5, $0x0  }
0x1f: {  	s9 =	smul.u32 $0xF7A, s1;
	s8 =	simm.s32 @!p0 $0x1BF5;
	p2 =	por !p2, p0  }
0x20: {  	[sflag:s8] =	ssyncset.s32 @!p0 $0xFFFFF086;
	s6 =	sadd.s32 @!p0 s3, s7;
	s7 =	simm.s32 @!p0 $0x108  }
0x21: {  	s3 =	sadd.s32 s3, s9;
	s6 =	sadd.s32 @!p0 $0x88, s6;
	s7 =	simm.s32 @p2 $0x1082  }
0x22: {  	[simem:s7], [sflag:s8] =	dma.local @!p0 [hbm:s6], $0xF7A  }
0x23: {  	s9 =	sor.u32 $0xD0000000, s2;
	s6 =	simm.s32 $0x108;
	_ =	swait.ge @!p0 [sflag:s8], $0x0  }
0x24: {  	s3 =	sadd.s32 $0x88, s3;
	s6 =	simm.s32 @!p1 $0x1082;
	[sflag:s4] =	ssyncset.s32 $0xFFFFF086  }
0x25: {  	[simem:s6], [sflag:s4] =	dma.local [hbm:s3], $0xF7A  }
0x26: {  	[smem:$0x3F82] =	sst s1;
	(tag) =	ssettag s2;
	_ =	strace s9  }
0x27: {  	s1 =	sld [smem:$0x3F92]  }
0x28: {  	s2 =	sld [smem:$0x3F93]  }
0x29: {  	s4 =	sld [smem:$0x3F95]  }
0x2a: {  	p0 =	seq.s32 s5, $0x0;
	s5 =	sld [smem:$0x3F96]  }
0x2b: {  	s6 =	sld [smem:$0x3F97]  }
0x2c: {  	s7 =	sld [smem:$0x3F98]  }
0x2d: {  	s3 =	simm.s32 $0x108;
	s8 =	sld [smem:$0x3F99]  }
0x2e: {  	s3 =	simm.s32 @!p0 $0x1082;
	s9 =	sld [smem:$0x3F9A]  }
0x2f: {  	lr =	sadd.s32 s0, s3;
	s0 =	sld [smem:$0x3F91]  }
0x30: {  	s3 =	sld [smem:$0x3F94]  }
0x31: {  	[smem:$0x3F9D] =	sst s10  }
0x32: {  	s10 =	sld [smem:$0x3F9B];
	_ =	sdelay $0x3  }
0x33: {  	p0 =	seq.s32 s10, $0x1;
	s10 =	sld [smem:$0x3F9D];
	_ =	sdelay $0x3  }
0x34: {  	[smem:$0x3F9D] =	sst s10  }
0x35: {  	s10 =	sld [smem:$0x3F9C];
	_ =	sdelay $0x3  }
0x36: {  	p1 =	seq.s32 s10, $0x1;
	s10 =	sld [smem:$0x3F9D];
	_ =	sdelay $0x3  }
0x37: {  	[smem:$0x3F9D] =	sst s10  }
0x38: {  	s10 =	sld [smem:$0x3F9E]  }
0x39: {  	_ = 	snop;
	(pc) =	sbr.ind lr, $3  }
0x3a: {  	_ = 	snop  }
0x3b: {  	_ = 	snop  }
0x3c: {  	p2 =	seq.s32 s10, $0x1;
	s10 =	sld [smem:$0x3F9D]  }
0x3d: {  	_ =	shalt  }
0x3e: {  	_ =	shalt  }
0x3f: {  	_ =	shalt  }
0x40: {  	_ =	shalt  }
0x41: {  	_ =	shalt  }
0x42: {  	_ =	shalt  }
0x43: {  	_ =	shalt  }
0x44: {  	_ =	shalt  }
0x45: {  	_ =	shalt  }
0x46: {  	_ =	shalt  }
0x47: {  	_ =	shalt  }
0x48: {  	_ =	shalt  }
0x49: {  	_ =	shalt  }
0x4a: {  	_ =	shalt  }
0x4b: {  	_ =	shalt  }
0x4c: {  	_ =	shalt  }
0x4d: {  	_ =	shalt  }
0x4e: {  	_ =	shalt  }
0x4f: {  	_ =	shalt  }
0x50: {  	_ =	shalt  }
0x51: {  	_ =	shalt  }
0x52: {  	_ =	shalt  }
0x53: {  	_ =	shalt  }
0x54: {  	_ =	shalt  }
0x55: {  	_ =	shalt  }
0x56: {  	_ =	shalt  }
0x57: {  	_ =	shalt  }
0x58: {  	_ =	shalt  }
0x59: {  	_ =	shalt  }
0x5a: {  	_ =	shalt  }
0x5b: {  	_ =	shalt  }
0x5c: {  	_ =	shalt  }
0x5d: {  	_ =	shalt  }
0x5e: {  	_ =	shalt  }
0x5f: {  	_ =	shalt  }
0x60: {  	_ =	shalt  }
0x61: {  	_ =	shalt  }
0x62: {  	_ =	shalt  }
0x63: {  	_ =	shalt  }
0x64: {  	_ =	shalt  }
0x65: {  	_ =	shalt  }
0x66: {  	_ =	shalt  }
0x67: {  	_ =	shalt  }
0x68: {  	_ =	shalt  }
0x69: {  	_ =	shalt  }
0x6a: {  	_ =	shalt  }
0x6b: {  	_ =	shalt  }
0x6c: {  	_ =	shalt  }
0x6d: {  	_ =	shalt  }
0x6e: {  	_ =	shalt  }
0x6f: {  	_ =	shalt  }
0x70: {  	_ =	shalt  }
0x71: {  	_ =	shalt  }
0x72: {  	_ =	shalt  }
0x73: {  	_ =	shalt  }
0x74: {  	_ =	shalt  }
0x75: {  	_ =	shalt  }
0x76: {  	_ =	shalt  }
0x77: {  	_ =	shalt  }
0x78: {  	_ =	shalt  }
0x79: {  	_ =	shalt  }
0x7a: {  	_ =	shalt  }
0x7b: {  	_ =	shalt  }
0x7c: {  	_ =	shalt  }
0x7d: {  	_ =	shalt  }
0x7e: {  	_ =	shalt  }
0x7f: {  	_ =	shalt  }
0x80: {  	_ =	shalt  }
0x81: {  	_ =	shalt  }
0x82: {  	_ =	shalt  }
0x83: {  	_ =	shalt  }
0x84: {  	_ =	shalt  }
0x85: {  	_ =	shalt  }
0x86: {  	_ =	shalt  }
0x87: {  	_ =	shalt  }
.Lfunc_end0:
.L_simem_size_0:
called_computation.3_lowered:
.L_overlay_start_0:
0x88: {  	s2 =	sld [smem:$0x3FD9]  }
0x89: {  	s3 =	sld [smem:$0x3FFE];
	_ =	sdelay $0x1  }
0x8a: {  	s1 =	srdreg.scid  }
0x8b: {  	s0 =	sand.u32 $0x1, s1  }
0x8c: {  	s17 =	sshll.u32 s0, $0xA;
	s2 =	sadd.s32 s3, s2  }
0x8d: {  	s2 =	sadd.s32 s2, s17  }
0x8e: {  	[smem:$0x3FA9] =	sst s2  }
0x8f: {  	_ = 	snop  }
0x90: {  	s2 =	sld [smem:$0x3FD0];
	(tm) =	ssettm $0x1  }
0x91: {  	s18 =	sld [smem:$0x3FFB];
	_ =	sdelay $0x3  }
0x92: {  	_ =	strace s18  }
0x93: {  	s3 =	sld [smem:$0x3FFC];
	_ =	sdelay $0x3  }
0x94: {  	_ =	strace s3  }
0x95: {  	s3 =	sld [smem:$0x3FFD];
	_ =	sdelay $0x3  }
0x96: {  	_ =	strace s3  }
0x97: {  	_ =	strace $0x8FFFFFFF  }
0x98: {  	s19 =	sld [smem:$0x3FDB];
	_ =	sdelay $0x1  }
0x99: {  	s4 =	simm.s32 $_scs_section_size  }
0x9a: {  	s5 =	simm.s32 $_size__tile_overlayer_lowered;
	s6 =	simm.s32 $_tile_overlayer_lowered  }
0x9b: {  	s22 =	simm.s32 $0x1BFF;
	s21 =	sshll.u32 s6, $0x1;
	s3 =	sadd.s32 s4, s19  }
0x9c: {  	s7 =	simm.s32 $0x0;
	s20 =	sshll.u32 s5, $0x1;
	s5 =	sadd.s32 s21, s3  }
0x9d: {  	[timem:s7], [sflag:s22] =	dma.local [hbm:s5], s20  }
0x9e: {  	_ =	swait.ge [sflag:s22], s20  }
0x9f: {  	s4 =	ssub.s32 $0x0, s20;
	[sflag:s22] =	ssyncset.done $0x0  }
0xa0: {  	[sflag:s22] =	ssyncadd.s32 s4;
	_ =	sdelay $0x1  }
0xa1: {  	s23 =	simm.s32 $0x1B8B  }
0xa2: {  	_ =	swait.ge [sflag:s23], $0x1  }
0xa3: {  	[sflag:s23] =	ssyncset.done $0x0  }
0xa4: {  	s25 =	simm.s32 $0x1B8E;
	s24 =	sld [smem:$0x3FFE];
	[sflag:s23] =	ssyncadd.s32 $0xFFFFFFFF  }
0xa5: {  	s26 =	simm.s32 $execute0_lowered;
	[smem:$0x3FD2] =	sst s25  }
0xa6: {  	s5 =	sshll.u32 s26, $0x1;
	_ =	strace $0x8000004F;
	[dreg:$0x1] =	wrdreg $0xFFFFFFFF  }
0xa7: {  	s28 =	simm.s32 $_size_execute0_lowered;
	s3 =	sadd.s32 s3, s5;
	[dreg:$0x0] =	wrdreg $0x0  }
0xa8: {  	s5 =	sshll.u32 s28, $0x1;
	[dreg:$0x2] =	wrdreg s3  }
0xa9: {  	[dreg:$0x3] =	wrdreg s5  }
0xaa: {  	[dreg:$0x4] =	wrdreg $0xC0  }
0xab: {  	_ =	task [dreg:s7], $0x5FFFF  }
0xac: {  	[dreg:$0x1] =	wrdreg $0xFFFFFFFF  }
0xad: {  	[dreg:$0x0] =	wrdreg $0x60  }
0xae: {  	[dreg:$0x2] =	wrdreg s2  }
0xaf: {  	[dreg:$0x3] =	wrdreg s24  }
0xb0: {  	[dreg:$0x4] =	wrdreg $0x9  }
0xb1: {  	_ =	task.clear_ibuf [dreg:s7], $0x5FFFF;
	_ =	strace $0x9000004F  }
0xb2: {  	s29 =	simm.s32 $0x9;
	_ =	strace $0x80000051  }
0xb3: {  	_ =	swait.ge [sflag:s29], $0x1  }
0xb4: {  	[sflag:s29] =	ssyncadd.s32 $0xFFFFFFFF  }
0xb5: {  	_ =	strace $0x90000051  }
0xb6: {  	_ =	sfence  }
0xb7: {  	s30 =	sld [smem:$0x0];
	_ =	sdelay $0x2  }
0xb8: {  	s31 =	sshll.u32 s1, $0xD;
	s1 =	sshrl.u32 s1, $0x2  }
0xb9: {  	s3 =	sand.u32 $0x4000, s31;
	s1 =	sadd.s32 s1, s30  }
0xba: {  	s0 =	sor.u32 s3, s0;
	s1 =	sshll.u32 s1, $0x11  }
0xbb: {  	s0 =	sor.u32 s1, s0  }
0xbc: {  	s0 =	sadd.s32 $0x8F2B, s0  }
0xbd: {  	[sflag:s0] =	ssyncadd.remote.s32 $0x1  }
0xbe: {  	_ =	sfence.sel $0xFFFF  }
0xbf: {  	[dreg:$0x0] =	wrdreg $0xFFFFFFFF;
	(pc) =	sbr.abs _section_cstart, $3  }
0xc0: {  	[dreg:$0x1] =	wrdreg $0xFFFFFFFF  }
0xc1: {  	_ =	task.clear_ibuf [dreg:s7], $0x2FFFF;
	_ =	strace $0x9FFFFFFF  }
0xc2: {  	(tm) =	ssettm $0x7FFFFFFF  }
0xc3: {  	_ =	shalt  }
tec
execute0_lowered:
.L_overlay_start_1:
0x0: {  	(tag) =	ssettag $0x1  }
0x1: {  	s1 =	rddreg [dreg:$0x0]  }
0x2: {  	s5 =	rddreg [dreg:$0x1]  }
0x3: {  	s0 =	rddreg [dreg:$0x2];
	s3 =	simm.s32 $0x0;
	s4 =	srdreg.scid  }
0x4: {  	s2 =	stileid.u32;
	s10 =	simm.s32 $0x1;
	s11 =	simm.s32 $0x8200  }
0x5: {  	s12 =	simm.s32 $0x0;
	[smem:$0x7FF] =	sst s3;
	s6 =	sand.u32 $0x1, s4  }
0x6: {  	s8 =	sshll.u32 s2, $0x1;
	s4 =	sadd.s32 $0xDAE00, s5;
	s7 =	ssub.s32 $0x2, s6  }
0x7: {  	s5 =	sadd.s32 $0x6600, s5;
	_ =	strace $0x80000050;
	s9 =	sshrl.u32 s7, $0x1  }
0x8: {  	s6 =	sor.u32 s6, s8;
	s8 =	simm.s32 $0x2;
	s7 =	ssub.s32 s7, s9  }
0x9: {  	s6 =	smul.u32 $0x640, s6;
	s9 =	simm.s32 $0x200;
	s7 =	smax.u32 s7, $0x1  }
.LBB2_1:
0xa: {  	s13 =	simm.s32 $0x0  }
.LBB2_2:
0xb: {  	s14 =	sshll.u32 s13, $0x5  }
0xc: {  	s14 =	sadd.s32 s6, s14  }
0xd: {  	s15 =	sshll.u32 s14, $0x1  }
0xe: {  	s16 =	simm.s32 $0x0;
	s15 =	sadd.s32 s4, s15  }
0xf: {  	[tilespmem:s16], [sflag:$0x2] =	stream.linear.gather [hbm4b:s15+s16], $0x200, $0x38;
	[tilespmem:$0x8A00] =	vst v63  }
0x10: {  	_ =	swait.ge [sflag:s8], $0x200  }
0x11: {  	[sflag:s8] =	ssyncset.done $0x0  }
0x12: {  	[sflag:s8] =	ssyncadd.s32 $0xFFFFFE00  }
0x13: {  	[tilespmem:s9], [sflag:$0x1] =	stream.indirect.gather [hbm4b:s1+s9], $0x40, s16, s9, $0xb8;
	[tilespmem:$0x8A00] =	vst v63  }
0x14: {  	_ =	swait.ge [sflag:s10], $0x8000  }
0x15: {  	[sflag:s10] =	ssyncset.done $0x0  }
0x16: {  	s15 =	simm.s32 $0x400;
	[sflag:s10] =	ssyncadd.s32 $0xFFFF8000  }
0x17: {  	v0 =	vld [tilespmem:s15+$0x1F0]  }
0x18: {  	v1 =	vld [tilespmem:s15+$0xFFFFFED0]  }
0x19: {  	v2 =	vld [tilespmem:s15+$0x1B0]  }
0x1a: {  	v3 =	vld [tilespmem:s15+$0x140]  }
0x1b: {  	v4 =	vld [tilespmem:s15+$0x120]  }
0x1c: {  	v5 =	vld [tilespmem:s15+$0x100]  }
0x1d: {  	v6 =	vld [tilespmem:s15+$0xC0]  }
0x1e: {  	v7 =	vld [tilespmem:s15+$0x80]  }
0x1f: {  	v8 =	vld [tilespmem:s15+$0x170]  }
0x20: {  	v9 =	vld [tilespmem:s15+$0xE0]  }
0x21: {  	v10 =	vld [tilespmem:s15+$0x0]  }
0x22: {  	v11 =	vld [tilespmem:s15+$0xFFFFFFF0]  }
0x23: {  	v12 =	vld [tilespmem:s15+$0xFFFFFFE0]  }
0x24: {  	v13 =	vld [tilespmem:s15+$0x130]  }
0x25: {  	v14 =	vld [tilespmem:s15+$0xFFFFFFC0]  }
0x26: {  	v15 =	vld [tilespmem:s15+$0xFFFFFFB0]  }
0x27: {  	v16 =	vld [tilespmem:s15+$0xA0]  }
0x28: {  	v17 =	vld [tilespmem:s15+$0xFFFFFFA0]  }
0x29: {  	v18 =	vld [tilespmem:s15+$0xFFFFFF80]  }
0x2a: {  	v19 =	vld [tilespmem:s15+$0xFFFFFF70]  }
0x2b: {  	v20 =	vld [tilespmem:s15+$0xFFFFFF60]  }
0x2c: {  	v21 =	vld [tilespmem:s15+$0xF0]  }
0x2d: {  	v22 =	vld [tilespmem:s15+$0xFFFFFF40]  }
0x2e: {  	v23 =	vld [tilespmem:s15+$0xFFFFFF30]  }
0x2f: {  	v24 =	vld [tilespmem:s15+$0xB0]  }
0x30: {  	v25 =	vld [tilespmem:s15+$0xFFFFFF20]  }
0x31: {  	v26 =	vld [tilespmem:s15+$0xFFFFFF00]  }
0x32: {  	v27 =	vld [tilespmem:s15+$0xFFFFFEE0]  }
0x33: {  	v28 =	vld [tilespmem:s15+$0xFFFFFEF0]  }
0x34: {  	v29 =	vld [tilespmem:s15+$0xFFFFFEC0]  }
0x35: {  	v30 =	vld [tilespmem:s15+$0xFFFFFEB0]  }
0x36: {  	v31 =	vld [tilespmem:s15+$0xFFFFFEA0]  }
0x37: {  	v32 =	vld [tilespmem:s15+$0x70]  }
0x38: {  	v33 =	vld [tilespmem:s15+$0x40]  }
0x39: {  	v34 =	vld [tilespmem:s15+$0xFFFFFE80]  }
0x3a: {  	v35 =	vld [tilespmem:s15+$0xFFFFFE60]  }
0x3b: {  	v36 =	vld [tilespmem:s15+$0x30]  }
0x3c: {  	v37 =	vld [tilespmem:s15+$0x60]  }
0x3d: {  	v38 =	vld [tilespmem:s15+$0xFFFFFE00]  }
0x3e: {  	v40 =	vld [tilespmem:s15+$0xFFFFFE70]  }
0x3f: {  	v41 =	vld [tilespmem:s15+$0xFFFFFE30]  }
0x40: {  	v42 =	vld [tilespmem:s15+$0xFFFFFE40]  }
0x41: {  	v43 =	vld [tilespmem:s15+$0xFFFFFE20]  }
0x42: {  	v63 =	vld [tilespmem:s15+$0xFFFFFE50]  }
0x43: {  	v47 =	vld [tilespmem:s15+$0xFFFFFE10]  }
0x44: {  	v62 =	vld [tilespmem:s15+$0xFFFFFE90]  }
0x45: {  	v39 =	vld [tilespmem:s15+$0x20]  }
0x46: {  	v44 =	vld [tilespmem:s15+$0x180]  }
0x47: {  	v50 =	vld [tilespmem:s15+$0xFFFFFF10];
	v40 =	vmax.f32 v41, v40;
	v38 =	vmax.f32 v38, v42;
	v35 =	vmax.f32 v43, v35  }
0x48: {  	v51 =	vld [tilespmem:s15+$0xFFFFFF50];
	v52 =	vmax.f32 v47, v63;
	v30 =	vmax.f32 v40, v30;
	v34 =	vmax.f32 v38, v34  }
0x49: {  	v53 =	vld [tilespmem:s15+$0xFFFFFF90];
	v31 =	vmax.f32 v35, v31;
	v54 =	vmax.f32 v52, v62;
	v28 =	vmax.f32 v30, v28  }
0x4a: {  	v45 =	vld [tilespmem:s15+$0x1C0];
	v29 =	vmax.f32 v34, v29;
	v27 =	vmax.f32 v31, v27;
	v1 =	vmax.f32 v54, v1  }
0x4b: {  	v55 =	vld [tilespmem:s15+$0xFFFFFFD0];
	v23 =	vmax.f32 v28, v23;
	v26 =	vmax.f32 v29, v26;
	v25 =	vmax.f32 v27, v25  }
0x4c: {  	v56 =	vld [tilespmem:s15+$0x10];
	v1 =	vmax.f32 v1, v50;
	v19 =	vmax.f32 v23, v19;
	v22 =	vmax.f32 v26, v22  }
0x4d: {  	v57 =	vld [tilespmem:s15+$0x50];
	v20 =	vmax.f32 v25, v20;
	v1 =	vmax.f32 v1, v51;
	v15 =	vmax.f32 v19, v15  }
0x4e: {  	v46 =	vld [tilespmem:s15+$0x1E0];
	v18 =	vmax.f32 v22, v18;
	v17 =	vmax.f32 v20, v17;
	v1 =	vmax.f32 v1, v53  }
0x4f: {  	v58 =	vld [tilespmem:s15+$0x90];
	v11 =	vmax.f32 v15, v11;
	v14 =	vmax.f32 v18, v14;
	v12 =	vmax.f32 v17, v12  }
0x50: {  	v59 =	vld [tilespmem:s15+$0xD0];
	v1 =	vmax.f32 v1, v55;
	v11 =	vmax.f32 v11, v36;
	v10 =	vmax.f32 v14, v10  }
0x51: {  	v48 =	vld [tilespmem:s15+$0x160];
	v12 =	vmax.f32 v12, v39;
	v1 =	vmax.f32 v1, v56;
	v11 =	vmax.f32 v11, v32  }
0x52: {  	v60 =	vld [tilespmem:s15+$0x110];
	v10 =	vmax.f32 v10, v33;
	v12 =	vmax.f32 v12, v37;
	v1 =	vmax.f32 v1, v57  }
0x53: {  	v49 =	vld [tilespmem:s15+$0x1A0];
	v7 =	vmax.f32 v10, v7;
	v11 =	vmax.f32 v11, v24;
	v12 =	vmax.f32 v12, v16  }
0x54: {  	v61 =	vld [tilespmem:s15+$0x150];
	v1 =	vmax.f32 v1, v58;
	v11 =	vmax.f32 v11, v21;
	v6 =	vmax.f32 v7, v6  }
0x55: {  	v62 =	vld [tilespmem:s15+$0x190];
	v9 =	vmax.f32 v12, v9;
	v1 =	vmax.f32 v1, v59;
	v11 =	vmax.f32 v11, v13  }
0x56: {  	v63 =	vld [tilespmem:s15+$0x1D0];
	v5 =	vmax.f32 v6, v5;
	v4 =	vmax.f32 v9, v4;
	v8 =	vmax.f32 v11, v8  }
0x57: {  	v1 =	vmax.f32 v1, v60;
	v3 =	vmax.f32 v5, v3;
	v2 =	vmax.f32 v8, v2  }
0x58: {  	s17 =	simm.s32 $0x0;
	v4 =	vmax.f32 v4, v48;
	v3 =	vmax.f32 v3, v44;
	v0 =	vmax.f32 v2, v0  }
0x59: {  	v2 =	vmax.f32 v4, v49;
	v3 =	vmax.f32 v3, v45;
	[tilespmem:s17+$0x8230] =	vst v0;
	v0 =	vmax.f32 v1, v61  }
0x5a: {  	v1 =	vmax.f32 v2, v46;
	[tilespmem:s17+$0x8200] =	vst v3;
	v0 =	vmax.f32 v0, v62  }
0x5b: {  	s16 =	simm.s32 $0x100;
	[tilespmem:s17+$0x8220] =	vst v1;
	v0 =	vmax.f32 v0, v63  }
.LBB2_3:
0x5c: {  	p0 =	sne.s32 s16, $0x1F00  }
0x5d: {  	[tilespmem:s17+$0x8210] =	vst v0;
	s15 =	sadd.s32 $0x400, s15;
	s17 =	smov.u32 s16;
	s16 =	sadd.s32 $0x100, s16  }
0x5e: {  	v0 =	vld [tilespmem:s15+$0x1F0]  }
0x5f: {  	v8 =	vld [tilespmem:s15+$0xFFFFFED0]  }
0x60: {  	v1 =	vld [tilespmem:s15+$0x1B0]  }
0x61: {  	v2 =	vld [tilespmem:s15+$0x140]  }
0x62: {  	v3 =	vld [tilespmem:s15+$0x120]  }
0x63: {  	v5 =	vld [tilespmem:s15+$0x100]  }
0x64: {  	v6 =	vld [tilespmem:s15+$0xC0]  }
0x65: {  	v10 =	vld [tilespmem:s15+$0x80]  }
0x66: {  	v4 =	vld [tilespmem:s15+$0x170]  }
0x67: {  	v7 =	vld [tilespmem:s15+$0xE0]  }
0x68: {  	v11 =	vld [tilespmem:s15+$0x0]  }
0x69: {  	v12 =	vld [tilespmem:s15+$0xFFFFFFF0]  }
0x6a: {  	v13 =	vld [tilespmem:s15+$0xFFFFFFE0]  }
0x6b: {  	v9 =	vld [tilespmem:s15+$0x130]  }
0x6c: {  	v14 =	vld [tilespmem:s15+$0xFFFFFFC0]  }
0x6d: {  	v15 =	vld [tilespmem:s15+$0xFFFFFFB0]  }
0x6e: {  	v16 =	vld [tilespmem:s15+$0xA0]  }
0x6f: {  	v17 =	vld [tilespmem:s15+$0xFFFFFFA0]  }
0x70: {  	v18 =	vld [tilespmem:s15+$0xFFFFFF80]  }
0x71: {  	v19 =	vld [tilespmem:s15+$0xFFFFFF70]  }
0x72: {  	v20 =	vld [tilespmem:s15+$0xFFFFFF60]  }
0x73: {  	v21 =	vld [tilespmem:s15+$0xF0]  }
0x74: {  	v22 =	vld [tilespmem:s15+$0xFFFFFF40]  }
0x75: {  	v23 =	vld [tilespmem:s15+$0xFFFFFF30]  }
0x76: {  	v24 =	vld [tilespmem:s15+$0xB0]  }
0x77: {  	v25 =	vld [tilespmem:s15+$0xFFFFFF20]  }
0x78: {  	v26 =	vld [tilespmem:s15+$0xFFFFFF00]  }
0x79: {  	v27 =	vld [tilespmem:s15+$0xFFFFFEE0]  }
0x7a: {  	v28 =	vld [tilespmem:s15+$0xFFFFFEF0]  }
0x7b: {  	v29 =	vld [tilespmem:s15+$0xFFFFFEC0]  }
0x7c: {  	v30 =	vld [tilespmem:s15+$0xFFFFFEB0]  }
0x7d: {  	v31 =	vld [tilespmem:s15+$0xFFFFFEA0]  }
0x7e: {  	v32 =	vld [tilespmem:s15+$0x70]  }
0x7f: {  	v33 =	vld [tilespmem:s15+$0x40]  }
0x80: {  	v34 =	vld [tilespmem:s15+$0xFFFFFE80]  }
0x81: {  	v35 =	vld [tilespmem:s15+$0xFFFFFE60]  }
0x82: {  	v36 =	vld [tilespmem:s15+$0x30]  }
0x83: {  	v37 =	vld [tilespmem:s15+$0x60]  }
0x84: {  	v38 =	vld [tilespmem:s15+$0xFFFFFE00]  }
0x85: {  	v39 =	vld [tilespmem:s15+$0x20]  }
0x86: {  	v40 =	vld [tilespmem:s15+$0xFFFFFE70]  }
0x87: {  	v41 =	vld [tilespmem:s15+$0xFFFFFE30]  }
0x88: {  	v42 =	vld [tilespmem:s15+$0xFFFFFE40]  }
0x89: {  	v43 =	vld [tilespmem:s15+$0xFFFFFE20]  }
0x8a: {  	v44 =	vld [tilespmem:s15+$0x180]  }
0x8b: {  	v45 =	vld [tilespmem:s15+$0x1C0]  }
0x8c: {  	v40 =	vmax.f32 v41, v40;
	v41 =	vld [tilespmem:s15+$0x1E0]  }
0x8d: {  	v38 =	vmax.f32 v38, v42;
	v42 =	vld [tilespmem:s15+$0xFFFFFE90];
	v30 =	vmax.f32 v40, v30  }
0x8e: {  	v40 =	vld [tilespmem:s15+$0xFFFFFE50];
	v35 =	vmax.f32 v43, v35;
	v34 =	vmax.f32 v38, v34;
	v28 =	vmax.f32 v30, v28  }
0x8f: {  	v30 =	vld [tilespmem:s15+$0xFFFFFE10];
	v31 =	vmax.f32 v35, v31;
	v29 =	vmax.f32 v34, v29;
	v23 =	vmax.f32 v28, v23  }
0x90: {  	v27 =	vmax.f32 v31, v27;
	v26 =	vmax.f32 v29, v26;
	v19 =	vmax.f32 v23, v19;
	v23 =	vld [tilespmem:s15+$0x160]  }
0x91: {  	v25 =	vmax.f32 v27, v25;
	v22 =	vmax.f32 v26, v22;
	v15 =	vmax.f32 v19, v15;
	v19 =	vld [tilespmem:s15+$0x1A0]  }
0x92: {  	v26 =	vld [tilespmem:s15+$0xFFFFFF10];
	v20 =	vmax.f32 v25, v20;
	v18 =	vmax.f32 v22, v18;
	v12 =	vmax.f32 v15, v12  }
0x93: {  	v15 =	vld [tilespmem:s15+$0xFFFFFF50];
	v17 =	vmax.f32 v20, v17;
	v14 =	vmax.f32 v18, v14;
	v12 =	vmax.f32 v12, v36  }
0x94: {  	v18 =	vmax.f32 v30, v40;
	v20 =	vld [tilespmem:s15+$0xFFFFFF90];
	v13 =	vmax.f32 v17, v13;
	v11 =	vmax.f32 v14, v11  }
0x95: {  	v12 =	vmax.f32 v12, v32;
	v14 =	vmax.f32 v18, v42;
	v17 =	vld [tilespmem:s15+$0xFFFFFFD0];
	v13 =	vmax.f32 v13, v39  }
0x96: {  	v11 =	vmax.f32 v11, v33;
	v8 =	vmax.f32 v14, v8;
	v14 =	vld [tilespmem:s15+$0x10];
	v13 =	vmax.f32 v13, v37  }
0x97: {  	v10 =	vmax.f32 v11, v10;
	v11 =	vmax.f32 v12, v24;
	v8 =	vmax.f32 v8, v26;
	v18 =	vld [tilespmem:s15+$0x50]  }
0x98: {  	v13 =	vmax.f32 v13, v16;
	v11 =	vmax.f32 v11, v21;
	v8 =	vmax.f32 v8, v15;
	v12 =	vld [tilespmem:s15+$0x90]  }
0x99: {  	v6 =	vmax.f32 v10, v6;
	v7 =	vmax.f32 v13, v7;
	v8 =	vmax.f32 v8, v20;
	v10 =	vld [tilespmem:s15+$0xD0]  }
0x9a: {  	v5 =	vmax.f32 v6, v5;
	v9 =	vmax.f32 v11, v9;
	v8 =	vmax.f32 v8, v17;
	v6 =	vld [tilespmem:s15+$0x110]  }
0x9b: {  	v3 =	vmax.f32 v7, v3;
	v4 =	vmax.f32 v9, v4;
	v8 =	vmax.f32 v8, v14;
	v7 =	vld [tilespmem:s15+$0x150]  }
0x9c: {  	v2 =	vmax.f32 v5, v2;
	v3 =	vmax.f32 v3, v23;
	v8 =	vmax.f32 v8, v18;
	v5 =	vld [tilespmem:s15+$0x190]  }
0x9d: {  	v2 =	vmax.f32 v2, v44;
	v1 =	vmax.f32 v4, v1;
	v8 =	vmax.f32 v8, v12;
	v4 =	vld [tilespmem:s15+$0x1D0]  }
.Ltmp0:
0x9e: {  	s17 =	sshra.s32 s17, $0x2;
	v3 =	vmax.f32 v3, v19;
	v0 =	vmax.f32 v1, v0;
	v8 =	vmax.f32 v8, v10;
	(pc) =	sbr.rel @p0 .LBB2_3-.Ltmp0, $4  }
0x9f: {  	v2 =	vmax.f32 v2, v45;
	v3 =	vmax.f32 v3, v41;
	v1 =	vmax.f32 v8, v6;
	[tilespmem:s17+$0x8230] =	vst v0  }
0xa0: {  	v0 =	vmax.f32 v1, v7;
	[tilespmem:s17+$0x8200] =	vst v2  }
0xa1: {  	v0 =	vmax.f32 v0, v5;
	[tilespmem:s17+$0x8220] =	vst v3  }
0xa2: {  	v0 =	vmax.f32 v0, v4  }
0xa3: {  	s13 =	sadd.s32 $0x1, s13  }
0xa4: {  	s14 =	sshll.u32 s14, $0x3;
	p0 =	sne.s32 s13, $0x32  }
.Ltmp1:
0xa5: {  	[tilespmem:s17+$0x8210] =	vst v0;
	s14 =	sadd.s32 s5, s14;
	(pc) =	sbr.rel @p0 .LBB2_2-.Ltmp1, $4  }
0xa6: {  	[hbm4b:s14+s3] =	stream.linear.scatter [tilespmem:s11], [sflag:$0x2], $0x800, $0x38;
	[tilespmem:$0x8A00] =	vst v63  }
0xa7: {  	_ =	swait.ge [sflag:s8], $0x800  }
0xa8: {  	[sflag:s8] =	ssyncset.done $0x0  }
0xa9: {  	[sflag:s8] =	ssyncadd.s32 $0xFFFFF800  }
0xaa: {  	s12 =	sadd.s32 $0x1, s12  }
0xab: {  	p0 =	sne.s32 s12, s7  }
.Ltmp2:
0xac: {  	_ = 	snop;
	(pc) =	sbr.rel @p0 .LBB2_1-.Ltmp2, $1  }
0xad: {  	_ =	sdelay $0x3  }
0xae: {  	_ =	sfence.sel $0x180000  }
0xaf: {  	[bflag:$0x0] =	sbarrier.arrive $0xFFFF  }
0xb0: {  	p0 =	sne.s32 s2, $0x0;
	_ =	strace $0x90000050  }
0xb1: {  	s0 =	sadd.s32 @!p0 $0x100000, s0;
	[bflag:$0x2] =	sbarrier.arrive $0xFFFF  }
0xb2: {  	[sflag:s0] =	ssyncadd.tile.s32 @!p0 $0x1;
	_ =	shalt  }
.Lfunc_end2:
_tile_overlayer_lowered:
.L_overlay_start_2:
0xb3: {  	(tag) =	ssettag $0x2  }
0xb4: {  	s0 =	rddreg [dreg:$0x0];
	s2 =	stileid.u32  }
0xb5: {  	s1 =	rddreg [dreg:$0x1];
	p0 =	sne.s32 s2, $0x0  }
0xb6: {  	s3 =	rddreg [dreg:$0x2];
	[bflag:$0x3] =	sbarrier.arrive $0xFFFF;
	s2 =	simm.s32 @!p0 $0x1C02  }
0xb7: {  	[timem:s3], [sflag:s2] =	dma.local @!p0 [hbm:s0], s1  }
0xb8: {  	s0 =	simm.s32 @!p0 $0x2  }
0xb9: {  	_ =	swait.ge @!p0 [sflag:s0], s1  }
0xba: {  	s1 =	ssub.s32 @!p0 $0x0, s1;
	[sflag:s0] =	ssyncset.done @!p0 $0x0  }
0xbb: {  	[sflag:s0] =	ssyncadd.s32 @!p0 s1  }
0xbc: {  	[bflag:$0x3] =	sbarrier.arrive $0xFFFF  }
0xbd: {  	_ =	shalt  }

// kernel: kernel.32.cloned.1.call-start
scs
__scs_entry_jumppad:
0x0: {  	(pc) =	sbr.rel $0x88, $3  }
0x1: {  	(tag) =	ssettag $0x0;
	lr =	simm.s32 $0x1  }
0x2: {  	[smem:$0x3F82] =	sst lr;
	_ =	strace $0xD0000000  }
0x3: {  	_ = 	snop  }
0x4: {  	_ = 	snop  }
0x5: {  	_ = 	snop  }
0x6: {  	_ = 	snop  }
0x7: {  	_ = 	snop  }
__scs_overlays_trampoline_lowered:
0x8: {  	[smem:$0x3F91] =	sst s0  }
0x9: {  	[smem:$0x3F92] =	sst s1  }
0xa: {  	[smem:$0x3F93] =	sst s2  }
0xb: {  	[smem:$0x3F94] =	sst s3  }
0xc: {  	[smem:$0x3F95] =	sst s4  }
0xd: {  	[smem:$0x3F96] =	sst s5  }
0xe: {  	[smem:$0x3F97] =	sst s6  }
0xf: {  	[smem:$0x3F98] =	sst s7  }
0x10: {  	[smem:$0x3F99] =	sst s8  }
0x11: {  	[smem:$0x3F9A] =	sst s9;
	s0 =	simm.s32 @!p0 $0x0  }
0x12: {  	s1 =	sld [smem:$0x3F80];
	s0 =	simm.s32 @p0 $0x1  }
0x13: {  	[smem:$0x3F9B] =	sst s0;
	s0 =	simm.s32 @!p1 $0x0  }
0x14: {  	s2 =	sld [smem:$0x3F7F];
	s0 =	simm.s32 @p1 $0x1  }
0x15: {  	[smem:$0x3F9C] =	sst s0;
	s0 =	simm.s32 @!p2 $0x0  }
0x16: {  	s3 =	sld [smem:$0x3FDB];
	s0 =	simm.s32 @p2 $0x1  }
0x17: {  	s4 =	simm.s32 $0x1BF5;
	[smem:$0x3F9E] =	sst s0  }
0x18: {  	s0 =	sld [smem:$0x3F81];
	_ =	swait.ge [sflag:s4], $0x0  }
0x19: {  	s7 =	sld [smem:$0x3F82]  }
0x1a: {  	s8 =	sadd.s32 $0xFFFFE003, lr  }
0x1b: {  	s9 =	sadd.s32 $0xFFFFFEF7, lr;
	s5 =	simm.s32 $0xFFFFFFFF;
	p2 =	slt.u32 s8, $0xFFFFF086  }
0x1c: {  	p1 =	slt.u32 s9, $0xF7A;
	s5 =	simm.s32 @!p2 $0x0  }
0x1d: {  	s5 =	simm.s32 @p1 $0x1;
	p0 =	seq.s32 s7, s2  }
0x1e: {  	s7 =	smul.u32 @!p0 $0xF7A, s2;
	p2 =	seq.s32 @!p0 s5, $0x0  }
0x1f: {  	s9 =	smul.u32 $0xF7A, s1;
	s8 =	simm.s32 @!p0 $0x1BF5;
	p2 =	por !p2, p0  }
0x20: {  	[sflag:s8] =	ssyncset.s32 @!p0 $0xFFFFF086;
	s6 =	sadd.s32 @!p0 s3, s7;
	s7 =	simm.s32 @!p0 $0x108  }
0x21: {  	s3 =	sadd.s32 s3, s9;
	s6 =	sadd.s32 @!p0 $0x88, s6;
	s7 =	simm.s32 @p2 $0x1082  }
0x22: {  	[simem:s7], [sflag:s8] =	dma.local @!p0 [hbm:s6], $0xF7A  }
0x23: {  	s9 =	sor.u32 $0xD0000000, s2;
	s6 =	simm.s32 $0x108;
	_ =	swait.ge @!p0 [sflag:s8], $0x0  }
0x24: {  	s3 =	sadd.s32 $0x88, s3;
	s6 =	simm.s32 @!p1 $0x1082;
	[sflag:s4] =	ssyncset.s32 $0xFFFFF086  }
0x25: {  	[simem:s6], [sflag:s4] =	dma.local [hbm:s3], $0xF7A  }
0x26: {  	[smem:$0x3F82] =	sst s1;
	(tag) =	ssettag s2;
	_ =	strace s9  }
0x27: {  	s1 =	sld [smem:$0x3F92]  }
0x28: {  	s2 =	sld [smem:$0x3F93]  }
0x29: {  	s4 =	sld [smem:$0x3F95]  }
0x2a: {  	p0 =	seq.s32 s5, $0x0;
	s5 =	sld [smem:$0x3F96]  }
0x2b: {  	s6 =	sld [smem:$0x3F97]  }
0x2c: {  	s7 =	sld [smem:$0x3F98]  }
0x2d: {  	s3 =	simm.s32 $0x108;
	s8 =	sld [smem:$0x3F99]  }
0x2e: {  	s3 =	simm.s32 @!p0 $0x1082;
	s9 =	sld [smem:$0x3F9A]  }
0x2f: {  	lr =	sadd.s32 s0, s3;
	s0 =	sld [smem:$0x3F91]  }
0x30: {  	s3 =	sld [smem:$0x3F94]  }
0x31: {  	[smem:$0x3F9D] =	sst s10  }
0x32: {  	s10 =	sld [smem:$0x3F9B];
	_ =	sdelay $0x3  }
0x33: {  	p0 =	seq.s32 s10, $0x1;
	s10 =	sld [smem:$0x3F9D];
	_ =	sdelay $0x3  }
0x34: {  	[smem:$0x3F9D] =	sst s10  }
0x35: {  	s10 =	sld [smem:$0x3F9C];
	_ =	sdelay $0x3  }
0x36: {  	p1 =	seq.s32 s10, $0x1;
	s10 =	sld [smem:$0x3F9D];
	_ =	sdelay $0x3  }
0x37: {  	[smem:$0x3F9D] =	sst s10  }
0x38: {  	s10 =	sld [smem:$0x3F9E]  }
0x39: {  	_ = 	snop;
	(pc) =	sbr.ind lr, $3  }
0x3a: {  	_ = 	snop  }
0x3b: {  	_ = 	snop  }
0x3c: {  	p2 =	seq.s32 s10, $0x1;
	s10 =	sld [smem:$0x3F9D]  }
0x3d: {  	_ =	shalt  }
0x3e: {  	_ =	shalt  }
0x3f: {  	_ =	shalt  }
0x40: {  	_ =	shalt  }
0x41: {  	_ =	shalt  }
0x42: {  	_ =	shalt  }
0x43: {  	_ =	shalt  }
0x44: {  	_ =	shalt  }
0x45: {  	_ =	shalt  }
0x46: {  	_ =	shalt  }
0x47: {  	_ =	shalt  }
0x48: {  	_ =	shalt  }
0x49: {  	_ =	shalt  }
0x4a: {  	_ =	shalt  }
0x4b: {  	_ =	shalt  }
0x4c: {  	_ =	shalt  }
0x4d: {  	_ =	shalt  }
0x4e: {  	_ =	shalt  }
0x4f: {  	_ =	shalt  }
0x50: {  	_ =	shalt  }
0x51: {  	_ =	shalt  }
0x52: {  	_ =	shalt  }
0x53: {  	_ =	shalt  }
0x54: {  	_ =	shalt  }
0x55: {  	_ =	shalt  }
0x56: {  	_ =	shalt  }
0x57: {  	_ =	shalt  }
0x58: {  	_ =	shalt  }
0x59: {  	_ =	shalt  }
0x5a: {  	_ =	shalt  }
0x5b: {  	_ =	shalt  }
0x5c: {  	_ =	shalt  }
0x5d: {  	_ =	shalt  }
0x5e: {  	_ =	shalt  }
0x5f: {  	_ =	shalt  }
0x60: {  	_ =	shalt  }
0x61: {  	_ =	shalt  }
0x62: {  	_ =	shalt  }
0x63: {  	_ =	shalt  }
0x64: {  	_ =	shalt  }
0x65: {  	_ =	shalt  }
0x66: {  	_ =	shalt  }
0x67: {  	_ =	shalt  }
0x68: {  	_ =	shalt  }
0x69: {  	_ =	shalt  }
0x6a: {  	_ =	shalt  }
0x6b: {  	_ =	shalt  }
0x6c: {  	_ =	shalt  }
0x6d: {  	_ =	shalt  }
0x6e: {  	_ =	shalt  }
0x6f: {  	_ =	shalt  }
0x70: {  	_ =	shalt  }
0x71: {  	_ =	shalt  }
0x72: {  	_ =	shalt  }
0x73: {  	_ =	shalt  }
0x74: {  	_ =	shalt  }
0x75: {  	_ =	shalt  }
0x76: {  	_ =	shalt  }
0x77: {  	_ =	shalt  }
0x78: {  	_ =	shalt  }
0x79: {  	_ =	shalt  }
0x7a: {  	_ =	shalt  }
0x7b: {  	_ =	shalt  }
0x7c: {  	_ =	shalt  }
0x7d: {  	_ =	shalt  }
0x7e: {  	_ =	shalt  }
0x7f: {  	_ =	shalt  }
0x80: {  	_ =	shalt  }
0x81: {  	_ =	shalt  }
0x82: {  	_ =	shalt  }
0x83: {  	_ =	shalt  }
0x84: {  	_ =	shalt  }
0x85: {  	_ =	shalt  }
0x86: {  	_ =	shalt  }
0x87: {  	_ =	shalt  }
.Lfunc_end0:
.L_simem_size_0:
called_computation.4_lowered:
.L_overlay_start_0:
0x88: {  	s2 =	sld [smem:$0x3FD9]  }
0x89: {  	s3 =	sld [smem:$0x3FFE];
	_ =	sdelay $0x1  }
0x8a: {  	s1 =	srdreg.scid  }
0x8b: {  	s0 =	sand.u32 $0x1, s1  }
0x8c: {  	s17 =	sshll.u32 s0, $0xA;
	s2 =	sadd.s32 s3, s2  }
0x8d: {  	s2 =	sadd.s32 s2, s17  }
0x8e: {  	[smem:$0x3FA9] =	sst s2  }
0x8f: {  	_ = 	snop  }
0x90: {  	s2 =	sld [smem:$0x3FD0];
	(tm) =	ssettm $0x1  }
0x91: {  	s18 =	sld [smem:$0x3FFB];
	_ =	sdelay $0x3  }
0x92: {  	_ =	strace s18  }
0x93: {  	s3 =	sld [smem:$0x3FFC];
	_ =	sdelay $0x3  }
0x94: {  	_ =	strace s3  }
0x95: {  	s3 =	sld [smem:$0x3FFD];
	_ =	sdelay $0x3  }
0x96: {  	_ =	strace s3  }
0x97: {  	_ =	strace $0x8FFFFFFF  }
0x98: {  	s19 =	sld [smem:$0x3FDB];
	_ =	sdelay $0x1  }
0x99: {  	s4 =	simm.s32 $_scs_section_size  }
0x9a: {  	s5 =	simm.s32 $_size__tile_overlayer_lowered;
	s6 =	simm.s32 $_tile_overlayer_lowered  }
0x9b: {  	s22 =	simm.s32 $0x1BFF;
	s21 =	sshll.u32 s6, $0x1;
	s3 =	sadd.s32 s4, s19  }
0x9c: {  	s7 =	simm.s32 $0x0;
	s20 =	sshll.u32 s5, $0x1;
	s5 =	sadd.s32 s21, s3  }
0x9d: {  	[timem:s7], [sflag:s22] =	dma.local [hbm:s5], s20  }
0x9e: {  	_ =	swait.ge [sflag:s22], s20  }
0x9f: {  	s4 =	ssub.s32 $0x0, s20;
	[sflag:s22] =	ssyncset.done $0x0  }
0xa0: {  	[sflag:s22] =	ssyncadd.s32 s4;
	_ =	sdelay $0x1  }
0xa1: {  	s23 =	simm.s32 $0x1B8B  }
0xa2: {  	_ =	swait.ge [sflag:s23], $0x1  }
0xa3: {  	[sflag:s23] =	ssyncset.done $0x0  }
0xa4: {  	s25 =	simm.s32 $0x1B8E;
	s24 =	sld [smem:$0x3FFE];
	[sflag:s23] =	ssyncadd.s32 $0xFFFFFFFF  }
0xa5: {  	s26 =	simm.s32 $execute0_lowered;
	[smem:$0x3FD2] =	sst s25  }
0xa6: {  	s5 =	sshll.u32 s26, $0x1;
	_ =	strace $0x80000052;
	[dreg:$0x1] =	wrdreg $0xFFFFFFFF  }
0xa7: {  	s28 =	simm.s32 $_size_execute0_lowered;
	s3 =	sadd.s32 s3, s5;
	[dreg:$0x0] =	wrdreg $0x0  }
0xa8: {  	s5 =	sshll.u32 s28, $0x1;
	[dreg:$0x2] =	wrdreg s3  }
0xa9: {  	[dreg:$0x3] =	wrdreg s5  }
0xaa: {  	[dreg:$0x4] =	wrdreg $0xC0  }
0xab: {  	_ =	task [dreg:s7], $0x5FFFF  }
0xac: {  	[dreg:$0x1] =	wrdreg $0xFFFFFFFF  }
0xad: {  	[dreg:$0x0] =	wrdreg $0x60  }
0xae: {  	[dreg:$0x2] =	wrdreg s2  }
0xaf: {  	[dreg:$0x3] =	wrdreg s24  }
0xb0: {  	[dreg:$0x4] =	wrdreg $0x9  }
0xb1: {  	_ =	task.clear_ibuf [dreg:s7], $0x5FFFF;
	_ =	strace $0x90000052  }
0xb2: {  	s29 =	simm.s32 $0x9;
	_ =	strace $0x80000054  }
0xb3: {  	_ =	swait.ge [sflag:s29], $0x1  }
0xb4: {  	[sflag:s29] =	ssyncadd.s32 $0xFFFFFFFF  }
0xb5: {  	_ =	strace $0x90000054  }
0xb6: {  	_ =	sfence  }
0xb7: {  	s30 =	sld [smem:$0x0];
	_ =	sdelay $0x2  }
0xb8: {  	s31 =	sshll.u32 s1, $0xD;
	s1 =	sshrl.u32 s1, $0x2  }
0xb9: {  	s3 =	sand.u32 $0x4000, s31;
	s1 =	sadd.s32 s1, s30  }
0xba: {  	s0 =	sor.u32 s3, s0;
	s1 =	sshll.u32 s1, $0x11  }
0xbb: {  	s0 =	sor.u32 s1, s0  }
0xbc: {  	s0 =	sadd.s32 $0x8F2B, s0  }
0xbd: {  	[sflag:s0] =	ssyncadd.remote.s32 $0x1  }
0xbe: {  	_ =	sfence.sel $0xFFFF  }
0xbf: {  	[dreg:$0x0] =	wrdreg $0xFFFFFFFF;
	(pc) =	sbr.abs _section_cstart, $3  }
0xc0: {  	[dreg:$0x1] =	wrdreg $0xFFFFFFFF  }
0xc1: {  	_ =	task.clear_ibuf [dreg:s7], $0x2FFFF;
	_ =	strace $0x9FFFFFFF  }
0xc2: {  	(tm) =	ssettm $0x7FFFFFFF  }
0xc3: {  	_ =	shalt  }
tec
execute0_lowered:
.L_overlay_start_1:
0x0: {  	(tag) =	ssettag $0x1  }
0x1: {  	s1 =	rddreg [dreg:$0x0]  }
0x2: {  	s5 =	rddreg [dreg:$0x1]  }
0x3: {  	s0 =	rddreg [dreg:$0x2];
	s3 =	simm.s32 $0x0;
	s4 =	srdreg.scid  }
0x4: {  	s2 =	stileid.u32;
	s10 =	simm.s32 $0x1;
	s11 =	simm.s32 $0x8200  }
0x5: {  	s12 =	simm.s32 $0x0;
	[smem:$0x7FF] =	sst s3;
	s6 =	sand.u32 $0x1, s4  }
0x6: {  	s8 =	sshll.u32 s2, $0x1;
	s4 =	sadd.s32 $0xDAE00, s5;
	s7 =	ssub.s32 $0x2, s6  }
0x7: {  	s5 =	sadd.s32 $0xF3E00, s5;
	_ =	strace $0x80000053;
	s9 =	sshrl.u32 s7, $0x1  }
0x8: {  	s6 =	sor.u32 s6, s8;
	s8 =	simm.s32 $0x2;
	s7 =	ssub.s32 s7, s9  }
0x9: {  	s6 =	smul.u32 $0x640, s6;
	s9 =	simm.s32 $0x200;
	s7 =	smax.u32 s7, $0x1  }
.LBB2_1:
0xa: {  	s13 =	simm.s32 $0x0  }
.LBB2_2:
0xb: {  	s14 =	sshll.u32 s13, $0x5  }
0xc: {  	s14 =	sadd.s32 s6, s14  }
0xd: {  	s15 =	sshll.u32 s14, $0x1  }
0xe: {  	s16 =	simm.s32 $0x0;
	s15 =	sadd.s32 s4, s15  }
0xf: {  	[tilespmem:s16], [sflag:$0x2] =	stream.linear.gather [hbm4b:s15+s16], $0x200, $0x38;
	[tilespmem:$0x8A00] =	vst v63  }
0x10: {  	_ =	swait.ge [sflag:s8], $0x200  }
0x11: {  	[sflag:s8] =	ssyncset.done $0x0  }
0x12: {  	[sflag:s8] =	ssyncadd.s32 $0xFFFFFE00  }
0x13: {  	[tilespmem:s9], [sflag:$0x1] =	stream.indirect.gather [hbm4b:s1+s9], $0x40, s16, s9, $0xb8;
	[tilespmem:$0x8A00] =	vst v63  }
0x14: {  	_ =	swait.ge [sflag:s10], $0x8000  }
0x15: {  	[sflag:s10] =	ssyncset.done $0x0  }
0x16: {  	s15 =	simm.s32 $0x400;
	[sflag:s10] =	ssyncadd.s32 $0xFFFF8000  }
0x17: {  	v0 =	vld [tilespmem:s15+$0x1F0]  }
0x18: {  	v1 =	vld [tilespmem:s15+$0xFFFFFED0]  }
0x19: {  	v2 =	vld [tilespmem:s15+$0x1B0]  }
0x1a: {  	v3 =	vld [tilespmem:s15+$0x140]  }
0x1b: {  	v4 =	vld [tilespmem:s15+$0x120]  }
0x1c: {  	v5 =	vld [tilespmem:s15+$0x100]  }
0x1d: {  	v6 =	vld [tilespmem:s15+$0xC0]  }
0x1e: {  	v7 =	vld [tilespmem:s15+$0x80]  }
0x1f: {  	v8 =	vld [tilespmem:s15+$0x170]  }
0x20: {  	v9 =	vld [tilespmem:s15+$0xE0]  }
0x21: {  	v10 =	vld [tilespmem:s15+$0x0]  }
0x22: {  	v11 =	vld [tilespmem:s15+$0xFFFFFFF0]  }
0x23: {  	v12 =	vld [tilespmem:s15+$0xFFFFFFE0]  }
0x24: {  	v13 =	vld [tilespmem:s15+$0x130]  }
0x25: {  	v14 =	vld [tilespmem:s15+$0xFFFFFFC0]  }
0x26: {  	v15 =	vld [tilespmem:s15+$0xFFFFFFB0]  }
0x27: {  	v16 =	vld [tilespmem:s15+$0xA0]  }
0x28: {  	v17 =	vld [tilespmem:s15+$0xFFFFFFA0]  }
0x29: {  	v18 =	vld [tilespmem:s15+$0xFFFFFF80]  }
0x2a: {  	v19 =	vld [tilespmem:s15+$0xFFFFFF70]  }
0x2b: {  	v20 =	vld [tilespmem:s15+$0xFFFFFF60]  }
0x2c: {  	v21 =	vld [tilespmem:s15+$0xF0]  }
0x2d: {  	v22 =	vld [tilespmem:s15+$0xFFFFFF40]  }
0x2e: {  	v23 =	vld [tilespmem:s15+$0xFFFFFF30]  }
0x2f: {  	v24 =	vld [tilespmem:s15+$0xB0]  }
0x30: {  	v25 =	vld [tilespmem:s15+$0xFFFFFF20]  }
0x31: {  	v26 =	vld [tilespmem:s15+$0xFFFFFF00]  }
0x32: {  	v27 =	vld [tilespmem:s15+$0xFFFFFEE0]  }
0x33: {  	v28 =	vld [tilespmem:s15+$0xFFFFFEF0]  }
0x34: {  	v29 =	vld [tilespmem:s15+$0xFFFFFEC0]  }
0x35: {  	v30 =	vld [tilespmem:s15+$0xFFFFFEB0]  }
0x36: {  	v31 =	vld [tilespmem:s15+$0xFFFFFEA0]  }
0x37: {  	v32 =	vld [tilespmem:s15+$0x70]  }
0x38: {  	v33 =	vld [tilespmem:s15+$0x40]  }
0x39: {  	v34 =	vld [tilespmem:s15+$0xFFFFFE80]  }
0x3a: {  	v35 =	vld [tilespmem:s15+$0xFFFFFE60]  }
0x3b: {  	v36 =	vld [tilespmem:s15+$0x30]  }
0x3c: {  	v37 =	vld [tilespmem:s15+$0x60]  }
0x3d: {  	v38 =	vld [tilespmem:s15+$0xFFFFFE00]  }
0x3e: {  	v40 =	vld [tilespmem:s15+$0xFFFFFE70]  }
0x3f: {  	v41 =	vld [tilespmem:s15+$0xFFFFFE30]  }
0x40: {  	v42 =	vld [tilespmem:s15+$0xFFFFFE40]  }
0x41: {  	v43 =	vld [tilespmem:s15+$0xFFFFFE20]  }
0x42: {  	v63 =	vld [tilespmem:s15+$0xFFFFFE50]  }
0x43: {  	v47 =	vld [tilespmem:s15+$0xFFFFFE10]  }
0x44: {  	v62 =	vld [tilespmem:s15+$0xFFFFFE90]  }
0x45: {  	v39 =	vld [tilespmem:s15+$0x20]  }
0x46: {  	v44 =	vld [tilespmem:s15+$0x180]  }
0x47: {  	v50 =	vld [tilespmem:s15+$0xFFFFFF10];
	v40 =	vmax.f32 v41, v40;
	v38 =	vmax.f32 v38, v42;
	v35 =	vmax.f32 v43, v35  }
0x48: {  	v51 =	vld [tilespmem:s15+$0xFFFFFF50];
	v52 =	vmax.f32 v47, v63;
	v30 =	vmax.f32 v40, v30;
	v34 =	vmax.f32 v38, v34  }
0x49: {  	v53 =	vld [tilespmem:s15+$0xFFFFFF90];
	v31 =	vmax.f32 v35, v31;
	v54 =	vmax.f32 v52, v62;
	v28 =	vmax.f32 v30, v28  }
0x4a: {  	v45 =	vld [tilespmem:s15+$0x1C0];
	v29 =	vmax.f32 v34, v29;
	v27 =	vmax.f32 v31, v27;
	v1 =	vmax.f32 v54, v1  }
0x4b: {  	v55 =	vld [tilespmem:s15+$0xFFFFFFD0];
	v23 =	vmax.f32 v28, v23;
	v26 =	vmax.f32 v29, v26;
	v25 =	vmax.f32 v27, v25  }
0x4c: {  	v56 =	vld [tilespmem:s15+$0x10];
	v1 =	vmax.f32 v1, v50;
	v19 =	vmax.f32 v23, v19;
	v22 =	vmax.f32 v26, v22  }
0x4d: {  	v57 =	vld [tilespmem:s15+$0x50];
	v20 =	vmax.f32 v25, v20;
	v1 =	vmax.f32 v1, v51;
	v15 =	vmax.f32 v19, v15  }
0x4e: {  	v46 =	vld [tilespmem:s15+$0x1E0];
	v18 =	vmax.f32 v22, v18;
	v17 =	vmax.f32 v20, v17;
	v1 =	vmax.f32 v1, v53  }
0x4f: {  	v58 =	vld [tilespmem:s15+$0x90];
	v11 =	vmax.f32 v15, v11;
	v14 =	vmax.f32 v18, v14;
	v12 =	vmax.f32 v17, v12  }
0x50: {  	v59 =	vld [tilespmem:s15+$0xD0];
	v1 =	vmax.f32 v1, v55;
	v11 =	vmax.f32 v11, v36;
	v10 =	vmax.f32 v14, v10  }
0x51: {  	v48 =	vld [tilespmem:s15+$0x160];
	v12 =	vmax.f32 v12, v39;
	v1 =	vmax.f32 v1, v56;
	v11 =	vmax.f32 v11, v32  }
0x52: {  	v60 =	vld [tilespmem:s15+$0x110];
	v10 =	vmax.f32 v10, v33;
	v12 =	vmax.f32 v12, v37;
	v1 =	vmax.f32 v1, v57  }
0x53: {  	v49 =	vld [tilespmem:s15+$0x1A0];
	v7 =	vmax.f32 v10, v7;
	v11 =	vmax.f32 v11, v24;
	v12 =	vmax.f32 v12, v16  }
0x54: {  	v61 =	vld [tilespmem:s15+$0x150];
	v1 =	vmax.f32 v1, v58;
	v11 =	vmax.f32 v11, v21;
	v6 =	vmax.f32 v7, v6  }
0x55: {  	v62 =	vld [tilespmem:s15+$0x190];
	v9 =	vmax.f32 v12, v9;
	v1 =	vmax.f32 v1, v59;
	v11 =	vmax.f32 v11, v13  }
0x56: {  	v63 =	vld [tilespmem:s15+$0x1D0];
	v5 =	vmax.f32 v6, v5;
	v4 =	vmax.f32 v9, v4;
	v8 =	vmax.f32 v11, v8  }
0x57: {  	v1 =	vmax.f32 v1, v60;
	v3 =	vmax.f32 v5, v3;
	v2 =	vmax.f32 v8, v2  }
0x58: {  	s17 =	simm.s32 $0x0;
	v4 =	vmax.f32 v4, v48;
	v3 =	vmax.f32 v3, v44;
	v0 =	vmax.f32 v2, v0  }
0x59: {  	v2 =	vmax.f32 v4, v49;
	v3 =	vmax.f32 v3, v45;
	[tilespmem:s17+$0x8230] =	vst v0;
	v0 =	vmax.f32 v1, v61  }
0x5a: {  	v1 =	vmax.f32 v2, v46;
	[tilespmem:s17+$0x8200] =	vst v3;
	v0 =	vmax.f32 v0, v62  }
0x5b: {  	s16 =	simm.s32 $0x100;
	[tilespmem:s17+$0x8220] =	vst v1;
	v0 =	vmax.f32 v0, v63  }
.LBB2_3:
0x5c: {  	p0 =	sne.s32 s16, $0x1F00  }
0x5d: {  	[tilespmem:s17+$0x8210] =	vst v0;
	s15 =	sadd.s32 $0x400, s15;
	s17 =	smov.u32 s16;
	s16 =	sadd.s32 $0x100, s16  }
0x5e: {  	v0 =	vld [tilespmem:s15+$0x1F0]  }
0x5f: {  	v8 =	vld [tilespmem:s15+$0xFFFFFED0]  }
0x60: {  	v1 =	vld [tilespmem:s15+$0x1B0]  }
0x61: {  	v2 =	vld [tilespmem:s15+$0x140]  }
0x62: {  	v3 =	vld [tilespmem:s15+$0x120]  }
0x63: {  	v5 =	vld [tilespmem:s15+$0x100]  }
0x64: {  	v6 =	vld [tilespmem:s15+$0xC0]  }
0x65: {  	v10 =	vld [tilespmem:s15+$0x80]  }
0x66: {  	v4 =	vld [tilespmem:s15+$0x170]  }
0x67: {  	v7 =	vld [tilespmem:s15+$0xE0]  }
0x68: {  	v11 =	vld [tilespmem:s15+$0x0]  }
0x69: {  	v12 =	vld [tilespmem:s15+$0xFFFFFFF0]  }
0x6a: {  	v13 =	vld [tilespmem:s15+$0xFFFFFFE0]  }
0x6b: {  	v9 =	vld [tilespmem:s15+$0x130]  }
0x6c: {  	v14 =	vld [tilespmem:s15+$0xFFFFFFC0]  }
0x6d: {  	v15 =	vld [tilespmem:s15+$0xFFFFFFB0]  }
0x6e: {  	v16 =	vld [tilespmem:s15+$0xA0]  }
0x6f: {  	v17 =	vld [tilespmem:s15+$0xFFFFFFA0]  }
0x70: {  	v18 =	vld [tilespmem:s15+$0xFFFFFF80]  }
0x71: {  	v19 =	vld [tilespmem:s15+$0xFFFFFF70]  }
0x72: {  	v20 =	vld [tilespmem:s15+$0xFFFFFF60]  }
0x73: {  	v21 =	vld [tilespmem:s15+$0xF0]  }
0x74: {  	v22 =	vld [tilespmem:s15+$0xFFFFFF40]  }
0x75: {  	v23 =	vld [tilespmem:s15+$0xFFFFFF30]  }
0x76: {  	v24 =	vld [tilespmem:s15+$0xB0]  }
0x77: {  	v25 =	vld [tilespmem:s15+$0xFFFFFF20]  }
0x78: {  	v26 =	vld [tilespmem:s15+$0xFFFFFF00]  }
0x79: {  	v27 =	vld [tilespmem:s15+$0xFFFFFEE0]  }
0x7a: {  	v28 =	vld [tilespmem:s15+$0xFFFFFEF0]  }
0x7b: {  	v29 =	vld [tilespmem:s15+$0xFFFFFEC0]  }
0x7c: {  	v30 =	vld [tilespmem:s15+$0xFFFFFEB0]  }
0x7d: {  	v31 =	vld [tilespmem:s15+$0xFFFFFEA0]  }
0x7e: {  	v32 =	vld [tilespmem:s15+$0x70]  }
0x7f: {  	v33 =	vld [tilespmem:s15+$0x40]  }
0x80: {  	v34 =	vld [tilespmem:s15+$0xFFFFFE80]  }
0x81: {  	v35 =	vld [tilespmem:s15+$0xFFFFFE60]  }
0x82: {  	v36 =	vld [tilespmem:s15+$0x30]  }
0x83: {  	v37 =	vld [tilespmem:s15+$0x60]  }
0x84: {  	v38 =	vld [tilespmem:s15+$0xFFFFFE00]  }
0x85: {  	v39 =	vld [tilespmem:s15+$0x20]  }
0x86: {  	v40 =	vld [tilespmem:s15+$0xFFFFFE70]  }
0x87: {  	v41 =	vld [tilespmem:s15+$0xFFFFFE30]  }
0x88: {  	v42 =	vld [tilespmem:s15+$0xFFFFFE40]  }
0x89: {  	v43 =	vld [tilespmem:s15+$0xFFFFFE20]  }
0x8a: {  	v44 =	vld [tilespmem:s15+$0x180]  }
0x8b: {  	v45 =	vld [tilespmem:s15+$0x1C0]  }
0x8c: {  	v40 =	vmax.f32 v41, v40;
	v41 =	vld [tilespmem:s15+$0x1E0]  }
0x8d: {  	v38 =	vmax.f32 v38, v42;
	v42 =	vld [tilespmem:s15+$0xFFFFFE90];
	v30 =	vmax.f32 v40, v30  }
0x8e: {  	v40 =	vld [tilespmem:s15+$0xFFFFFE50];
	v35 =	vmax.f32 v43, v35;
	v34 =	vmax.f32 v38, v34;
	v28 =	vmax.f32 v30, v28  }
0x8f: {  	v30 =	vld [tilespmem:s15+$0xFFFFFE10];
	v31 =	vmax.f32 v35, v31;
	v29 =	vmax.f32 v34, v29;
	v23 =	vmax.f32 v28, v23  }
0x90: {  	v27 =	vmax.f32 v31, v27;
	v26 =	vmax.f32 v29, v26;
	v19 =	vmax.f32 v23, v19;
	v23 =	vld [tilespmem:s15+$0x160]  }
0x91: {  	v25 =	vmax.f32 v27, v25;
	v22 =	vmax.f32 v26, v22;
	v15 =	vmax.f32 v19, v15;
	v19 =	vld [tilespmem:s15+$0x1A0]  }
0x92: {  	v26 =	vld [tilespmem:s15+$0xFFFFFF10];
	v20 =	vmax.f32 v25, v20;
	v18 =	vmax.f32 v22, v18;
	v12 =	vmax.f32 v15, v12  }
0x93: {  	v15 =	vld [tilespmem:s15+$0xFFFFFF50];
	v17 =	vmax.f32 v20, v17;
	v14 =	vmax.f32 v18, v14;
	v12 =	vmax.f32 v12, v36  }
0x94: {  	v18 =	vmax.f32 v30, v40;
	v20 =	vld [tilespmem:s15+$0xFFFFFF90];
	v13 =	vmax.f32 v17, v13;
	v11 =	vmax.f32 v14, v11  }
0x95: {  	v12 =	vmax.f32 v12, v32;
	v14 =	vmax.f32 v18, v42;
	v17 =	vld [tilespmem:s15+$0xFFFFFFD0];
	v13 =	vmax.f32 v13, v39  }
0x96: {  	v11 =	vmax.f32 v11, v33;
	v8 =	vmax.f32 v14, v8;
	v14 =	vld [tilespmem:s15+$0x10];
	v13 =	vmax.f32 v13, v37  }
0x97: {  	v10 =	vmax.f32 v11, v10;
	v11 =	vmax.f32 v12, v24;
	v8 =	vmax.f32 v8, v26;
	v18 =	vld [tilespmem:s15+$0x50]  }
0x98: {  	v13 =	vmax.f32 v13, v16;
	v11 =	vmax.f32 v11, v21;
	v8 =	vmax.f32 v8, v15;
	v12 =	vld [tilespmem:s15+$0x90]  }
0x99: {  	v6 =	vmax.f32 v10, v6;
	v7 =	vmax.f32 v13, v7;
	v8 =	vmax.f32 v8, v20;
	v10 =	vld [tilespmem:s15+$0xD0]  }
0x9a: {  	v5 =	vmax.f32 v6, v5;
	v9 =	vmax.f32 v11, v9;
	v8 =	vmax.f32 v8, v17;
	v6 =	vld [tilespmem:s15+$0x110]  }
0x9b: {  	v3 =	vmax.f32 v7, v3;
	v4 =	vmax.f32 v9, v4;
	v8 =	vmax.f32 v8, v14;
	v7 =	vld [tilespmem:s15+$0x150]  }
0x9c: {  	v2 =	vmax.f32 v5, v2;
	v3 =	vmax.f32 v3, v23;
	v8 =	vmax.f32 v8, v18;
	v5 =	vld [tilespmem:s15+$0x190]  }
0x9d: {  	v2 =	vmax.f32 v2, v44;
	v1 =	vmax.f32 v4, v1;
	v8 =	vmax.f32 v8, v12;
	v4 =	vld [tilespmem:s15+$0x1D0]  }
.Ltmp0:
0x9e: {  	s17 =	sshra.s32 s17, $0x2;
	v3 =	vmax.f32 v3, v19;
	v0 =	vmax.f32 v1, v0;
	v8 =	vmax.f32 v8, v10;
	(pc) =	sbr.rel @p0 .LBB2_3-.Ltmp0, $4  }
0x9f: {  	v2 =	vmax.f32 v2, v45;
	v3 =	vmax.f32 v3, v41;
	v1 =	vmax.f32 v8, v6;
	[tilespmem:s17+$0x8230] =	vst v0  }
0xa0: {  	v0 =	vmax.f32 v1, v7;
	[tilespmem:s17+$0x8200] =	vst v2  }
0xa1: {  	v0 =	vmax.f32 v0, v5;
	[tilespmem:s17+$0x8220] =	vst v3  }
0xa2: {  	v0 =	vmax.f32 v0, v4  }
0xa3: {  	s13 =	sadd.s32 $0x1, s13  }
0xa4: {  	s14 =	sshll.u32 s14, $0x3;
	p0 =	sne.s32 s13, $0x32  }
.Ltmp1:
0xa5: {  	[tilespmem:s17+$0x8210] =	vst v0;
	s14 =	sadd.s32 s5, s14;
	(pc) =	sbr.rel @p0 .LBB2_2-.Ltmp1, $4  }
0xa6: {  	[hbm4b:s14+s3] =	stream.linear.scatter [tilespmem:s11], [sflag:$0x2], $0x800, $0x38;
	[tilespmem:$0x8A00] =	vst v63  }
0xa7: {  	_ =	swait.ge [sflag:s8], $0x800  }
0xa8: {  	[sflag:s8] =	ssyncset.done $0x0  }
0xa9: {  	[sflag:s8] =	ssyncadd.s32 $0xFFFFF800  }
0xaa: {  	s12 =	sadd.s32 $0x1, s12  }
0xab: {  	p0 =	sne.s32 s12, s7  }
.Ltmp2:
0xac: {  	_ = 	snop;
	(pc) =	sbr.rel @p0 .LBB2_1-.Ltmp2, $1  }
0xad: {  	_ =	sdelay $0x3  }
0xae: {  	_ =	sfence.sel $0x180000  }
0xaf: {  	[bflag:$0x0] =	sbarrier.arrive $0xFFFF  }
0xb0: {  	p0 =	sne.s32 s2, $0x0;
	_ =	strace $0x90000053  }
0xb1: {  	s0 =	sadd.s32 @!p0 $0x100000, s0;
	[bflag:$0x2] =	sbarrier.arrive $0xFFFF  }
0xb2: {  	[sflag:s0] =	ssyncadd.tile.s32 @!p0 $0x1;
	_ =	shalt  }
.Lfunc_end2:
_tile_overlayer_lowered:
.L_overlay_start_2:
0xb3: {  	(tag) =	ssettag $0x2  }
0xb4: {  	s0 =	rddreg [dreg:$0x0];
	s2 =	stileid.u32  }
0xb5: {  	s1 =	rddreg [dreg:$0x1];
	p0 =	sne.s32 s2, $0x0  }
0xb6: {  	s3 =	rddreg [dreg:$0x2];
	[bflag:$0x3] =	sbarrier.arrive $0xFFFF;
	s2 =	simm.s32 @!p0 $0x1C02  }
0xb7: {  	[timem:s3], [sflag:s2] =	dma.local @!p0 [hbm:s0], s1  }
0xb8: {  	s0 =	simm.s32 @!p0 $0x2  }
0xb9: {  	_ =	swait.ge @!p0 [sflag:s0], s1  }
0xba: {  	s1 =	ssub.s32 @!p0 $0x0, s1;
	[sflag:s0] =	ssyncset.done @!p0 $0x0  }
0xbb: {  	[sflag:s0] =	ssyncadd.s32 @!p0 s1  }
0xbc: {  	[bflag:$0x3] =	sbarrier.arrive $0xFFFF  }
0xbd: {  	_ =	shalt  }

</sc_bundles>
